<compile_context>
chip_gen: v7x
topology: tpu7x:2x2x1
jax: 0.10.2.dev20260603
libtpu: 0.0.44.dev20260713+nightly
codegen_flags: <defaults>
</compile_context>

<pallas_src>
import functools

import jax
import jax.numpy as jnp
from jax import lax
from jax.experimental import pallas as pl
from jax.experimental.pallas import tpu as pltpu
from jax.experimental.pallas import tpu_sc as plsc

DIM = 64
B = 16384
CTX = 20
NEG = 20
NSLOT = 1 + NEG
NSLOT_PAD = 32

NC = 2
NS = 16
NW = NC * NS
BW = B // NW
C = 16
G = BW // C
PER_W = BW * NSLOT_PAD
TOT = B * NSLOT_PAD
LG = 16
NJ = DIM // LG

VOCAB = 1000000
PACK_BLK = 8192
PACK_NBLK = (VOCAB + PACK_BLK - 1) // PACK_BLK
PACK_ROWS = PACK_NBLK * (PACK_BLK // 2)
PACK_SH = PACK_BLK.bit_length() - 1
PACK_HMASK = PACK_BLK // 2 - 1


def _sc_body(xp_hbm, xn_hbm, y_hbm, v_hbm, u_hbm, out_hbm,
             idxp_v, idxn_v, idxy_v,
             vr0, vr1, uy0, uy1, un0, un1, out_v, sem0, sem1):
    wid = lax.axis_index("s") * NC + lax.axis_index("c")
    wbase = wid * BW

    pltpu.sync_copy(xp_hbm.at[pl.ds(wbase * CTX, BW * CTX)], idxp_v)
    pltpu.sync_copy(xn_hbm.at[pl.ds(wbase * NEG, BW * NEG)], idxn_v)
    pltpu.sync_copy(y_hbm.at[pl.ds(wbase, BW)], idxy_v)

    def remap(ref, n):
        def rbody(k, carry):
            r = ref[pl.ds(k * LG, LG)]
            q = (((r >> PACK_SH) << PACK_SH)
                 + ((r & PACK_HMASK) << 1) + ((r >> (PACK_SH - 1)) & 1))
            ref[pl.ds(k * LG, LG)] = q
            return carry

        lax.fori_loop(0, n // LG, rbody, 0)

    remap(idxp_v, BW * CTX)
    remap(idxn_v, BW * NEG)
    remap(idxy_v, BW)

    def fire(g, vr, uy, un, sem):
        p0 = g * (C * CTX)
        pltpu.async_copy(v_hbm.at[idxp_v.at[pl.ds(p0, 128)]],
                         vr.at[pl.ds(0, 128)], sem)
        pltpu.async_copy(v_hbm.at[idxp_v.at[pl.ds(p0 + 128, 128)]],
                         vr.at[pl.ds(128, 128)], sem)
        pltpu.async_copy(v_hbm.at[idxp_v.at[pl.ds(p0 + 256, 64)]],
                         vr.at[pl.ds(256, 64)], sem)
        pltpu.async_copy(u_hbm.at[idxy_v.at[pl.ds(g * C, C)]], uy, sem)
        n0 = g * (C * NEG)
        pltpu.async_copy(u_hbm.at[idxn_v.at[pl.ds(n0, 128)]],
                         un.at[pl.ds(0, 128)], sem)
        pltpu.async_copy(u_hbm.at[idxn_v.at[pl.ds(n0 + 128, 128)]],
                         un.at[pl.ds(128, 128)], sem)
        pltpu.async_copy(u_hbm.at[idxn_v.at[pl.ds(n0 + 256, 64)]],
                         un.at[pl.ds(256, 64)], sem)

    def drain(vr, uy, un, sem):
        pltpu.make_async_copy(v_hbm.at[pl.ds(0, 128)], vr.at[pl.ds(0, 128)], sem).wait()
        pltpu.make_async_copy(v_hbm.at[pl.ds(0, 128)], vr.at[pl.ds(128, 128)], sem).wait()
        pltpu.make_async_copy(v_hbm.at[pl.ds(0, 64)], vr.at[pl.ds(256, 64)], sem).wait()
        pltpu.make_async_copy(u_hbm.at[pl.ds(0, C)], uy, sem).wait()
        pltpu.make_async_copy(u_hbm.at[pl.ds(0, 128)], un.at[pl.ds(0, 128)], sem).wait()
        pltpu.make_async_copy(u_hbm.at[pl.ds(0, 128)], un.at[pl.ds(128, 128)], sem).wait()
        pltpu.make_async_copy(u_hbm.at[pl.ds(0, 64)], un.at[pl.ds(256, 64)], sem).wait()

    lane = lax.iota(jnp.int32, LG)
    perms = {d: lane ^ d for d in (1, 2, 4, 8)}
    masks = {d: (lane & d) != 0 for d in (1, 2, 4, 8)}

    dnums = lax.GatherDimensionNumbers(
        offset_dims=(), collapsed_slice_dims=(0,), start_index_map=(0,))

    def shuffle(u, perm):
        return lax.gather(u, perm[:, None], dimension_numbers=dnums,
                          slice_sizes=(1,),
                          mode=lax.GatherScatterMode.PROMISE_IN_BOUNDS)

    def merge(a, b, d):
        t = jnp.where(masks[d], b, a)
        u = jnp.where(masks[d], a, b)
        return t + shuffle(u, perms[d])

    def tree(vs):
        d = 1
        while len(vs) > 1:
            vs = [merge(vs[k], vs[k + 1], d) for k in range(0, len(vs), 2)]
            d *= 2
        return vs[0]

    def compute(g, vr, uy, un):
        def body(i, carry):
            row0 = i * CTX
            hs = []
            for j in range(NJ):
                acc = vr[row0, pl.ds(j * LG, LG)]
                for r in range(1, CTX):
                    acc = acc + vr[row0 + r, pl.ds(j * LG, LG)]
                hs.append(acc * (1.0 / CTX))
            accs = []
            accd = hs[0] * uy[i, pl.ds(0, LG)]
            for j in range(1, NJ):
                accd = accd + hs[j] * uy[i, pl.ds(j * LG, LG)]
            accs.append(accd)
            for n in range(NEG):
                rr = row0 + n
                accn = hs[0] * un[rr, pl.ds(0, LG)]
                for j in range(1, NJ):
                    accn = accn + hs[j] * un[rr, pl.ds(j * LG, LG)]
                accs.append(-accn)
            zero = jnp.zeros((LG,), jnp.float32)
            slo = tree(accs[:LG])
            shi = tree(accs[LG:] + [zero] * (2 * LG - NSLOT))
            obase = (g * C + i) * NSLOT_PAD
            out_v[pl.ds(obase, LG)] = slo
            out_v[pl.ds(obase + LG, LG)] = shi
            return carry

        lax.fori_loop(0, C, body, 0)

    fire(0, vr0, uy0, un0, sem0)
    fire(1, vr1, uy1, un1, sem1)

    def outer(gg, carry):
        g0 = gg * 2
        drain(vr0, uy0, un0, sem0)
        compute(g0, vr0, uy0, un0)

        @pl.when(g0 + 2 < G)
        def _():
            fire(g0 + 2, vr0, uy0, un0, sem0)

        g1 = g0 + 1
        drain(vr1, uy1, un1, sem1)
        compute(g1, vr1, uy1, un1)

        @pl.when(g1 + 2 < G)
        def _():
            fire(g1 + 2, vr1, uy1, un1, sem1)

        return carry

    lax.fori_loop(0, G // 2, outer, 0)

    pltpu.sync_copy(out_v, out_hbm.at[pl.ds(wid * PER_W, PER_W)])


def _make_sc_dots():
    mesh = plsc.VectorSubcoreMesh(core_axis_name="c", subcore_axis_name="s")
    return pl.kernel(
        _sc_body,
        mesh=mesh,
        compiler_params=pltpu.CompilerParams(use_tc_tiling_on_sc=False),
        out_type=jax.ShapeDtypeStruct((TOT,), jnp.float32),
        scratch_types=[
            pltpu.VMEM((BW * CTX,), jnp.int32),
            pltpu.VMEM((BW * NEG,), jnp.int32),
            pltpu.VMEM((BW,), jnp.int32),
            pltpu.VMEM((C * CTX, DIM), jnp.float32),
            pltpu.VMEM((C * CTX, DIM), jnp.float32),
            pltpu.VMEM((C, DIM), jnp.float32),
            pltpu.VMEM((C, DIM), jnp.float32),
            pltpu.VMEM((C * NEG, DIM), jnp.float32),
            pltpu.VMEM((C * NEG, DIM), jnp.float32),
            pltpu.VMEM((PER_W,), jnp.float32),
            pltpu.SemaphoreType.DMA,
            pltpu.SemaphoreType.DMA,
        ],
    )


def _pack_body(vt_ref, out_ref):
    x = vt_ref[...]
    gcol = (pl.program_id(0) * PACK_BLK
            + lax.broadcasted_iota(jnp.int32, x.shape, 1))
    x = jnp.where(gcol < VOCAB, x, 0.0)
    hi = x.astype(jnp.bfloat16)
    lo = (x - hi.astype(jnp.float32)).astype(jnp.bfloat16)
    r = lax.broadcasted_iota(jnp.int32, (DIM, 128), 0)
    c = lax.broadcasted_iota(jnp.int32, (DIM, 128), 1)
    e0 = (r == c).astype(jnp.bfloat16)
    e1 = (r == (c - DIM)).astype(jnp.bfloat16)
    dn = (((0,), (0,)), ((), ()))
    HB = PACK_BLK // 2

    def tdot(a, e):
        return lax.dot_general(a, e, dn, preferred_element_type=jnp.float32)

    out_ref[...] = (tdot(hi[:, :HB], e0) + tdot(lo[:, :HB], e0)
                    + tdot(hi[:, HB:], e1) + tdot(lo[:, HB:], e1))


def _pack(vt):
    return pl.pallas_call(
        _pack_body,
        grid=(PACK_NBLK,),
        in_specs=[pl.BlockSpec((64, PACK_BLK), lambda i: (0, i))],
        out_specs=pl.BlockSpec((PACK_BLK // 2, 128), lambda i: (i, 0)),
        out_shape=jax.ShapeDtypeStruct((PACK_ROWS, 128), jnp.float32),
    )(vt)


def _finish_body(dots_ref, out_ref):
    x = dots_ref[...]
    col = lax.broadcasted_iota(jnp.int32, x.shape, 1)
    real = (col % NSLOT_PAD) < NSLOT
    ls = jnp.minimum(x, 0.0) - jnp.log1p(jnp.exp(-jnp.abs(x)))
    out_ref[0, 0] = -jnp.sum(jnp.where(real, ls, 0.0)) * (1.0 / B)


def _finish(dots2d):
    return pl.pallas_call(
        _finish_body,
        out_shape=jax.ShapeDtypeStruct((1, 1), jnp.float32),
        out_specs=pl.BlockSpec(memory_space=pltpu.SMEM),
    )(dots2d)


def kernel(x_positive, x_negative, y, embedding_v, embedding_u):
    vp = _pack(embedding_v.T).reshape(2 * PACK_ROWS, DIM)
    up = _pack(embedding_u.T).reshape(2 * PACK_ROWS, DIM)
    sc_dots = _make_sc_dots()
    dots = sc_dots(x_positive.reshape(-1), x_negative.reshape(-1), y, vp, up)
    res = _finish(dots.reshape(TOT // 128, 128))
    return res[0, 0]

# --- scband reference (transcript-rebuilt; emitter-appended) ---
"""Pipeline reference for scband-cbow-sampling-46694884442660 (READ-ONLY COPY).

The authoritative reference and input builder live on the scoring server;
editing this copy changes nothing except your own understanding.
"""

import jax, jax.numpy as jnp
import numpy as np

VOCAB = 1000000
DIM = 64
B = 16384
CTX = 20
NEG = 20

def setup_inputs(seed: int = 0) -> dict:
    key = jax.random.key(seed)
    k1, k2, k3, k4, k5 = jax.random.split(key, 5)
    x_positive = jax.random.randint(k1, (B, CTX), 0, VOCAB, dtype=jnp.int64 if jax.config.jax_enable_x64 else jnp.int32).astype(jnp.int32)
    x_negative = jax.random.randint(k2, (B, NEG), 0, VOCAB, dtype=jnp.int64 if jax.config.jax_enable_x64 else jnp.int32).astype(jnp.int32)
    y = jax.random.randint(k3, (B,), 0, VOCAB, dtype=jnp.int64 if jax.config.jax_enable_x64 else jnp.int32).astype(jnp.int32)
    embedding_v = jax.random.normal(k4, (VOCAB, DIM), dtype=jnp.float32)
    embedding_u = jax.random.normal(k5, (VOCAB, DIM), dtype=jnp.float32)
    return {"x_positive": x_positive, "x_negative": x_negative, "y": y,
            "embedding_v": embedding_v, "embedding_u": embedding_u}

def reference(x_positive, x_negative, y, embedding_v, embedding_u):
    # h = mean of context embeddings: [B, D]
    h = jnp.take(embedding_v, x_positive, axis=0).mean(axis=1)
    # target vector: [B, D]
    target_vector = jnp.take(embedding_u, y, axis=0)
    # positive score: bmm([B,1,D] x [B,D,1]) -> [B]
    positive_score = jnp.sum(target_vector * h, axis=-1)
    positive_score = jax.nn.log_sigmoid(positive_score)
    # negative vectors: [B, N, D]
    negative_vectors = jnp.take(embedding_u, x_negative, axis=0)
    # negative score: bmm([B,N,D] x [B,D,1]) -> [B,N] -> sum over N
    negative_score = jnp.einsum('bnd,bd->bn', -negative_vectors, h)
    negative_score = jax.nn.log_sigmoid(negative_score).sum(axis=1)
    return -jnp.mean(positive_score + negative_score)

if __name__ == "__main__":
    import jax
    _d = setup_inputs()
    print(jax.jit(kernel)(*tuple(_d.values())))

</pallas_src>

<mosaic_0001>
#map = affine_map<(d0, d1) -> (0)>
#map1 = affine_map<(d0, d1) -> (0, 0)>
module attributes {stable_mosaic.version = 14 : i64} {
  func.func @_sc_body(%arg0: i32, %arg1: i32, %arg2: memref<327680xi32, #tpu.memory_space<hbm>>, %arg3: memref<327680xi32, #tpu.memory_space<hbm>>, %arg4: memref<16384xi32, #tpu.memory_space<hbm>>, %arg5: memref<1007616x64xf32, #tpu.memory_space<hbm>>, %arg6: memref<1007616x64xf32, #tpu.memory_space<hbm>>, %arg7: memref<524288xf32, #tpu.memory_space<hbm>>, %arg8: memref<10240xi32, #tpu.memory_space<vmem>>, %arg9: memref<10240xi32, #tpu.memory_space<vmem>>, %arg10: memref<512xi32, #tpu.memory_space<vmem>>, %arg11: memref<320x64xf32, #tpu.memory_space<vmem>>, %arg12: memref<320x64xf32, #tpu.memory_space<vmem>>, %arg13: memref<16x64xf32, #tpu.memory_space<vmem>>, %arg14: memref<16x64xf32, #tpu.memory_space<vmem>>, %arg15: memref<320x64xf32, #tpu.memory_space<vmem>>, %arg16: memref<320x64xf32, #tpu.memory_space<vmem>>, %arg17: memref<16384xf32, #tpu.memory_space<vmem>>, %arg18: memref<!tpu.dma_semaphore, #tpu.memory_space<semaphore_mem>>, %arg19: memref<!tpu.dma_semaphore, #tpu.memory_space<semaphore_mem>>) attributes {dimension_semantics = [#tpu.dimension_semantics<core_parallel>, #tpu.dimension_semantics<subcore_parallel>], iteration_bounds = array<i64: 2, 16>, scalar_prefetch = 0 : i64, scratch_operands = 12 : i64, tpu.core_type = #tpu.core_type<sc_vector_subcore>, window_params = [{transform_indices = #map}, {transform_indices = #map}, {transform_indices = #map}, {transform_indices = #map1}, {transform_indices = #map1}, {transform_indices = #map}]} {
    %mul3A = arith.constant 2 : i32
    %mul3A_0 = arith.muli %arg1, %mul3A : i32
    %add3A = arith.addi %mul3A_0, %arg0 : i32
    %mul3A_1 = arith.constant 512 : i32
    %mul3A_2 = arith.muli %add3A, %mul3A_1 : i32
    %mul3A_3 = arith.constant 20 : i32
    %mul3A_4 = arith.muli %mul3A_2, %mul3A_3 : i32
    "tpu.region"() ({
      %run_scoped3A = tpu.sem_alloc : memref<!tpu.dma_semaphore, #tpu.memory_space<semaphore_mem>>
      %dma_start3A_170 = tpu.memref_slice %arg2[%mul3A_4] : memref<327680xi32, #tpu.memory_space<hbm>> -> memref<10240xi32, #tpu.memory_space<hbm>>
      %dma_start3A_171 = tpu.memref_slice %arg2[%mul3A_4] : memref<327680xi32, #tpu.memory_space<hbm>> -> memref<10240xi32, #tpu.memory_space<hbm>>
      tpu.enqueue_dma source(%dma_start3A_171 : memref<10240xi32, #tpu.memory_space<hbm>>) target(%arg8 : memref<10240xi32, #tpu.memory_space<vmem>>) target_semaphore(%run_scoped3A : memref<!tpu.dma_semaphore, #tpu.memory_space<semaphore_mem>>)
      %dma_wait3A = tpu.memref_slice %arg2[%mul3A_4] : memref<327680xi32, #tpu.memory_space<hbm>> -> memref<10240xi32, #tpu.memory_space<hbm>>
      %dma_wait3A_172 = tpu.memref_slice %arg2[%mul3A_4] : memref<327680xi32, #tpu.memory_space<hbm>> -> memref<10240xi32, #tpu.memory_space<hbm>>
      tpu.wait_dma2 semaphore(%run_scoped3A : memref<!tpu.dma_semaphore, #tpu.memory_space<semaphore_mem>>) src(%dma_wait3A_172 : memref<10240xi32, #tpu.memory_space<hbm>>) dst(%arg8 : memref<10240xi32, #tpu.memory_space<vmem>>)
      tpu.yield
    }) : () -> ()
    %mul3A_5 = arith.constant 20 : i32
    %mul3A_6 = arith.muli %mul3A_2, %mul3A_5 : i32
    "tpu.region"() ({
      %run_scoped3A = tpu.sem_alloc : memref<!tpu.dma_semaphore, #tpu.memory_space<semaphore_mem>>
      %dma_start3A_170 = tpu.memref_slice %arg3[%mul3A_6] : memref<327680xi32, #tpu.memory_space<hbm>> -> memref<10240xi32, #tpu.memory_space<hbm>>
      %dma_start3A_171 = tpu.memref_slice %arg3[%mul3A_6] : memref<327680xi32, #tpu.memory_space<hbm>> -> memref<10240xi32, #tpu.memory_space<hbm>>
      tpu.enqueue_dma source(%dma_start3A_171 : memref<10240xi32, #tpu.memory_space<hbm>>) target(%arg9 : memref<10240xi32, #tpu.memory_space<vmem>>) target_semaphore(%run_scoped3A : memref<!tpu.dma_semaphore, #tpu.memory_space<semaphore_mem>>)
      %dma_wait3A = tpu.memref_slice %arg3[%mul3A_6] : memref<327680xi32, #tpu.memory_space<hbm>> -> memref<10240xi32, #tpu.memory_space<hbm>>
      %dma_wait3A_172 = tpu.memref_slice %arg3[%mul3A_6] : memref<327680xi32, #tpu.memory_space<hbm>> -> memref<10240xi32, #tpu.memory_space<hbm>>
      tpu.wait_dma2 semaphore(%run_scoped3A : memref<!tpu.dma_semaphore, #tpu.memory_space<semaphore_mem>>) src(%dma_wait3A_172 : memref<10240xi32, #tpu.memory_space<hbm>>) dst(%arg9 : memref<10240xi32, #tpu.memory_space<vmem>>)
      tpu.yield
    }) : () -> ()
    "tpu.region"() ({
      %run_scoped3A = tpu.sem_alloc : memref<!tpu.dma_semaphore, #tpu.memory_space<semaphore_mem>>
      %dma_start3A_170 = tpu.memref_slice %arg4[%mul3A_2] : memref<16384xi32, #tpu.memory_space<hbm>> -> memref<512xi32, #tpu.memory_space<hbm>>
      %dma_start3A_171 = tpu.memref_slice %arg4[%mul3A_2] : memref<16384xi32, #tpu.memory_space<hbm>> -> memref<512xi32, #tpu.memory_space<hbm>>
      tpu.enqueue_dma source(%dma_start3A_171 : memref<512xi32, #tpu.memory_space<hbm>>) target(%arg10 : memref<512xi32, #tpu.memory_space<vmem>>) target_semaphore(%run_scoped3A : memref<!tpu.dma_semaphore, #tpu.memory_space<semaphore_mem>>)
      %dma_wait3A = tpu.memref_slice %arg4[%mul3A_2] : memref<16384xi32, #tpu.memory_space<hbm>> -> memref<512xi32, #tpu.memory_space<hbm>>
      %dma_wait3A_172 = tpu.memref_slice %arg4[%mul3A_2] : memref<16384xi32, #tpu.memory_space<hbm>> -> memref<512xi32, #tpu.memory_space<hbm>>
      tpu.wait_dma2 semaphore(%run_scoped3A : memref<!tpu.dma_semaphore, #tpu.memory_space<semaphore_mem>>) src(%dma_wait3A_172 : memref<512xi32, #tpu.memory_space<hbm>>) dst(%arg10 : memref<512xi32, #tpu.memory_space<vmem>>)
      tpu.yield
    }) : () -> ()
    %scan3A = arith.constant 0 : i32
    %scan3A_7 = arith.constant 0 : i32
    %scan3A_8 = arith.constant 640 : i32
    %scan3A_9 = arith.addi %scan3A_7, %scan3A_8 : i32
    %scan3A_10 = arith.constant 1 : i32
    scf.for %scan3A_170 = %scan3A_7 to %scan3A_9 step %scan3A_10  : i32 {
      %mul3A_171 = arith.constant 16 : i32
      %mul3A_172 = arith.muli %scan3A_170, %mul3A_171 : i32
      %get3A = arith.index_cast %mul3A_172 : i32 to index
      %get3A_173 = tpu.vector_load %arg8[%get3A] {strides = array<i32>} : memref<10240xi32, #tpu.memory_space<vmem>>, vector<16xi32>,
      %get3A_174 = vector.shape_cast %get3A_173 : vector<16xi32> to vector<16xi32>
      %shift_right_arithmetic3A = arith.constant 13 : i32
      %shift_right_arithmetic3A_175 = vector.broadcast %shift_right_arithmetic3A : i32 to vector<16xi32>
      %shift_right_arithmetic3A_176 = arith.shrsi %get3A_174, %shift_right_arithmetic3A_175 : vector<16xi32>
      %shift_left3A = arith.constant 13 : i32
      %shift_left3A_177 = vector.broadcast %shift_left3A : i32 to vector<16xi32>
      %shift_left3A_178 = arith.shli %shift_right_arithmetic3A_176, %shift_left3A_177 : vector<16xi32>
      %and3A_179 = arith.constant 4095 : i32
      %and3A_180 = vector.broadcast %and3A_179 : i32 to vector<16xi32>
      %and3A_181 = arith.andi %get3A_174, %and3A_180 : vector<16xi32>
      %shift_left3A_182 = arith.constant 1 : i32
      %shift_left3A_183 = vector.broadcast %shift_left3A_182 : i32 to vector<16xi32>
      %shift_left3A_184 = arith.shli %and3A_181, %shift_left3A_183 : vector<16xi32>
      %add3A_185 = arith.addi %shift_left3A_178, %shift_left3A_184 : vector<16xi32>
      %shift_right_arithmetic3A_186 = arith.constant 12 : i32
      %shift_right_arithmetic3A_187 = vector.broadcast %shift_right_arithmetic3A_186 : i32 to vector<16xi32>
      %shift_right_arithmetic3A_188 = arith.shrsi %get3A_174, %shift_right_arithmetic3A_187 : vector<16xi32>
      %and3A_189 = arith.constant 1 : i32
      %and3A_190 = vector.broadcast %and3A_189 : i32 to vector<16xi32>
      %and3A_191 = arith.andi %shift_right_arithmetic3A_188, %and3A_190 : vector<16xi32>
      %add3A_192 = arith.addi %add3A_185, %and3A_191 : vector<16xi32>
      %mul3A_193 = arith.constant 16 : i32
      %mul3A_194 = arith.muli %scan3A_170, %mul3A_193 : i32
      %swap3A = arith.index_cast %mul3A_194 : i32 to index
      %swap3A_195 = tpu.vector_load %arg8[%swap3A] {strides = array<i32>} : memref<10240xi32, #tpu.memory_space<vmem>>, vector<16xi32>,
      %swap3A_196 = vector.shape_cast %swap3A_195 : vector<16xi32> to vector<16xi32>
      %swap3A_197 = vector.shape_cast %add3A_192 : vector<16xi32> to vector<16xi32>
      tpu.vector_store %arg8[%swap3A], %swap3A_197 {strides = array<i32>} : memref<10240xi32, #tpu.memory_space<vmem>>, vector<16xi32>,
    }
    %scan3A_11 = arith.constant 640 : i32
    %scan3A_12 = arith.constant 0 : i32
    %scan3A_13 = arith.constant 0 : i32
    %scan3A_14 = arith.constant 640 : i32
    %scan3A_15 = arith.addi %scan3A_13, %scan3A_14 : i32
    %scan3A_16 = arith.constant 1 : i32
    scf.for %scan3A_170 = %scan3A_13 to %scan3A_15 step %scan3A_16  : i32 {
      %mul3A_171 = arith.constant 16 : i32
      %mul3A_172 = arith.muli %scan3A_170, %mul3A_171 : i32
      %get3A = arith.index_cast %mul3A_172 : i32 to index
      %get3A_173 = tpu.vector_load %arg9[%get3A] {strides = array<i32>} : memref<10240xi32, #tpu.memory_space<vmem>>, vector<16xi32>,
      %get3A_174 = vector.shape_cast %get3A_173 : vector<16xi32> to vector<16xi32>
      %shift_right_arithmetic3A = arith.constant 13 : i32
      %shift_right_arithmetic3A_175 = vector.broadcast %shift_right_arithmetic3A : i32 to vector<16xi32>
      %shift_right_arithmetic3A_176 = arith.shrsi %get3A_174, %shift_right_arithmetic3A_175 : vector<16xi32>
      %shift_left3A = arith.constant 13 : i32
      %shift_left3A_177 = vector.broadcast %shift_left3A : i32 to vector<16xi32>
      %shift_left3A_178 = arith.shli %shift_right_arithmetic3A_176, %shift_left3A_177 : vector<16xi32>
      %and3A_179 = arith.constant 4095 : i32
      %and3A_180 = vector.broadcast %and3A_179 : i32 to vector<16xi32>
      %and3A_181 = arith.andi %get3A_174, %and3A_180 : vector<16xi32>
      %shift_left3A_182 = arith.constant 1 : i32
      %shift_left3A_183 = vector.broadcast %shift_left3A_182 : i32 to vector<16xi32>
      %shift_left3A_184 = arith.shli %and3A_181, %shift_left3A_183 : vector<16xi32>
      %add3A_185 = arith.addi %shift_left3A_178, %shift_left3A_184 : vector<16xi32>
      %shift_right_arithmetic3A_186 = arith.constant 12 : i32
      %shift_right_arithmetic3A_187 = vector.broadcast %shift_right_arithmetic3A_186 : i32 to vector<16xi32>
      %shift_right_arithmetic3A_188 = arith.shrsi %get3A_174, %shift_right_arithmetic3A_187 : vector<16xi32>
      %and3A_189 = arith.constant 1 : i32
      %and3A_190 = vector.broadcast %and3A_189 : i32 to vector<16xi32>
      %and3A_191 = arith.andi %shift_right_arithmetic3A_188, %and3A_190 : vector<16xi32>
      %add3A_192 = arith.addi %add3A_185, %and3A_191 : vector<16xi32>
      %mul3A_193 = arith.constant 16 : i32
      %mul3A_194 = arith.muli %scan3A_170, %mul3A_193 : i32
      %swap3A = arith.index_cast %mul3A_194 : i32 to index
      %swap3A_195 = tpu.vector_load %arg9[%swap3A] {strides = array<i32>} : memref<10240xi32, #tpu.memory_space<vmem>>, vector<16xi32>,
      %swap3A_196 = vector.shape_cast %swap3A_195 : vector<16xi32> to vector<16xi32>
      %swap3A_197 = vector.shape_cast %add3A_192 : vector<16xi32> to vector<16xi32>
      tpu.vector_store %arg9[%swap3A], %swap3A_197 {strides = array<i32>} : memref<10240xi32, #tpu.memory_space<vmem>>, vector<16xi32>,
    }
    %scan3A_17 = arith.constant 640 : i32
    %scan3A_18 = arith.constant 0 : i32
    %scan3A_19 = arith.constant 0 : i32
    %scan3A_20 = arith.constant 32 : i32
    %scan3A_21 = arith.addi %scan3A_19, %scan3A_20 : i32
    %scan3A_22 = arith.constant 1 : i32
    scf.for %scan3A_170 = %scan3A_19 to %scan3A_21 step %scan3A_22  : i32 {
      %mul3A_171 = arith.constant 16 : i32
      %mul3A_172 = arith.muli %scan3A_170, %mul3A_171 : i32
      %get3A = arith.index_cast %mul3A_172 : i32 to index
      %get3A_173 = tpu.vector_load %arg10[%get3A] {strides = array<i32>} : memref<512xi32, #tpu.memory_space<vmem>>, vector<16xi32>,
      %get3A_174 = vector.shape_cast %get3A_173 : vector<16xi32> to vector<16xi32>
      %shift_right_arithmetic3A = arith.constant 13 : i32
      %shift_right_arithmetic3A_175 = vector.broadcast %shift_right_arithmetic3A : i32 to vector<16xi32>
      %shift_right_arithmetic3A_176 = arith.shrsi %get3A_174, %shift_right_arithmetic3A_175 : vector<16xi32>
      %shift_left3A = arith.constant 13 : i32
      %shift_left3A_177 = vector.broadcast %shift_left3A : i32 to vector<16xi32>
      %shift_left3A_178 = arith.shli %shift_right_arithmetic3A_176, %shift_left3A_177 : vector<16xi32>
      %and3A_179 = arith.constant 4095 : i32
      %and3A_180 = vector.broadcast %and3A_179 : i32 to vector<16xi32>
      %and3A_181 = arith.andi %get3A_174, %and3A_180 : vector<16xi32>
      %shift_left3A_182 = arith.constant 1 : i32
      %shift_left3A_183 = vector.broadcast %shift_left3A_182 : i32 to vector<16xi32>
      %shift_left3A_184 = arith.shli %and3A_181, %shift_left3A_183 : vector<16xi32>
      %add3A_185 = arith.addi %shift_left3A_178, %shift_left3A_184 : vector<16xi32>
      %shift_right_arithmetic3A_186 = arith.constant 12 : i32
      %shift_right_arithmetic3A_187 = vector.broadcast %shift_right_arithmetic3A_186 : i32 to vector<16xi32>
      %shift_right_arithmetic3A_188 = arith.shrsi %get3A_174, %shift_right_arithmetic3A_187 : vector<16xi32>
      %and3A_189 = arith.constant 1 : i32
      %and3A_190 = vector.broadcast %and3A_189 : i32 to vector<16xi32>
      %and3A_191 = arith.andi %shift_right_arithmetic3A_188, %and3A_190 : vector<16xi32>
      %add3A_192 = arith.addi %add3A_185, %and3A_191 : vector<16xi32>
      %mul3A_193 = arith.constant 16 : i32
      %mul3A_194 = arith.muli %scan3A_170, %mul3A_193 : i32
      %swap3A = arith.index_cast %mul3A_194 : i32 to index
      %swap3A_195 = tpu.vector_load %arg10[%swap3A] {strides = array<i32>} : memref<512xi32, #tpu.memory_space<vmem>>, vector<16xi32>,
      %swap3A_196 = vector.shape_cast %swap3A_195 : vector<16xi32> to vector<16xi32>
      %swap3A_197 = vector.shape_cast %add3A_192 : vector<16xi32> to vector<16xi32>
      tpu.vector_store %arg10[%swap3A], %swap3A_197 {strides = array<i32>} : memref<512xi32, #tpu.memory_space<vmem>>, vector<16xi32>,
    }
    %scan3A_23 = arith.constant 32 : i32
    %iota3A = tpu.iota {dimensions = array<i32: 0>} : vector<16xi32>
    %xor3A = arith.constant 1 : i32
    %xor3A_24 = vector.broadcast %xor3A : i32 to vector<16xi32>
    %xor3A_25 = arith.xori %iota3A, %xor3A_24 : vector<16xi32>
    %xor3A_26 = arith.constant 2 : i32
    %xor3A_27 = vector.broadcast %xor3A_26 : i32 to vector<16xi32>
    %xor3A_28 = arith.xori %iota3A, %xor3A_27 : vector<16xi32>
    %xor3A_29 = arith.constant 4 : i32
    %xor3A_30 = vector.broadcast %xor3A_29 : i32 to vector<16xi32>
    %xor3A_31 = arith.xori %iota3A, %xor3A_30 : vector<16xi32>
    %xor3A_32 = arith.constant 8 : i32
    %xor3A_33 = vector.broadcast %xor3A_32 : i32 to vector<16xi32>
    %xor3A_34 = arith.xori %iota3A, %xor3A_33 : vector<16xi32>
    %and3A = arith.constant 1 : i32
    %and3A_35 = vector.broadcast %and3A : i32 to vector<16xi32>
    %and3A_36 = arith.andi %iota3A, %and3A_35 : vector<16xi32>
    %ne3A = arith.constant 0 : i32
    %ne3A_37 = vector.broadcast %ne3A : i32 to vector<16xi32>
    %ne3A_38 = arith.cmpi ne, %and3A_36, %ne3A_37 : vector<16xi32>
    %and3A_39 = arith.constant 2 : i32
    %and3A_40 = vector.broadcast %and3A_39 : i32 to vector<16xi32>
    %and3A_41 = arith.andi %iota3A, %and3A_40 : vector<16xi32>
    %ne3A_42 = arith.constant 0 : i32
    %ne3A_43 = vector.broadcast %ne3A_42 : i32 to vector<16xi32>
    %ne3A_44 = arith.cmpi ne, %and3A_41, %ne3A_43 : vector<16xi32>
    %and3A_45 = arith.constant 4 : i32
    %and3A_46 = vector.broadcast %and3A_45 : i32 to vector<16xi32>
    %and3A_47 = arith.andi %iota3A, %and3A_46 : vector<16xi32>
    %ne3A_48 = arith.constant 0 : i32
    %ne3A_49 = vector.broadcast %ne3A_48 : i32 to vector<16xi32>
    %ne3A_50 = arith.cmpi ne, %and3A_47, %ne3A_49 : vector<16xi32>
    %and3A_51 = arith.constant 8 : i32
    %and3A_52 = vector.broadcast %and3A_51 : i32 to vector<16xi32>
    %and3A_53 = arith.andi %iota3A, %and3A_52 : vector<16xi32>
    %ne3A_54 = arith.constant 0 : i32
    %ne3A_55 = vector.broadcast %ne3A_54 : i32 to vector<16xi32>
    %ne3A_56 = arith.cmpi ne, %and3A_53, %ne3A_55 : vector<16xi32>
    %dma_start3A = arith.constant 0 : i32
    %dma_start3A_57 = arith.constant 0 : i32
    %dma_start3A_58 = tpu.memref_slice %arg11[%dma_start3A, %dma_start3A_57] : memref<320x64xf32, #tpu.memory_space<vmem>> -> memref<128x64xf32, #tpu.memory_space<vmem>>
    %dma_start3A_59 = arith.constant 0 : i32
    %dma_start3A_60 = tpu.memref_slice %arg8[%dma_start3A_59] : memref<10240xi32, #tpu.memory_space<vmem>> -> memref<128xi32, #tpu.memory_space<vmem>>
    %dma_start3A_61 = arith.constant 0 : i32
    %dma_start3A_62 = arith.constant 0 : i32
    %dma_start3A_63 = tpu.memref_slice %arg5[%dma_start3A_61, %dma_start3A_62] : memref<1007616x64xf32, #tpu.memory_space<hbm>> -> memref<1007616x64xf32, #tpu.memory_space<hbm>>
    tpu.enqueue_indirect_dma source(%dma_start3A_63 : memref<1007616x64xf32, #tpu.memory_space<hbm>>) target(%dma_start3A_58 : memref<128x64xf32, #tpu.memory_space<vmem>>) offsets(%dma_start3A_60 : memref<128xi32, #tpu.memory_space<vmem>>) semaphore(%arg18 : memref<!tpu.dma_semaphore, #tpu.memory_space<semaphore_mem>>)
    %dma_start3A_64 = arith.constant 128 : i32
    %dma_start3A_65 = arith.constant 0 : i32
    %dma_start3A_66 = tpu.memref_slice %arg11[%dma_start3A_64, %dma_start3A_65] : memref<320x64xf32, #tpu.memory_space<vmem>> -> memref<128x64xf32, #tpu.memory_space<vmem>>
    %dma_start3A_67 = arith.constant 128 : i32
    %dma_start3A_68 = tpu.memref_slice %arg8[%dma_start3A_67] : memref<10240xi32, #tpu.memory_space<vmem>> -> memref<128xi32, #tpu.memory_space<vmem>>
    %dma_start3A_69 = arith.constant 0 : i32
    %dma_start3A_70 = arith.constant 0 : i32
    %dma_start3A_71 = tpu.memref_slice %arg5[%dma_start3A_69, %dma_start3A_70] : memref<1007616x64xf32, #tpu.memory_space<hbm>> -> memref<1007616x64xf32, #tpu.memory_space<hbm>>
    tpu.enqueue_indirect_dma source(%dma_start3A_71 : memref<1007616x64xf32, #tpu.memory_space<hbm>>) target(%dma_start3A_66 : memref<128x64xf32, #tpu.memory_space<vmem>>) offsets(%dma_start3A_68 : memref<128xi32, #tpu.memory_space<vmem>>) semaphore(%arg18 : memref<!tpu.dma_semaphore, #tpu.memory_space<semaphore_mem>>)
    %dma_start3A_72 = arith.constant 256 : i32
    %dma_start3A_73 = arith.constant 0 : i32
    %dma_start3A_74 = tpu.memref_slice %arg11[%dma_start3A_72, %dma_start3A_73] : memref<320x64xf32, #tpu.memory_space<vmem>> -> memref<64x64xf32, #tpu.memory_space<vmem>>
    %dma_start3A_75 = arith.constant 256 : i32
    %dma_start3A_76 = tpu.memref_slice %arg8[%dma_start3A_75] : memref<10240xi32, #tpu.memory_space<vmem>> -> memref<64xi32, #tpu.memory_space<vmem>>
    %dma_start3A_77 = arith.constant 0 : i32
    %dma_start3A_78 = arith.constant 0 : i32
    %dma_start3A_79 = tpu.memref_slice %arg5[%dma_start3A_77, %dma_start3A_78] : memref<1007616x64xf32, #tpu.memory_space<hbm>> -> memref<1007616x64xf32, #tpu.memory_space<hbm>>
    tpu.enqueue_indirect_dma source(%dma_start3A_79 : memref<1007616x64xf32, #tpu.memory_space<hbm>>) target(%dma_start3A_74 : memref<64x64xf32, #tpu.memory_space<vmem>>) offsets(%dma_start3A_76 : memref<64xi32, #tpu.memory_space<vmem>>) semaphore(%arg18 : memref<!tpu.dma_semaphore, #tpu.memory_space<semaphore_mem>>)
    %dma_start3A_80 = arith.constant 0 : i32
    %dma_start3A_81 = tpu.memref_slice %arg10[%dma_start3A_80] : memref<512xi32, #tpu.memory_space<vmem>> -> memref<16xi32, #tpu.memory_space<vmem>>
    %dma_start3A_82 = arith.constant 0 : i32
    %dma_start3A_83 = arith.constant 0 : i32
    %dma_start3A_84 = tpu.memref_slice %arg6[%dma_start3A_82, %dma_start3A_83] : memref<1007616x64xf32, #tpu.memory_space<hbm>> -> memref<1007616x64xf32, #tpu.memory_space<hbm>>
    tpu.enqueue_indirect_dma source(%dma_start3A_84 : memref<1007616x64xf32, #tpu.memory_space<hbm>>) target(%arg13 : memref<16x64xf32, #tpu.memory_space<vmem>>) offsets(%dma_start3A_81 : memref<16xi32, #tpu.memory_space<vmem>>) semaphore(%arg18 : memref<!tpu.dma_semaphore, #tpu.memory_space<semaphore_mem>>)
    %dma_start3A_85 = arith.constant 0 : i32
    %dma_start3A_86 = arith.constant 0 : i32
    %dma_start3A_87 = tpu.memref_slice %arg15[%dma_start3A_85, %dma_start3A_86] : memref<320x64xf32, #tpu.memory_space<vmem>> -> memref<128x64xf32, #tpu.memory_space<vmem>>
    %dma_start3A_88 = arith.constant 0 : i32
    %dma_start3A_89 = tpu.memref_slice %arg9[%dma_start3A_88] : memref<10240xi32, #tpu.memory_space<vmem>> -> memref<128xi32, #tpu.memory_space<vmem>>
    %dma_start3A_90 = arith.constant 0 : i32
    %dma_start3A_91 = arith.constant 0 : i32
    %dma_start3A_92 = tpu.memref_slice %arg6[%dma_start3A_90, %dma_start3A_91] : memref<1007616x64xf32, #tpu.memory_space<hbm>> -> memref<1007616x64xf32, #tpu.memory_space<hbm>>
    tpu.enqueue_indirect_dma source(%dma_start3A_92 : memref<1007616x64xf32, #tpu.memory_space<hbm>>) target(%dma_start3A_87 : memref<128x64xf32, #tpu.memory_space<vmem>>) offsets(%dma_start3A_89 : memref<128xi32, #tpu.memory_space<vmem>>) semaphore(%arg18 : memref<!tpu.dma_semaphore, #tpu.memory_space<semaphore_mem>>)
    %dma_start3A_93 = arith.constant 128 : i32
    %dma_start3A_94 = arith.constant 0 : i32
    %dma_start3A_95 = tpu.memref_slice %arg15[%dma_start3A_93, %dma_start3A_94] : memref<320x64xf32, #tpu.memory_space<vmem>> -> memref<128x64xf32, #tpu.memory_space<vmem>>
    %dma_start3A_96 = arith.constant 128 : i32
    %dma_start3A_97 = tpu.memref_slice %arg9[%dma_start3A_96] : memref<10240xi32, #tpu.memory_space<vmem>> -> memref<128xi32, #tpu.memory_space<vmem>>
    %dma_start3A_98 = arith.constant 0 : i32
    %dma_start3A_99 = arith.constant 0 : i32
    %dma_start3A_100 = tpu.memref_slice %arg6[%dma_start3A_98, %dma_start3A_99] : memref<1007616x64xf32, #tpu.memory_space<hbm>> -> memref<1007616x64xf32, #tpu.memory_space<hbm>>
    tpu.enqueue_indirect_dma source(%dma_start3A_100 : memref<1007616x64xf32, #tpu.memory_space<hbm>>) target(%dma_start3A_95 : memref<128x64xf32, #tpu.memory_space<vmem>>) offsets(%dma_start3A_97 : memref<128xi32, #tpu.memory_space<vmem>>) semaphore(%arg18 : memref<!tpu.dma_semaphore, #tpu.memory_space<semaphore_mem>>)
    %dma_start3A_101 = arith.constant 256 : i32
    %dma_start3A_102 = arith.constant 0 : i32
    %dma_start3A_103 = tpu.memref_slice %arg15[%dma_start3A_101, %dma_start3A_102] : memref<320x64xf32, #tpu.memory_space<vmem>> -> memref<64x64xf32, #tpu.memory_space<vmem>>
    %dma_start3A_104 = arith.constant 256 : i32
    %dma_start3A_105 = tpu.memref_slice %arg9[%dma_start3A_104] : memref<10240xi32, #tpu.memory_space<vmem>> -> memref<64xi32, #tpu.memory_space<vmem>>
    %dma_start3A_106 = arith.constant 0 : i32
    %dma_start3A_107 = arith.constant 0 : i32
    %dma_start3A_108 = tpu.memref_slice %arg6[%dma_start3A_106, %dma_start3A_107] : memref<1007616x64xf32, #tpu.memory_space<hbm>> -> memref<1007616x64xf32, #tpu.memory_space<hbm>>
    tpu.enqueue_indirect_dma source(%dma_start3A_108 : memref<1007616x64xf32, #tpu.memory_space<hbm>>) target(%dma_start3A_103 : memref<64x64xf32, #tpu.memory_space<vmem>>) offsets(%dma_start3A_105 : memref<64xi32, #tpu.memory_space<vmem>>) semaphore(%arg18 : memref<!tpu.dma_semaphore, #tpu.memory_space<semaphore_mem>>)
    %dma_start3A_109 = arith.constant 0 : i32
    %dma_start3A_110 = arith.constant 0 : i32
    %dma_start3A_111 = tpu.memref_slice %arg12[%dma_start3A_109, %dma_start3A_110] : memref<320x64xf32, #tpu.memory_space<vmem>> -> memref<128x64xf32, #tpu.memory_space<vmem>>
    %dma_start3A_112 = arith.constant 320 : i32
    %dma_start3A_113 = tpu.memref_slice %arg8[%dma_start3A_112] : memref<10240xi32, #tpu.memory_space<vmem>> -> memref<128xi32, #tpu.memory_space<vmem>>
    %dma_start3A_114 = arith.constant 0 : i32
    %dma_start3A_115 = arith.constant 0 : i32
    %dma_start3A_116 = tpu.memref_slice %arg5[%dma_start3A_114, %dma_start3A_115] : memref<1007616x64xf32, #tpu.memory_space<hbm>> -> memref<1007616x64xf32, #tpu.memory_space<hbm>>
    tpu.enqueue_indirect_dma source(%dma_start3A_116 : memref<1007616x64xf32, #tpu.memory_space<hbm>>) target(%dma_start3A_111 : memref<128x64xf32, #tpu.memory_space<vmem>>) offsets(%dma_start3A_113 : memref<128xi32, #tpu.memory_space<vmem>>) semaphore(%arg19 : memref<!tpu.dma_semaphore, #tpu.memory_space<semaphore_mem>>)
    %dma_start3A_117 = arith.constant 128 : i32
    %dma_start3A_118 = arith.constant 0 : i32
    %dma_start3A_119 = tpu.memref_slice %arg12[%dma_start3A_117, %dma_start3A_118] : memref<320x64xf32, #tpu.memory_space<vmem>> -> memref<128x64xf32, #tpu.memory_space<vmem>>
    %dma_start3A_120 = arith.constant 448 : i32
    %dma_start3A_121 = tpu.memref_slice %arg8[%dma_start3A_120] : memref<10240xi32, #tpu.memory_space<vmem>> -> memref<128xi32, #tpu.memory_space<vmem>>
    %dma_start3A_122 = arith.constant 0 : i32
    %dma_start3A_123 = arith.constant 0 : i32
    %dma_start3A_124 = tpu.memref_slice %arg5[%dma_start3A_122, %dma_start3A_123] : memref<1007616x64xf32, #tpu.memory_space<hbm>> -> memref<1007616x64xf32, #tpu.memory_space<hbm>>
    tpu.enqueue_indirect_dma source(%dma_start3A_124 : memref<1007616x64xf32, #tpu.memory_space<hbm>>) target(%dma_start3A_119 : memref<128x64xf32, #tpu.memory_space<vmem>>) offsets(%dma_start3A_121 : memref<128xi32, #tpu.memory_space<vmem>>) semaphore(%arg19 : memref<!tpu.dma_semaphore, #tpu.memory_space<semaphore_mem>>)
    %dma_start3A_125 = arith.constant 256 : i32
    %dma_start3A_126 = arith.constant 0 : i32
    %dma_start3A_127 = tpu.memref_slice %arg12[%dma_start3A_125, %dma_start3A_126] : memref<320x64xf32, #tpu.memory_space<vmem>> -> memref<64x64xf32, #tpu.memory_space<vmem>>
    %dma_start3A_128 = arith.constant 576 : i32
    %dma_start3A_129 = tpu.memref_slice %arg8[%dma_start3A_128] : memref<10240xi32, #tpu.memory_space<vmem>> -> memref<64xi32, #tpu.memory_space<vmem>>
    %dma_start3A_130 = arith.constant 0 : i32
    %dma_start3A_131 = arith.constant 0 : i32
    %dma_start3A_132 = tpu.memref_slice %arg5[%dma_start3A_130, %dma_start3A_131] : memref<1007616x64xf32, #tpu.memory_space<hbm>> -> memref<1007616x64xf32, #tpu.memory_space<hbm>>
    tpu.enqueue_indirect_dma source(%dma_start3A_132 : memref<1007616x64xf32, #tpu.memory_space<hbm>>) target(%dma_start3A_127 : memref<64x64xf32, #tpu.memory_space<vmem>>) offsets(%dma_start3A_129 : memref<64xi32, #tpu.memory_space<vmem>>) semaphore(%arg19 : memref<!tpu.dma_semaphore, #tpu.memory_space<semaphore_mem>>)
    %dma_start3A_133 = arith.constant 16 : i32
    %dma_start3A_134 = tpu.memref_slice %arg10[%dma_start3A_133] : memref<512xi32, #tpu.memory_space<vmem>> -> memref<16xi32, #tpu.memory_space<vmem>>
    %dma_start3A_135 = arith.constant 0 : i32
    %dma_start3A_136 = arith.constant 0 : i32
    %dma_start3A_137 = tpu.memref_slice %arg6[%dma_start3A_135, %dma_start3A_136] : memref<1007616x64xf32, #tpu.memory_space<hbm>> -> memref<1007616x64xf32, #tpu.memory_space<hbm>>
    tpu.enqueue_indirect_dma source(%dma_start3A_137 : memref<1007616x64xf32, #tpu.memory_space<hbm>>) target(%arg14 : memref<16x64xf32, #tpu.memory_space<vmem>>) offsets(%dma_start3A_134 : memref<16xi32, #tpu.memory_space<vmem>>) semaphore(%arg19 : memref<!tpu.dma_semaphore, #tpu.memory_space<semaphore_mem>>)
    %dma_start3A_138 = arith.constant 0 : i32
    %dma_start3A_139 = arith.constant 0 : i32
    %dma_start3A_140 = tpu.memref_slice %arg16[%dma_start3A_138, %dma_start3A_139] : memref<320x64xf32, #tpu.memory_space<vmem>> -> memref<128x64xf32, #tpu.memory_space<vmem>>
    %dma_start3A_141 = arith.constant 320 : i32
    %dma_start3A_142 = tpu.memref_slice %arg9[%dma_start3A_141] : memref<10240xi32, #tpu.memory_space<vmem>> -> memref<128xi32, #tpu.memory_space<vmem>>
    %dma_start3A_143 = arith.constant 0 : i32
    %dma_start3A_144 = arith.constant 0 : i32
    %dma_start3A_145 = tpu.memref_slice %arg6[%dma_start3A_143, %dma_start3A_144] : memref<1007616x64xf32, #tpu.memory_space<hbm>> -> memref<1007616x64xf32, #tpu.memory_space<hbm>>
    tpu.enqueue_indirect_dma source(%dma_start3A_145 : memref<1007616x64xf32, #tpu.memory_space<hbm>>) target(%dma_start3A_140 : memref<128x64xf32, #tpu.memory_space<vmem>>) offsets(%dma_start3A_142 : memref<128xi32, #tpu.memory_space<vmem>>) semaphore(%arg19 : memref<!tpu.dma_semaphore, #tpu.memory_space<semaphore_mem>>)
    %dma_start3A_146 = arith.constant 128 : i32
    %dma_start3A_147 = arith.constant 0 : i32
    %dma_start3A_148 = tpu.memref_slice %arg16[%dma_start3A_146, %dma_start3A_147] : memref<320x64xf32, #tpu.memory_space<vmem>> -> memref<128x64xf32, #tpu.memory_space<vmem>>
    %dma_start3A_149 = arith.constant 448 : i32
    %dma_start3A_150 = tpu.memref_slice %arg9[%dma_start3A_149] : memref<10240xi32, #tpu.memory_space<vmem>> -> memref<128xi32, #tpu.memory_space<vmem>>
    %dma_start3A_151 = arith.constant 0 : i32
    %dma_start3A_152 = arith.constant 0 : i32
    %dma_start3A_153 = tpu.memref_slice %arg6[%dma_start3A_151, %dma_start3A_152] : memref<1007616x64xf32, #tpu.memory_space<hbm>> -> memref<1007616x64xf32, #tpu.memory_space<hbm>>
    tpu.enqueue_indirect_dma source(%dma_start3A_153 : memref<1007616x64xf32, #tpu.memory_space<hbm>>) target(%dma_start3A_148 : memref<128x64xf32, #tpu.memory_space<vmem>>) offsets(%dma_start3A_150 : memref<128xi32, #tpu.memory_space<vmem>>) semaphore(%arg19 : memref<!tpu.dma_semaphore, #tpu.memory_space<semaphore_mem>>)
    %dma_start3A_154 = arith.constant 256 : i32
    %dma_start3A_155 = arith.constant 0 : i32
    %dma_start3A_156 = tpu.memref_slice %arg16[%dma_start3A_154, %dma_start3A_155] : memref<320x64xf32, #tpu.memory_space<vmem>> -> memref<64x64xf32, #tpu.memory_space<vmem>>
    %dma_start3A_157 = arith.constant 576 : i32
    %dma_start3A_158 = tpu.memref_slice %arg9[%dma_start3A_157] : memref<10240xi32, #tpu.memory_space<vmem>> -> memref<64xi32, #tpu.memory_space<vmem>>
    %dma_start3A_159 = arith.constant 0 : i32
    %dma_start3A_160 = arith.constant 0 : i32
    %dma_start3A_161 = tpu.memref_slice %arg6[%dma_start3A_159, %dma_start3A_160] : memref<1007616x64xf32, #tpu.memory_space<hbm>> -> memref<1007616x64xf32, #tpu.memory_space<hbm>>
    tpu.enqueue_indirect_dma source(%dma_start3A_161 : memref<1007616x64xf32, #tpu.memory_space<hbm>>) target(%dma_start3A_156 : memref<64x64xf32, #tpu.memory_space<vmem>>) offsets(%dma_start3A_158 : memref<64xi32, #tpu.memory_space<vmem>>) semaphore(%arg19 : memref<!tpu.dma_semaphore, #tpu.memory_space<semaphore_mem>>)
    %scan3A_162 = arith.constant 0 : i32
    %scan3A_163 = arith.constant 0 : i32
    %scan3A_164 = arith.constant 16 : i32
    %scan3A_165 = arith.addi %scan3A_163, %scan3A_164 : i32
    %scan3A_166 = arith.constant 1 : i32
    scf.for %scan3A_170 = %scan3A_163 to %scan3A_165 step %scan3A_166  : i32 {
      %mul3A_171 = arith.constant 2 : i32
      %mul3A_172 = arith.muli %scan3A_170, %mul3A_171 : i32
      %dma_wait3A = arith.constant 0 : i32
      %dma_wait3A_173 = arith.constant 0 : i32
      %dma_wait3A_174 = tpu.memref_slice %arg11[%dma_wait3A, %dma_wait3A_173] : memref<320x64xf32, #tpu.memory_space<vmem>> -> memref<128x64xf32, #tpu.memory_space<vmem>>
      %dma_wait3A_175 = arith.constant 0 : i32
      %dma_wait3A_176 = arith.constant 0 : i32
      %dma_wait3A_177 = tpu.memref_slice %arg5[%dma_wait3A_175, %dma_wait3A_176] : memref<1007616x64xf32, #tpu.memory_space<hbm>> -> memref<128x64xf32, #tpu.memory_space<hbm>>
      %dma_wait3A_178 = arith.constant 0 : i32
      %dma_wait3A_179 = arith.constant 0 : i32
      %dma_wait3A_180 = tpu.memref_slice %arg11[%dma_wait3A_178, %dma_wait3A_179] : memref<320x64xf32, #tpu.memory_space<vmem>> -> memref<128x64xf32, #tpu.memory_space<vmem>>
      %dma_wait3A_181 = arith.constant 0 : i32
      %dma_wait3A_182 = arith.constant 0 : i32
      %dma_wait3A_183 = tpu.memref_slice %arg5[%dma_wait3A_181, %dma_wait3A_182] : memref<1007616x64xf32, #tpu.memory_space<hbm>> -> memref<128x64xf32, #tpu.memory_space<hbm>>
      tpu.wait_dma2 semaphore(%arg18 : memref<!tpu.dma_semaphore, #tpu.memory_space<semaphore_mem>>) src(%dma_wait3A_183 : memref<128x64xf32, #tpu.memory_space<hbm>>) dst(%dma_wait3A_180 : memref<128x64xf32, #tpu.memory_space<vmem>>)
      %dma_wait3A_184 = arith.constant 128 : i32
      %dma_wait3A_185 = arith.constant 0 : i32
      %dma_wait3A_186 = tpu.memref_slice %arg11[%dma_wait3A_184, %dma_wait3A_185] : memref<320x64xf32, #tpu.memory_space<vmem>> -> memref<128x64xf32, #tpu.memory_space<vmem>>
      %dma_wait3A_187 = arith.constant 0 : i32
      %dma_wait3A_188 = arith.constant 0 : i32
      %dma_wait3A_189 = tpu.memref_slice %arg5[%dma_wait3A_187, %dma_wait3A_188] : memref<1007616x64xf32, #tpu.memory_space<hbm>> -> memref<128x64xf32, #tpu.memory_space<hbm>>
      %dma_wait3A_190 = arith.constant 128 : i32
      %dma_wait3A_191 = arith.constant 0 : i32
      %dma_wait3A_192 = tpu.memref_slice %arg11[%dma_wait3A_190, %dma_wait3A_191] : memref<320x64xf32, #tpu.memory_space<vmem>> -> memref<128x64xf32, #tpu.memory_space<vmem>>
      %dma_wait3A_193 = arith.constant 0 : i32
      %dma_wait3A_194 = arith.constant 0 : i32
      %dma_wait3A_195 = tpu.memref_slice %arg5[%dma_wait3A_193, %dma_wait3A_194] : memref<1007616x64xf32, #tpu.memory_space<hbm>> -> memref<128x64xf32, #tpu.memory_space<hbm>>
      tpu.wait_dma2 semaphore(%arg18 : memref<!tpu.dma_semaphore, #tpu.memory_space<semaphore_mem>>) src(%dma_wait3A_195 : memref<128x64xf32, #tpu.memory_space<hbm>>) dst(%dma_wait3A_192 : memref<128x64xf32, #tpu.memory_space<vmem>>)
      %dma_wait3A_196 = arith.constant 256 : i32
      %dma_wait3A_197 = arith.constant 0 : i32
      %dma_wait3A_198 = tpu.memref_slice %arg11[%dma_wait3A_196, %dma_wait3A_197] : memref<320x64xf32, #tpu.memory_space<vmem>> -> memref<64x64xf32, #tpu.memory_space<vmem>>
      %dma_wait3A_199 = arith.constant 0 : i32
      %dma_wait3A_200 = arith.constant 0 : i32
      %dma_wait3A_201 = tpu.memref_slice %arg5[%dma_wait3A_199, %dma_wait3A_200] : memref<1007616x64xf32, #tpu.memory_space<hbm>> -> memref<64x64xf32, #tpu.memory_space<hbm>>
      %dma_wait3A_202 = arith.constant 256 : i32
      %dma_wait3A_203 = arith.constant 0 : i32
      %dma_wait3A_204 = tpu.memref_slice %arg11[%dma_wait3A_202, %dma_wait3A_203] : memref<320x64xf32, #tpu.memory_space<vmem>> -> memref<64x64xf32, #tpu.memory_space<vmem>>
      %dma_wait3A_205 = arith.constant 0 : i32
      %dma_wait3A_206 = arith.constant 0 : i32
      %dma_wait3A_207 = tpu.memref_slice %arg5[%dma_wait3A_205, %dma_wait3A_206] : memref<1007616x64xf32, #tpu.memory_space<hbm>> -> memref<64x64xf32, #tpu.memory_space<hbm>>
      tpu.wait_dma2 semaphore(%arg18 : memref<!tpu.dma_semaphore, #tpu.memory_space<semaphore_mem>>) src(%dma_wait3A_207 : memref<64x64xf32, #tpu.memory_space<hbm>>) dst(%dma_wait3A_204 : memref<64x64xf32, #tpu.memory_space<vmem>>)
      %dma_wait3A_208 = arith.constant 0 : i32
      %dma_wait3A_209 = arith.constant 0 : i32
      %dma_wait3A_210 = tpu.memref_slice %arg6[%dma_wait3A_208, %dma_wait3A_209] : memref<1007616x64xf32, #tpu.memory_space<hbm>> -> memref<16x64xf32, #tpu.memory_space<hbm>>
      %dma_wait3A_211 = arith.constant 0 : i32
      %dma_wait3A_212 = arith.constant 0 : i32
      %dma_wait3A_213 = tpu.memref_slice %arg6[%dma_wait3A_211, %dma_wait3A_212] : memref<1007616x64xf32, #tpu.memory_space<hbm>> -> memref<16x64xf32, #tpu.memory_space<hbm>>
      tpu.wait_dma2 semaphore(%arg18 : memref<!tpu.dma_semaphore, #tpu.memory_space<semaphore_mem>>) src(%dma_wait3A_213 : memref<16x64xf32, #tpu.memory_space<hbm>>) dst(%arg13 : memref<16x64xf32, #tpu.memory_space<vmem>>)
      %dma_wait3A_214 = arith.constant 0 : i32
      %dma_wait3A_215 = arith.constant 0 : i32
      %dma_wait3A_216 = tpu.memref_slice %arg15[%dma_wait3A_214, %dma_wait3A_215] : memref<320x64xf32, #tpu.memory_space<vmem>> -> memref<128x64xf32, #tpu.memory_space<vmem>>
      %dma_wait3A_217 = arith.constant 0 : i32
      %dma_wait3A_218 = arith.constant 0 : i32
      %dma_wait3A_219 = tpu.memref_slice %arg6[%dma_wait3A_217, %dma_wait3A_218] : memref<1007616x64xf32, #tpu.memory_space<hbm>> -> memref<128x64xf32, #tpu.memory_space<hbm>>
      %dma_wait3A_220 = arith.constant 0 : i32
      %dma_wait3A_221 = arith.constant 0 : i32
      %dma_wait3A_222 = tpu.memref_slice %arg15[%dma_wait3A_220, %dma_wait3A_221] : memref<320x64xf32, #tpu.memory_space<vmem>> -> memref<128x64xf32, #tpu.memory_space<vmem>>
      %dma_wait3A_223 = arith.constant 0 : i32
      %dma_wait3A_224 = arith.constant 0 : i32
      %dma_wait3A_225 = tpu.memref_slice %arg6[%dma_wait3A_223, %dma_wait3A_224] : memref<1007616x64xf32, #tpu.memory_space<hbm>> -> memref<128x64xf32, #tpu.memory_space<hbm>>
      tpu.wait_dma2 semaphore(%arg18 : memref<!tpu.dma_semaphore, #tpu.memory_space<semaphore_mem>>) src(%dma_wait3A_225 : memref<128x64xf32, #tpu.memory_space<hbm>>) dst(%dma_wait3A_222 : memref<128x64xf32, #tpu.memory_space<vmem>>)
      %dma_wait3A_226 = arith.constant 128 : i32
      %dma_wait3A_227 = arith.constant 0 : i32
      %dma_wait3A_228 = tpu.memref_slice %arg15[%dma_wait3A_226, %dma_wait3A_227] : memref<320x64xf32, #tpu.memory_space<vmem>> -> memref<128x64xf32, #tpu.memory_space<vmem>>
      %dma_wait3A_229 = arith.constant 0 : i32
      %dma_wait3A_230 = arith.constant 0 : i32
      %dma_wait3A_231 = tpu.memref_slice %arg6[%dma_wait3A_229, %dma_wait3A_230] : memref<1007616x64xf32, #tpu.memory_space<hbm>> -> memref<128x64xf32, #tpu.memory_space<hbm>>
      %dma_wait3A_232 = arith.constant 128 : i32
      %dma_wait3A_233 = arith.constant 0 : i32
      %dma_wait3A_234 = tpu.memref_slice %arg15[%dma_wait3A_232, %dma_wait3A_233] : memref<320x64xf32, #tpu.memory_space<vmem>> -> memref<128x64xf32, #tpu.memory_space<vmem>>
      %dma_wait3A_235 = arith.constant 0 : i32
      %dma_wait3A_236 = arith.constant 0 : i32
      %dma_wait3A_237 = tpu.memref_slice %arg6[%dma_wait3A_235, %dma_wait3A_236] : memref<1007616x64xf32, #tpu.memory_space<hbm>> -> memref<128x64xf32, #tpu.memory_space<hbm>>
      tpu.wait_dma2 semaphore(%arg18 : memref<!tpu.dma_semaphore, #tpu.memory_space<semaphore_mem>>) src(%dma_wait3A_237 : memref<128x64xf32, #tpu.memory_space<hbm>>) dst(%dma_wait3A_234 : memref<128x64xf32, #tpu.memory_space<vmem>>)
      %dma_wait3A_238 = arith.constant 256 : i32
      %dma_wait3A_239 = arith.constant 0 : i32
      %dma_wait3A_240 = tpu.memref_slice %arg15[%dma_wait3A_238, %dma_wait3A_239] : memref<320x64xf32, #tpu.memory_space<vmem>> -> memref<64x64xf32, #tpu.memory_space<vmem>>
      %dma_wait3A_241 = arith.constant 0 : i32
      %dma_wait3A_242 = arith.constant 0 : i32
      %dma_wait3A_243 = tpu.memref_slice %arg6[%dma_wait3A_241, %dma_wait3A_242] : memref<1007616x64xf32, #tpu.memory_space<hbm>> -> memref<64x64xf32, #tpu.memory_space<hbm>>
      %dma_wait3A_244 = arith.constant 256 : i32
      %dma_wait3A_245 = arith.constant 0 : i32
      %dma_wait3A_246 = tpu.memref_slice %arg15[%dma_wait3A_244, %dma_wait3A_245] : memref<320x64xf32, #tpu.memory_space<vmem>> -> memref<64x64xf32, #tpu.memory_space<vmem>>
      %dma_wait3A_247 = arith.constant 0 : i32
      %dma_wait3A_248 = arith.constant 0 : i32
      %dma_wait3A_249 = tpu.memref_slice %arg6[%dma_wait3A_247, %dma_wait3A_248] : memref<1007616x64xf32, #tpu.memory_space<hbm>> -> memref<64x64xf32, #tpu.memory_space<hbm>>
      tpu.wait_dma2 semaphore(%arg18 : memref<!tpu.dma_semaphore, #tpu.memory_space<semaphore_mem>>) src(%dma_wait3A_249 : memref<64x64xf32, #tpu.memory_space<hbm>>) dst(%dma_wait3A_246 : memref<64x64xf32, #tpu.memory_space<vmem>>)
      %scan3A_250 = arith.constant 0 : i32
      %scan3A_251 = arith.constant 0 : i32
      %scan3A_252 = arith.constant 16 : i32
      %scan3A_253 = arith.addi %scan3A_251, %scan3A_252 : i32
      %scan3A_254 = arith.constant 1 : i32
      scf.for %scan3A_353 = %scan3A_251 to %scan3A_253 step %scan3A_254  : i32 {
        %mul3A_354 = arith.constant 20 : i32
        %mul3A_355 = arith.muli %scan3A_353, %mul3A_354 : i32
        %get3A = arith.index_cast %mul3A_355 : i32 to index
        %get3A_356 = arith.constant 0 : index
        %get3A_357 = tpu.vector_load %arg11[%get3A, %get3A_356] {strides = array<i32>} : memref<320x64xf32, #tpu.memory_space<vmem>>, vector<1x16xf32>,
        %get3A_358 = vector.shape_cast %get3A_357 : vector<1x16xf32> to vector<16xf32>
        %add3A_359 = arith.constant 1 : i32
        %add3A_360 = arith.addi %mul3A_355, %add3A_359 : i32
        %get3A_361 = arith.index_cast %add3A_360 : i32 to index
        %get3A_362 = arith.constant 0 : index
        %get3A_363 = tpu.vector_load %arg11[%get3A_361, %get3A_362] {strides = array<i32>} : memref<320x64xf32, #tpu.memory_space<vmem>>, vector<1x16xf32>,
        %get3A_364 = vector.shape_cast %get3A_363 : vector<1x16xf32> to vector<16xf32>
        %add3A_365 = arith.addf %get3A_358, %get3A_364 : vector<16xf32>
        %add3A_366 = arith.constant 2 : i32
        %add3A_367 = arith.addi %mul3A_355, %add3A_366 : i32
        %get3A_368 = arith.index_cast %add3A_367 : i32 to index
        %get3A_369 = arith.constant 0 : index
        %get3A_370 = tpu.vector_load %arg11[%get3A_368, %get3A_369] {strides = array<i32>} : memref<320x64xf32, #tpu.memory_space<vmem>>, vector<1x16xf32>,
        %get3A_371 = vector.shape_cast %get3A_370 : vector<1x16xf32> to vector<16xf32>
        %add3A_372 = arith.addf %add3A_365, %get3A_371 : vector<16xf32>
        %add3A_373 = arith.constant 3 : i32
        %add3A_374 = arith.addi %mul3A_355, %add3A_373 : i32
        %get3A_375 = arith.index_cast %add3A_374 : i32 to index
        %get3A_376 = arith.constant 0 : index
        %get3A_377 = tpu.vector_load %arg11[%get3A_375, %get3A_376] {strides = array<i32>} : memref<320x64xf32, #tpu.memory_space<vmem>>, vector<1x16xf32>,
        %get3A_378 = vector.shape_cast %get3A_377 : vector<1x16xf32> to vector<16xf32>
        %add3A_379 = arith.addf %add3A_372, %get3A_378 : vector<16xf32>
        %add3A_380 = arith.constant 4 : i32
        %add3A_381 = arith.addi %mul3A_355, %add3A_380 : i32
        %get3A_382 = arith.index_cast %add3A_381 : i32 to index
        %get3A_383 = arith.constant 0 : index
        %get3A_384 = tpu.vector_load %arg11[%get3A_382, %get3A_383] {strides = array<i32>} : memref<320x64xf32, #tpu.memory_space<vmem>>, vector<1x16xf32>,
        %get3A_385 = vector.shape_cast %get3A_384 : vector<1x16xf32> to vector<16xf32>
        %add3A_386 = arith.addf %add3A_379, %get3A_385 : vector<16xf32>
        %add3A_387 = arith.constant 5 : i32
        %add3A_388 = arith.addi %mul3A_355, %add3A_387 : i32
        %get3A_389 = arith.index_cast %add3A_388 : i32 to index
        %get3A_390 = arith.constant 0 : index
        %get3A_391 = tpu.vector_load %arg11[%get3A_389, %get3A_390] {strides = array<i32>} : memref<320x64xf32, #tpu.memory_space<vmem>>, vector<1x16xf32>,
        %get3A_392 = vector.shape_cast %get3A_391 : vector<1x16xf32> to vector<16xf32>
        %add3A_393 = arith.addf %add3A_386, %get3A_392 : vector<16xf32>
        %add3A_394 = arith.constant 6 : i32
        %add3A_395 = arith.addi %mul3A_355, %add3A_394 : i32
        %get3A_396 = arith.index_cast %add3A_395 : i32 to index
        %get3A_397 = arith.constant 0 : index
        %get3A_398 = tpu.vector_load %arg11[%get3A_396, %get3A_397] {strides = array<i32>} : memref<320x64xf32, #tpu.memory_space<vmem>>, vector<1x16xf32>,
        %get3A_399 = vector.shape_cast %get3A_398 : vector<1x16xf32> to vector<16xf32>
        %add3A_400 = arith.addf %add3A_393, %get3A_399 : vector<16xf32>
        %add3A_401 = arith.constant 7 : i32
        %add3A_402 = arith.addi %mul3A_355, %add3A_401 : i32
        %get3A_403 = arith.index_cast %add3A_402 : i32 to index
        %get3A_404 = arith.constant 0 : index
        %get3A_405 = tpu.vector_load %arg11[%get3A_403, %get3A_404] {strides = array<i32>} : memref<320x64xf32, #tpu.memory_space<vmem>>, vector<1x16xf32>,
        %get3A_406 = vector.shape_cast %get3A_405 : vector<1x16xf32> to vector<16xf32>
        %add3A_407 = arith.addf %add3A_400, %get3A_406 : vector<16xf32>
        %add3A_408 = arith.constant 8 : i32
        %add3A_409 = arith.addi %mul3A_355, %add3A_408 : i32
        %get3A_410 = arith.index_cast %add3A_409 : i32 to index
        %get3A_411 = arith.constant 0 : index
        %get3A_412 = tpu.vector_load %arg11[%get3A_410, %get3A_411] {strides = array<i32>} : memref<320x64xf32, #tpu.memory_space<vmem>>, vector<1x16xf32>,
        %get3A_413 = vector.shape_cast %get3A_412 : vector<1x16xf32> to vector<16xf32>
        %add3A_414 = arith.addf %add3A_407, %get3A_413 : vector<16xf32>
        %add3A_415 = arith.constant 9 : i32
        %add3A_416 = arith.addi %mul3A_355, %add3A_415 : i32
        %get3A_417 = arith.index_cast %add3A_416 : i32 to index
        %get3A_418 = arith.constant 0 : index
        %get3A_419 = tpu.vector_load %arg11[%get3A_417, %get3A_418] {strides = array<i32>} : memref<320x64xf32, #tpu.memory_space<vmem>>, vector<1x16xf32>,
        %get3A_420 = vector.shape_cast %get3A_419 : vector<1x16xf32> to vector<16xf32>
        %add3A_421 = arith.addf %add3A_414, %get3A_420 : vector<16xf32>
        %add3A_422 = arith.constant 10 : i32
        %add3A_423 = arith.addi %mul3A_355, %add3A_422 : i32
        %get3A_424 = arith.index_cast %add3A_423 : i32 to index
        %get3A_425 = arith.constant 0 : index
        %get3A_426 = tpu.vector_load %arg11[%get3A_424, %get3A_425] {strides = array<i32>} : memref<320x64xf32, #tpu.memory_space<vmem>>, vector<1x16xf32>,
        %get3A_427 = vector.shape_cast %get3A_426 : vector<1x16xf32> to vector<16xf32>
        %add3A_428 = arith.addf %add3A_421, %get3A_427 : vector<16xf32>
        %add3A_429 = arith.constant 11 : i32
        %add3A_430 = arith.addi %mul3A_355, %add3A_429 : i32
        %get3A_431 = arith.index_cast %add3A_430 : i32 to index
        %get3A_432 = arith.constant 0 : index
        %get3A_433 = tpu.vector_load %arg11[%get3A_431, %get3A_432] {strides = array<i32>} : memref<320x64xf32, #tpu.memory_space<vmem>>, vector<1x16xf32>,
        %get3A_434 = vector.shape_cast %get3A_433 : vector<1x16xf32> to vector<16xf32>
        %add3A_435 = arith.addf %add3A_428, %get3A_434 : vector<16xf32>
        %add3A_436 = arith.constant 12 : i32
        %add3A_437 = arith.addi %mul3A_355, %add3A_436 : i32
        %get3A_438 = arith.index_cast %add3A_437 : i32 to index
        %get3A_439 = arith.constant 0 : index
        %get3A_440 = tpu.vector_load %arg11[%get3A_438, %get3A_439] {strides = array<i32>} : memref<320x64xf32, #tpu.memory_space<vmem>>, vector<1x16xf32>,
        %get3A_441 = vector.shape_cast %get3A_440 : vector<1x16xf32> to vector<16xf32>
        %add3A_442 = arith.addf %add3A_435, %get3A_441 : vector<16xf32>
        %add3A_443 = arith.constant 13 : i32
        %add3A_444 = arith.addi %mul3A_355, %add3A_443 : i32
        %get3A_445 = arith.index_cast %add3A_444 : i32 to index
        %get3A_446 = arith.constant 0 : index
        %get3A_447 = tpu.vector_load %arg11[%get3A_445, %get3A_446] {strides = array<i32>} : memref<320x64xf32, #tpu.memory_space<vmem>>, vector<1x16xf32>,
        %get3A_448 = vector.shape_cast %get3A_447 : vector<1x16xf32> to vector<16xf32>
        %add3A_449 = arith.addf %add3A_442, %get3A_448 : vector<16xf32>
        %add3A_450 = arith.constant 14 : i32
        %add3A_451 = arith.addi %mul3A_355, %add3A_450 : i32
        %get3A_452 = arith.index_cast %add3A_451 : i32 to index
        %get3A_453 = arith.constant 0 : index
        %get3A_454 = tpu.vector_load %arg11[%get3A_452, %get3A_453] {strides = array<i32>} : memref<320x64xf32, #tpu.memory_space<vmem>>, vector<1x16xf32>,
        %get3A_455 = vector.shape_cast %get3A_454 : vector<1x16xf32> to vector<16xf32>
        %add3A_456 = arith.addf %add3A_449, %get3A_455 : vector<16xf32>
        %add3A_457 = arith.constant 15 : i32
        %add3A_458 = arith.addi %mul3A_355, %add3A_457 : i32
        %get3A_459 = arith.index_cast %add3A_458 : i32 to index
        %get3A_460 = arith.constant 0 : index
        %get3A_461 = tpu.vector_load %arg11[%get3A_459, %get3A_460] {strides = array<i32>} : memref<320x64xf32, #tpu.memory_space<vmem>>, vector<1x16xf32>,
        %get3A_462 = vector.shape_cast %get3A_461 : vector<1x16xf32> to vector<16xf32>
        %add3A_463 = arith.addf %add3A_456, %get3A_462 : vector<16xf32>
        %add3A_464 = arith.constant 16 : i32
        %add3A_465 = arith.addi %mul3A_355, %add3A_464 : i32
        %get3A_466 = arith.index_cast %add3A_465 : i32 to index
        %get3A_467 = arith.constant 0 : index
        %get3A_468 = tpu.vector_load %arg11[%get3A_466, %get3A_467] {strides = array<i32>} : memref<320x64xf32, #tpu.memory_space<vmem>>, vector<1x16xf32>,
        %get3A_469 = vector.shape_cast %get3A_468 : vector<1x16xf32> to vector<16xf32>
        %add3A_470 = arith.addf %add3A_463, %get3A_469 : vector<16xf32>
        %add3A_471 = arith.constant 17 : i32
        %add3A_472 = arith.addi %mul3A_355, %add3A_471 : i32
        %get3A_473 = arith.index_cast %add3A_472 : i32 to index
        %get3A_474 = arith.constant 0 : index
        %get3A_475 = tpu.vector_load %arg11[%get3A_473, %get3A_474] {strides = array<i32>} : memref<320x64xf32, #tpu.memory_space<vmem>>, vector<1x16xf32>,
        %get3A_476 = vector.shape_cast %get3A_475 : vector<1x16xf32> to vector<16xf32>
        %add3A_477 = arith.addf %add3A_470, %get3A_476 : vector<16xf32>
        %add3A_478 = arith.constant 18 : i32
        %add3A_479 = arith.addi %mul3A_355, %add3A_478 : i32
        %get3A_480 = arith.index_cast %add3A_479 : i32 to index
        %get3A_481 = arith.constant 0 : index
        %get3A_482 = tpu.vector_load %arg11[%get3A_480, %get3A_481] {strides = array<i32>} : memref<320x64xf32, #tpu.memory_space<vmem>>, vector<1x16xf32>,
        %get3A_483 = vector.shape_cast %get3A_482 : vector<1x16xf32> to vector<16xf32>
        %add3A_484 = arith.addf %add3A_477, %get3A_483 : vector<16xf32>
        %add3A_485 = arith.constant 19 : i32
        %add3A_486 = arith.addi %mul3A_355, %add3A_485 : i32
        %get3A_487 = arith.index_cast %add3A_486 : i32 to index
        %get3A_488 = arith.constant 0 : index
        %get3A_489 = tpu.vector_load %arg11[%get3A_487, %get3A_488] {strides = array<i32>} : memref<320x64xf32, #tpu.memory_space<vmem>>, vector<1x16xf32>,
        %get3A_490 = vector.shape_cast %get3A_489 : vector<1x16xf32> to vector<16xf32>
        %add3A_491 = arith.addf %add3A_484, %get3A_490 : vector<16xf32>
        %mul3A_492 = arith.constant 5.000000e-02 : f32
        %mul3A_493 = vector.broadcast %mul3A_492 : f32 to vector<16xf32>
        %mul3A_494 = arith.mulf %add3A_491, %mul3A_493 : vector<16xf32>
        %get3A_495 = arith.index_cast %mul3A_355 : i32 to index
        %get3A_496 = arith.constant 16 : index
        %get3A_497 = tpu.vector_load %arg11[%get3A_495, %get3A_496] {strides = array<i32>} : memref<320x64xf32, #tpu.memory_space<vmem>>, vector<1x16xf32>,
        %get3A_498 = vector.shape_cast %get3A_497 : vector<1x16xf32> to vector<16xf32>
        %add3A_499 = arith.constant 1 : i32
        %add3A_500 = arith.addi %mul3A_355, %add3A_499 : i32
        %get3A_501 = arith.index_cast %add3A_500 : i32 to index
        %get3A_502 = arith.constant 16 : index
        %get3A_503 = tpu.vector_load %arg11[%get3A_501, %get3A_502] {strides = array<i32>} : memref<320x64xf32, #tpu.memory_space<vmem>>, vector<1x16xf32>,
        %get3A_504 = vector.shape_cast %get3A_503 : vector<1x16xf32> to vector<16xf32>
        %add3A_505 = arith.addf %get3A_498, %get3A_504 : vector<16xf32>
        %add3A_506 = arith.constant 2 : i32
        %add3A_507 = arith.addi %mul3A_355, %add3A_506 : i32
        %get3A_508 = arith.index_cast %add3A_507 : i32 to index
        %get3A_509 = arith.constant 16 : index
        %get3A_510 = tpu.vector_load %arg11[%get3A_508, %get3A_509] {strides = array<i32>} : memref<320x64xf32, #tpu.memory_space<vmem>>, vector<1x16xf32>,
        %get3A_511 = vector.shape_cast %get3A_510 : vector<1x16xf32> to vector<16xf32>
        %add3A_512 = arith.addf %add3A_505, %get3A_511 : vector<16xf32>
        %add3A_513 = arith.constant 3 : i32
        %add3A_514 = arith.addi %mul3A_355, %add3A_513 : i32
        %get3A_515 = arith.index_cast %add3A_514 : i32 to index
        %get3A_516 = arith.constant 16 : index
        %get3A_517 = tpu.vector_load %arg11[%get3A_515, %get3A_516] {strides = array<i32>} : memref<320x64xf32, #tpu.memory_space<vmem>>, vector<1x16xf32>,
        %get3A_518 = vector.shape_cast %get3A_517 : vector<1x16xf32> to vector<16xf32>
        %add3A_519 = arith.addf %add3A_512, %get3A_518 : vector<16xf32>
        %add3A_520 = arith.constant 4 : i32
        %add3A_521 = arith.addi %mul3A_355, %add3A_520 : i32
        %get3A_522 = arith.index_cast %add3A_521 : i32 to index
        %get3A_523 = arith.constant 16 : index
        %get3A_524 = tpu.vector_load %arg11[%get3A_522, %get3A_523] {strides = array<i32>} : memref<320x64xf32, #tpu.memory_space<vmem>>, vector<1x16xf32>,
        %get3A_525 = vector.shape_cast %get3A_524 : vector<1x16xf32> to vector<16xf32>
        %add3A_526 = arith.addf %add3A_519, %get3A_525 : vector<16xf32>
        %add3A_527 = arith.constant 5 : i32
        %add3A_528 = arith.addi %mul3A_355, %add3A_527 : i32
        %get3A_529 = arith.index_cast %add3A_528 : i32 to index
        %get3A_530 = arith.constant 16 : index
        %get3A_531 = tpu.vector_load %arg11[%get3A_529, %get3A_530] {strides = array<i32>} : memref<320x64xf32, #tpu.memory_space<vmem>>, vector<1x16xf32>,
        %get3A_532 = vector.shape_cast %get3A_531 : vector<1x16xf32> to vector<16xf32>
        %add3A_533 = arith.addf %add3A_526, %get3A_532 : vector<16xf32>
        %add3A_534 = arith.constant 6 : i32
        %add3A_535 = arith.addi %mul3A_355, %add3A_534 : i32
        %get3A_536 = arith.index_cast %add3A_535 : i32 to index
        %get3A_537 = arith.constant 16 : index
        %get3A_538 = tpu.vector_load %arg11[%get3A_536, %get3A_537] {strides = array<i32>} : memref<320x64xf32, #tpu.memory_space<vmem>>, vector<1x16xf32>,
        %get3A_539 = vector.shape_cast %get3A_538 : vector<1x16xf32> to vector<16xf32>
        %add3A_540 = arith.addf %add3A_533, %get3A_539 : vector<16xf32>
        %add3A_541 = arith.constant 7 : i32
        %add3A_542 = arith.addi %mul3A_355, %add3A_541 : i32
        %get3A_543 = arith.index_cast %add3A_542 : i32 to index
        %get3A_544 = arith.constant 16 : index
        %get3A_545 = tpu.vector_load %arg11[%get3A_543, %get3A_544] {strides = array<i32>} : memref<320x64xf32, #tpu.memory_space<vmem>>, vector<1x16xf32>,
        %get3A_546 = vector.shape_cast %get3A_545 : vector<1x16xf32> to vector<16xf32>
        %add3A_547 = arith.addf %add3A_540, %get3A_546 : vector<16xf32>
        %add3A_548 = arith.constant 8 : i32
        %add3A_549 = arith.addi %mul3A_355, %add3A_548 : i32
        %get3A_550 = arith.index_cast %add3A_549 : i32 to index
        %get3A_551 = arith.constant 16 : index
        %get3A_552 = tpu.vector_load %arg11[%get3A_550, %get3A_551] {strides = array<i32>} : memref<320x64xf32, #tpu.memory_space<vmem>>, vector<1x16xf32>,
        %get3A_553 = vector.shape_cast %get3A_552 : vector<1x16xf32> to vector<16xf32>
        %add3A_554 = arith.addf %add3A_547, %get3A_553 : vector<16xf32>
        %add3A_555 = arith.constant 9 : i32
        %add3A_556 = arith.addi %mul3A_355, %add3A_555 : i32
        %get3A_557 = arith.index_cast %add3A_556 : i32 to index
        %get3A_558 = arith.constant 16 : index
        %get3A_559 = tpu.vector_load %arg11[%get3A_557, %get3A_558] {strides = array<i32>} : memref<320x64xf32, #tpu.memory_space<vmem>>, vector<1x16xf32>,
        %get3A_560 = vector.shape_cast %get3A_559 : vector<1x16xf32> to vector<16xf32>
        %add3A_561 = arith.addf %add3A_554, %get3A_560 : vector<16xf32>
        %add3A_562 = arith.constant 10 : i32
        %add3A_563 = arith.addi %mul3A_355, %add3A_562 : i32
        %get3A_564 = arith.index_cast %add3A_563 : i32 to index
        %get3A_565 = arith.constant 16 : index
        %get3A_566 = tpu.vector_load %arg11[%get3A_564, %get3A_565] {strides = array<i32>} : memref<320x64xf32, #tpu.memory_space<vmem>>, vector<1x16xf32>,
        %get3A_567 = vector.shape_cast %get3A_566 : vector<1x16xf32> to vector<16xf32>
        %add3A_568 = arith.addf %add3A_561, %get3A_567 : vector<16xf32>
        %add3A_569 = arith.constant 11 : i32
        %add3A_570 = arith.addi %mul3A_355, %add3A_569 : i32
        %get3A_571 = arith.index_cast %add3A_570 : i32 to index
        %get3A_572 = arith.constant 16 : index
        %get3A_573 = tpu.vector_load %arg11[%get3A_571, %get3A_572] {strides = array<i32>} : memref<320x64xf32, #tpu.memory_space<vmem>>, vector<1x16xf32>,
        %get3A_574 = vector.shape_cast %get3A_573 : vector<1x16xf32> to vector<16xf32>
        %add3A_575 = arith.addf %add3A_568, %get3A_574 : vector<16xf32>
        %add3A_576 = arith.constant 12 : i32
        %add3A_577 = arith.addi %mul3A_355, %add3A_576 : i32
        %get3A_578 = arith.index_cast %add3A_577 : i32 to index
        %get3A_579 = arith.constant 16 : index
        %get3A_580 = tpu.vector_load %arg11[%get3A_578, %get3A_579] {strides = array<i32>} : memref<320x64xf32, #tpu.memory_space<vmem>>, vector<1x16xf32>,
        %get3A_581 = vector.shape_cast %get3A_580 : vector<1x16xf32> to vector<16xf32>
        %add3A_582 = arith.addf %add3A_575, %get3A_581 : vector<16xf32>
        %add3A_583 = arith.constant 13 : i32
        %add3A_584 = arith.addi %mul3A_355, %add3A_583 : i32
        %get3A_585 = arith.index_cast %add3A_584 : i32 to index
        %get3A_586 = arith.constant 16 : index
        %get3A_587 = tpu.vector_load %arg11[%get3A_585, %get3A_586] {strides = array<i32>} : memref<320x64xf32, #tpu.memory_space<vmem>>, vector<1x16xf32>,
        %get3A_588 = vector.shape_cast %get3A_587 : vector<1x16xf32> to vector<16xf32>
        %add3A_589 = arith.addf %add3A_582, %get3A_588 : vector<16xf32>
        %add3A_590 = arith.constant 14 : i32
        %add3A_591 = arith.addi %mul3A_355, %add3A_590 : i32
        %get3A_592 = arith.index_cast %add3A_591 : i32 to index
        %get3A_593 = arith.constant 16 : index
        %get3A_594 = tpu.vector_load %arg11[%get3A_592, %get3A_593] {strides = array<i32>} : memref<320x64xf32, #tpu.memory_space<vmem>>, vector<1x16xf32>,
        %get3A_595 = vector.shape_cast %get3A_594 : vector<1x16xf32> to vector<16xf32>
        %add3A_596 = arith.addf %add3A_589, %get3A_595 : vector<16xf32>
        %add3A_597 = arith.constant 15 : i32
        %add3A_598 = arith.addi %mul3A_355, %add3A_597 : i32
        %get3A_599 = arith.index_cast %add3A_598 : i32 to index
        %get3A_600 = arith.constant 16 : index
        %get3A_601 = tpu.vector_load %arg11[%get3A_599, %get3A_600] {strides = array<i32>} : memref<320x64xf32, #tpu.memory_space<vmem>>, vector<1x16xf32>,
        %get3A_602 = vector.shape_cast %get3A_601 : vector<1x16xf32> to vector<16xf32>
        %add3A_603 = arith.addf %add3A_596, %get3A_602 : vector<16xf32>
        %add3A_604 = arith.constant 16 : i32
        %add3A_605 = arith.addi %mul3A_355, %add3A_604 : i32
        %get3A_606 = arith.index_cast %add3A_605 : i32 to index
        %get3A_607 = arith.constant 16 : index
        %get3A_608 = tpu.vector_load %arg11[%get3A_606, %get3A_607] {strides = array<i32>} : memref<320x64xf32, #tpu.memory_space<vmem>>, vector<1x16xf32>,
        %get3A_609 = vector.shape_cast %get3A_608 : vector<1x16xf32> to vector<16xf32>
        %add3A_610 = arith.addf %add3A_603, %get3A_609 : vector<16xf32>
        %add3A_611 = arith.constant 17 : i32
        %add3A_612 = arith.addi %mul3A_355, %add3A_611 : i32
        %get3A_613 = arith.index_cast %add3A_612 : i32 to index
        %get3A_614 = arith.constant 16 : index
        %get3A_615 = tpu.vector_load %arg11[%get3A_613, %get3A_614] {strides = array<i32>} : memref<320x64xf32, #tpu.memory_space<vmem>>, vector<1x16xf32>,
        %get3A_616 = vector.shape_cast %get3A_615 : vector<1x16xf32> to vector<16xf32>
        %add3A_617 = arith.addf %add3A_610, %get3A_616 : vector<16xf32>
        %add3A_618 = arith.constant 18 : i32
        %add3A_619 = arith.addi %mul3A_355, %add3A_618 : i32
        %get3A_620 = arith.index_cast %add3A_619 : i32 to index
        %get3A_621 = arith.constant 16 : index
        %get3A_622 = tpu.vector_load %arg11[%get3A_620, %get3A_621] {strides = array<i32>} : memref<320x64xf32, #tpu.memory_space<vmem>>, vector<1x16xf32>,
        %get3A_623 = vector.shape_cast %get3A_622 : vector<1x16xf32> to vector<16xf32>
        %add3A_624 = arith.addf %add3A_617, %get3A_623 : vector<16xf32>
        %add3A_625 = arith.constant 19 : i32
        %add3A_626 = arith.addi %mul3A_355, %add3A_625 : i32
        %get3A_627 = arith.index_cast %add3A_626 : i32 to index
        %get3A_628 = arith.constant 16 : index
        %get3A_629 = tpu.vector_load %arg11[%get3A_627, %get3A_628] {strides = array<i32>} : memref<320x64xf32, #tpu.memory_space<vmem>>, vector<1x16xf32>,
        %get3A_630 = vector.shape_cast %get3A_629 : vector<1x16xf32> to vector<16xf32>
        %add3A_631 = arith.addf %add3A_624, %get3A_630 : vector<16xf32>
        %mul3A_632 = arith.constant 5.000000e-02 : f32
        %mul3A_633 = vector.broadcast %mul3A_632 : f32 to vector<16xf32>
        %mul3A_634 = arith.mulf %add3A_631, %mul3A_633 : vector<16xf32>
        %get3A_635 = arith.index_cast %mul3A_355 : i32 to index
        %get3A_636 = arith.constant 32 : index
        %get3A_637 = tpu.vector_load %arg11[%get3A_635, %get3A_636] {strides = array<i32>} : memref<320x64xf32, #tpu.memory_space<vmem>>, vector<1x16xf32>,
        %get3A_638 = vector.shape_cast %get3A_637 : vector<1x16xf32> to vector<16xf32>
        %add3A_639 = arith.constant 1 : i32
        %add3A_640 = arith.addi %mul3A_355, %add3A_639 : i32
        %get3A_641 = arith.index_cast %add3A_640 : i32 to index
        %get3A_642 = arith.constant 32 : index
        %get3A_643 = tpu.vector_load %arg11[%get3A_641, %get3A_642] {strides = array<i32>} : memref<320x64xf32, #tpu.memory_space<vmem>>, vector<1x16xf32>,
        %get3A_644 = vector.shape_cast %get3A_643 : vector<1x16xf32> to vector<16xf32>
        %add3A_645 = arith.addf %get3A_638, %get3A_644 : vector<16xf32>
        %add3A_646 = arith.constant 2 : i32
        %add3A_647 = arith.addi %mul3A_355, %add3A_646 : i32
        %get3A_648 = arith.index_cast %add3A_647 : i32 to index
        %get3A_649 = arith.constant 32 : index
        %get3A_650 = tpu.vector_load %arg11[%get3A_648, %get3A_649] {strides = array<i32>} : memref<320x64xf32, #tpu.memory_space<vmem>>, vector<1x16xf32>,
        %get3A_651 = vector.shape_cast %get3A_650 : vector<1x16xf32> to vector<16xf32>
        %add3A_652 = arith.addf %add3A_645, %get3A_651 : vector<16xf32>
        %add3A_653 = arith.constant 3 : i32
        %add3A_654 = arith.addi %mul3A_355, %add3A_653 : i32
        %get3A_655 = arith.index_cast %add3A_654 : i32 to index
        %get3A_656 = arith.constant 32 : index
        %get3A_657 = tpu.vector_load %arg11[%get3A_655, %get3A_656] {strides = array<i32>} : memref<320x64xf32, #tpu.memory_space<vmem>>, vector<1x16xf32>,
        %get3A_658 = vector.shape_cast %get3A_657 : vector<1x16xf32> to vector<16xf32>
        %add3A_659 = arith.addf %add3A_652, %get3A_658 : vector<16xf32>
        %add3A_660 = arith.constant 4 : i32
        %add3A_661 = arith.addi %mul3A_355, %add3A_660 : i32
        %get3A_662 = arith.index_cast %add3A_661 : i32 to index
        %get3A_663 = arith.constant 32 : index
        %get3A_664 = tpu.vector_load %arg11[%get3A_662, %get3A_663] {strides = array<i32>} : memref<320x64xf32, #tpu.memory_space<vmem>>, vector<1x16xf32>,
        %get3A_665 = vector.shape_cast %get3A_664 : vector<1x16xf32> to vector<16xf32>
        %add3A_666 = arith.addf %add3A_659, %get3A_665 : vector<16xf32>
        %add3A_667 = arith.constant 5 : i32
        %add3A_668 = arith.addi %mul3A_355, %add3A_667 : i32
        %get3A_669 = arith.index_cast %add3A_668 : i32 to index
        %get3A_670 = arith.constant 32 : index
        %get3A_671 = tpu.vector_load %arg11[%get3A_669, %get3A_670] {strides = array<i32>} : memref<320x64xf32, #tpu.memory_space<vmem>>, vector<1x16xf32>,
        %get3A_672 = vector.shape_cast %get3A_671 : vector<1x16xf32> to vector<16xf32>
        %add3A_673 = arith.addf %add3A_666, %get3A_672 : vector<16xf32>
        %add3A_674 = arith.constant 6 : i32
        %add3A_675 = arith.addi %mul3A_355, %add3A_674 : i32
        %get3A_676 = arith.index_cast %add3A_675 : i32 to index
        %get3A_677 = arith.constant 32 : index
        %get3A_678 = tpu.vector_load %arg11[%get3A_676, %get3A_677] {strides = array<i32>} : memref<320x64xf32, #tpu.memory_space<vmem>>, vector<1x16xf32>,
        %get3A_679 = vector.shape_cast %get3A_678 : vector<1x16xf32> to vector<16xf32>
        %add3A_680 = arith.addf %add3A_673, %get3A_679 : vector<16xf32>
        %add3A_681 = arith.constant 7 : i32
        %add3A_682 = arith.addi %mul3A_355, %add3A_681 : i32
        %get3A_683 = arith.index_cast %add3A_682 : i32 to index
        %get3A_684 = arith.constant 32 : index
        %get3A_685 = tpu.vector_load %arg11[%get3A_683, %get3A_684] {strides = array<i32>} : memref<320x64xf32, #tpu.memory_space<vmem>>, vector<1x16xf32>,
        %get3A_686 = vector.shape_cast %get3A_685 : vector<1x16xf32> to vector<16xf32>
        %add3A_687 = arith.addf %add3A_680, %get3A_686 : vector<16xf32>
        %add3A_688 = arith.constant 8 : i32
        %add3A_689 = arith.addi %mul3A_355, %add3A_688 : i32
        %get3A_690 = arith.index_cast %add3A_689 : i32 to index
        %get3A_691 = arith.constant 32 : index
        %get3A_692 = tpu.vector_load %arg11[%get3A_690, %get3A_691] {strides = array<i32>} : memref<320x64xf32, #tpu.memory_space<vmem>>, vector<1x16xf32>,
        %get3A_693 = vector.shape_cast %get3A_692 : vector<1x16xf32> to vector<16xf32>
        %add3A_694 = arith.addf %add3A_687, %get3A_693 : vector<16xf32>
        %add3A_695 = arith.constant 9 : i32
        %add3A_696 = arith.addi %mul3A_355, %add3A_695 : i32
        %get3A_697 = arith.index_cast %add3A_696 : i32 to index
        %get3A_698 = arith.constant 32 : index
        %get3A_699 = tpu.vector_load %arg11[%get3A_697, %get3A_698] {strides = array<i32>} : memref<320x64xf32, #tpu.memory_space<vmem>>, vector<1x16xf32>,
        %get3A_700 = vector.shape_cast %get3A_699 : vector<1x16xf32> to vector<16xf32>
        %add3A_701 = arith.addf %add3A_694, %get3A_700 : vector<16xf32>
        %add3A_702 = arith.constant 10 : i32
        %add3A_703 = arith.addi %mul3A_355, %add3A_702 : i32
        %get3A_704 = arith.index_cast %add3A_703 : i32 to index
        %get3A_705 = arith.constant 32 : index
        %get3A_706 = tpu.vector_load %arg11[%get3A_704, %get3A_705] {strides = array<i32>} : memref<320x64xf32, #tpu.memory_space<vmem>>, vector<1x16xf32>,
        %get3A_707 = vector.shape_cast %get3A_706 : vector<1x16xf32> to vector<16xf32>
        %add3A_708 = arith.addf %add3A_701, %get3A_707 : vector<16xf32>
        %add3A_709 = arith.constant 11 : i32
        %add3A_710 = arith.addi %mul3A_355, %add3A_709 : i32
        %get3A_711 = arith.index_cast %add3A_710 : i32 to index
        %get3A_712 = arith.constant 32 : index
        %get3A_713 = tpu.vector_load %arg11[%get3A_711, %get3A_712] {strides = array<i32>} : memref<320x64xf32, #tpu.memory_space<vmem>>, vector<1x16xf32>,
        %get3A_714 = vector.shape_cast %get3A_713 : vector<1x16xf32> to vector<16xf32>
        %add3A_715 = arith.addf %add3A_708, %get3A_714 : vector<16xf32>
        %add3A_716 = arith.constant 12 : i32
        %add3A_717 = arith.addi %mul3A_355, %add3A_716 : i32
        %get3A_718 = arith.index_cast %add3A_717 : i32 to index
        %get3A_719 = arith.constant 32 : index
        %get3A_720 = tpu.vector_load %arg11[%get3A_718, %get3A_719] {strides = array<i32>} : memref<320x64xf32, #tpu.memory_space<vmem>>, vector<1x16xf32>,
        %get3A_721 = vector.shape_cast %get3A_720 : vector<1x16xf32> to vector<16xf32>
        %add3A_722 = arith.addf %add3A_715, %get3A_721 : vector<16xf32>
        %add3A_723 = arith.constant 13 : i32
        %add3A_724 = arith.addi %mul3A_355, %add3A_723 : i32
        %get3A_725 = arith.index_cast %add3A_724 : i32 to index
        %get3A_726 = arith.constant 32 : index
        %get3A_727 = tpu.vector_load %arg11[%get3A_725, %get3A_726] {strides = array<i32>} : memref<320x64xf32, #tpu.memory_space<vmem>>, vector<1x16xf32>,
        %get3A_728 = vector.shape_cast %get3A_727 : vector<1x16xf32> to vector<16xf32>
        %add3A_729 = arith.addf %add3A_722, %get3A_728 : vector<16xf32>
        %add3A_730 = arith.constant 14 : i32
        %add3A_731 = arith.addi %mul3A_355, %add3A_730 : i32
        %get3A_732 = arith.index_cast %add3A_731 : i32 to index
        %get3A_733 = arith.constant 32 : index
        %get3A_734 = tpu.vector_load %arg11[%get3A_732, %get3A_733] {strides = array<i32>} : memref<320x64xf32, #tpu.memory_space<vmem>>, vector<1x16xf32>,
        %get3A_735 = vector.shape_cast %get3A_734 : vector<1x16xf32> to vector<16xf32>
        %add3A_736 = arith.addf %add3A_729, %get3A_735 : vector<16xf32>
        %add3A_737 = arith.constant 15 : i32
        %add3A_738 = arith.addi %mul3A_355, %add3A_737 : i32
        %get3A_739 = arith.index_cast %add3A_738 : i32 to index
        %get3A_740 = arith.constant 32 : index
        %get3A_741 = tpu.vector_load %arg11[%get3A_739, %get3A_740] {strides = array<i32>} : memref<320x64xf32, #tpu.memory_space<vmem>>, vector<1x16xf32>,
        %get3A_742 = vector.shape_cast %get3A_741 : vector<1x16xf32> to vector<16xf32>
        %add3A_743 = arith.addf %add3A_736, %get3A_742 : vector<16xf32>
        %add3A_744 = arith.constant 16 : i32
        %add3A_745 = arith.addi %mul3A_355, %add3A_744 : i32
        %get3A_746 = arith.index_cast %add3A_745 : i32 to index
        %get3A_747 = arith.constant 32 : index
        %get3A_748 = tpu.vector_load %arg11[%get3A_746, %get3A_747] {strides = array<i32>} : memref<320x64xf32, #tpu.memory_space<vmem>>, vector<1x16xf32>,
        %get3A_749 = vector.shape_cast %get3A_748 : vector<1x16xf32> to vector<16xf32>
        %add3A_750 = arith.addf %add3A_743, %get3A_749 : vector<16xf32>
        %add3A_751 = arith.constant 17 : i32
        %add3A_752 = arith.addi %mul3A_355, %add3A_751 : i32
        %get3A_753 = arith.index_cast %add3A_752 : i32 to index
        %get3A_754 = arith.constant 32 : index
        %get3A_755 = tpu.vector_load %arg11[%get3A_753, %get3A_754] {strides = array<i32>} : memref<320x64xf32, #tpu.memory_space<vmem>>, vector<1x16xf32>,
        %get3A_756 = vector.shape_cast %get3A_755 : vector<1x16xf32> to vector<16xf32>
        %add3A_757 = arith.addf %add3A_750, %get3A_756 : vector<16xf32>
        %add3A_758 = arith.constant 18 : i32
        %add3A_759 = arith.addi %mul3A_355, %add3A_758 : i32
        %get3A_760 = arith.index_cast %add3A_759 : i32 to index
        %get3A_761 = arith.constant 32 : index
        %get3A_762 = tpu.vector_load %arg11[%get3A_760, %get3A_761] {strides = array<i32>} : memref<320x64xf32, #tpu.memory_space<vmem>>, vector<1x16xf32>,
        %get3A_763 = vector.shape_cast %get3A_762 : vector<1x16xf32> to vector<16xf32>
        %add3A_764 = arith.addf %add3A_757, %get3A_763 : vector<16xf32>
        %add3A_765 = arith.constant 19 : i32
        %add3A_766 = arith.addi %mul3A_355, %add3A_765 : i32
        %get3A_767 = arith.index_cast %add3A_766 : i32 to index
        %get3A_768 = arith.constant 32 : index
        %get3A_769 = tpu.vector_load %arg11[%get3A_767, %get3A_768] {strides = array<i32>} : memref<320x64xf32, #tpu.memory_space<vmem>>, vector<1x16xf32>,
        %get3A_770 = vector.shape_cast %get3A_769 : vector<1x16xf32> to vector<16xf32>
        %add3A_771 = arith.addf %add3A_764, %get3A_770 : vector<16xf32>
        %mul3A_772 = arith.constant 5.000000e-02 : f32
        %mul3A_773 = vector.broadcast %mul3A_772 : f32 to vector<16xf32>
        %mul3A_774 = arith.mulf %add3A_771, %mul3A_773 : vector<16xf32>
        %get3A_775 = arith.index_cast %mul3A_355 : i32 to index
        %get3A_776 = arith.constant 48 : index
        %get3A_777 = tpu.vector_load %arg11[%get3A_775, %get3A_776] {strides = array<i32>} : memref<320x64xf32, #tpu.memory_space<vmem>>, vector<1x16xf32>,
        %get3A_778 = vector.shape_cast %get3A_777 : vector<1x16xf32> to vector<16xf32>
        %add3A_779 = arith.constant 1 : i32
        %add3A_780 = arith.addi %mul3A_355, %add3A_779 : i32
        %get3A_781 = arith.index_cast %add3A_780 : i32 to index
        %get3A_782 = arith.constant 48 : index
        %get3A_783 = tpu.vector_load %arg11[%get3A_781, %get3A_782] {strides = array<i32>} : memref<320x64xf32, #tpu.memory_space<vmem>>, vector<1x16xf32>,
        %get3A_784 = vector.shape_cast %get3A_783 : vector<1x16xf32> to vector<16xf32>
        %add3A_785 = arith.addf %get3A_778, %get3A_784 : vector<16xf32>
        %add3A_786 = arith.constant 2 : i32
        %add3A_787 = arith.addi %mul3A_355, %add3A_786 : i32
        %get3A_788 = arith.index_cast %add3A_787 : i32 to index
        %get3A_789 = arith.constant 48 : index
        %get3A_790 = tpu.vector_load %arg11[%get3A_788, %get3A_789] {strides = array<i32>} : memref<320x64xf32, #tpu.memory_space<vmem>>, vector<1x16xf32>,
        %get3A_791 = vector.shape_cast %get3A_790 : vector<1x16xf32> to vector<16xf32>
        %add3A_792 = arith.addf %add3A_785, %get3A_791 : vector<16xf32>
        %add3A_793 = arith.constant 3 : i32
        %add3A_794 = arith.addi %mul3A_355, %add3A_793 : i32
        %get3A_795 = arith.index_cast %add3A_794 : i32 to index
        %get3A_796 = arith.constant 48 : index
        %get3A_797 = tpu.vector_load %arg11[%get3A_795, %get3A_796] {strides = array<i32>} : memref<320x64xf32, #tpu.memory_space<vmem>>, vector<1x16xf32>,
        %get3A_798 = vector.shape_cast %get3A_797 : vector<1x16xf32> to vector<16xf32>
        %add3A_799 = arith.addf %add3A_792, %get3A_798 : vector<16xf32>
        %add3A_800 = arith.constant 4 : i32
        %add3A_801 = arith.addi %mul3A_355, %add3A_800 : i32
        %get3A_802 = arith.index_cast %add3A_801 : i32 to index
        %get3A_803 = arith.constant 48 : index
        %get3A_804 = tpu.vector_load %arg11[%get3A_802, %get3A_803] {strides = array<i32>} : memref<320x64xf32, #tpu.memory_space<vmem>>, vector<1x16xf32>,
        %get3A_805 = vector.shape_cast %get3A_804 : vector<1x16xf32> to vector<16xf32>
        %add3A_806 = arith.addf %add3A_799, %get3A_805 : vector<16xf32>
        %add3A_807 = arith.constant 5 : i32
        %add3A_808 = arith.addi %mul3A_355, %add3A_807 : i32
        %get3A_809 = arith.index_cast %add3A_808 : i32 to index
        %get3A_810 = arith.constant 48 : index
        %get3A_811 = tpu.vector_load %arg11[%get3A_809, %get3A_810] {strides = array<i32>} : memref<320x64xf32, #tpu.memory_space<vmem>>, vector<1x16xf32>,
        %get3A_812 = vector.shape_cast %get3A_811 : vector<1x16xf32> to vector<16xf32>
        %add3A_813 = arith.addf %add3A_806, %get3A_812 : vector<16xf32>
        %add3A_814 = arith.constant 6 : i32
        %add3A_815 = arith.addi %mul3A_355, %add3A_814 : i32
        %get3A_816 = arith.index_cast %add3A_815 : i32 to index
        %get3A_817 = arith.constant 48 : index
        %get3A_818 = tpu.vector_load %arg11[%get3A_816, %get3A_817] {strides = array<i32>} : memref<320x64xf32, #tpu.memory_space<vmem>>, vector<1x16xf32>,
        %get3A_819 = vector.shape_cast %get3A_818 : vector<1x16xf32> to vector<16xf32>
        %add3A_820 = arith.addf %add3A_813, %get3A_819 : vector<16xf32>
        %add3A_821 = arith.constant 7 : i32
        %add3A_822 = arith.addi %mul3A_355, %add3A_821 : i32
        %get3A_823 = arith.index_cast %add3A_822 : i32 to index
        %get3A_824 = arith.constant 48 : index
        %get3A_825 = tpu.vector_load %arg11[%get3A_823, %get3A_824] {strides = array<i32>} : memref<320x64xf32, #tpu.memory_space<vmem>>, vector<1x16xf32>,
        %get3A_826 = vector.shape_cast %get3A_825 : vector<1x16xf32> to vector<16xf32>
        %add3A_827 = arith.addf %add3A_820, %get3A_826 : vector<16xf32>
        %add3A_828 = arith.constant 8 : i32
        %add3A_829 = arith.addi %mul3A_355, %add3A_828 : i32
        %get3A_830 = arith.index_cast %add3A_829 : i32 to index
        %get3A_831 = arith.constant 48 : index
        %get3A_832 = tpu.vector_load %arg11[%get3A_830, %get3A_831] {strides = array<i32>} : memref<320x64xf32, #tpu.memory_space<vmem>>, vector<1x16xf32>,
        %get3A_833 = vector.shape_cast %get3A_832 : vector<1x16xf32> to vector<16xf32>
        %add3A_834 = arith.addf %add3A_827, %get3A_833 : vector<16xf32>
        %add3A_835 = arith.constant 9 : i32
        %add3A_836 = arith.addi %mul3A_355, %add3A_835 : i32
        %get3A_837 = arith.index_cast %add3A_836 : i32 to index
        %get3A_838 = arith.constant 48 : index
        %get3A_839 = tpu.vector_load %arg11[%get3A_837, %get3A_838] {strides = array<i32>} : memref<320x64xf32, #tpu.memory_space<vmem>>, vector<1x16xf32>,
        %get3A_840 = vector.shape_cast %get3A_839 : vector<1x16xf32> to vector<16xf32>
        %add3A_841 = arith.addf %add3A_834, %get3A_840 : vector<16xf32>
        %add3A_842 = arith.constant 10 : i32
        %add3A_843 = arith.addi %mul3A_355, %add3A_842 : i32
        %get3A_844 = arith.index_cast %add3A_843 : i32 to index
        %get3A_845 = arith.constant 48 : index
        %get3A_846 = tpu.vector_load %arg11[%get3A_844, %get3A_845] {strides = array<i32>} : memref<320x64xf32, #tpu.memory_space<vmem>>, vector<1x16xf32>,
        %get3A_847 = vector.shape_cast %get3A_846 : vector<1x16xf32> to vector<16xf32>
        %add3A_848 = arith.addf %add3A_841, %get3A_847 : vector<16xf32>
        %add3A_849 = arith.constant 11 : i32
        %add3A_850 = arith.addi %mul3A_355, %add3A_849 : i32
        %get3A_851 = arith.index_cast %add3A_850 : i32 to index
        %get3A_852 = arith.constant 48 : index
        %get3A_853 = tpu.vector_load %arg11[%get3A_851, %get3A_852] {strides = array<i32>} : memref<320x64xf32, #tpu.memory_space<vmem>>, vector<1x16xf32>,
        %get3A_854 = vector.shape_cast %get3A_853 : vector<1x16xf32> to vector<16xf32>
        %add3A_855 = arith.addf %add3A_848, %get3A_854 : vector<16xf32>
        %add3A_856 = arith.constant 12 : i32
        %add3A_857 = arith.addi %mul3A_355, %add3A_856 : i32
        %get3A_858 = arith.index_cast %add3A_857 : i32 to index
        %get3A_859 = arith.constant 48 : index
        %get3A_860 = tpu.vector_load %arg11[%get3A_858, %get3A_859] {strides = array<i32>} : memref<320x64xf32, #tpu.memory_space<vmem>>, vector<1x16xf32>,
        %get3A_861 = vector.shape_cast %get3A_860 : vector<1x16xf32> to vector<16xf32>
        %add3A_862 = arith.addf %add3A_855, %get3A_861 : vector<16xf32>
        %add3A_863 = arith.constant 13 : i32
        %add3A_864 = arith.addi %mul3A_355, %add3A_863 : i32
        %get3A_865 = arith.index_cast %add3A_864 : i32 to index
        %get3A_866 = arith.constant 48 : index
        %get3A_867 = tpu.vector_load %arg11[%get3A_865, %get3A_866] {strides = array<i32>} : memref<320x64xf32, #tpu.memory_space<vmem>>, vector<1x16xf32>,
        %get3A_868 = vector.shape_cast %get3A_867 : vector<1x16xf32> to vector<16xf32>
        %add3A_869 = arith.addf %add3A_862, %get3A_868 : vector<16xf32>
        %add3A_870 = arith.constant 14 : i32
        %add3A_871 = arith.addi %mul3A_355, %add3A_870 : i32
        %get3A_872 = arith.index_cast %add3A_871 : i32 to index
        %get3A_873 = arith.constant 48 : index
        %get3A_874 = tpu.vector_load %arg11[%get3A_872, %get3A_873] {strides = array<i32>} : memref<320x64xf32, #tpu.memory_space<vmem>>, vector<1x16xf32>,
        %get3A_875 = vector.shape_cast %get3A_874 : vector<1x16xf32> to vector<16xf32>
        %add3A_876 = arith.addf %add3A_869, %get3A_875 : vector<16xf32>
        %add3A_877 = arith.constant 15 : i32
        %add3A_878 = arith.addi %mul3A_355, %add3A_877 : i32
        %get3A_879 = arith.index_cast %add3A_878 : i32 to index
        %get3A_880 = arith.constant 48 : index
        %get3A_881 = tpu.vector_load %arg11[%get3A_879, %get3A_880] {strides = array<i32>} : memref<320x64xf32, #tpu.memory_space<vmem>>, vector<1x16xf32>,
        %get3A_882 = vector.shape_cast %get3A_881 : vector<1x16xf32> to vector<16xf32>
        %add3A_883 = arith.addf %add3A_876, %get3A_882 : vector<16xf32>
        %add3A_884 = arith.constant 16 : i32
        %add3A_885 = arith.addi %mul3A_355, %add3A_884 : i32
        %get3A_886 = arith.index_cast %add3A_885 : i32 to index
        %get3A_887 = arith.constant 48 : index
        %get3A_888 = tpu.vector_load %arg11[%get3A_886, %get3A_887] {strides = array<i32>} : memref<320x64xf32, #tpu.memory_space<vmem>>, vector<1x16xf32>,
        %get3A_889 = vector.shape_cast %get3A_888 : vector<1x16xf32> to vector<16xf32>
        %add3A_890 = arith.addf %add3A_883, %get3A_889 : vector<16xf32>
        %add3A_891 = arith.constant 17 : i32
        %add3A_892 = arith.addi %mul3A_355, %add3A_891 : i32
        %get3A_893 = arith.index_cast %add3A_892 : i32 to index
        %get3A_894 = arith.constant 48 : index
        %get3A_895 = tpu.vector_load %arg11[%get3A_893, %get3A_894] {strides = array<i32>} : memref<320x64xf32, #tpu.memory_space<vmem>>, vector<1x16xf32>,
        %get3A_896 = vector.shape_cast %get3A_895 : vector<1x16xf32> to vector<16xf32>
        %add3A_897 = arith.addf %add3A_890, %get3A_896 : vector<16xf32>
        %add3A_898 = arith.constant 18 : i32
        %add3A_899 = arith.addi %mul3A_355, %add3A_898 : i32
        %get3A_900 = arith.index_cast %add3A_899 : i32 to index
        %get3A_901 = arith.constant 48 : index
        %get3A_902 = tpu.vector_load %arg11[%get3A_900, %get3A_901] {strides = array<i32>} : memref<320x64xf32, #tpu.memory_space<vmem>>, vector<1x16xf32>,
        %get3A_903 = vector.shape_cast %get3A_902 : vector<1x16xf32> to vector<16xf32>
        %add3A_904 = arith.addf %add3A_897, %get3A_903 : vector<16xf32>
        %add3A_905 = arith.constant 19 : i32
        %add3A_906 = arith.addi %mul3A_355, %add3A_905 : i32
        %get3A_907 = arith.index_cast %add3A_906 : i32 to index
        %get3A_908 = arith.constant 48 : index
        %get3A_909 = tpu.vector_load %arg11[%get3A_907, %get3A_908] {strides = array<i32>} : memref<320x64xf32, #tpu.memory_space<vmem>>, vector<1x16xf32>,
        %get3A_910 = vector.shape_cast %get3A_909 : vector<1x16xf32> to vector<16xf32>
        %add3A_911 = arith.addf %add3A_904, %get3A_910 : vector<16xf32>
        %mul3A_912 = arith.constant 5.000000e-02 : f32
        %mul3A_913 = vector.broadcast %mul3A_912 : f32 to vector<16xf32>
        %mul3A_914 = arith.mulf %add3A_911, %mul3A_913 : vector<16xf32>
        %get3A_915 = arith.index_cast %scan3A_353 : i32 to index
        %get3A_916 = arith.constant 0 : index
        %get3A_917 = tpu.vector_load %arg13[%get3A_915, %get3A_916] {strides = array<i32>} : memref<16x64xf32, #tpu.memory_space<vmem>>, vector<1x16xf32>,
        %get3A_918 = vector.shape_cast %get3A_917 : vector<1x16xf32> to vector<16xf32>
        %mul3A_919 = arith.mulf %mul3A_494, %get3A_918 : vector<16xf32>
        %get3A_920 = arith.index_cast %scan3A_353 : i32 to index
        %get3A_921 = arith.constant 16 : index
        %get3A_922 = tpu.vector_load %arg13[%get3A_920, %get3A_921] {strides = array<i32>} : memref<16x64xf32, #tpu.memory_space<vmem>>, vector<1x16xf32>,
        %get3A_923 = vector.shape_cast %get3A_922 : vector<1x16xf32> to vector<16xf32>
        %mul3A_924 = arith.mulf %mul3A_634, %get3A_923 : vector<16xf32>
        %add3A_925 = arith.addf %mul3A_919, %mul3A_924 : vector<16xf32>
        %get3A_926 = arith.index_cast %scan3A_353 : i32 to index
        %get3A_927 = arith.constant 32 : index
        %get3A_928 = tpu.vector_load %arg13[%get3A_926, %get3A_927] {strides = array<i32>} : memref<16x64xf32, #tpu.memory_space<vmem>>, vector<1x16xf32>,
        %get3A_929 = vector.shape_cast %get3A_928 : vector<1x16xf32> to vector<16xf32>
        %mul3A_930 = arith.mulf %mul3A_774, %get3A_929 : vector<16xf32>
        %add3A_931 = arith.addf %add3A_925, %mul3A_930 : vector<16xf32>
        %get3A_932 = arith.index_cast %scan3A_353 : i32 to index
        %get3A_933 = arith.constant 48 : index
        %get3A_934 = tpu.vector_load %arg13[%get3A_932, %get3A_933] {strides = array<i32>} : memref<16x64xf32, #tpu.memory_space<vmem>>, vector<1x16xf32>,
        %get3A_935 = vector.shape_cast %get3A_934 : vector<1x16xf32> to vector<16xf32>
        %mul3A_936 = arith.mulf %mul3A_914, %get3A_935 : vector<16xf32>
        %add3A_937 = arith.addf %add3A_931, %mul3A_936 : vector<16xf32>
        %add3A_938 = arith.constant 0 : i32
        %add3A_939 = arith.addi %mul3A_355, %add3A_938 : i32
        %get3A_940 = arith.index_cast %add3A_939 : i32 to index
        %get3A_941 = arith.constant 0 : index
        %get3A_942 = tpu.vector_load %arg15[%get3A_940, %get3A_941] {strides = array<i32>} : memref<320x64xf32, #tpu.memory_space<vmem>>, vector<1x16xf32>,
        %get3A_943 = vector.shape_cast %get3A_942 : vector<1x16xf32> to vector<16xf32>
        %mul3A_944 = arith.mulf %mul3A_494, %get3A_943 : vector<16xf32>
        %get3A_945 = arith.index_cast %add3A_939 : i32 to index
        %get3A_946 = arith.constant 16 : index
        %get3A_947 = tpu.vector_load %arg15[%get3A_945, %get3A_946] {strides = array<i32>} : memref<320x64xf32, #tpu.memory_space<vmem>>, vector<1x16xf32>,
        %get3A_948 = vector.shape_cast %get3A_947 : vector<1x16xf32> to vector<16xf32>
        %mul3A_949 = arith.mulf %mul3A_634, %get3A_948 : vector<16xf32>
        %add3A_950 = arith.addf %mul3A_944, %mul3A_949 : vector<16xf32>
        %get3A_951 = arith.index_cast %add3A_939 : i32 to index
        %get3A_952 = arith.constant 32 : index
        %get3A_953 = tpu.vector_load %arg15[%get3A_951, %get3A_952] {strides = array<i32>} : memref<320x64xf32, #tpu.memory_space<vmem>>, vector<1x16xf32>,
        %get3A_954 = vector.shape_cast %get3A_953 : vector<1x16xf32> to vector<16xf32>
        %mul3A_955 = arith.mulf %mul3A_774, %get3A_954 : vector<16xf32>
        %add3A_956 = arith.addf %add3A_950, %mul3A_955 : vector<16xf32>
        %get3A_957 = arith.index_cast %add3A_939 : i32 to index
        %get3A_958 = arith.constant 48 : index
        %get3A_959 = tpu.vector_load %arg15[%get3A_957, %get3A_958] {strides = array<i32>} : memref<320x64xf32, #tpu.memory_space<vmem>>, vector<1x16xf32>,
        %get3A_960 = vector.shape_cast %get3A_959 : vector<1x16xf32> to vector<16xf32>
        %mul3A_961 = arith.mulf %mul3A_914, %get3A_960 : vector<16xf32>
        %add3A_962 = arith.addf %add3A_956, %mul3A_961 : vector<16xf32>
        %neg3A = arith.constant 0.000000e+00 : f32
        %neg3A_963 = vector.broadcast %neg3A : f32 to vector<16xf32>
        %neg3A_964 = arith.subf %neg3A_963, %add3A_962 : vector<16xf32>
        %add3A_965 = arith.constant 1 : i32
        %add3A_966 = arith.addi %mul3A_355, %add3A_965 : i32
        %get3A_967 = arith.index_cast %add3A_966 : i32 to index
        %get3A_968 = arith.constant 0 : index
        %get3A_969 = tpu.vector_load %arg15[%get3A_967, %get3A_968] {strides = array<i32>} : memref<320x64xf32, #tpu.memory_space<vmem>>, vector<1x16xf32>,
        %get3A_970 = vector.shape_cast %get3A_969 : vector<1x16xf32> to vector<16xf32>
        %mul3A_971 = arith.mulf %mul3A_494, %get3A_970 : vector<16xf32>
        %get3A_972 = arith.index_cast %add3A_966 : i32 to index
        %get3A_973 = arith.constant 16 : index
        %get3A_974 = tpu.vector_load %arg15[%get3A_972, %get3A_973] {strides = array<i32>} : memref<320x64xf32, #tpu.memory_space<vmem>>, vector<1x16xf32>,
        %get3A_975 = vector.shape_cast %get3A_974 : vector<1x16xf32> to vector<16xf32>
        %mul3A_976 = arith.mulf %mul3A_634, %get3A_975 : vector<16xf32>
        %add3A_977 = arith.addf %mul3A_971, %mul3A_976 : vector<16xf32>
        %get3A_978 = arith.index_cast %add3A_966 : i32 to index
        %get3A_979 = arith.constant 32 : index
        %get3A_980 = tpu.vector_load %arg15[%get3A_978, %get3A_979] {strides = array<i32>} : memref<320x64xf32, #tpu.memory_space<vmem>>, vector<1x16xf32>,
        %get3A_981 = vector.shape_cast %get3A_980 : vector<1x16xf32> to vector<16xf32>
        %mul3A_982 = arith.mulf %mul3A_774, %get3A_981 : vector<16xf32>
        %add3A_983 = arith.addf %add3A_977, %mul3A_982 : vector<16xf32>
        %get3A_984 = arith.index_cast %add3A_966 : i32 to index
        %get3A_985 = arith.constant 48 : index
        %get3A_986 = tpu.vector_load %arg15[%get3A_984, %get3A_985] {strides = array<i32>} : memref<320x64xf32, #tpu.memory_space<vmem>>, vector<1x16xf32>,
        %get3A_987 = vector.shape_cast %get3A_986 : vector<1x16xf32> to vector<16xf32>
        %mul3A_988 = arith.mulf %mul3A_914, %get3A_987 : vector<16xf32>
        %add3A_989 = arith.addf %add3A_983, %mul3A_988 : vector<16xf32>
        %neg3A_990 = arith.constant 0.000000e+00 : f32
        %neg3A_991 = vector.broadcast %neg3A_990 : f32 to vector<16xf32>
        %neg3A_992 = arith.subf %neg3A_991, %add3A_989 : vector<16xf32>
        %add3A_993 = arith.constant 2 : i32
        %add3A_994 = arith.addi %mul3A_355, %add3A_993 : i32
        %get3A_995 = arith.index_cast %add3A_994 : i32 to index
        %get3A_996 = arith.constant 0 : index
        %get3A_997 = tpu.vector_load %arg15[%get3A_995, %get3A_996] {strides = array<i32>} : memref<320x64xf32, #tpu.memory_space<vmem>>, vector<1x16xf32>,
        %get3A_998 = vector.shape_cast %get3A_997 : vector<1x16xf32> to vector<16xf32>
        %mul3A_999 = arith.mulf %mul3A_494, %get3A_998 : vector<16xf32>
        %get3A_1000 = arith.index_cast %add3A_994 : i32 to index
        %get3A_1001 = arith.constant 16 : index
        %get3A_1002 = tpu.vector_load %arg15[%get3A_1000, %get3A_1001] {strides = array<i32>} : memref<320x64xf32, #tpu.memory_space<vmem>>, vector<1x16xf32>,
        %get3A_1003 = vector.shape_cast %get3A_1002 : vector<1x16xf32> to vector<16xf32>
        %mul3A_1004 = arith.mulf %mul3A_634, %get3A_1003 : vector<16xf32>
        %add3A_1005 = arith.addf %mul3A_999, %mul3A_1004 : vector<16xf32>
        %get3A_1006 = arith.index_cast %add3A_994 : i32 to index
        %get3A_1007 = arith.constant 32 : index
        %get3A_1008 = tpu.vector_load %arg15[%get3A_1006, %get3A_1007] {strides = array<i32>} : memref<320x64xf32, #tpu.memory_space<vmem>>, vector<1x16xf32>,
        %get3A_1009 = vector.shape_cast %get3A_1008 : vector<1x16xf32> to vector<16xf32>
        %mul3A_1010 = arith.mulf %mul3A_774, %get3A_1009 : vector<16xf32>
        %add3A_1011 = arith.addf %add3A_1005, %mul3A_1010 : vector<16xf32>
        %get3A_1012 = arith.index_cast %add3A_994 : i32 to index
        %get3A_1013 = arith.constant 48 : index
        %get3A_1014 = tpu.vector_load %arg15[%get3A_1012, %get3A_1013] {strides = array<i32>} : memref<320x64xf32, #tpu.memory_space<vmem>>, vector<1x16xf32>,
        %get3A_1015 = vector.shape_cast %get3A_1014 : vector<1x16xf32> to vector<16xf32>
        %mul3A_1016 = arith.mulf %mul3A_914, %get3A_1015 : vector<16xf32>
        %add3A_1017 = arith.addf %add3A_1011, %mul3A_1016 : vector<16xf32>
        %neg3A_1018 = arith.constant 0.000000e+00 : f32
        %neg3A_1019 = vector.broadcast %neg3A_1018 : f32 to vector<16xf32>
        %neg3A_1020 = arith.subf %neg3A_1019, %add3A_1017 : vector<16xf32>
        %add3A_1021 = arith.constant 3 : i32
        %add3A_1022 = arith.addi %mul3A_355, %add3A_1021 : i32
        %get3A_1023 = arith.index_cast %add3A_1022 : i32 to index
        %get3A_1024 = arith.constant 0 : index
        %get3A_1025 = tpu.vector_load %arg15[%get3A_1023, %get3A_1024] {strides = array<i32>} : memref<320x64xf32, #tpu.memory_space<vmem>>, vector<1x16xf32>,
        %get3A_1026 = vector.shape_cast %get3A_1025 : vector<1x16xf32> to vector<16xf32>
        %mul3A_1027 = arith.mulf %mul3A_494, %get3A_1026 : vector<16xf32>
        %get3A_1028 = arith.index_cast %add3A_1022 : i32 to index
        %get3A_1029 = arith.constant 16 : index
        %get3A_1030 = tpu.vector_load %arg15[%get3A_1028, %get3A_1029] {strides = array<i32>} : memref<320x64xf32, #tpu.memory_space<vmem>>, vector<1x16xf32>,
        %get3A_1031 = vector.shape_cast %get3A_1030 : vector<1x16xf32> to vector<16xf32>
        %mul3A_1032 = arith.mulf %mul3A_634, %get3A_1031 : vector<16xf32>
        %add3A_1033 = arith.addf %mul3A_1027, %mul3A_1032 : vector<16xf32>
        %get3A_1034 = arith.index_cast %add3A_1022 : i32 to index
        %get3A_1035 = arith.constant 32 : index
        %get3A_1036 = tpu.vector_load %arg15[%get3A_1034, %get3A_1035] {strides = array<i32>} : memref<320x64xf32, #tpu.memory_space<vmem>>, vector<1x16xf32>,
        %get3A_1037 = vector.shape_cast %get3A_1036 : vector<1x16xf32> to vector<16xf32>
        %mul3A_1038 = arith.mulf %mul3A_774, %get3A_1037 : vector<16xf32>
        %add3A_1039 = arith.addf %add3A_1033, %mul3A_1038 : vector<16xf32>
        %get3A_1040 = arith.index_cast %add3A_1022 : i32 to index
        %get3A_1041 = arith.constant 48 : index
        %get3A_1042 = tpu.vector_load %arg15[%get3A_1040, %get3A_1041] {strides = array<i32>} : memref<320x64xf32, #tpu.memory_space<vmem>>, vector<1x16xf32>,
        %get3A_1043 = vector.shape_cast %get3A_1042 : vector<1x16xf32> to vector<16xf32>
        %mul3A_1044 = arith.mulf %mul3A_914, %get3A_1043 : vector<16xf32>
        %add3A_1045 = arith.addf %add3A_1039, %mul3A_1044 : vector<16xf32>
        %neg3A_1046 = arith.constant 0.000000e+00 : f32
        %neg3A_1047 = vector.broadcast %neg3A_1046 : f32 to vector<16xf32>
        %neg3A_1048 = arith.subf %neg3A_1047, %add3A_1045 : vector<16xf32>
        %add3A_1049 = arith.constant 4 : i32
        %add3A_1050 = arith.addi %mul3A_355, %add3A_1049 : i32
        %get3A_1051 = arith.index_cast %add3A_1050 : i32 to index
        %get3A_1052 = arith.constant 0 : index
        %get3A_1053 = tpu.vector_load %arg15[%get3A_1051, %get3A_1052] {strides = array<i32>} : memref<320x64xf32, #tpu.memory_space<vmem>>, vector<1x16xf32>,
        %get3A_1054 = vector.shape_cast %get3A_1053 : vector<1x16xf32> to vector<16xf32>
        %mul3A_1055 = arith.mulf %mul3A_494, %get3A_1054 : vector<16xf32>
        %get3A_1056 = arith.index_cast %add3A_1050 : i32 to index
        %get3A_1057 = arith.constant 16 : index
        %get3A_1058 = tpu.vector_load %arg15[%get3A_1056, %get3A_1057] {strides = array<i32>} : memref<320x64xf32, #tpu.memory_space<vmem>>, vector<1x16xf32>,
        %get3A_1059 = vector.shape_cast %get3A_1058 : vector<1x16xf32> to vector<16xf32>
        %mul3A_1060 = arith.mulf %mul3A_634, %get3A_1059 : vector<16xf32>
        %add3A_1061 = arith.addf %mul3A_1055, %mul3A_1060 : vector<16xf32>
        %get3A_1062 = arith.index_cast %add3A_1050 : i32 to index
        %get3A_1063 = arith.constant 32 : index
        %get3A_1064 = tpu.vector_load %arg15[%get3A_1062, %get3A_1063] {strides = array<i32>} : memref<320x64xf32, #tpu.memory_space<vmem>>, vector<1x16xf32>,
        %get3A_1065 = vector.shape_cast %get3A_1064 : vector<1x16xf32> to vector<16xf32>
        %mul3A_1066 = arith.mulf %mul3A_774, %get3A_1065 : vector<16xf32>
        %add3A_1067 = arith.addf %add3A_1061, %mul3A_1066 : vector<16xf32>
        %get3A_1068 = arith.index_cast %add3A_1050 : i32 to index
        %get3A_1069 = arith.constant 48 : index
        %get3A_1070 = tpu.vector_load %arg15[%get3A_1068, %get3A_1069] {strides = array<i32>} : memref<320x64xf32, #tpu.memory_space<vmem>>, vector<1x16xf32>,
        %get3A_1071 = vector.shape_cast %get3A_1070 : vector<1x16xf32> to vector<16xf32>
        %mul3A_1072 = arith.mulf %mul3A_914, %get3A_1071 : vector<16xf32>
        %add3A_1073 = arith.addf %add3A_1067, %mul3A_1072 : vector<16xf32>
        %neg3A_1074 = arith.constant 0.000000e+00 : f32
        %neg3A_1075 = vector.broadcast %neg3A_1074 : f32 to vector<16xf32>
        %neg3A_1076 = arith.subf %neg3A_1075, %add3A_1073 : vector<16xf32>
        %add3A_1077 = arith.constant 5 : i32
        %add3A_1078 = arith.addi %mul3A_355, %add3A_1077 : i32
        %get3A_1079 = arith.index_cast %add3A_1078 : i32 to index
        %get3A_1080 = arith.constant 0 : index
        %get3A_1081 = tpu.vector_load %arg15[%get3A_1079, %get3A_1080] {strides = array<i32>} : memref<320x64xf32, #tpu.memory_space<vmem>>, vector<1x16xf32>,
        %get3A_1082 = vector.shape_cast %get3A_1081 : vector<1x16xf32> to vector<16xf32>
        %mul3A_1083 = arith.mulf %mul3A_494, %get3A_1082 : vector<16xf32>
        %get3A_1084 = arith.index_cast %add3A_1078 : i32 to index
        %get3A_1085 = arith.constant 16 : index
        %get3A_1086 = tpu.vector_load %arg15[%get3A_1084, %get3A_1085] {strides = array<i32>} : memref<320x64xf32, #tpu.memory_space<vmem>>, vector<1x16xf32>,
        %get3A_1087 = vector.shape_cast %get3A_1086 : vector<1x16xf32> to vector<16xf32>
        %mul3A_1088 = arith.mulf %mul3A_634, %get3A_1087 : vector<16xf32>
        %add3A_1089 = arith.addf %mul3A_1083, %mul3A_1088 : vector<16xf32>
        %get3A_1090 = arith.index_cast %add3A_1078 : i32 to index
        %get3A_1091 = arith.constant 32 : index
        %get3A_1092 = tpu.vector_load %arg15[%get3A_1090, %get3A_1091] {strides = array<i32>} : memref<320x64xf32, #tpu.memory_space<vmem>>, vector<1x16xf32>,
        %get3A_1093 = vector.shape_cast %get3A_1092 : vector<1x16xf32> to vector<16xf32>
        %mul3A_1094 = arith.mulf %mul3A_774, %get3A_1093 : vector<16xf32>
        %add3A_1095 = arith.addf %add3A_1089, %mul3A_1094 : vector<16xf32>
        %get3A_1096 = arith.index_cast %add3A_1078 : i32 to index
        %get3A_1097 = arith.constant 48 : index
        %get3A_1098 = tpu.vector_load %arg15[%get3A_1096, %get3A_1097] {strides = array<i32>} : memref<320x64xf32, #tpu.memory_space<vmem>>, vector<1x16xf32>,
        %get3A_1099 = vector.shape_cast %get3A_1098 : vector<1x16xf32> to vector<16xf32>
        %mul3A_1100 = arith.mulf %mul3A_914, %get3A_1099 : vector<16xf32>
        %add3A_1101 = arith.addf %add3A_1095, %mul3A_1100 : vector<16xf32>
        %neg3A_1102 = arith.constant 0.000000e+00 : f32
        %neg3A_1103 = vector.broadcast %neg3A_1102 : f32 to vector<16xf32>
        %neg3A_1104 = arith.subf %neg3A_1103, %add3A_1101 : vector<16xf32>
        %add3A_1105 = arith.constant 6 : i32
        %add3A_1106 = arith.addi %mul3A_355, %add3A_1105 : i32
        %get3A_1107 = arith.index_cast %add3A_1106 : i32 to index
        %get3A_1108 = arith.constant 0 : index
        %get3A_1109 = tpu.vector_load %arg15[%get3A_1107, %get3A_1108] {strides = array<i32>} : memref<320x64xf32, #tpu.memory_space<vmem>>, vector<1x16xf32>,
        %get3A_1110 = vector.shape_cast %get3A_1109 : vector<1x16xf32> to vector<16xf32>
        %mul3A_1111 = arith.mulf %mul3A_494, %get3A_1110 : vector<16xf32>
        %get3A_1112 = arith.index_cast %add3A_1106 : i32 to index
        %get3A_1113 = arith.constant 16 : index
        %get3A_1114 = tpu.vector_load %arg15[%get3A_1112, %get3A_1113] {strides = array<i32>} : memref<320x64xf32, #tpu.memory_space<vmem>>, vector<1x16xf32>,
        %get3A_1115 = vector.shape_cast %get3A_1114 : vector<1x16xf32> to vector<16xf32>
        %mul3A_1116 = arith.mulf %mul3A_634, %get3A_1115 : vector<16xf32>
        %add3A_1117 = arith.addf %mul3A_1111, %mul3A_1116 : vector<16xf32>
        %get3A_1118 = arith.index_cast %add3A_1106 : i32 to index
        %get3A_1119 = arith.constant 32 : index
        %get3A_1120 = tpu.vector_load %arg15[%get3A_1118, %get3A_1119] {strides = array<i32>} : memref<320x64xf32, #tpu.memory_space<vmem>>, vector<1x16xf32>,
        %get3A_1121 = vector.shape_cast %get3A_1120 : vector<1x16xf32> to vector<16xf32>
        %mul3A_1122 = arith.mulf %mul3A_774, %get3A_1121 : vector<16xf32>
        %add3A_1123 = arith.addf %add3A_1117, %mul3A_1122 : vector<16xf32>
        %get3A_1124 = arith.index_cast %add3A_1106 : i32 to index
        %get3A_1125 = arith.constant 48 : index
        %get3A_1126 = tpu.vector_load %arg15[%get3A_1124, %get3A_1125] {strides = array<i32>} : memref<320x64xf32, #tpu.memory_space<vmem>>, vector<1x16xf32>,
        %get3A_1127 = vector.shape_cast %get3A_1126 : vector<1x16xf32> to vector<16xf32>
        %mul3A_1128 = arith.mulf %mul3A_914, %get3A_1127 : vector<16xf32>
        %add3A_1129 = arith.addf %add3A_1123, %mul3A_1128 : vector<16xf32>
        %neg3A_1130 = arith.constant 0.000000e+00 : f32
        %neg3A_1131 = vector.broadcast %neg3A_1130 : f32 to vector<16xf32>
        %neg3A_1132 = arith.subf %neg3A_1131, %add3A_1129 : vector<16xf32>
        %add3A_1133 = arith.constant 7 : i32
        %add3A_1134 = arith.addi %mul3A_355, %add3A_1133 : i32
        %get3A_1135 = arith.index_cast %add3A_1134 : i32 to index
        %get3A_1136 = arith.constant 0 : index
        %get3A_1137 = tpu.vector_load %arg15[%get3A_1135, %get3A_1136] {strides = array<i32>} : memref<320x64xf32, #tpu.memory_space<vmem>>, vector<1x16xf32>,
        %get3A_1138 = vector.shape_cast %get3A_1137 : vector<1x16xf32> to vector<16xf32>
        %mul3A_1139 = arith.mulf %mul3A_494, %get3A_1138 : vector<16xf32>
        %get3A_1140 = arith.index_cast %add3A_1134 : i32 to index
        %get3A_1141 = arith.constant 16 : index
        %get3A_1142 = tpu.vector_load %arg15[%get3A_1140, %get3A_1141] {strides = array<i32>} : memref<320x64xf32, #tpu.memory_space<vmem>>, vector<1x16xf32>,
        %get3A_1143 = vector.shape_cast %get3A_1142 : vector<1x16xf32> to vector<16xf32>
        %mul3A_1144 = arith.mulf %mul3A_634, %get3A_1143 : vector<16xf32>
        %add3A_1145 = arith.addf %mul3A_1139, %mul3A_1144 : vector<16xf32>
        %get3A_1146 = arith.index_cast %add3A_1134 : i32 to index
        %get3A_1147 = arith.constant 32 : index
        %get3A_1148 = tpu.vector_load %arg15[%get3A_1146, %get3A_1147] {strides = array<i32>} : memref<320x64xf32, #tpu.memory_space<vmem>>, vector<1x16xf32>,
        %get3A_1149 = vector.shape_cast %get3A_1148 : vector<1x16xf32> to vector<16xf32>
        %mul3A_1150 = arith.mulf %mul3A_774, %get3A_1149 : vector<16xf32>
        %add3A_1151 = arith.addf %add3A_1145, %mul3A_1150 : vector<16xf32>
        %get3A_1152 = arith.index_cast %add3A_1134 : i32 to index
        %get3A_1153 = arith.constant 48 : index
        %get3A_1154 = tpu.vector_load %arg15[%get3A_1152, %get3A_1153] {strides = array<i32>} : memref<320x64xf32, #tpu.memory_space<vmem>>, vector<1x16xf32>,
        %get3A_1155 = vector.shape_cast %get3A_1154 : vector<1x16xf32> to vector<16xf32>
        %mul3A_1156 = arith.mulf %mul3A_914, %get3A_1155 : vector<16xf32>
        %add3A_1157 = arith.addf %add3A_1151, %mul3A_1156 : vector<16xf32>
        %neg3A_1158 = arith.constant 0.000000e+00 : f32
        %neg3A_1159 = vector.broadcast %neg3A_1158 : f32 to vector<16xf32>
        %neg3A_1160 = arith.subf %neg3A_1159, %add3A_1157 : vector<16xf32>
        %add3A_1161 = arith.constant 8 : i32
        %add3A_1162 = arith.addi %mul3A_355, %add3A_1161 : i32
        %get3A_1163 = arith.index_cast %add3A_1162 : i32 to index
        %get3A_1164 = arith.constant 0 : index
        %get3A_1165 = tpu.vector_load %arg15[%get3A_1163, %get3A_1164] {strides = array<i32>} : memref<320x64xf32, #tpu.memory_space<vmem>>, vector<1x16xf32>,
        %get3A_1166 = vector.shape_cast %get3A_1165 : vector<1x16xf32> to vector<16xf32>
        %mul3A_1167 = arith.mulf %mul3A_494, %get3A_1166 : vector<16xf32>
        %get3A_1168 = arith.index_cast %add3A_1162 : i32 to index
        %get3A_1169 = arith.constant 16 : index
        %get3A_1170 = tpu.vector_load %arg15[%get3A_1168, %get3A_1169] {strides = array<i32>} : memref<320x64xf32, #tpu.memory_space<vmem>>, vector<1x16xf32>,
        %get3A_1171 = vector.shape_cast %get3A_1170 : vector<1x16xf32> to vector<16xf32>
        %mul3A_1172 = arith.mulf %mul3A_634, %get3A_1171 : vector<16xf32>
        %add3A_1173 = arith.addf %mul3A_1167, %mul3A_1172 : vector<16xf32>
        %get3A_1174 = arith.index_cast %add3A_1162 : i32 to index
        %get3A_1175 = arith.constant 32 : index
        %get3A_1176 = tpu.vector_load %arg15[%get3A_1174, %get3A_1175] {strides = array<i32>} : memref<320x64xf32, #tpu.memory_space<vmem>>, vector<1x16xf32>,
        %get3A_1177 = vector.shape_cast %get3A_1176 : vector<1x16xf32> to vector<16xf32>
        %mul3A_1178 = arith.mulf %mul3A_774, %get3A_1177 : vector<16xf32>
        %add3A_1179 = arith.addf %add3A_1173, %mul3A_1178 : vector<16xf32>
        %get3A_1180 = arith.index_cast %add3A_1162 : i32 to index
        %get3A_1181 = arith.constant 48 : index
        %get3A_1182 = tpu.vector_load %arg15[%get3A_1180, %get3A_1181] {strides = array<i32>} : memref<320x64xf32, #tpu.memory_space<vmem>>, vector<1x16xf32>,
        %get3A_1183 = vector.shape_cast %get3A_1182 : vector<1x16xf32> to vector<16xf32>
        %mul3A_1184 = arith.mulf %mul3A_914, %get3A_1183 : vector<16xf32>
        %add3A_1185 = arith.addf %add3A_1179, %mul3A_1184 : vector<16xf32>
        %neg3A_1186 = arith.constant 0.000000e+00 : f32
        %neg3A_1187 = vector.broadcast %neg3A_1186 : f32 to vector<16xf32>
        %neg3A_1188 = arith.subf %neg3A_1187, %add3A_1185 : vector<16xf32>
        %add3A_1189 = arith.constant 9 : i32
        %add3A_1190 = arith.addi %mul3A_355, %add3A_1189 : i32
        %get3A_1191 = arith.index_cast %add3A_1190 : i32 to index
        %get3A_1192 = arith.constant 0 : index
        %get3A_1193 = tpu.vector_load %arg15[%get3A_1191, %get3A_1192] {strides = array<i32>} : memref<320x64xf32, #tpu.memory_space<vmem>>, vector<1x16xf32>,
        %get3A_1194 = vector.shape_cast %get3A_1193 : vector<1x16xf32> to vector<16xf32>
        %mul3A_1195 = arith.mulf %mul3A_494, %get3A_1194 : vector<16xf32>
        %get3A_1196 = arith.index_cast %add3A_1190 : i32 to index
        %get3A_1197 = arith.constant 16 : index
        %get3A_1198 = tpu.vector_load %arg15[%get3A_1196, %get3A_1197] {strides = array<i32>} : memref<320x64xf32, #tpu.memory_space<vmem>>, vector<1x16xf32>,
        %get3A_1199 = vector.shape_cast %get3A_1198 : vector<1x16xf32> to vector<16xf32>
        %mul3A_1200 = arith.mulf %mul3A_634, %get3A_1199 : vector<16xf32>
        %add3A_1201 = arith.addf %mul3A_1195, %mul3A_1200 : vector<16xf32>
        %get3A_1202 = arith.index_cast %add3A_1190 : i32 to index
        %get3A_1203 = arith.constant 32 : index
        %get3A_1204 = tpu.vector_load %arg15[%get3A_1202, %get3A_1203] {strides = array<i32>} : memref<320x64xf32, #tpu.memory_space<vmem>>, vector<1x16xf32>,
        %get3A_1205 = vector.shape_cast %get3A_1204 : vector<1x16xf32> to vector<16xf32>
        %mul3A_1206 = arith.mulf %mul3A_774, %get3A_1205 : vector<16xf32>
        %add3A_1207 = arith.addf %add3A_1201, %mul3A_1206 : vector<16xf32>
        %get3A_1208 = arith.index_cast %add3A_1190 : i32 to index
        %get3A_1209 = arith.constant 48 : index
        %get3A_1210 = tpu.vector_load %arg15[%get3A_1208, %get3A_1209] {strides = array<i32>} : memref<320x64xf32, #tpu.memory_space<vmem>>, vector<1x16xf32>,
        %get3A_1211 = vector.shape_cast %get3A_1210 : vector<1x16xf32> to vector<16xf32>
        %mul3A_1212 = arith.mulf %mul3A_914, %get3A_1211 : vector<16xf32>
        %add3A_1213 = arith.addf %add3A_1207, %mul3A_1212 : vector<16xf32>
        %neg3A_1214 = arith.constant 0.000000e+00 : f32
        %neg3A_1215 = vector.broadcast %neg3A_1214 : f32 to vector<16xf32>
        %neg3A_1216 = arith.subf %neg3A_1215, %add3A_1213 : vector<16xf32>
        %add3A_1217 = arith.constant 10 : i32
        %add3A_1218 = arith.addi %mul3A_355, %add3A_1217 : i32
        %get3A_1219 = arith.index_cast %add3A_1218 : i32 to index
        %get3A_1220 = arith.constant 0 : index
        %get3A_1221 = tpu.vector_load %arg15[%get3A_1219, %get3A_1220] {strides = array<i32>} : memref<320x64xf32, #tpu.memory_space<vmem>>, vector<1x16xf32>,
        %get3A_1222 = vector.shape_cast %get3A_1221 : vector<1x16xf32> to vector<16xf32>
        %mul3A_1223 = arith.mulf %mul3A_494, %get3A_1222 : vector<16xf32>
        %get3A_1224 = arith.index_cast %add3A_1218 : i32 to index
        %get3A_1225 = arith.constant 16 : index
        %get3A_1226 = tpu.vector_load %arg15[%get3A_1224, %get3A_1225] {strides = array<i32>} : memref<320x64xf32, #tpu.memory_space<vmem>>, vector<1x16xf32>,
        %get3A_1227 = vector.shape_cast %get3A_1226 : vector<1x16xf32> to vector<16xf32>
        %mul3A_1228 = arith.mulf %mul3A_634, %get3A_1227 : vector<16xf32>
        %add3A_1229 = arith.addf %mul3A_1223, %mul3A_1228 : vector<16xf32>
        %get3A_1230 = arith.index_cast %add3A_1218 : i32 to index
        %get3A_1231 = arith.constant 32 : index
        %get3A_1232 = tpu.vector_load %arg15[%get3A_1230, %get3A_1231] {strides = array<i32>} : memref<320x64xf32, #tpu.memory_space<vmem>>, vector<1x16xf32>,
        %get3A_1233 = vector.shape_cast %get3A_1232 : vector<1x16xf32> to vector<16xf32>
        %mul3A_1234 = arith.mulf %mul3A_774, %get3A_1233 : vector<16xf32>
        %add3A_1235 = arith.addf %add3A_1229, %mul3A_1234 : vector<16xf32>
        %get3A_1236 = arith.index_cast %add3A_1218 : i32 to index
        %get3A_1237 = arith.constant 48 : index
        %get3A_1238 = tpu.vector_load %arg15[%get3A_1236, %get3A_1237] {strides = array<i32>} : memref<320x64xf32, #tpu.memory_space<vmem>>, vector<1x16xf32>,
        %get3A_1239 = vector.shape_cast %get3A_1238 : vector<1x16xf32> to vector<16xf32>
        %mul3A_1240 = arith.mulf %mul3A_914, %get3A_1239 : vector<16xf32>
        %add3A_1241 = arith.addf %add3A_1235, %mul3A_1240 : vector<16xf32>
        %neg3A_1242 = arith.constant 0.000000e+00 : f32
        %neg3A_1243 = vector.broadcast %neg3A_1242 : f32 to vector<16xf32>
        %neg3A_1244 = arith.subf %neg3A_1243, %add3A_1241 : vector<16xf32>
        %add3A_1245 = arith.constant 11 : i32
        %add3A_1246 = arith.addi %mul3A_355, %add3A_1245 : i32
        %get3A_1247 = arith.index_cast %add3A_1246 : i32 to index
        %get3A_1248 = arith.constant 0 : index
        %get3A_1249 = tpu.vector_load %arg15[%get3A_1247, %get3A_1248] {strides = array<i32>} : memref<320x64xf32, #tpu.memory_space<vmem>>, vector<1x16xf32>,
        %get3A_1250 = vector.shape_cast %get3A_1249 : vector<1x16xf32> to vector<16xf32>
        %mul3A_1251 = arith.mulf %mul3A_494, %get3A_1250 : vector<16xf32>
        %get3A_1252 = arith.index_cast %add3A_1246 : i32 to index
        %get3A_1253 = arith.constant 16 : index
        %get3A_1254 = tpu.vector_load %arg15[%get3A_1252, %get3A_1253] {strides = array<i32>} : memref<320x64xf32, #tpu.memory_space<vmem>>, vector<1x16xf32>,
        %get3A_1255 = vector.shape_cast %get3A_1254 : vector<1x16xf32> to vector<16xf32>
        %mul3A_1256 = arith.mulf %mul3A_634, %get3A_1255 : vector<16xf32>
        %add3A_1257 = arith.addf %mul3A_1251, %mul3A_1256 : vector<16xf32>
        %get3A_1258 = arith.index_cast %add3A_1246 : i32 to index
        %get3A_1259 = arith.constant 32 : index
        %get3A_1260 = tpu.vector_load %arg15[%get3A_1258, %get3A_1259] {strides = array<i32>} : memref<320x64xf32, #tpu.memory_space<vmem>>, vector<1x16xf32>,
        %get3A_1261 = vector.shape_cast %get3A_1260 : vector<1x16xf32> to vector<16xf32>
        %mul3A_1262 = arith.mulf %mul3A_774, %get3A_1261 : vector<16xf32>
        %add3A_1263 = arith.addf %add3A_1257, %mul3A_1262 : vector<16xf32>
        %get3A_1264 = arith.index_cast %add3A_1246 : i32 to index
        %get3A_1265 = arith.constant 48 : index
        %get3A_1266 = tpu.vector_load %arg15[%get3A_1264, %get3A_1265] {strides = array<i32>} : memref<320x64xf32, #tpu.memory_space<vmem>>, vector<1x16xf32>,
        %get3A_1267 = vector.shape_cast %get3A_1266 : vector<1x16xf32> to vector<16xf32>
        %mul3A_1268 = arith.mulf %mul3A_914, %get3A_1267 : vector<16xf32>
        %add3A_1269 = arith.addf %add3A_1263, %mul3A_1268 : vector<16xf32>
        %neg3A_1270 = arith.constant 0.000000e+00 : f32
        %neg3A_1271 = vector.broadcast %neg3A_1270 : f32 to vector<16xf32>
        %neg3A_1272 = arith.subf %neg3A_1271, %add3A_1269 : vector<16xf32>
        %add3A_1273 = arith.constant 12 : i32
        %add3A_1274 = arith.addi %mul3A_355, %add3A_1273 : i32
        %get3A_1275 = arith.index_cast %add3A_1274 : i32 to index
        %get3A_1276 = arith.constant 0 : index
        %get3A_1277 = tpu.vector_load %arg15[%get3A_1275, %get3A_1276] {strides = array<i32>} : memref<320x64xf32, #tpu.memory_space<vmem>>, vector<1x16xf32>,
        %get3A_1278 = vector.shape_cast %get3A_1277 : vector<1x16xf32> to vector<16xf32>
        %mul3A_1279 = arith.mulf %mul3A_494, %get3A_1278 : vector<16xf32>
        %get3A_1280 = arith.index_cast %add3A_1274 : i32 to index
        %get3A_1281 = arith.constant 16 : index
        %get3A_1282 = tpu.vector_load %arg15[%get3A_1280, %get3A_1281] {strides = array<i32>} : memref<320x64xf32, #tpu.memory_space<vmem>>, vector<1x16xf32>,
        %get3A_1283 = vector.shape_cast %get3A_1282 : vector<1x16xf32> to vector<16xf32>
        %mul3A_1284 = arith.mulf %mul3A_634, %get3A_1283 : vector<16xf32>
        %add3A_1285 = arith.addf %mul3A_1279, %mul3A_1284 : vector<16xf32>
        %get3A_1286 = arith.index_cast %add3A_1274 : i32 to index
        %get3A_1287 = arith.constant 32 : index
        %get3A_1288 = tpu.vector_load %arg15[%get3A_1286, %get3A_1287] {strides = array<i32>} : memref<320x64xf32, #tpu.memory_space<vmem>>, vector<1x16xf32>,
        %get3A_1289 = vector.shape_cast %get3A_1288 : vector<1x16xf32> to vector<16xf32>
        %mul3A_1290 = arith.mulf %mul3A_774, %get3A_1289 : vector<16xf32>
        %add3A_1291 = arith.addf %add3A_1285, %mul3A_1290 : vector<16xf32>
        %get3A_1292 = arith.index_cast %add3A_1274 : i32 to index
        %get3A_1293 = arith.constant 48 : index
        %get3A_1294 = tpu.vector_load %arg15[%get3A_1292, %get3A_1293] {strides = array<i32>} : memref<320x64xf32, #tpu.memory_space<vmem>>, vector<1x16xf32>,
        %get3A_1295 = vector.shape_cast %get3A_1294 : vector<1x16xf32> to vector<16xf32>
        %mul3A_1296 = arith.mulf %mul3A_914, %get3A_1295 : vector<16xf32>
        %add3A_1297 = arith.addf %add3A_1291, %mul3A_1296 : vector<16xf32>
        %neg3A_1298 = arith.constant 0.000000e+00 : f32
        %neg3A_1299 = vector.broadcast %neg3A_1298 : f32 to vector<16xf32>
        %neg3A_1300 = arith.subf %neg3A_1299, %add3A_1297 : vector<16xf32>
        %add3A_1301 = arith.constant 13 : i32
        %add3A_1302 = arith.addi %mul3A_355, %add3A_1301 : i32
        %get3A_1303 = arith.index_cast %add3A_1302 : i32 to index
        %get3A_1304 = arith.constant 0 : index
        %get3A_1305 = tpu.vector_load %arg15[%get3A_1303, %get3A_1304] {strides = array<i32>} : memref<320x64xf32, #tpu.memory_space<vmem>>, vector<1x16xf32>,
        %get3A_1306 = vector.shape_cast %get3A_1305 : vector<1x16xf32> to vector<16xf32>
        %mul3A_1307 = arith.mulf %mul3A_494, %get3A_1306 : vector<16xf32>
        %get3A_1308 = arith.index_cast %add3A_1302 : i32 to index
        %get3A_1309 = arith.constant 16 : index
        %get3A_1310 = tpu.vector_load %arg15[%get3A_1308, %get3A_1309] {strides = array<i32>} : memref<320x64xf32, #tpu.memory_space<vmem>>, vector<1x16xf32>,
        %get3A_1311 = vector.shape_cast %get3A_1310 : vector<1x16xf32> to vector<16xf32>
        %mul3A_1312 = arith.mulf %mul3A_634, %get3A_1311 : vector<16xf32>
        %add3A_1313 = arith.addf %mul3A_1307, %mul3A_1312 : vector<16xf32>
        %get3A_1314 = arith.index_cast %add3A_1302 : i32 to index
        %get3A_1315 = arith.constant 32 : index
        %get3A_1316 = tpu.vector_load %arg15[%get3A_1314, %get3A_1315] {strides = array<i32>} : memref<320x64xf32, #tpu.memory_space<vmem>>, vector<1x16xf32>,
        %get3A_1317 = vector.shape_cast %get3A_1316 : vector<1x16xf32> to vector<16xf32>
        %mul3A_1318 = arith.mulf %mul3A_774, %get3A_1317 : vector<16xf32>
        %add3A_1319 = arith.addf %add3A_1313, %mul3A_1318 : vector<16xf32>
        %get3A_1320 = arith.index_cast %add3A_1302 : i32 to index
        %get3A_1321 = arith.constant 48 : index
        %get3A_1322 = tpu.vector_load %arg15[%get3A_1320, %get3A_1321] {strides = array<i32>} : memref<320x64xf32, #tpu.memory_space<vmem>>, vector<1x16xf32>,
        %get3A_1323 = vector.shape_cast %get3A_1322 : vector<1x16xf32> to vector<16xf32>
        %mul3A_1324 = arith.mulf %mul3A_914, %get3A_1323 : vector<16xf32>
        %add3A_1325 = arith.addf %add3A_1319, %mul3A_1324 : vector<16xf32>
        %neg3A_1326 = arith.constant 0.000000e+00 : f32
        %neg3A_1327 = vector.broadcast %neg3A_1326 : f32 to vector<16xf32>
        %neg3A_1328 = arith.subf %neg3A_1327, %add3A_1325 : vector<16xf32>
        %add3A_1329 = arith.constant 14 : i32
        %add3A_1330 = arith.addi %mul3A_355, %add3A_1329 : i32
        %get3A_1331 = arith.index_cast %add3A_1330 : i32 to index
        %get3A_1332 = arith.constant 0 : index
        %get3A_1333 = tpu.vector_load %arg15[%get3A_1331, %get3A_1332] {strides = array<i32>} : memref<320x64xf32, #tpu.memory_space<vmem>>, vector<1x16xf32>,
        %get3A_1334 = vector.shape_cast %get3A_1333 : vector<1x16xf32> to vector<16xf32>
        %mul3A_1335 = arith.mulf %mul3A_494, %get3A_1334 : vector<16xf32>
        %get3A_1336 = arith.index_cast %add3A_1330 : i32 to index
        %get3A_1337 = arith.constant 16 : index
        %get3A_1338 = tpu.vector_load %arg15[%get3A_1336, %get3A_1337] {strides = array<i32>} : memref<320x64xf32, #tpu.memory_space<vmem>>, vector<1x16xf32>,
        %get3A_1339 = vector.shape_cast %get3A_1338 : vector<1x16xf32> to vector<16xf32>
        %mul3A_1340 = arith.mulf %mul3A_634, %get3A_1339 : vector<16xf32>
        %add3A_1341 = arith.addf %mul3A_1335, %mul3A_1340 : vector<16xf32>
        %get3A_1342 = arith.index_cast %add3A_1330 : i32 to index
        %get3A_1343 = arith.constant 32 : index
        %get3A_1344 = tpu.vector_load %arg15[%get3A_1342, %get3A_1343] {strides = array<i32>} : memref<320x64xf32, #tpu.memory_space<vmem>>, vector<1x16xf32>,
        %get3A_1345 = vector.shape_cast %get3A_1344 : vector<1x16xf32> to vector<16xf32>
        %mul3A_1346 = arith.mulf %mul3A_774, %get3A_1345 : vector<16xf32>
        %add3A_1347 = arith.addf %add3A_1341, %mul3A_1346 : vector<16xf32>
        %get3A_1348 = arith.index_cast %add3A_1330 : i32 to index
        %get3A_1349 = arith.constant 48 : index
        %get3A_1350 = tpu.vector_load %arg15[%get3A_1348, %get3A_1349] {strides = array<i32>} : memref<320x64xf32, #tpu.memory_space<vmem>>, vector<1x16xf32>,
        %get3A_1351 = vector.shape_cast %get3A_1350 : vector<1x16xf32> to vector<16xf32>
        %mul3A_1352 = arith.mulf %mul3A_914, %get3A_1351 : vector<16xf32>
        %add3A_1353 = arith.addf %add3A_1347, %mul3A_1352 : vector<16xf32>
        %neg3A_1354 = arith.constant 0.000000e+00 : f32
        %neg3A_1355 = vector.broadcast %neg3A_1354 : f32 to vector<16xf32>
        %neg3A_1356 = arith.subf %neg3A_1355, %add3A_1353 : vector<16xf32>
        %add3A_1357 = arith.constant 15 : i32
        %add3A_1358 = arith.addi %mul3A_355, %add3A_1357 : i32
        %get3A_1359 = arith.index_cast %add3A_1358 : i32 to index
        %get3A_1360 = arith.constant 0 : index
        %get3A_1361 = tpu.vector_load %arg15[%get3A_1359, %get3A_1360] {strides = array<i32>} : memref<320x64xf32, #tpu.memory_space<vmem>>, vector<1x16xf32>,
        %get3A_1362 = vector.shape_cast %get3A_1361 : vector<1x16xf32> to vector<16xf32>
        %mul3A_1363 = arith.mulf %mul3A_494, %get3A_1362 : vector<16xf32>
        %get3A_1364 = arith.index_cast %add3A_1358 : i32 to index
        %get3A_1365 = arith.constant 16 : index
        %get3A_1366 = tpu.vector_load %arg15[%get3A_1364, %get3A_1365] {strides = array<i32>} : memref<320x64xf32, #tpu.memory_space<vmem>>, vector<1x16xf32>,
        %get3A_1367 = vector.shape_cast %get3A_1366 : vector<1x16xf32> to vector<16xf32>
        %mul3A_1368 = arith.mulf %mul3A_634, %get3A_1367 : vector<16xf32>
        %add3A_1369 = arith.addf %mul3A_1363, %mul3A_1368 : vector<16xf32>
        %get3A_1370 = arith.index_cast %add3A_1358 : i32 to index
        %get3A_1371 = arith.constant 32 : index
        %get3A_1372 = tpu.vector_load %arg15[%get3A_1370, %get3A_1371] {strides = array<i32>} : memref<320x64xf32, #tpu.memory_space<vmem>>, vector<1x16xf32>,
        %get3A_1373 = vector.shape_cast %get3A_1372 : vector<1x16xf32> to vector<16xf32>
        %mul3A_1374 = arith.mulf %mul3A_774, %get3A_1373 : vector<16xf32>
        %add3A_1375 = arith.addf %add3A_1369, %mul3A_1374 : vector<16xf32>
        %get3A_1376 = arith.index_cast %add3A_1358 : i32 to index
        %get3A_1377 = arith.constant 48 : index
        %get3A_1378 = tpu.vector_load %arg15[%get3A_1376, %get3A_1377] {strides = array<i32>} : memref<320x64xf32, #tpu.memory_space<vmem>>, vector<1x16xf32>,
        %get3A_1379 = vector.shape_cast %get3A_1378 : vector<1x16xf32> to vector<16xf32>
        %mul3A_1380 = arith.mulf %mul3A_914, %get3A_1379 : vector<16xf32>
        %add3A_1381 = arith.addf %add3A_1375, %mul3A_1380 : vector<16xf32>
        %neg3A_1382 = arith.constant 0.000000e+00 : f32
        %neg3A_1383 = vector.broadcast %neg3A_1382 : f32 to vector<16xf32>
        %neg3A_1384 = arith.subf %neg3A_1383, %add3A_1381 : vector<16xf32>
        %add3A_1385 = arith.constant 16 : i32
        %add3A_1386 = arith.addi %mul3A_355, %add3A_1385 : i32
        %get3A_1387 = arith.index_cast %add3A_1386 : i32 to index
        %get3A_1388 = arith.constant 0 : index
        %get3A_1389 = tpu.vector_load %arg15[%get3A_1387, %get3A_1388] {strides = array<i32>} : memref<320x64xf32, #tpu.memory_space<vmem>>, vector<1x16xf32>,
        %get3A_1390 = vector.shape_cast %get3A_1389 : vector<1x16xf32> to vector<16xf32>
        %mul3A_1391 = arith.mulf %mul3A_494, %get3A_1390 : vector<16xf32>
        %get3A_1392 = arith.index_cast %add3A_1386 : i32 to index
        %get3A_1393 = arith.constant 16 : index
        %get3A_1394 = tpu.vector_load %arg15[%get3A_1392, %get3A_1393] {strides = array<i32>} : memref<320x64xf32, #tpu.memory_space<vmem>>, vector<1x16xf32>,
        %get3A_1395 = vector.shape_cast %get3A_1394 : vector<1x16xf32> to vector<16xf32>
        %mul3A_1396 = arith.mulf %mul3A_634, %get3A_1395 : vector<16xf32>
        %add3A_1397 = arith.addf %mul3A_1391, %mul3A_1396 : vector<16xf32>
        %get3A_1398 = arith.index_cast %add3A_1386 : i32 to index
        %get3A_1399 = arith.constant 32 : index
        %get3A_1400 = tpu.vector_load %arg15[%get3A_1398, %get3A_1399] {strides = array<i32>} : memref<320x64xf32, #tpu.memory_space<vmem>>, vector<1x16xf32>,
        %get3A_1401 = vector.shape_cast %get3A_1400 : vector<1x16xf32> to vector<16xf32>
        %mul3A_1402 = arith.mulf %mul3A_774, %get3A_1401 : vector<16xf32>
        %add3A_1403 = arith.addf %add3A_1397, %mul3A_1402 : vector<16xf32>
        %get3A_1404 = arith.index_cast %add3A_1386 : i32 to index
        %get3A_1405 = arith.constant 48 : index
        %get3A_1406 = tpu.vector_load %arg15[%get3A_1404, %get3A_1405] {strides = array<i32>} : memref<320x64xf32, #tpu.memory_space<vmem>>, vector<1x16xf32>,
        %get3A_1407 = vector.shape_cast %get3A_1406 : vector<1x16xf32> to vector<16xf32>
        %mul3A_1408 = arith.mulf %mul3A_914, %get3A_1407 : vector<16xf32>
        %add3A_1409 = arith.addf %add3A_1403, %mul3A_1408 : vector<16xf32>
        %neg3A_1410 = arith.constant 0.000000e+00 : f32
        %neg3A_1411 = vector.broadcast %neg3A_1410 : f32 to vector<16xf32>
        %neg3A_1412 = arith.subf %neg3A_1411, %add3A_1409 : vector<16xf32>
        %add3A_1413 = arith.constant 17 : i32
        %add3A_1414 = arith.addi %mul3A_355, %add3A_1413 : i32
        %get3A_1415 = arith.index_cast %add3A_1414 : i32 to index
        %get3A_1416 = arith.constant 0 : index
        %get3A_1417 = tpu.vector_load %arg15[%get3A_1415, %get3A_1416] {strides = array<i32>} : memref<320x64xf32, #tpu.memory_space<vmem>>, vector<1x16xf32>,
        %get3A_1418 = vector.shape_cast %get3A_1417 : vector<1x16xf32> to vector<16xf32>
        %mul3A_1419 = arith.mulf %mul3A_494, %get3A_1418 : vector<16xf32>
        %get3A_1420 = arith.index_cast %add3A_1414 : i32 to index
        %get3A_1421 = arith.constant 16 : index
        %get3A_1422 = tpu.vector_load %arg15[%get3A_1420, %get3A_1421] {strides = array<i32>} : memref<320x64xf32, #tpu.memory_space<vmem>>, vector<1x16xf32>,
        %get3A_1423 = vector.shape_cast %get3A_1422 : vector<1x16xf32> to vector<16xf32>
        %mul3A_1424 = arith.mulf %mul3A_634, %get3A_1423 : vector<16xf32>
        %add3A_1425 = arith.addf %mul3A_1419, %mul3A_1424 : vector<16xf32>
        %get3A_1426 = arith.index_cast %add3A_1414 : i32 to index
        %get3A_1427 = arith.constant 32 : index
        %get3A_1428 = tpu.vector_load %arg15[%get3A_1426, %get3A_1427] {strides = array<i32>} : memref<320x64xf32, #tpu.memory_space<vmem>>, vector<1x16xf32>,
        %get3A_1429 = vector.shape_cast %get3A_1428 : vector<1x16xf32> to vector<16xf32>
        %mul3A_1430 = arith.mulf %mul3A_774, %get3A_1429 : vector<16xf32>
        %add3A_1431 = arith.addf %add3A_1425, %mul3A_1430 : vector<16xf32>
        %get3A_1432 = arith.index_cast %add3A_1414 : i32 to index
        %get3A_1433 = arith.constant 48 : index
        %get3A_1434 = tpu.vector_load %arg15[%get3A_1432, %get3A_1433] {strides = array<i32>} : memref<320x64xf32, #tpu.memory_space<vmem>>, vector<1x16xf32>,
        %get3A_1435 = vector.shape_cast %get3A_1434 : vector<1x16xf32> to vector<16xf32>
        %mul3A_1436 = arith.mulf %mul3A_914, %get3A_1435 : vector<16xf32>
        %add3A_1437 = arith.addf %add3A_1431, %mul3A_1436 : vector<16xf32>
        %neg3A_1438 = arith.constant 0.000000e+00 : f32
        %neg3A_1439 = vector.broadcast %neg3A_1438 : f32 to vector<16xf32>
        %neg3A_1440 = arith.subf %neg3A_1439, %add3A_1437 : vector<16xf32>
        %add3A_1441 = arith.constant 18 : i32
        %add3A_1442 = arith.addi %mul3A_355, %add3A_1441 : i32
        %get3A_1443 = arith.index_cast %add3A_1442 : i32 to index
        %get3A_1444 = arith.constant 0 : index
        %get3A_1445 = tpu.vector_load %arg15[%get3A_1443, %get3A_1444] {strides = array<i32>} : memref<320x64xf32, #tpu.memory_space<vmem>>, vector<1x16xf32>,
        %get3A_1446 = vector.shape_cast %get3A_1445 : vector<1x16xf32> to vector<16xf32>
        %mul3A_1447 = arith.mulf %mul3A_494, %get3A_1446 : vector<16xf32>
        %get3A_1448 = arith.index_cast %add3A_1442 : i32 to index
        %get3A_1449 = arith.constant 16 : index
        %get3A_1450 = tpu.vector_load %arg15[%get3A_1448, %get3A_1449] {strides = array<i32>} : memref<320x64xf32, #tpu.memory_space<vmem>>, vector<1x16xf32>,
        %get3A_1451 = vector.shape_cast %get3A_1450 : vector<1x16xf32> to vector<16xf32>
        %mul3A_1452 = arith.mulf %mul3A_634, %get3A_1451 : vector<16xf32>
        %add3A_1453 = arith.addf %mul3A_1447, %mul3A_1452 : vector<16xf32>
        %get3A_1454 = arith.index_cast %add3A_1442 : i32 to index
        %get3A_1455 = arith.constant 32 : index
        %get3A_1456 = tpu.vector_load %arg15[%get3A_1454, %get3A_1455] {strides = array<i32>} : memref<320x64xf32, #tpu.memory_space<vmem>>, vector<1x16xf32>,
        %get3A_1457 = vector.shape_cast %get3A_1456 : vector<1x16xf32> to vector<16xf32>
        %mul3A_1458 = arith.mulf %mul3A_774, %get3A_1457 : vector<16xf32>
        %add3A_1459 = arith.addf %add3A_1453, %mul3A_1458 : vector<16xf32>
        %get3A_1460 = arith.index_cast %add3A_1442 : i32 to index
        %get3A_1461 = arith.constant 48 : index
        %get3A_1462 = tpu.vector_load %arg15[%get3A_1460, %get3A_1461] {strides = array<i32>} : memref<320x64xf32, #tpu.memory_space<vmem>>, vector<1x16xf32>,
        %get3A_1463 = vector.shape_cast %get3A_1462 : vector<1x16xf32> to vector<16xf32>
        %mul3A_1464 = arith.mulf %mul3A_914, %get3A_1463 : vector<16xf32>
        %add3A_1465 = arith.addf %add3A_1459, %mul3A_1464 : vector<16xf32>
        %neg3A_1466 = arith.constant 0.000000e+00 : f32
        %neg3A_1467 = vector.broadcast %neg3A_1466 : f32 to vector<16xf32>
        %neg3A_1468 = arith.subf %neg3A_1467, %add3A_1465 : vector<16xf32>
        %add3A_1469 = arith.constant 19 : i32
        %add3A_1470 = arith.addi %mul3A_355, %add3A_1469 : i32
        %get3A_1471 = arith.index_cast %add3A_1470 : i32 to index
        %get3A_1472 = arith.constant 0 : index
        %get3A_1473 = tpu.vector_load %arg15[%get3A_1471, %get3A_1472] {strides = array<i32>} : memref<320x64xf32, #tpu.memory_space<vmem>>, vector<1x16xf32>,
        %get3A_1474 = vector.shape_cast %get3A_1473 : vector<1x16xf32> to vector<16xf32>
        %mul3A_1475 = arith.mulf %mul3A_494, %get3A_1474 : vector<16xf32>
        %get3A_1476 = arith.index_cast %add3A_1470 : i32 to index
        %get3A_1477 = arith.constant 16 : index
        %get3A_1478 = tpu.vector_load %arg15[%get3A_1476, %get3A_1477] {strides = array<i32>} : memref<320x64xf32, #tpu.memory_space<vmem>>, vector<1x16xf32>,
        %get3A_1479 = vector.shape_cast %get3A_1478 : vector<1x16xf32> to vector<16xf32>
        %mul3A_1480 = arith.mulf %mul3A_634, %get3A_1479 : vector<16xf32>
        %add3A_1481 = arith.addf %mul3A_1475, %mul3A_1480 : vector<16xf32>
        %get3A_1482 = arith.index_cast %add3A_1470 : i32 to index
        %get3A_1483 = arith.constant 32 : index
        %get3A_1484 = tpu.vector_load %arg15[%get3A_1482, %get3A_1483] {strides = array<i32>} : memref<320x64xf32, #tpu.memory_space<vmem>>, vector<1x16xf32>,
        %get3A_1485 = vector.shape_cast %get3A_1484 : vector<1x16xf32> to vector<16xf32>
        %mul3A_1486 = arith.mulf %mul3A_774, %get3A_1485 : vector<16xf32>
        %add3A_1487 = arith.addf %add3A_1481, %mul3A_1486 : vector<16xf32>
        %get3A_1488 = arith.index_cast %add3A_1470 : i32 to index
        %get3A_1489 = arith.constant 48 : index
        %get3A_1490 = tpu.vector_load %arg15[%get3A_1488, %get3A_1489] {strides = array<i32>} : memref<320x64xf32, #tpu.memory_space<vmem>>, vector<1x16xf32>,
        %get3A_1491 = vector.shape_cast %get3A_1490 : vector<1x16xf32> to vector<16xf32>
        %mul3A_1492 = arith.mulf %mul3A_914, %get3A_1491 : vector<16xf32>
        %add3A_1493 = arith.addf %add3A_1487, %mul3A_1492 : vector<16xf32>
        %neg3A_1494 = arith.constant 0.000000e+00 : f32
        %neg3A_1495 = vector.broadcast %neg3A_1494 : f32 to vector<16xf32>
        %neg3A_1496 = arith.subf %neg3A_1495, %add3A_1493 : vector<16xf32>
        %broadcast_in_dim3A = arith.constant 0.000000e+00 : f32
        %broadcast_in_dim3A_1497 = vector.broadcast %broadcast_in_dim3A : f32 to vector<16xf32>
        %select_n3A = arith.select %ne3A_38, %neg3A_964, %add3A_937 : vector<16xi1>, vector<16xf32>
        %select_n3A_1498 = arith.select %ne3A_38, %add3A_937, %neg3A_964 : vector<16xi1>, vector<16xf32>
        %broadcast_in_dim3A_1499 = vector.shape_cast %xor3A_25 : vector<16xi32> to vector<16x1xi32>
        %gather3A = vector.shape_cast %broadcast_in_dim3A_1499 : vector<16x1xi32> to vector<16xi32>
        %gather3A_1500 = tpu.dynamic_gather %select_n3A_1498[%gather3A] in [0] : vector<16xf32>, vector<16xi32> -> vector<16xf32>
        %add3A_1501 = arith.addf %select_n3A, %gather3A_1500 : vector<16xf32>
        %select_n3A_1502 = arith.select %ne3A_38, %neg3A_1020, %neg3A_992 : vector<16xi1>, vector<16xf32>
        %select_n3A_1503 = arith.select %ne3A_38, %neg3A_992, %neg3A_1020 : vector<16xi1>, vector<16xf32>
        %broadcast_in_dim3A_1504 = vector.shape_cast %xor3A_25 : vector<16xi32> to vector<16x1xi32>
        %gather3A_1505 = vector.shape_cast %broadcast_in_dim3A_1504 : vector<16x1xi32> to vector<16xi32>
        %gather3A_1506 = tpu.dynamic_gather %select_n3A_1503[%gather3A_1505] in [0] : vector<16xf32>, vector<16xi32> -> vector<16xf32>
        %add3A_1507 = arith.addf %select_n3A_1502, %gather3A_1506 : vector<16xf32>
        %select_n3A_1508 = arith.select %ne3A_38, %neg3A_1076, %neg3A_1048 : vector<16xi1>, vector<16xf32>
        %select_n3A_1509 = arith.select %ne3A_38, %neg3A_1048, %neg3A_1076 : vector<16xi1>, vector<16xf32>
        %broadcast_in_dim3A_1510 = vector.shape_cast %xor3A_25 : vector<16xi32> to vector<16x1xi32>
        %gather3A_1511 = vector.shape_cast %broadcast_in_dim3A_1510 : vector<16x1xi32> to vector<16xi32>
        %gather3A_1512 = tpu.dynamic_gather %select_n3A_1509[%gather3A_1511] in [0] : vector<16xf32>, vector<16xi32> -> vector<16xf32>
        %add3A_1513 = arith.addf %select_n3A_1508, %gather3A_1512 : vector<16xf32>
        %select_n3A_1514 = arith.select %ne3A_38, %neg3A_1132, %neg3A_1104 : vector<16xi1>, vector<16xf32>
        %select_n3A_1515 = arith.select %ne3A_38, %neg3A_1104, %neg3A_1132 : vector<16xi1>, vector<16xf32>
        %broadcast_in_dim3A_1516 = vector.shape_cast %xor3A_25 : vector<16xi32> to vector<16x1xi32>
        %gather3A_1517 = vector.shape_cast %broadcast_in_dim3A_1516 : vector<16x1xi32> to vector<16xi32>
        %gather3A_1518 = tpu.dynamic_gather %select_n3A_1515[%gather3A_1517] in [0] : vector<16xf32>, vector<16xi32> -> vector<16xf32>
        %add3A_1519 = arith.addf %select_n3A_1514, %gather3A_1518 : vector<16xf32>
        %select_n3A_1520 = arith.select %ne3A_38, %neg3A_1188, %neg3A_1160 : vector<16xi1>, vector<16xf32>
        %select_n3A_1521 = arith.select %ne3A_38, %neg3A_1160, %neg3A_1188 : vector<16xi1>, vector<16xf32>
        %broadcast_in_dim3A_1522 = vector.shape_cast %xor3A_25 : vector<16xi32> to vector<16x1xi32>
        %gather3A_1523 = vector.shape_cast %broadcast_in_dim3A_1522 : vector<16x1xi32> to vector<16xi32>
        %gather3A_1524 = tpu.dynamic_gather %select_n3A_1521[%gather3A_1523] in [0] : vector<16xf32>, vector<16xi32> -> vector<16xf32>
        %add3A_1525 = arith.addf %select_n3A_1520, %gather3A_1524 : vector<16xf32>
        %select_n3A_1526 = arith.select %ne3A_38, %neg3A_1244, %neg3A_1216 : vector<16xi1>, vector<16xf32>
        %select_n3A_1527 = arith.select %ne3A_38, %neg3A_1216, %neg3A_1244 : vector<16xi1>, vector<16xf32>
        %broadcast_in_dim3A_1528 = vector.shape_cast %xor3A_25 : vector<16xi32> to vector<16x1xi32>
        %gather3A_1529 = vector.shape_cast %broadcast_in_dim3A_1528 : vector<16x1xi32> to vector<16xi32>
        %gather3A_1530 = tpu.dynamic_gather %select_n3A_1527[%gather3A_1529] in [0] : vector<16xf32>, vector<16xi32> -> vector<16xf32>
        %add3A_1531 = arith.addf %select_n3A_1526, %gather3A_1530 : vector<16xf32>
        %select_n3A_1532 = arith.select %ne3A_38, %neg3A_1300, %neg3A_1272 : vector<16xi1>, vector<16xf32>
        %select_n3A_1533 = arith.select %ne3A_38, %neg3A_1272, %neg3A_1300 : vector<16xi1>, vector<16xf32>
        %broadcast_in_dim3A_1534 = vector.shape_cast %xor3A_25 : vector<16xi32> to vector<16x1xi32>
        %gather3A_1535 = vector.shape_cast %broadcast_in_dim3A_1534 : vector<16x1xi32> to vector<16xi32>
        %gather3A_1536 = tpu.dynamic_gather %select_n3A_1533[%gather3A_1535] in [0] : vector<16xf32>, vector<16xi32> -> vector<16xf32>
        %add3A_1537 = arith.addf %select_n3A_1532, %gather3A_1536 : vector<16xf32>
        %select_n3A_1538 = arith.select %ne3A_38, %neg3A_1356, %neg3A_1328 : vector<16xi1>, vector<16xf32>
        %select_n3A_1539 = arith.select %ne3A_38, %neg3A_1328, %neg3A_1356 : vector<16xi1>, vector<16xf32>
        %broadcast_in_dim3A_1540 = vector.shape_cast %xor3A_25 : vector<16xi32> to vector<16x1xi32>
        %gather3A_1541 = vector.shape_cast %broadcast_in_dim3A_1540 : vector<16x1xi32> to vector<16xi32>
        %gather3A_1542 = tpu.dynamic_gather %select_n3A_1539[%gather3A_1541] in [0] : vector<16xf32>, vector<16xi32> -> vector<16xf32>
        %add3A_1543 = arith.addf %select_n3A_1538, %gather3A_1542 : vector<16xf32>
        %select_n3A_1544 = arith.select %ne3A_44, %add3A_1507, %add3A_1501 : vector<16xi1>, vector<16xf32>
        %select_n3A_1545 = arith.select %ne3A_44, %add3A_1501, %add3A_1507 : vector<16xi1>, vector<16xf32>
        %broadcast_in_dim3A_1546 = vector.shape_cast %xor3A_28 : vector<16xi32> to vector<16x1xi32>
        %gather3A_1547 = vector.shape_cast %broadcast_in_dim3A_1546 : vector<16x1xi32> to vector<16xi32>
        %gather3A_1548 = tpu.dynamic_gather %select_n3A_1545[%gather3A_1547] in [0] : vector<16xf32>, vector<16xi32> -> vector<16xf32>
        %add3A_1549 = arith.addf %select_n3A_1544, %gather3A_1548 : vector<16xf32>
        %select_n3A_1550 = arith.select %ne3A_44, %add3A_1519, %add3A_1513 : vector<16xi1>, vector<16xf32>
        %select_n3A_1551 = arith.select %ne3A_44, %add3A_1513, %add3A_1519 : vector<16xi1>, vector<16xf32>
        %broadcast_in_dim3A_1552 = vector.shape_cast %xor3A_28 : vector<16xi32> to vector<16x1xi32>
        %gather3A_1553 = vector.shape_cast %broadcast_in_dim3A_1552 : vector<16x1xi32> to vector<16xi32>
        %gather3A_1554 = tpu.dynamic_gather %select_n3A_1551[%gather3A_1553] in [0] : vector<16xf32>, vector<16xi32> -> vector<16xf32>
        %add3A_1555 = arith.addf %select_n3A_1550, %gather3A_1554 : vector<16xf32>
        %select_n3A_1556 = arith.select %ne3A_44, %add3A_1531, %add3A_1525 : vector<16xi1>, vector<16xf32>
        %select_n3A_1557 = arith.select %ne3A_44, %add3A_1525, %add3A_1531 : vector<16xi1>, vector<16xf32>
        %broadcast_in_dim3A_1558 = vector.shape_cast %xor3A_28 : vector<16xi32> to vector<16x1xi32>
        %gather3A_1559 = vector.shape_cast %broadcast_in_dim3A_1558 : vector<16x1xi32> to vector<16xi32>
        %gather3A_1560 = tpu.dynamic_gather %select_n3A_1557[%gather3A_1559] in [0] : vector<16xf32>, vector<16xi32> -> vector<16xf32>
        %add3A_1561 = arith.addf %select_n3A_1556, %gather3A_1560 : vector<16xf32>
        %select_n3A_1562 = arith.select %ne3A_44, %add3A_1543, %add3A_1537 : vector<16xi1>, vector<16xf32>
        %select_n3A_1563 = arith.select %ne3A_44, %add3A_1537, %add3A_1543 : vector<16xi1>, vector<16xf32>
        %broadcast_in_dim3A_1564 = vector.shape_cast %xor3A_28 : vector<16xi32> to vector<16x1xi32>
        %gather3A_1565 = vector.shape_cast %broadcast_in_dim3A_1564 : vector<16x1xi32> to vector<16xi32>
        %gather3A_1566 = tpu.dynamic_gather %select_n3A_1563[%gather3A_1565] in [0] : vector<16xf32>, vector<16xi32> -> vector<16xf32>
        %add3A_1567 = arith.addf %select_n3A_1562, %gather3A_1566 : vector<16xf32>
        %select_n3A_1568 = arith.select %ne3A_50, %add3A_1555, %add3A_1549 : vector<16xi1>, vector<16xf32>
        %select_n3A_1569 = arith.select %ne3A_50, %add3A_1549, %add3A_1555 : vector<16xi1>, vector<16xf32>
        %broadcast_in_dim3A_1570 = vector.shape_cast %xor3A_31 : vector<16xi32> to vector<16x1xi32>
        %gather3A_1571 = vector.shape_cast %broadcast_in_dim3A_1570 : vector<16x1xi32> to vector<16xi32>
        %gather3A_1572 = tpu.dynamic_gather %select_n3A_1569[%gather3A_1571] in [0] : vector<16xf32>, vector<16xi32> -> vector<16xf32>
        %add3A_1573 = arith.addf %select_n3A_1568, %gather3A_1572 : vector<16xf32>
        %select_n3A_1574 = arith.select %ne3A_50, %add3A_1567, %add3A_1561 : vector<16xi1>, vector<16xf32>
        %select_n3A_1575 = arith.select %ne3A_50, %add3A_1561, %add3A_1567 : vector<16xi1>, vector<16xf32>
        %broadcast_in_dim3A_1576 = vector.shape_cast %xor3A_31 : vector<16xi32> to vector<16x1xi32>
        %gather3A_1577 = vector.shape_cast %broadcast_in_dim3A_1576 : vector<16x1xi32> to vector<16xi32>
        %gather3A_1578 = tpu.dynamic_gather %select_n3A_1575[%gather3A_1577] in [0] : vector<16xf32>, vector<16xi32> -> vector<16xf32>
        %add3A_1579 = arith.addf %select_n3A_1574, %gather3A_1578 : vector<16xf32>
        %select_n3A_1580 = arith.select %ne3A_56, %add3A_1579, %add3A_1573 : vector<16xi1>, vector<16xf32>
        %select_n3A_1581 = arith.select %ne3A_56, %add3A_1573, %add3A_1579 : vector<16xi1>, vector<16xf32>
        %broadcast_in_dim3A_1582 = vector.shape_cast %xor3A_34 : vector<16xi32> to vector<16x1xi32>
        %gather3A_1583 = vector.shape_cast %broadcast_in_dim3A_1582 : vector<16x1xi32> to vector<16xi32>
        %gather3A_1584 = tpu.dynamic_gather %select_n3A_1581[%gather3A_1583] in [0] : vector<16xf32>, vector<16xi32> -> vector<16xf32>
        %add3A_1585 = arith.addf %select_n3A_1580, %gather3A_1584 : vector<16xf32>
        %select_n3A_1586 = arith.select %ne3A_38, %neg3A_1412, %neg3A_1384 : vector<16xi1>, vector<16xf32>
        %select_n3A_1587 = arith.select %ne3A_38, %neg3A_1384, %neg3A_1412 : vector<16xi1>, vector<16xf32>
        %broadcast_in_dim3A_1588 = vector.shape_cast %xor3A_25 : vector<16xi32> to vector<16x1xi32>
        %gather3A_1589 = vector.shape_cast %broadcast_in_dim3A_1588 : vector<16x1xi32> to vector<16xi32>
        %gather3A_1590 = tpu.dynamic_gather %select_n3A_1587[%gather3A_1589] in [0] : vector<16xf32>, vector<16xi32> -> vector<16xf32>
        %add3A_1591 = arith.addf %select_n3A_1586, %gather3A_1590 : vector<16xf32>
        %select_n3A_1592 = arith.select %ne3A_38, %neg3A_1468, %neg3A_1440 : vector<16xi1>, vector<16xf32>
        %select_n3A_1593 = arith.select %ne3A_38, %neg3A_1440, %neg3A_1468 : vector<16xi1>, vector<16xf32>
        %broadcast_in_dim3A_1594 = vector.shape_cast %xor3A_25 : vector<16xi32> to vector<16x1xi32>
        %gather3A_1595 = vector.shape_cast %broadcast_in_dim3A_1594 : vector<16x1xi32> to vector<16xi32>
        %gather3A_1596 = tpu.dynamic_gather %select_n3A_1593[%gather3A_1595] in [0] : vector<16xf32>, vector<16xi32> -> vector<16xf32>
        %add3A_1597 = arith.addf %select_n3A_1592, %gather3A_1596 : vector<16xf32>
        %select_n3A_1598 = arith.select %ne3A_38, %broadcast_in_dim3A_1497, %neg3A_1496 : vector<16xi1>, vector<16xf32>
        %select_n3A_1599 = arith.select %ne3A_38, %neg3A_1496, %broadcast_in_dim3A_1497 : vector<16xi1>, vector<16xf32>
        %broadcast_in_dim3A_1600 = vector.shape_cast %xor3A_25 : vector<16xi32> to vector<16x1xi32>
        %gather3A_1601 = vector.shape_cast %broadcast_in_dim3A_1600 : vector<16x1xi32> to vector<16xi32>
        %gather3A_1602 = tpu.dynamic_gather %select_n3A_1599[%gather3A_1601] in [0] : vector<16xf32>, vector<16xi32> -> vector<16xf32>
        %add3A_1603 = arith.addf %select_n3A_1598, %gather3A_1602 : vector<16xf32>
        %select_n3A_1604 = arith.select %ne3A_38, %broadcast_in_dim3A_1497, %broadcast_in_dim3A_1497 : vector<16xi1>, vector<16xf32>
        %select_n3A_1605 = arith.select %ne3A_38, %broadcast_in_dim3A_1497, %broadcast_in_dim3A_1497 : vector<16xi1>, vector<16xf32>
        %broadcast_in_dim3A_1606 = vector.shape_cast %xor3A_25 : vector<16xi32> to vector<16x1xi32>
        %gather3A_1607 = vector.shape_cast %broadcast_in_dim3A_1606 : vector<16x1xi32> to vector<16xi32>
        %gather3A_1608 = tpu.dynamic_gather %select_n3A_1605[%gather3A_1607] in [0] : vector<16xf32>, vector<16xi32> -> vector<16xf32>
        %add3A_1609 = arith.addf %select_n3A_1604, %gather3A_1608 : vector<16xf32>
        %select_n3A_1610 = arith.select %ne3A_38, %broadcast_in_dim3A_1497, %broadcast_in_dim3A_1497 : vector<16xi1>, vector<16xf32>
        %select_n3A_1611 = arith.select %ne3A_38, %broadcast_in_dim3A_1497, %broadcast_in_dim3A_1497 : vector<16xi1>, vector<16xf32>
        %broadcast_in_dim3A_1612 = vector.shape_cast %xor3A_25 : vector<16xi32> to vector<16x1xi32>
        %gather3A_1613 = vector.shape_cast %broadcast_in_dim3A_1612 : vector<16x1xi32> to vector<16xi32>
        %gather3A_1614 = tpu.dynamic_gather %select_n3A_1611[%gather3A_1613] in [0] : vector<16xf32>, vector<16xi32> -> vector<16xf32>
        %add3A_1615 = arith.addf %select_n3A_1610, %gather3A_1614 : vector<16xf32>
        %select_n3A_1616 = arith.select %ne3A_38, %broadcast_in_dim3A_1497, %broadcast_in_dim3A_1497 : vector<16xi1>, vector<16xf32>
        %select_n3A_1617 = arith.select %ne3A_38, %broadcast_in_dim3A_1497, %broadcast_in_dim3A_1497 : vector<16xi1>, vector<16xf32>
        %broadcast_in_dim3A_1618 = vector.shape_cast %xor3A_25 : vector<16xi32> to vector<16x1xi32>
        %gather3A_1619 = vector.shape_cast %broadcast_in_dim3A_1618 : vector<16x1xi32> to vector<16xi32>
        %gather3A_1620 = tpu.dynamic_gather %select_n3A_1617[%gather3A_1619] in [0] : vector<16xf32>, vector<16xi32> -> vector<16xf32>
        %add3A_1621 = arith.addf %select_n3A_1616, %gather3A_1620 : vector<16xf32>
        %select_n3A_1622 = arith.select %ne3A_38, %broadcast_in_dim3A_1497, %broadcast_in_dim3A_1497 : vector<16xi1>, vector<16xf32>
        %select_n3A_1623 = arith.select %ne3A_38, %broadcast_in_dim3A_1497, %broadcast_in_dim3A_1497 : vector<16xi1>, vector<16xf32>
        %broadcast_in_dim3A_1624 = vector.shape_cast %xor3A_25 : vector<16xi32> to vector<16x1xi32>
        %gather3A_1625 = vector.shape_cast %broadcast_in_dim3A_1624 : vector<16x1xi32> to vector<16xi32>
        %gather3A_1626 = tpu.dynamic_gather %select_n3A_1623[%gather3A_1625] in [0] : vector<16xf32>, vector<16xi32> -> vector<16xf32>
        %add3A_1627 = arith.addf %select_n3A_1622, %gather3A_1626 : vector<16xf32>
        %select_n3A_1628 = arith.select %ne3A_38, %broadcast_in_dim3A_1497, %broadcast_in_dim3A_1497 : vector<16xi1>, vector<16xf32>
        %select_n3A_1629 = arith.select %ne3A_38, %broadcast_in_dim3A_1497, %broadcast_in_dim3A_1497 : vector<16xi1>, vector<16xf32>
        %broadcast_in_dim3A_1630 = vector.shape_cast %xor3A_25 : vector<16xi32> to vector<16x1xi32>
        %gather3A_1631 = vector.shape_cast %broadcast_in_dim3A_1630 : vector<16x1xi32> to vector<16xi32>
        %gather3A_1632 = tpu.dynamic_gather %select_n3A_1629[%gather3A_1631] in [0] : vector<16xf32>, vector<16xi32> -> vector<16xf32>
        %add3A_1633 = arith.addf %select_n3A_1628, %gather3A_1632 : vector<16xf32>
        %select_n3A_1634 = arith.select %ne3A_44, %add3A_1597, %add3A_1591 : vector<16xi1>, vector<16xf32>
        %select_n3A_1635 = arith.select %ne3A_44, %add3A_1591, %add3A_1597 : vector<16xi1>, vector<16xf32>
        %broadcast_in_dim3A_1636 = vector.shape_cast %xor3A_28 : vector<16xi32> to vector<16x1xi32>
        %gather3A_1637 = vector.shape_cast %broadcast_in_dim3A_1636 : vector<16x1xi32> to vector<16xi32>
        %gather3A_1638 = tpu.dynamic_gather %select_n3A_1635[%gather3A_1637] in [0] : vector<16xf32>, vector<16xi32> -> vector<16xf32>
        %add3A_1639 = arith.addf %select_n3A_1634, %gather3A_1638 : vector<16xf32>
        %select_n3A_1640 = arith.select %ne3A_44, %add3A_1609, %add3A_1603 : vector<16xi1>, vector<16xf32>
        %select_n3A_1641 = arith.select %ne3A_44, %add3A_1603, %add3A_1609 : vector<16xi1>, vector<16xf32>
        %broadcast_in_dim3A_1642 = vector.shape_cast %xor3A_28 : vector<16xi32> to vector<16x1xi32>
        %gather3A_1643 = vector.shape_cast %broadcast_in_dim3A_1642 : vector<16x1xi32> to vector<16xi32>
        %gather3A_1644 = tpu.dynamic_gather %select_n3A_1641[%gather3A_1643] in [0] : vector<16xf32>, vector<16xi32> -> vector<16xf32>
        %add3A_1645 = arith.addf %select_n3A_1640, %gather3A_1644 : vector<16xf32>
        %select_n3A_1646 = arith.select %ne3A_44, %add3A_1621, %add3A_1615 : vector<16xi1>, vector<16xf32>
        %select_n3A_1647 = arith.select %ne3A_44, %add3A_1615, %add3A_1621 : vector<16xi1>, vector<16xf32>
        %broadcast_in_dim3A_1648 = vector.shape_cast %xor3A_28 : vector<16xi32> to vector<16x1xi32>
        %gather3A_1649 = vector.shape_cast %broadcast_in_dim3A_1648 : vector<16x1xi32> to vector<16xi32>
        %gather3A_1650 = tpu.dynamic_gather %select_n3A_1647[%gather3A_1649] in [0] : vector<16xf32>, vector<16xi32> -> vector<16xf32>
        %add3A_1651 = arith.addf %select_n3A_1646, %gather3A_1650 : vector<16xf32>
        %select_n3A_1652 = arith.select %ne3A_44, %add3A_1633, %add3A_1627 : vector<16xi1>, vector<16xf32>
        %select_n3A_1653 = arith.select %ne3A_44, %add3A_1627, %add3A_1633 : vector<16xi1>, vector<16xf32>
        %broadcast_in_dim3A_1654 = vector.shape_cast %xor3A_28 : vector<16xi32> to vector<16x1xi32>
        %gather3A_1655 = vector.shape_cast %broadcast_in_dim3A_1654 : vector<16x1xi32> to vector<16xi32>
        %gather3A_1656 = tpu.dynamic_gather %select_n3A_1653[%gather3A_1655] in [0] : vector<16xf32>, vector<16xi32> -> vector<16xf32>
        %add3A_1657 = arith.addf %select_n3A_1652, %gather3A_1656 : vector<16xf32>
        %select_n3A_1658 = arith.select %ne3A_50, %add3A_1645, %add3A_1639 : vector<16xi1>, vector<16xf32>
        %select_n3A_1659 = arith.select %ne3A_50, %add3A_1639, %add3A_1645 : vector<16xi1>, vector<16xf32>
        %broadcast_in_dim3A_1660 = vector.shape_cast %xor3A_31 : vector<16xi32> to vector<16x1xi32>
        %gather3A_1661 = vector.shape_cast %broadcast_in_dim3A_1660 : vector<16x1xi32> to vector<16xi32>
        %gather3A_1662 = tpu.dynamic_gather %select_n3A_1659[%gather3A_1661] in [0] : vector<16xf32>, vector<16xi32> -> vector<16xf32>
        %add3A_1663 = arith.addf %select_n3A_1658, %gather3A_1662 : vector<16xf32>
        %select_n3A_1664 = arith.select %ne3A_50, %add3A_1657, %add3A_1651 : vector<16xi1>, vector<16xf32>
        %select_n3A_1665 = arith.select %ne3A_50, %add3A_1651, %add3A_1657 : vector<16xi1>, vector<16xf32>
        %broadcast_in_dim3A_1666 = vector.shape_cast %xor3A_31 : vector<16xi32> to vector<16x1xi32>
        %gather3A_1667 = vector.shape_cast %broadcast_in_dim3A_1666 : vector<16x1xi32> to vector<16xi32>
        %gather3A_1668 = tpu.dynamic_gather %select_n3A_1665[%gather3A_1667] in [0] : vector<16xf32>, vector<16xi32> -> vector<16xf32>
        %add3A_1669 = arith.addf %select_n3A_1664, %gather3A_1668 : vector<16xf32>
        %select_n3A_1670 = arith.select %ne3A_56, %add3A_1669, %add3A_1663 : vector<16xi1>, vector<16xf32>
        %select_n3A_1671 = arith.select %ne3A_56, %add3A_1663, %add3A_1669 : vector<16xi1>, vector<16xf32>
        %broadcast_in_dim3A_1672 = vector.shape_cast %xor3A_34 : vector<16xi32> to vector<16x1xi32>
        %gather3A_1673 = vector.shape_cast %broadcast_in_dim3A_1672 : vector<16x1xi32> to vector<16xi32>
        %gather3A_1674 = tpu.dynamic_gather %select_n3A_1671[%gather3A_1673] in [0] : vector<16xf32>, vector<16xi32> -> vector<16xf32>
        %add3A_1675 = arith.addf %select_n3A_1670, %gather3A_1674 : vector<16xf32>
        %mul3A_1676 = arith.constant 16 : i32
        %mul3A_1677 = arith.muli %mul3A_172, %mul3A_1676 : i32
        %add3A_1678 = arith.addi %mul3A_1677, %scan3A_353 : i32
        %mul3A_1679 = arith.constant 32 : i32
        %mul3A_1680 = arith.muli %add3A_1678, %mul3A_1679 : i32
        %swap3A = arith.index_cast %mul3A_1680 : i32 to index
        %swap3A_1681 = tpu.vector_load %arg17[%swap3A] {strides = array<i32>} : memref<16384xf32, #tpu.memory_space<vmem>>, vector<16xf32>,
        %swap3A_1682 = vector.shape_cast %swap3A_1681 : vector<16xf32> to vector<16xf32>
        %swap3A_1683 = vector.shape_cast %add3A_1585 : vector<16xf32> to vector<16xf32>
        tpu.vector_store %arg17[%swap3A], %swap3A_1683 {strides = array<i32>} : memref<16384xf32, #tpu.memory_space<vmem>>, vector<16xf32>,
        %add3A_1684 = arith.constant 16 : i32
        %add3A_1685 = arith.addi %mul3A_1680, %add3A_1684 : i32
        %swap3A_1686 = arith.index_cast %add3A_1685 : i32 to index
        %swap3A_1687 = tpu.vector_load %arg17[%swap3A_1686] {strides = array<i32>} : memref<16384xf32, #tpu.memory_space<vmem>>, vector<16xf32>,
        %swap3A_1688 = vector.shape_cast %swap3A_1687 : vector<16xf32> to vector<16xf32>
        %swap3A_1689 = vector.shape_cast %add3A_1675 : vector<16xf32> to vector<16xf32>
        tpu.vector_store %arg17[%swap3A_1686], %swap3A_1689 {strides = array<i32>} : memref<16384xf32, #tpu.memory_space<vmem>>, vector<16xf32>,
      }
      %scan3A_255 = arith.constant 16 : i32
      %add3A_256 = arith.constant 2 : i32
      %add3A_257 = arith.addi %mul3A_172, %add3A_256 : i32
      %lt3A = arith.constant 32 : i32
      %lt3A_258 = arith.cmpi slt, %add3A_257, %lt3A : i32
      %convert_element_type3A = arith.extui %lt3A_258 : i1 to i32
      %cond3A = arith.constant 0 : i32
      %cond3A_259 = arith.cmpi ne, %convert_element_type3A, %cond3A : i32
      scf.if %cond3A_259 {
        %add3A_353 = arith.constant 2 : i32
        %add3A_354 = arith.addi %mul3A_172, %add3A_353 : i32
        %mul3A_355 = arith.constant 320 : i32
        %mul3A_356 = arith.muli %add3A_354, %mul3A_355 : i32
        %dma_start3A_357 = arith.constant 0 : i32
        %dma_start3A_358 = arith.constant 0 : i32
        %dma_start3A_359 = tpu.memref_slice %arg11[%dma_start3A_357, %dma_start3A_358] : memref<320x64xf32, #tpu.memory_space<vmem>> -> memref<128x64xf32, #tpu.memory_space<vmem>>
        %dma_start3A_360 = tpu.memref_slice %arg8[%mul3A_356] : memref<10240xi32, #tpu.memory_space<vmem>> -> memref<128xi32, #tpu.memory_space<vmem>>
        %dma_start3A_361 = arith.constant 0 : i32
        %dma_start3A_362 = arith.constant 0 : i32
        %dma_start3A_363 = tpu.memref_slice %arg5[%dma_start3A_361, %dma_start3A_362] : memref<1007616x64xf32, #tpu.memory_space<hbm>> -> memref<1007616x64xf32, #tpu.memory_space<hbm>>
        tpu.enqueue_indirect_dma source(%dma_start3A_363 : memref<1007616x64xf32, #tpu.memory_space<hbm>>) target(%dma_start3A_359 : memref<128x64xf32, #tpu.memory_space<vmem>>) offsets(%dma_start3A_360 : memref<128xi32, #tpu.memory_space<vmem>>) semaphore(%arg18 : memref<!tpu.dma_semaphore, #tpu.memory_space<semaphore_mem>>)
        %add3A_364 = arith.constant 128 : i32
        %add3A_365 = arith.addi %mul3A_356, %add3A_364 : i32
        %dma_start3A_366 = arith.constant 128 : i32
        %dma_start3A_367 = arith.constant 0 : i32
        %dma_start3A_368 = tpu.memref_slice %arg11[%dma_start3A_366, %dma_start3A_367] : memref<320x64xf32, #tpu.memory_space<vmem>> -> memref<128x64xf32, #tpu.memory_space<vmem>>
        %dma_start3A_369 = tpu.memref_slice %arg8[%add3A_365] : memref<10240xi32, #tpu.memory_space<vmem>> -> memref<128xi32, #tpu.memory_space<vmem>>
        %dma_start3A_370 = arith.constant 0 : i32
        %dma_start3A_371 = arith.constant 0 : i32
        %dma_start3A_372 = tpu.memref_slice %arg5[%dma_start3A_370, %dma_start3A_371] : memref<1007616x64xf32, #tpu.memory_space<hbm>> -> memref<1007616x64xf32, #tpu.memory_space<hbm>>
        tpu.enqueue_indirect_dma source(%dma_start3A_372 : memref<1007616x64xf32, #tpu.memory_space<hbm>>) target(%dma_start3A_368 : memref<128x64xf32, #tpu.memory_space<vmem>>) offsets(%dma_start3A_369 : memref<128xi32, #tpu.memory_space<vmem>>) semaphore(%arg18 : memref<!tpu.dma_semaphore, #tpu.memory_space<semaphore_mem>>)
        %add3A_373 = arith.constant 256 : i32
        %add3A_374 = arith.addi %mul3A_356, %add3A_373 : i32
        %dma_start3A_375 = arith.constant 256 : i32
        %dma_start3A_376 = arith.constant 0 : i32
        %dma_start3A_377 = tpu.memref_slice %arg11[%dma_start3A_375, %dma_start3A_376] : memref<320x64xf32, #tpu.memory_space<vmem>> -> memref<64x64xf32, #tpu.memory_space<vmem>>
        %dma_start3A_378 = tpu.memref_slice %arg8[%add3A_374] : memref<10240xi32, #tpu.memory_space<vmem>> -> memref<64xi32, #tpu.memory_space<vmem>>
        %dma_start3A_379 = arith.constant 0 : i32
        %dma_start3A_380 = arith.constant 0 : i32
        %dma_start3A_381 = tpu.memref_slice %arg5[%dma_start3A_379, %dma_start3A_380] : memref<1007616x64xf32, #tpu.memory_space<hbm>> -> memref<1007616x64xf32, #tpu.memory_space<hbm>>
        tpu.enqueue_indirect_dma source(%dma_start3A_381 : memref<1007616x64xf32, #tpu.memory_space<hbm>>) target(%dma_start3A_377 : memref<64x64xf32, #tpu.memory_space<vmem>>) offsets(%dma_start3A_378 : memref<64xi32, #tpu.memory_space<vmem>>) semaphore(%arg18 : memref<!tpu.dma_semaphore, #tpu.memory_space<semaphore_mem>>)
        %mul3A_382 = arith.constant 16 : i32
        %mul3A_383 = arith.muli %add3A_354, %mul3A_382 : i32
        %dma_start3A_384 = tpu.memref_slice %arg10[%mul3A_383] : memref<512xi32, #tpu.memory_space<vmem>> -> memref<16xi32, #tpu.memory_space<vmem>>
        %dma_start3A_385 = arith.constant 0 : i32
        %dma_start3A_386 = arith.constant 0 : i32
        %dma_start3A_387 = tpu.memref_slice %arg6[%dma_start3A_385, %dma_start3A_386] : memref<1007616x64xf32, #tpu.memory_space<hbm>> -> memref<1007616x64xf32, #tpu.memory_space<hbm>>
        tpu.enqueue_indirect_dma source(%dma_start3A_387 : memref<1007616x64xf32, #tpu.memory_space<hbm>>) target(%arg13 : memref<16x64xf32, #tpu.memory_space<vmem>>) offsets(%dma_start3A_384 : memref<16xi32, #tpu.memory_space<vmem>>) semaphore(%arg18 : memref<!tpu.dma_semaphore, #tpu.memory_space<semaphore_mem>>)
        %mul3A_388 = arith.constant 320 : i32
        %mul3A_389 = arith.muli %add3A_354, %mul3A_388 : i32
        %dma_start3A_390 = arith.constant 0 : i32
        %dma_start3A_391 = arith.constant 0 : i32
        %dma_start3A_392 = tpu.memref_slice %arg15[%dma_start3A_390, %dma_start3A_391] : memref<320x64xf32, #tpu.memory_space<vmem>> -> memref<128x64xf32, #tpu.memory_space<vmem>>
        %dma_start3A_393 = tpu.memref_slice %arg9[%mul3A_389] : memref<10240xi32, #tpu.memory_space<vmem>> -> memref<128xi32, #tpu.memory_space<vmem>>
        %dma_start3A_394 = arith.constant 0 : i32
        %dma_start3A_395 = arith.constant 0 : i32
        %dma_start3A_396 = tpu.memref_slice %arg6[%dma_start3A_394, %dma_start3A_395] : memref<1007616x64xf32, #tpu.memory_space<hbm>> -> memref<1007616x64xf32, #tpu.memory_space<hbm>>
        tpu.enqueue_indirect_dma source(%dma_start3A_396 : memref<1007616x64xf32, #tpu.memory_space<hbm>>) target(%dma_start3A_392 : memref<128x64xf32, #tpu.memory_space<vmem>>) offsets(%dma_start3A_393 : memref<128xi32, #tpu.memory_space<vmem>>) semaphore(%arg18 : memref<!tpu.dma_semaphore, #tpu.memory_space<semaphore_mem>>)
        %add3A_397 = arith.constant 128 : i32
        %add3A_398 = arith.addi %mul3A_389, %add3A_397 : i32
        %dma_start3A_399 = arith.constant 128 : i32
        %dma_start3A_400 = arith.constant 0 : i32
        %dma_start3A_401 = tpu.memref_slice %arg15[%dma_start3A_399, %dma_start3A_400] : memref<320x64xf32, #tpu.memory_space<vmem>> -> memref<128x64xf32, #tpu.memory_space<vmem>>
        %dma_start3A_402 = tpu.memref_slice %arg9[%add3A_398] : memref<10240xi32, #tpu.memory_space<vmem>> -> memref<128xi32, #tpu.memory_space<vmem>>
        %dma_start3A_403 = arith.constant 0 : i32
        %dma_start3A_404 = arith.constant 0 : i32
        %dma_start3A_405 = tpu.memref_slice %arg6[%dma_start3A_403, %dma_start3A_404] : memref<1007616x64xf32, #tpu.memory_space<hbm>> -> memref<1007616x64xf32, #tpu.memory_space<hbm>>
        tpu.enqueue_indirect_dma source(%dma_start3A_405 : memref<1007616x64xf32, #tpu.memory_space<hbm>>) target(%dma_start3A_401 : memref<128x64xf32, #tpu.memory_space<vmem>>) offsets(%dma_start3A_402 : memref<128xi32, #tpu.memory_space<vmem>>) semaphore(%arg18 : memref<!tpu.dma_semaphore, #tpu.memory_space<semaphore_mem>>)
        %add3A_406 = arith.constant 256 : i32
        %add3A_407 = arith.addi %mul3A_389, %add3A_406 : i32
        %dma_start3A_408 = arith.constant 256 : i32
        %dma_start3A_409 = arith.constant 0 : i32
        %dma_start3A_410 = tpu.memref_slice %arg15[%dma_start3A_408, %dma_start3A_409] : memref<320x64xf32, #tpu.memory_space<vmem>> -> memref<64x64xf32, #tpu.memory_space<vmem>>
        %dma_start3A_411 = tpu.memref_slice %arg9[%add3A_407] : memref<10240xi32, #tpu.memory_space<vmem>> -> memref<64xi32, #tpu.memory_space<vmem>>
        %dma_start3A_412 = arith.constant 0 : i32
        %dma_start3A_413 = arith.constant 0 : i32
        %dma_start3A_414 = tpu.memref_slice %arg6[%dma_start3A_412, %dma_start3A_413] : memref<1007616x64xf32, #tpu.memory_space<hbm>> -> memref<1007616x64xf32, #tpu.memory_space<hbm>>
        tpu.enqueue_indirect_dma source(%dma_start3A_414 : memref<1007616x64xf32, #tpu.memory_space<hbm>>) target(%dma_start3A_410 : memref<64x64xf32, #tpu.memory_space<vmem>>) offsets(%dma_start3A_411 : memref<64xi32, #tpu.memory_space<vmem>>) semaphore(%arg18 : memref<!tpu.dma_semaphore, #tpu.memory_space<semaphore_mem>>)
      } else {
      }
      %add3A_260 = arith.constant 1 : i32
      %add3A_261 = arith.addi %mul3A_172, %add3A_260 : i32
      %dma_wait3A_262 = arith.constant 0 : i32
      %dma_wait3A_263 = arith.constant 0 : i32
      %dma_wait3A_264 = tpu.memref_slice %arg12[%dma_wait3A_262, %dma_wait3A_263] : memref<320x64xf32, #tpu.memory_space<vmem>> -> memref<128x64xf32, #tpu.memory_space<vmem>>
      %dma_wait3A_265 = arith.constant 0 : i32
      %dma_wait3A_266 = arith.constant 0 : i32
      %dma_wait3A_267 = tpu.memref_slice %arg5[%dma_wait3A_265, %dma_wait3A_266] : memref<1007616x64xf32, #tpu.memory_space<hbm>> -> memref<128x64xf32, #tpu.memory_space<hbm>>
      %dma_wait3A_268 = arith.constant 0 : i32
      %dma_wait3A_269 = arith.constant 0 : i32
      %dma_wait3A_270 = tpu.memref_slice %arg12[%dma_wait3A_268, %dma_wait3A_269] : memref<320x64xf32, #tpu.memory_space<vmem>> -> memref<128x64xf32, #tpu.memory_space<vmem>>
      %dma_wait3A_271 = arith.constant 0 : i32
      %dma_wait3A_272 = arith.constant 0 : i32
      %dma_wait3A_273 = tpu.memref_slice %arg5[%dma_wait3A_271, %dma_wait3A_272] : memref<1007616x64xf32, #tpu.memory_space<hbm>> -> memref<128x64xf32, #tpu.memory_space<hbm>>
      tpu.wait_dma2 semaphore(%arg19 : memref<!tpu.dma_semaphore, #tpu.memory_space<semaphore_mem>>) src(%dma_wait3A_273 : memref<128x64xf32, #tpu.memory_space<hbm>>) dst(%dma_wait3A_270 : memref<128x64xf32, #tpu.memory_space<vmem>>)
      %dma_wait3A_274 = arith.constant 128 : i32
      %dma_wait3A_275 = arith.constant 0 : i32
      %dma_wait3A_276 = tpu.memref_slice %arg12[%dma_wait3A_274, %dma_wait3A_275] : memref<320x64xf32, #tpu.memory_space<vmem>> -> memref<128x64xf32, #tpu.memory_space<vmem>>
      %dma_wait3A_277 = arith.constant 0 : i32
      %dma_wait3A_278 = arith.constant 0 : i32
      %dma_wait3A_279 = tpu.memref_slice %arg5[%dma_wait3A_277, %dma_wait3A_278] : memref<1007616x64xf32, #tpu.memory_space<hbm>> -> memref<128x64xf32, #tpu.memory_space<hbm>>
      %dma_wait3A_280 = arith.constant 128 : i32
      %dma_wait3A_281 = arith.constant 0 : i32
      %dma_wait3A_282 = tpu.memref_slice %arg12[%dma_wait3A_280, %dma_wait3A_281] : memref<320x64xf32, #tpu.memory_space<vmem>> -> memref<128x64xf32, #tpu.memory_space<vmem>>
      %dma_wait3A_283 = arith.constant 0 : i32
      %dma_wait3A_284 = arith.constant 0 : i32
      %dma_wait3A_285 = tpu.memref_slice %arg5[%dma_wait3A_283, %dma_wait3A_284] : memref<1007616x64xf32, #tpu.memory_space<hbm>> -> memref<128x64xf32, #tpu.memory_space<hbm>>
      tpu.wait_dma2 semaphore(%arg19 : memref<!tpu.dma_semaphore, #tpu.memory_space<semaphore_mem>>) src(%dma_wait3A_285 : memref<128x64xf32, #tpu.memory_space<hbm>>) dst(%dma_wait3A_282 : memref<128x64xf32, #tpu.memory_space<vmem>>)
      %dma_wait3A_286 = arith.constant 256 : i32
      %dma_wait3A_287 = arith.constant 0 : i32
      %dma_wait3A_288 = tpu.memref_slice %arg12[%dma_wait3A_286, %dma_wait3A_287] : memref<320x64xf32, #tpu.memory_space<vmem>> -> memref<64x64xf32, #tpu.memory_space<vmem>>
      %dma_wait3A_289 = arith.constant 0 : i32
      %dma_wait3A_290 = arith.constant 0 : i32
      %dma_wait3A_291 = tpu.memref_slice %arg5[%dma_wait3A_289, %dma_wait3A_290] : memref<1007616x64xf32, #tpu.memory_space<hbm>> -> memref<64x64xf32, #tpu.memory_space<hbm>>
      %dma_wait3A_292 = arith.constant 256 : i32
      %dma_wait3A_293 = arith.constant 0 : i32
      %dma_wait3A_294 = tpu.memref_slice %arg12[%dma_wait3A_292, %dma_wait3A_293] : memref<320x64xf32, #tpu.memory_space<vmem>> -> memref<64x64xf32, #tpu.memory_space<vmem>>
      %dma_wait3A_295 = arith.constant 0 : i32
      %dma_wait3A_296 = arith.constant 0 : i32
      %dma_wait3A_297 = tpu.memref_slice %arg5[%dma_wait3A_295, %dma_wait3A_296] : memref<1007616x64xf32, #tpu.memory_space<hbm>> -> memref<64x64xf32, #tpu.memory_space<hbm>>
      tpu.wait_dma2 semaphore(%arg19 : memref<!tpu.dma_semaphore, #tpu.memory_space<semaphore_mem>>) src(%dma_wait3A_297 : memref<64x64xf32, #tpu.memory_space<hbm>>) dst(%dma_wait3A_294 : memref<64x64xf32, #tpu.memory_space<vmem>>)
      %dma_wait3A_298 = arith.constant 0 : i32
      %dma_wait3A_299 = arith.constant 0 : i32
      %dma_wait3A_300 = tpu.memref_slice %arg6[%dma_wait3A_298, %dma_wait3A_299] : memref<1007616x64xf32, #tpu.memory_space<hbm>> -> memref<16x64xf32, #tpu.memory_space<hbm>>
      %dma_wait3A_301 = arith.constant 0 : i32
      %dma_wait3A_302 = arith.constant 0 : i32
      %dma_wait3A_303 = tpu.memref_slice %arg6[%dma_wait3A_301, %dma_wait3A_302] : memref<1007616x64xf32, #tpu.memory_space<hbm>> -> memref<16x64xf32, #tpu.memory_space<hbm>>
      tpu.wait_dma2 semaphore(%arg19 : memref<!tpu.dma_semaphore, #tpu.memory_space<semaphore_mem>>) src(%dma_wait3A_303 : memref<16x64xf32, #tpu.memory_space<hbm>>) dst(%arg14 : memref<16x64xf32, #tpu.memory_space<vmem>>)
      %dma_wait3A_304 = arith.constant 0 : i32
      %dma_wait3A_305 = arith.constant 0 : i32
      %dma_wait3A_306 = tpu.memref_slice %arg16[%dma_wait3A_304, %dma_wait3A_305] : memref<320x64xf32, #tpu.memory_space<vmem>> -> memref<128x64xf32, #tpu.memory_space<vmem>>
      %dma_wait3A_307 = arith.constant 0 : i32
      %dma_wait3A_308 = arith.constant 0 : i32
      %dma_wait3A_309 = tpu.memref_slice %arg6[%dma_wait3A_307, %dma_wait3A_308] : memref<1007616x64xf32, #tpu.memory_space<hbm>> -> memref<128x64xf32, #tpu.memory_space<hbm>>
      %dma_wait3A_310 = arith.constant 0 : i32
      %dma_wait3A_311 = arith.constant 0 : i32
      %dma_wait3A_312 = tpu.memref_slice %arg16[%dma_wait3A_310, %dma_wait3A_311] : memref<320x64xf32, #tpu.memory_space<vmem>> -> memref<128x64xf32, #tpu.memory_space<vmem>>
      %dma_wait3A_313 = arith.constant 0 : i32
      %dma_wait3A_314 = arith.constant 0 : i32
      %dma_wait3A_315 = tpu.memref_slice %arg6[%dma_wait3A_313, %dma_wait3A_314] : memref<1007616x64xf32, #tpu.memory_space<hbm>> -> memref<128x64xf32, #tpu.memory_space<hbm>>
      tpu.wait_dma2 semaphore(%arg19 : memref<!tpu.dma_semaphore, #tpu.memory_space<semaphore_mem>>) src(%dma_wait3A_315 : memref<128x64xf32, #tpu.memory_space<hbm>>) dst(%dma_wait3A_312 : memref<128x64xf32, #tpu.memory_space<vmem>>)
      %dma_wait3A_316 = arith.constant 128 : i32
      %dma_wait3A_317 = arith.constant 0 : i32
      %dma_wait3A_318 = tpu.memref_slice %arg16[%dma_wait3A_316, %dma_wait3A_317] : memref<320x64xf32, #tpu.memory_space<vmem>> -> memref<128x64xf32, #tpu.memory_space<vmem>>
      %dma_wait3A_319 = arith.constant 0 : i32
      %dma_wait3A_320 = arith.constant 0 : i32
      %dma_wait3A_321 = tpu.memref_slice %arg6[%dma_wait3A_319, %dma_wait3A_320] : memref<1007616x64xf32, #tpu.memory_space<hbm>> -> memref<128x64xf32, #tpu.memory_space<hbm>>
      %dma_wait3A_322 = arith.constant 128 : i32
      %dma_wait3A_323 = arith.constant 0 : i32
      %dma_wait3A_324 = tpu.memref_slice %arg16[%dma_wait3A_322, %dma_wait3A_323] : memref<320x64xf32, #tpu.memory_space<vmem>> -> memref<128x64xf32, #tpu.memory_space<vmem>>
      %dma_wait3A_325 = arith.constant 0 : i32
      %dma_wait3A_326 = arith.constant 0 : i32
      %dma_wait3A_327 = tpu.memref_slice %arg6[%dma_wait3A_325, %dma_wait3A_326] : memref<1007616x64xf32, #tpu.memory_space<hbm>> -> memref<128x64xf32, #tpu.memory_space<hbm>>
      tpu.wait_dma2 semaphore(%arg19 : memref<!tpu.dma_semaphore, #tpu.memory_space<semaphore_mem>>) src(%dma_wait3A_327 : memref<128x64xf32, #tpu.memory_space<hbm>>) dst(%dma_wait3A_324 : memref<128x64xf32, #tpu.memory_space<vmem>>)
      %dma_wait3A_328 = arith.constant 256 : i32
      %dma_wait3A_329 = arith.constant 0 : i32
      %dma_wait3A_330 = tpu.memref_slice %arg16[%dma_wait3A_328, %dma_wait3A_329] : memref<320x64xf32, #tpu.memory_space<vmem>> -> memref<64x64xf32, #tpu.memory_space<vmem>>
      %dma_wait3A_331 = arith.constant 0 : i32
      %dma_wait3A_332 = arith.constant 0 : i32
      %dma_wait3A_333 = tpu.memref_slice %arg6[%dma_wait3A_331, %dma_wait3A_332] : memref<1007616x64xf32, #tpu.memory_space<hbm>> -> memref<64x64xf32, #tpu.memory_space<hbm>>
      %dma_wait3A_334 = arith.constant 256 : i32
      %dma_wait3A_335 = arith.constant 0 : i32
      %dma_wait3A_336 = tpu.memref_slice %arg16[%dma_wait3A_334, %dma_wait3A_335] : memref<320x64xf32, #tpu.memory_space<vmem>> -> memref<64x64xf32, #tpu.memory_space<vmem>>
      %dma_wait3A_337 = arith.constant 0 : i32
      %dma_wait3A_338 = arith.constant 0 : i32
      %dma_wait3A_339 = tpu.memref_slice %arg6[%dma_wait3A_337, %dma_wait3A_338] : memref<1007616x64xf32, #tpu.memory_space<hbm>> -> memref<64x64xf32, #tpu.memory_space<hbm>>
      tpu.wait_dma2 semaphore(%arg19 : memref<!tpu.dma_semaphore, #tpu.memory_space<semaphore_mem>>) src(%dma_wait3A_339 : memref<64x64xf32, #tpu.memory_space<hbm>>) dst(%dma_wait3A_336 : memref<64x64xf32, #tpu.memory_space<vmem>>)
      %scan3A_340 = arith.constant 0 : i32
      %scan3A_341 = arith.constant 0 : i32
      %scan3A_342 = arith.constant 16 : i32
      %scan3A_343 = arith.addi %scan3A_341, %scan3A_342 : i32
      %scan3A_344 = arith.constant 1 : i32
      scf.for %scan3A_353 = %scan3A_341 to %scan3A_343 step %scan3A_344  : i32 {
        %mul3A_354 = arith.constant 20 : i32
        %mul3A_355 = arith.muli %scan3A_353, %mul3A_354 : i32
        %get3A = arith.index_cast %mul3A_355 : i32 to index
        %get3A_356 = arith.constant 0 : index
        %get3A_357 = tpu.vector_load %arg12[%get3A, %get3A_356] {strides = array<i32>} : memref<320x64xf32, #tpu.memory_space<vmem>>, vector<1x16xf32>,
        %get3A_358 = vector.shape_cast %get3A_357 : vector<1x16xf32> to vector<16xf32>
        %add3A_359 = arith.constant 1 : i32
        %add3A_360 = arith.addi %mul3A_355, %add3A_359 : i32
        %get3A_361 = arith.index_cast %add3A_360 : i32 to index
        %get3A_362 = arith.constant 0 : index
        %get3A_363 = tpu.vector_load %arg12[%get3A_361, %get3A_362] {strides = array<i32>} : memref<320x64xf32, #tpu.memory_space<vmem>>, vector<1x16xf32>,
        %get3A_364 = vector.shape_cast %get3A_363 : vector<1x16xf32> to vector<16xf32>
        %add3A_365 = arith.addf %get3A_358, %get3A_364 : vector<16xf32>
        %add3A_366 = arith.constant 2 : i32
        %add3A_367 = arith.addi %mul3A_355, %add3A_366 : i32
        %get3A_368 = arith.index_cast %add3A_367 : i32 to index
        %get3A_369 = arith.constant 0 : index
        %get3A_370 = tpu.vector_load %arg12[%get3A_368, %get3A_369] {strides = array<i32>} : memref<320x64xf32, #tpu.memory_space<vmem>>, vector<1x16xf32>,
        %get3A_371 = vector.shape_cast %get3A_370 : vector<1x16xf32> to vector<16xf32>
        %add3A_372 = arith.addf %add3A_365, %get3A_371 : vector<16xf32>
        %add3A_373 = arith.constant 3 : i32
        %add3A_374 = arith.addi %mul3A_355, %add3A_373 : i32
        %get3A_375 = arith.index_cast %add3A_374 : i32 to index
        %get3A_376 = arith.constant 0 : index
        %get3A_377 = tpu.vector_load %arg12[%get3A_375, %get3A_376] {strides = array<i32>} : memref<320x64xf32, #tpu.memory_space<vmem>>, vector<1x16xf32>,
        %get3A_378 = vector.shape_cast %get3A_377 : vector<1x16xf32> to vector<16xf32>
        %add3A_379 = arith.addf %add3A_372, %get3A_378 : vector<16xf32>
        %add3A_380 = arith.constant 4 : i32
        %add3A_381 = arith.addi %mul3A_355, %add3A_380 : i32
        %get3A_382 = arith.index_cast %add3A_381 : i32 to index
        %get3A_383 = arith.constant 0 : index
        %get3A_384 = tpu.vector_load %arg12[%get3A_382, %get3A_383] {strides = array<i32>} : memref<320x64xf32, #tpu.memory_space<vmem>>, vector<1x16xf32>,
        %get3A_385 = vector.shape_cast %get3A_384 : vector<1x16xf32> to vector<16xf32>
        %add3A_386 = arith.addf %add3A_379, %get3A_385 : vector<16xf32>
        %add3A_387 = arith.constant 5 : i32
        %add3A_388 = arith.addi %mul3A_355, %add3A_387 : i32
        %get3A_389 = arith.index_cast %add3A_388 : i32 to index
        %get3A_390 = arith.constant 0 : index
        %get3A_391 = tpu.vector_load %arg12[%get3A_389, %get3A_390] {strides = array<i32>} : memref<320x64xf32, #tpu.memory_space<vmem>>, vector<1x16xf32>,
        %get3A_392 = vector.shape_cast %get3A_391 : vector<1x16xf32> to vector<16xf32>
        %add3A_393 = arith.addf %add3A_386, %get3A_392 : vector<16xf32>
        %add3A_394 = arith.constant 6 : i32
        %add3A_395 = arith.addi %mul3A_355, %add3A_394 : i32
        %get3A_396 = arith.index_cast %add3A_395 : i32 to index
        %get3A_397 = arith.constant 0 : index
        %get3A_398 = tpu.vector_load %arg12[%get3A_396, %get3A_397] {strides = array<i32>} : memref<320x64xf32, #tpu.memory_space<vmem>>, vector<1x16xf32>,
        %get3A_399 = vector.shape_cast %get3A_398 : vector<1x16xf32> to vector<16xf32>
        %add3A_400 = arith.addf %add3A_393, %get3A_399 : vector<16xf32>
        %add3A_401 = arith.constant 7 : i32
        %add3A_402 = arith.addi %mul3A_355, %add3A_401 : i32
        %get3A_403 = arith.index_cast %add3A_402 : i32 to index
        %get3A_404 = arith.constant 0 : index
        %get3A_405 = tpu.vector_load %arg12[%get3A_403, %get3A_404] {strides = array<i32>} : memref<320x64xf32, #tpu.memory_space<vmem>>, vector<1x16xf32>,
        %get3A_406 = vector.shape_cast %get3A_405 : vector<1x16xf32> to vector<16xf32>
        %add3A_407 = arith.addf %add3A_400, %get3A_406 : vector<16xf32>
        %add3A_408 = arith.constant 8 : i32
        %add3A_409 = arith.addi %mul3A_355, %add3A_408 : i32
        %get3A_410 = arith.index_cast %add3A_409 : i32 to index
        %get3A_411 = arith.constant 0 : index
        %get3A_412 = tpu.vector_load %arg12[%get3A_410, %get3A_411] {strides = array<i32>} : memref<320x64xf32, #tpu.memory_space<vmem>>, vector<1x16xf32>,
        %get3A_413 = vector.shape_cast %get3A_412 : vector<1x16xf32> to vector<16xf32>
        %add3A_414 = arith.addf %add3A_407, %get3A_413 : vector<16xf32>
        %add3A_415 = arith.constant 9 : i32
        %add3A_416 = arith.addi %mul3A_355, %add3A_415 : i32
        %get3A_417 = arith.index_cast %add3A_416 : i32 to index
        %get3A_418 = arith.constant 0 : index
        %get3A_419 = tpu.vector_load %arg12[%get3A_417, %get3A_418] {strides = array<i32>} : memref<320x64xf32, #tpu.memory_space<vmem>>, vector<1x16xf32>,
        %get3A_420 = vector.shape_cast %get3A_419 : vector<1x16xf32> to vector<16xf32>
        %add3A_421 = arith.addf %add3A_414, %get3A_420 : vector<16xf32>
        %add3A_422 = arith.constant 10 : i32
        %add3A_423 = arith.addi %mul3A_355, %add3A_422 : i32
        %get3A_424 = arith.index_cast %add3A_423 : i32 to index
        %get3A_425 = arith.constant 0 : index
        %get3A_426 = tpu.vector_load %arg12[%get3A_424, %get3A_425] {strides = array<i32>} : memref<320x64xf32, #tpu.memory_space<vmem>>, vector<1x16xf32>,
        %get3A_427 = vector.shape_cast %get3A_426 : vector<1x16xf32> to vector<16xf32>
        %add3A_428 = arith.addf %add3A_421, %get3A_427 : vector<16xf32>
        %add3A_429 = arith.constant 11 : i32
        %add3A_430 = arith.addi %mul3A_355, %add3A_429 : i32
        %get3A_431 = arith.index_cast %add3A_430 : i32 to index
        %get3A_432 = arith.constant 0 : index
        %get3A_433 = tpu.vector_load %arg12[%get3A_431, %get3A_432] {strides = array<i32>} : memref<320x64xf32, #tpu.memory_space<vmem>>, vector<1x16xf32>,
        %get3A_434 = vector.shape_cast %get3A_433 : vector<1x16xf32> to vector<16xf32>
        %add3A_435 = arith.addf %add3A_428, %get3A_434 : vector<16xf32>
        %add3A_436 = arith.constant 12 : i32
        %add3A_437 = arith.addi %mul3A_355, %add3A_436 : i32
        %get3A_438 = arith.index_cast %add3A_437 : i32 to index
        %get3A_439 = arith.constant 0 : index
        %get3A_440 = tpu.vector_load %arg12[%get3A_438, %get3A_439] {strides = array<i32>} : memref<320x64xf32, #tpu.memory_space<vmem>>, vector<1x16xf32>,
        %get3A_441 = vector.shape_cast %get3A_440 : vector<1x16xf32> to vector<16xf32>
        %add3A_442 = arith.addf %add3A_435, %get3A_441 : vector<16xf32>
        %add3A_443 = arith.constant 13 : i32
        %add3A_444 = arith.addi %mul3A_355, %add3A_443 : i32
        %get3A_445 = arith.index_cast %add3A_444 : i32 to index
        %get3A_446 = arith.constant 0 : index
        %get3A_447 = tpu.vector_load %arg12[%get3A_445, %get3A_446] {strides = array<i32>} : memref<320x64xf32, #tpu.memory_space<vmem>>, vector<1x16xf32>,
        %get3A_448 = vector.shape_cast %get3A_447 : vector<1x16xf32> to vector<16xf32>
        %add3A_449 = arith.addf %add3A_442, %get3A_448 : vector<16xf32>
        %add3A_450 = arith.constant 14 : i32
        %add3A_451 = arith.addi %mul3A_355, %add3A_450 : i32
        %get3A_452 = arith.index_cast %add3A_451 : i32 to index
        %get3A_453 = arith.constant 0 : index
        %get3A_454 = tpu.vector_load %arg12[%get3A_452, %get3A_453] {strides = array<i32>} : memref<320x64xf32, #tpu.memory_space<vmem>>, vector<1x16xf32>,
        %get3A_455 = vector.shape_cast %get3A_454 : vector<1x16xf32> to vector<16xf32>
        %add3A_456 = arith.addf %add3A_449, %get3A_455 : vector<16xf32>
        %add3A_457 = arith.constant 15 : i32
        %add3A_458 = arith.addi %mul3A_355, %add3A_457 : i32
        %get3A_459 = arith.index_cast %add3A_458 : i32 to index
        %get3A_460 = arith.constant 0 : index
        %get3A_461 = tpu.vector_load %arg12[%get3A_459, %get3A_460] {strides = array<i32>} : memref<320x64xf32, #tpu.memory_space<vmem>>, vector<1x16xf32>,
        %get3A_462 = vector.shape_cast %get3A_461 : vector<1x16xf32> to vector<16xf32>
        %add3A_463 = arith.addf %add3A_456, %get3A_462 : vector<16xf32>
        %add3A_464 = arith.constant 16 : i32
        %add3A_465 = arith.addi %mul3A_355, %add3A_464 : i32
        %get3A_466 = arith.index_cast %add3A_465 : i32 to index
        %get3A_467 = arith.constant 0 : index
        %get3A_468 = tpu.vector_load %arg12[%get3A_466, %get3A_467] {strides = array<i32>} : memref<320x64xf32, #tpu.memory_space<vmem>>, vector<1x16xf32>,
        %get3A_469 = vector.shape_cast %get3A_468 : vector<1x16xf32> to vector<16xf32>
        %add3A_470 = arith.addf %add3A_463, %get3A_469 : vector<16xf32>
        %add3A_471 = arith.constant 17 : i32
        %add3A_472 = arith.addi %mul3A_355, %add3A_471 : i32
        %get3A_473 = arith.index_cast %add3A_472 : i32 to index
        %get3A_474 = arith.constant 0 : index
        %get3A_475 = tpu.vector_load %arg12[%get3A_473, %get3A_474] {strides = array<i32>} : memref<320x64xf32, #tpu.memory_space<vmem>>, vector<1x16xf32>,
        %get3A_476 = vector.shape_cast %get3A_475 : vector<1x16xf32> to vector<16xf32>
        %add3A_477 = arith.addf %add3A_470, %get3A_476 : vector<16xf32>
        %add3A_478 = arith.constant 18 : i32
        %add3A_479 = arith.addi %mul3A_355, %add3A_478 : i32
        %get3A_480 = arith.index_cast %add3A_479 : i32 to index
        %get3A_481 = arith.constant 0 : index
        %get3A_482 = tpu.vector_load %arg12[%get3A_480, %get3A_481] {strides = array<i32>} : memref<320x64xf32, #tpu.memory_space<vmem>>, vector<1x16xf32>,
        %get3A_483 = vector.shape_cast %get3A_482 : vector<1x16xf32> to vector<16xf32>
        %add3A_484 = arith.addf %add3A_477, %get3A_483 : vector<16xf32>
        %add3A_485 = arith.constant 19 : i32
        %add3A_486 = arith.addi %mul3A_355, %add3A_485 : i32
        %get3A_487 = arith.index_cast %add3A_486 : i32 to index
        %get3A_488 = arith.constant 0 : index
        %get3A_489 = tpu.vector_load %arg12[%get3A_487, %get3A_488] {strides = array<i32>} : memref<320x64xf32, #tpu.memory_space<vmem>>, vector<1x16xf32>,
        %get3A_490 = vector.shape_cast %get3A_489 : vector<1x16xf32> to vector<16xf32>
        %add3A_491 = arith.addf %add3A_484, %get3A_490 : vector<16xf32>
        %mul3A_492 = arith.constant 5.000000e-02 : f32
        %mul3A_493 = vector.broadcast %mul3A_492 : f32 to vector<16xf32>
        %mul3A_494 = arith.mulf %add3A_491, %mul3A_493 : vector<16xf32>
        %get3A_495 = arith.index_cast %mul3A_355 : i32 to index
        %get3A_496 = arith.constant 16 : index
        %get3A_497 = tpu.vector_load %arg12[%get3A_495, %get3A_496] {strides = array<i32>} : memref<320x64xf32, #tpu.memory_space<vmem>>, vector<1x16xf32>,
        %get3A_498 = vector.shape_cast %get3A_497 : vector<1x16xf32> to vector<16xf32>
        %add3A_499 = arith.constant 1 : i32
        %add3A_500 = arith.addi %mul3A_355, %add3A_499 : i32
        %get3A_501 = arith.index_cast %add3A_500 : i32 to index
        %get3A_502 = arith.constant 16 : index
        %get3A_503 = tpu.vector_load %arg12[%get3A_501, %get3A_502] {strides = array<i32>} : memref<320x64xf32, #tpu.memory_space<vmem>>, vector<1x16xf32>,
        %get3A_504 = vector.shape_cast %get3A_503 : vector<1x16xf32> to vector<16xf32>
        %add3A_505 = arith.addf %get3A_498, %get3A_504 : vector<16xf32>
        %add3A_506 = arith.constant 2 : i32
        %add3A_507 = arith.addi %mul3A_355, %add3A_506 : i32
        %get3A_508 = arith.index_cast %add3A_507 : i32 to index
        %get3A_509 = arith.constant 16 : index
        %get3A_510 = tpu.vector_load %arg12[%get3A_508, %get3A_509] {strides = array<i32>} : memref<320x64xf32, #tpu.memory_space<vmem>>, vector<1x16xf32>,
        %get3A_511 = vector.shape_cast %get3A_510 : vector<1x16xf32> to vector<16xf32>
        %add3A_512 = arith.addf %add3A_505, %get3A_511 : vector<16xf32>
        %add3A_513 = arith.constant 3 : i32
        %add3A_514 = arith.addi %mul3A_355, %add3A_513 : i32
        %get3A_515 = arith.index_cast %add3A_514 : i32 to index
        %get3A_516 = arith.constant 16 : index
        %get3A_517 = tpu.vector_load %arg12[%get3A_515, %get3A_516] {strides = array<i32>} : memref<320x64xf32, #tpu.memory_space<vmem>>, vector<1x16xf32>,
        %get3A_518 = vector.shape_cast %get3A_517 : vector<1x16xf32> to vector<16xf32>
        %add3A_519 = arith.addf %add3A_512, %get3A_518 : vector<16xf32>
        %add3A_520 = arith.constant 4 : i32
        %add3A_521 = arith.addi %mul3A_355, %add3A_520 : i32
        %get3A_522 = arith.index_cast %add3A_521 : i32 to index
        %get3A_523 = arith.constant 16 : index
        %get3A_524 = tpu.vector_load %arg12[%get3A_522, %get3A_523] {strides = array<i32>} : memref<320x64xf32, #tpu.memory_space<vmem>>, vector<1x16xf32>,
        %get3A_525 = vector.shape_cast %get3A_524 : vector<1x16xf32> to vector<16xf32>
        %add3A_526 = arith.addf %add3A_519, %get3A_525 : vector<16xf32>
        %add3A_527 = arith.constant 5 : i32
        %add3A_528 = arith.addi %mul3A_355, %add3A_527 : i32
        %get3A_529 = arith.index_cast %add3A_528 : i32 to index
        %get3A_530 = arith.constant 16 : index
        %get3A_531 = tpu.vector_load %arg12[%get3A_529, %get3A_530] {strides = array<i32>} : memref<320x64xf32, #tpu.memory_space<vmem>>, vector<1x16xf32>,
        %get3A_532 = vector.shape_cast %get3A_531 : vector<1x16xf32> to vector<16xf32>
        %add3A_533 = arith.addf %add3A_526, %get3A_532 : vector<16xf32>
        %add3A_534 = arith.constant 6 : i32
        %add3A_535 = arith.addi %mul3A_355, %add3A_534 : i32
        %get3A_536 = arith.index_cast %add3A_535 : i32 to index
        %get3A_537 = arith.constant 16 : index
        %get3A_538 = tpu.vector_load %arg12[%get3A_536, %get3A_537] {strides = array<i32>} : memref<320x64xf32, #tpu.memory_space<vmem>>, vector<1x16xf32>,
        %get3A_539 = vector.shape_cast %get3A_538 : vector<1x16xf32> to vector<16xf32>
        %add3A_540 = arith.addf %add3A_533, %get3A_539 : vector<16xf32>
        %add3A_541 = arith.constant 7 : i32
        %add3A_542 = arith.addi %mul3A_355, %add3A_541 : i32
        %get3A_543 = arith.index_cast %add3A_542 : i32 to index
        %get3A_544 = arith.constant 16 : index
        %get3A_545 = tpu.vector_load %arg12[%get3A_543, %get3A_544] {strides = array<i32>} : memref<320x64xf32, #tpu.memory_space<vmem>>, vector<1x16xf32>,
        %get3A_546 = vector.shape_cast %get3A_545 : vector<1x16xf32> to vector<16xf32>
        %add3A_547 = arith.addf %add3A_540, %get3A_546 : vector<16xf32>
        %add3A_548 = arith.constant 8 : i32
        %add3A_549 = arith.addi %mul3A_355, %add3A_548 : i32
        %get3A_550 = arith.index_cast %add3A_549 : i32 to index
        %get3A_551 = arith.constant 16 : index
        %get3A_552 = tpu.vector_load %arg12[%get3A_550, %get3A_551] {strides = array<i32>} : memref<320x64xf32, #tpu.memory_space<vmem>>, vector<1x16xf32>,
        %get3A_553 = vector.shape_cast %get3A_552 : vector<1x16xf32> to vector<16xf32>
        %add3A_554 = arith.addf %add3A_547, %get3A_553 : vector<16xf32>
        %add3A_555 = arith.constant 9 : i32
        %add3A_556 = arith.addi %mul3A_355, %add3A_555 : i32
        %get3A_557 = arith.index_cast %add3A_556 : i32 to index
        %get3A_558 = arith.constant 16 : index
        %get3A_559 = tpu.vector_load %arg12[%get3A_557, %get3A_558] {strides = array<i32>} : memref<320x64xf32, #tpu.memory_space<vmem>>, vector<1x16xf32>,
        %get3A_560 = vector.shape_cast %get3A_559 : vector<1x16xf32> to vector<16xf32>
        %add3A_561 = arith.addf %add3A_554, %get3A_560 : vector<16xf32>
        %add3A_562 = arith.constant 10 : i32
        %add3A_563 = arith.addi %mul3A_355, %add3A_562 : i32
        %get3A_564 = arith.index_cast %add3A_563 : i32 to index
        %get3A_565 = arith.constant 16 : index
        %get3A_566 = tpu.vector_load %arg12[%get3A_564, %get3A_565] {strides = array<i32>} : memref<320x64xf32, #tpu.memory_space<vmem>>, vector<1x16xf32>,
        %get3A_567 = vector.shape_cast %get3A_566 : vector<1x16xf32> to vector<16xf32>
        %add3A_568 = arith.addf %add3A_561, %get3A_567 : vector<16xf32>
        %add3A_569 = arith.constant 11 : i32
        %add3A_570 = arith.addi %mul3A_355, %add3A_569 : i32
        %get3A_571 = arith.index_cast %add3A_570 : i32 to index
        %get3A_572 = arith.constant 16 : index
        %get3A_573 = tpu.vector_load %arg12[%get3A_571, %get3A_572] {strides = array<i32>} : memref<320x64xf32, #tpu.memory_space<vmem>>, vector<1x16xf32>,
        %get3A_574 = vector.shape_cast %get3A_573 : vector<1x16xf32> to vector<16xf32>
        %add3A_575 = arith.addf %add3A_568, %get3A_574 : vector<16xf32>
        %add3A_576 = arith.constant 12 : i32
        %add3A_577 = arith.addi %mul3A_355, %add3A_576 : i32
        %get3A_578 = arith.index_cast %add3A_577 : i32 to index
        %get3A_579 = arith.constant 16 : index
        %get3A_580 = tpu.vector_load %arg12[%get3A_578, %get3A_579] {strides = array<i32>} : memref<320x64xf32, #tpu.memory_space<vmem>>, vector<1x16xf32>,
        %get3A_581 = vector.shape_cast %get3A_580 : vector<1x16xf32> to vector<16xf32>
        %add3A_582 = arith.addf %add3A_575, %get3A_581 : vector<16xf32>
        %add3A_583 = arith.constant 13 : i32
        %add3A_584 = arith.addi %mul3A_355, %add3A_583 : i32
        %get3A_585 = arith.index_cast %add3A_584 : i32 to index
        %get3A_586 = arith.constant 16 : index
        %get3A_587 = tpu.vector_load %arg12[%get3A_585, %get3A_586] {strides = array<i32>} : memref<320x64xf32, #tpu.memory_space<vmem>>, vector<1x16xf32>,
        %get3A_588 = vector.shape_cast %get3A_587 : vector<1x16xf32> to vector<16xf32>
        %add3A_589 = arith.addf %add3A_582, %get3A_588 : vector<16xf32>
        %add3A_590 = arith.constant 14 : i32
        %add3A_591 = arith.addi %mul3A_355, %add3A_590 : i32
        %get3A_592 = arith.index_cast %add3A_591 : i32 to index
        %get3A_593 = arith.constant 16 : index
        %get3A_594 = tpu.vector_load %arg12[%get3A_592, %get3A_593] {strides = array<i32>} : memref<320x64xf32, #tpu.memory_space<vmem>>, vector<1x16xf32>,
        %get3A_595 = vector.shape_cast %get3A_594 : vector<1x16xf32> to vector<16xf32>
        %add3A_596 = arith.addf %add3A_589, %get3A_595 : vector<16xf32>
        %add3A_597 = arith.constant 15 : i32
        %add3A_598 = arith.addi %mul3A_355, %add3A_597 : i32
        %get3A_599 = arith.index_cast %add3A_598 : i32 to index
        %get3A_600 = arith.constant 16 : index
        %get3A_601 = tpu.vector_load %arg12[%get3A_599, %get3A_600] {strides = array<i32>} : memref<320x64xf32, #tpu.memory_space<vmem>>, vector<1x16xf32>,
        %get3A_602 = vector.shape_cast %get3A_601 : vector<1x16xf32> to vector<16xf32>
        %add3A_603 = arith.addf %add3A_596, %get3A_602 : vector<16xf32>
        %add3A_604 = arith.constant 16 : i32
        %add3A_605 = arith.addi %mul3A_355, %add3A_604 : i32
        %get3A_606 = arith.index_cast %add3A_605 : i32 to index
        %get3A_607 = arith.constant 16 : index
        %get3A_608 = tpu.vector_load %arg12[%get3A_606, %get3A_607] {strides = array<i32>} : memref<320x64xf32, #tpu.memory_space<vmem>>, vector<1x16xf32>,
        %get3A_609 = vector.shape_cast %get3A_608 : vector<1x16xf32> to vector<16xf32>
        %add3A_610 = arith.addf %add3A_603, %get3A_609 : vector<16xf32>
        %add3A_611 = arith.constant 17 : i32
        %add3A_612 = arith.addi %mul3A_355, %add3A_611 : i32
        %get3A_613 = arith.index_cast %add3A_612 : i32 to index
        %get3A_614 = arith.constant 16 : index
        %get3A_615 = tpu.vector_load %arg12[%get3A_613, %get3A_614] {strides = array<i32>} : memref<320x64xf32, #tpu.memory_space<vmem>>, vector<1x16xf32>,
        %get3A_616 = vector.shape_cast %get3A_615 : vector<1x16xf32> to vector<16xf32>
        %add3A_617 = arith.addf %add3A_610, %get3A_616 : vector<16xf32>
        %add3A_618 = arith.constant 18 : i32
        %add3A_619 = arith.addi %mul3A_355, %add3A_618 : i32
        %get3A_620 = arith.index_cast %add3A_619 : i32 to index
        %get3A_621 = arith.constant 16 : index
        %get3A_622 = tpu.vector_load %arg12[%get3A_620, %get3A_621] {strides = array<i32>} : memref<320x64xf32, #tpu.memory_space<vmem>>, vector<1x16xf32>,
        %get3A_623 = vector.shape_cast %get3A_622 : vector<1x16xf32> to vector<16xf32>
        %add3A_624 = arith.addf %add3A_617, %get3A_623 : vector<16xf32>
        %add3A_625 = arith.constant 19 : i32
        %add3A_626 = arith.addi %mul3A_355, %add3A_625 : i32
        %get3A_627 = arith.index_cast %add3A_626 : i32 to index
        %get3A_628 = arith.constant 16 : index
        %get3A_629 = tpu.vector_load %arg12[%get3A_627, %get3A_628] {strides = array<i32>} : memref<320x64xf32, #tpu.memory_space<vmem>>, vector<1x16xf32>,
        %get3A_630 = vector.shape_cast %get3A_629 : vector<1x16xf32> to vector<16xf32>
        %add3A_631 = arith.addf %add3A_624, %get3A_630 : vector<16xf32>
        %mul3A_632 = arith.constant 5.000000e-02 : f32
        %mul3A_633 = vector.broadcast %mul3A_632 : f32 to vector<16xf32>
        %mul3A_634 = arith.mulf %add3A_631, %mul3A_633 : vector<16xf32>
        %get3A_635 = arith.index_cast %mul3A_355 : i32 to index
        %get3A_636 = arith.constant 32 : index
        %get3A_637 = tpu.vector_load %arg12[%get3A_635, %get3A_636] {strides = array<i32>} : memref<320x64xf32, #tpu.memory_space<vmem>>, vector<1x16xf32>,
        %get3A_638 = vector.shape_cast %get3A_637 : vector<1x16xf32> to vector<16xf32>
        %add3A_639 = arith.constant 1 : i32
        %add3A_640 = arith.addi %mul3A_355, %add3A_639 : i32
        %get3A_641 = arith.index_cast %add3A_640 : i32 to index
        %get3A_642 = arith.constant 32 : index
        %get3A_643 = tpu.vector_load %arg12[%get3A_641, %get3A_642] {strides = array<i32>} : memref<320x64xf32, #tpu.memory_space<vmem>>, vector<1x16xf32>,
        %get3A_644 = vector.shape_cast %get3A_643 : vector<1x16xf32> to vector<16xf32>
        %add3A_645 = arith.addf %get3A_638, %get3A_644 : vector<16xf32>
        %add3A_646 = arith.constant 2 : i32
        %add3A_647 = arith.addi %mul3A_355, %add3A_646 : i32
        %get3A_648 = arith.index_cast %add3A_647 : i32 to index
        %get3A_649 = arith.constant 32 : index
        %get3A_650 = tpu.vector_load %arg12[%get3A_648, %get3A_649] {strides = array<i32>} : memref<320x64xf32, #tpu.memory_space<vmem>>, vector<1x16xf32>,
        %get3A_651 = vector.shape_cast %get3A_650 : vector<1x16xf32> to vector<16xf32>
        %add3A_652 = arith.addf %add3A_645, %get3A_651 : vector<16xf32>
        %add3A_653 = arith.constant 3 : i32
        %add3A_654 = arith.addi %mul3A_355, %add3A_653 : i32
        %get3A_655 = arith.index_cast %add3A_654 : i32 to index
        %get3A_656 = arith.constant 32 : index
        %get3A_657 = tpu.vector_load %arg12[%get3A_655, %get3A_656] {strides = array<i32>} : memref<320x64xf32, #tpu.memory_space<vmem>>, vector<1x16xf32>,
        %get3A_658 = vector.shape_cast %get3A_657 : vector<1x16xf32> to vector<16xf32>
        %add3A_659 = arith.addf %add3A_652, %get3A_658 : vector<16xf32>
        %add3A_660 = arith.constant 4 : i32
        %add3A_661 = arith.addi %mul3A_355, %add3A_660 : i32
        %get3A_662 = arith.index_cast %add3A_661 : i32 to index
        %get3A_663 = arith.constant 32 : index
        %get3A_664 = tpu.vector_load %arg12[%get3A_662, %get3A_663] {strides = array<i32>} : memref<320x64xf32, #tpu.memory_space<vmem>>, vector<1x16xf32>,
        %get3A_665 = vector.shape_cast %get3A_664 : vector<1x16xf32> to vector<16xf32>
        %add3A_666 = arith.addf %add3A_659, %get3A_665 : vector<16xf32>
        %add3A_667 = arith.constant 5 : i32
        %add3A_668 = arith.addi %mul3A_355, %add3A_667 : i32
        %get3A_669 = arith.index_cast %add3A_668 : i32 to index
        %get3A_670 = arith.constant 32 : index
        %get3A_671 = tpu.vector_load %arg12[%get3A_669, %get3A_670] {strides = array<i32>} : memref<320x64xf32, #tpu.memory_space<vmem>>, vector<1x16xf32>,
        %get3A_672 = vector.shape_cast %get3A_671 : vector<1x16xf32> to vector<16xf32>
        %add3A_673 = arith.addf %add3A_666, %get3A_672 : vector<16xf32>
        %add3A_674 = arith.constant 6 : i32
        %add3A_675 = arith.addi %mul3A_355, %add3A_674 : i32
        %get3A_676 = arith.index_cast %add3A_675 : i32 to index
        %get3A_677 = arith.constant 32 : index
        %get3A_678 = tpu.vector_load %arg12[%get3A_676, %get3A_677] {strides = array<i32>} : memref<320x64xf32, #tpu.memory_space<vmem>>, vector<1x16xf32>,
        %get3A_679 = vector.shape_cast %get3A_678 : vector<1x16xf32> to vector<16xf32>
        %add3A_680 = arith.addf %add3A_673, %get3A_679 : vector<16xf32>
        %add3A_681 = arith.constant 7 : i32
        %add3A_682 = arith.addi %mul3A_355, %add3A_681 : i32
        %get3A_683 = arith.index_cast %add3A_682 : i32 to index
        %get3A_684 = arith.constant 32 : index
        %get3A_685 = tpu.vector_load %arg12[%get3A_683, %get3A_684] {strides = array<i32>} : memref<320x64xf32, #tpu.memory_space<vmem>>, vector<1x16xf32>,
        %get3A_686 = vector.shape_cast %get3A_685 : vector<1x16xf32> to vector<16xf32>
        %add3A_687 = arith.addf %add3A_680, %get3A_686 : vector<16xf32>
        %add3A_688 = arith.constant 8 : i32
        %add3A_689 = arith.addi %mul3A_355, %add3A_688 : i32
        %get3A_690 = arith.index_cast %add3A_689 : i32 to index
        %get3A_691 = arith.constant 32 : index
        %get3A_692 = tpu.vector_load %arg12[%get3A_690, %get3A_691] {strides = array<i32>} : memref<320x64xf32, #tpu.memory_space<vmem>>, vector<1x16xf32>,
        %get3A_693 = vector.shape_cast %get3A_692 : vector<1x16xf32> to vector<16xf32>
        %add3A_694 = arith.addf %add3A_687, %get3A_693 : vector<16xf32>
        %add3A_695 = arith.constant 9 : i32
        %add3A_696 = arith.addi %mul3A_355, %add3A_695 : i32
        %get3A_697 = arith.index_cast %add3A_696 : i32 to index
        %get3A_698 = arith.constant 32 : index
        %get3A_699 = tpu.vector_load %arg12[%get3A_697, %get3A_698] {strides = array<i32>} : memref<320x64xf32, #tpu.memory_space<vmem>>, vector<1x16xf32>,
        %get3A_700 = vector.shape_cast %get3A_699 : vector<1x16xf32> to vector<16xf32>
        %add3A_701 = arith.addf %add3A_694, %get3A_700 : vector<16xf32>
        %add3A_702 = arith.constant 10 : i32
        %add3A_703 = arith.addi %mul3A_355, %add3A_702 : i32
        %get3A_704 = arith.index_cast %add3A_703 : i32 to index
        %get3A_705 = arith.constant 32 : index
        %get3A_706 = tpu.vector_load %arg12[%get3A_704, %get3A_705] {strides = array<i32>} : memref<320x64xf32, #tpu.memory_space<vmem>>, vector<1x16xf32>,
        %get3A_707 = vector.shape_cast %get3A_706 : vector<1x16xf32> to vector<16xf32>
        %add3A_708 = arith.addf %add3A_701, %get3A_707 : vector<16xf32>
        %add3A_709 = arith.constant 11 : i32
        %add3A_710 = arith.addi %mul3A_355, %add3A_709 : i32
        %get3A_711 = arith.index_cast %add3A_710 : i32 to index
        %get3A_712 = arith.constant 32 : index
        %get3A_713 = tpu.vector_load %arg12[%get3A_711, %get3A_712] {strides = array<i32>} : memref<320x64xf32, #tpu.memory_space<vmem>>, vector<1x16xf32>,
        %get3A_714 = vector.shape_cast %get3A_713 : vector<1x16xf32> to vector<16xf32>
        %add3A_715 = arith.addf %add3A_708, %get3A_714 : vector<16xf32>
        %add3A_716 = arith.constant 12 : i32
        %add3A_717 = arith.addi %mul3A_355, %add3A_716 : i32
        %get3A_718 = arith.index_cast %add3A_717 : i32 to index
        %get3A_719 = arith.constant 32 : index
        %get3A_720 = tpu.vector_load %arg12[%get3A_718, %get3A_719] {strides = array<i32>} : memref<320x64xf32, #tpu.memory_space<vmem>>, vector<1x16xf32>,
        %get3A_721 = vector.shape_cast %get3A_720 : vector<1x16xf32> to vector<16xf32>
        %add3A_722 = arith.addf %add3A_715, %get3A_721 : vector<16xf32>
        %add3A_723 = arith.constant 13 : i32
        %add3A_724 = arith.addi %mul3A_355, %add3A_723 : i32
        %get3A_725 = arith.index_cast %add3A_724 : i32 to index
        %get3A_726 = arith.constant 32 : index
        %get3A_727 = tpu.vector_load %arg12[%get3A_725, %get3A_726] {strides = array<i32>} : memref<320x64xf32, #tpu.memory_space<vmem>>, vector<1x16xf32>,
        %get3A_728 = vector.shape_cast %get3A_727 : vector<1x16xf32> to vector<16xf32>
        %add3A_729 = arith.addf %add3A_722, %get3A_728 : vector<16xf32>
        %add3A_730 = arith.constant 14 : i32
        %add3A_731 = arith.addi %mul3A_355, %add3A_730 : i32
        %get3A_732 = arith.index_cast %add3A_731 : i32 to index
        %get3A_733 = arith.constant 32 : index
        %get3A_734 = tpu.vector_load %arg12[%get3A_732, %get3A_733] {strides = array<i32>} : memref<320x64xf32, #tpu.memory_space<vmem>>, vector<1x16xf32>,
        %get3A_735 = vector.shape_cast %get3A_734 : vector<1x16xf32> to vector<16xf32>
        %add3A_736 = arith.addf %add3A_729, %get3A_735 : vector<16xf32>
        %add3A_737 = arith.constant 15 : i32
        %add3A_738 = arith.addi %mul3A_355, %add3A_737 : i32
        %get3A_739 = arith.index_cast %add3A_738 : i32 to index
        %get3A_740 = arith.constant 32 : index
        %get3A_741 = tpu.vector_load %arg12[%get3A_739, %get3A_740] {strides = array<i32>} : memref<320x64xf32, #tpu.memory_space<vmem>>, vector<1x16xf32>,
        %get3A_742 = vector.shape_cast %get3A_741 : vector<1x16xf32> to vector<16xf32>
        %add3A_743 = arith.addf %add3A_736, %get3A_742 : vector<16xf32>
        %add3A_744 = arith.constant 16 : i32
        %add3A_745 = arith.addi %mul3A_355, %add3A_744 : i32
        %get3A_746 = arith.index_cast %add3A_745 : i32 to index
        %get3A_747 = arith.constant 32 : index
        %get3A_748 = tpu.vector_load %arg12[%get3A_746, %get3A_747] {strides = array<i32>} : memref<320x64xf32, #tpu.memory_space<vmem>>, vector<1x16xf32>,
        %get3A_749 = vector.shape_cast %get3A_748 : vector<1x16xf32> to vector<16xf32>
        %add3A_750 = arith.addf %add3A_743, %get3A_749 : vector<16xf32>
        %add3A_751 = arith.constant 17 : i32
        %add3A_752 = arith.addi %mul3A_355, %add3A_751 : i32
        %get3A_753 = arith.index_cast %add3A_752 : i32 to index
        %get3A_754 = arith.constant 32 : index
        %get3A_755 = tpu.vector_load %arg12[%get3A_753, %get3A_754] {strides = array<i32>} : memref<320x64xf32, #tpu.memory_space<vmem>>, vector<1x16xf32>,
        %get3A_756 = vector.shape_cast %get3A_755 : vector<1x16xf32> to vector<16xf32>
        %add3A_757 = arith.addf %add3A_750, %get3A_756 : vector<16xf32>
        %add3A_758 = arith.constant 18 : i32
        %add3A_759 = arith.addi %mul3A_355, %add3A_758 : i32
        %get3A_760 = arith.index_cast %add3A_759 : i32 to index
        %get3A_761 = arith.constant 32 : index
        %get3A_762 = tpu.vector_load %arg12[%get3A_760, %get3A_761] {strides = array<i32>} : memref<320x64xf32, #tpu.memory_space<vmem>>, vector<1x16xf32>,
        %get3A_763 = vector.shape_cast %get3A_762 : vector<1x16xf32> to vector<16xf32>
        %add3A_764 = arith.addf %add3A_757, %get3A_763 : vector<16xf32>
        %add3A_765 = arith.constant 19 : i32
        %add3A_766 = arith.addi %mul3A_355, %add3A_765 : i32
        %get3A_767 = arith.index_cast %add3A_766 : i32 to index
        %get3A_768 = arith.constant 32 : index
        %get3A_769 = tpu.vector_load %arg12[%get3A_767, %get3A_768] {strides = array<i32>} : memref<320x64xf32, #tpu.memory_space<vmem>>, vector<1x16xf32>,
        %get3A_770 = vector.shape_cast %get3A_769 : vector<1x16xf32> to vector<16xf32>
        %add3A_771 = arith.addf %add3A_764, %get3A_770 : vector<16xf32>
        %mul3A_772 = arith.constant 5.000000e-02 : f32
        %mul3A_773 = vector.broadcast %mul3A_772 : f32 to vector<16xf32>
        %mul3A_774 = arith.mulf %add3A_771, %mul3A_773 : vector<16xf32>
        %get3A_775 = arith.index_cast %mul3A_355 : i32 to index
        %get3A_776 = arith.constant 48 : index
        %get3A_777 = tpu.vector_load %arg12[%get3A_775, %get3A_776] {strides = array<i32>} : memref<320x64xf32, #tpu.memory_space<vmem>>, vector<1x16xf32>,
        %get3A_778 = vector.shape_cast %get3A_777 : vector<1x16xf32> to vector<16xf32>
        %add3A_779 = arith.constant 1 : i32
        %add3A_780 = arith.addi %mul3A_355, %add3A_779 : i32
        %get3A_781 = arith.index_cast %add3A_780 : i32 to index
        %get3A_782 = arith.constant 48 : index
        %get3A_783 = tpu.vector_load %arg12[%get3A_781, %get3A_782] {strides = array<i32>} : memref<320x64xf32, #tpu.memory_space<vmem>>, vector<1x16xf32>,
        %get3A_784 = vector.shape_cast %get3A_783 : vector<1x16xf32> to vector<16xf32>
        %add3A_785 = arith.addf %get3A_778, %get3A_784 : vector<16xf32>
        %add3A_786 = arith.constant 2 : i32
        %add3A_787 = arith.addi %mul3A_355, %add3A_786 : i32
        %get3A_788 = arith.index_cast %add3A_787 : i32 to index
        %get3A_789 = arith.constant 48 : index
        %get3A_790 = tpu.vector_load %arg12[%get3A_788, %get3A_789] {strides = array<i32>} : memref<320x64xf32, #tpu.memory_space<vmem>>, vector<1x16xf32>,
        %get3A_791 = vector.shape_cast %get3A_790 : vector<1x16xf32> to vector<16xf32>
        %add3A_792 = arith.addf %add3A_785, %get3A_791 : vector<16xf32>
        %add3A_793 = arith.constant 3 : i32
        %add3A_794 = arith.addi %mul3A_355, %add3A_793 : i32
        %get3A_795 = arith.index_cast %add3A_794 : i32 to index
        %get3A_796 = arith.constant 48 : index
        %get3A_797 = tpu.vector_load %arg12[%get3A_795, %get3A_796] {strides = array<i32>} : memref<320x64xf32, #tpu.memory_space<vmem>>, vector<1x16xf32>,
        %get3A_798 = vector.shape_cast %get3A_797 : vector<1x16xf32> to vector<16xf32>
        %add3A_799 = arith.addf %add3A_792, %get3A_798 : vector<16xf32>
        %add3A_800 = arith.constant 4 : i32
        %add3A_801 = arith.addi %mul3A_355, %add3A_800 : i32
        %get3A_802 = arith.index_cast %add3A_801 : i32 to index
        %get3A_803 = arith.constant 48 : index
        %get3A_804 = tpu.vector_load %arg12[%get3A_802, %get3A_803] {strides = array<i32>} : memref<320x64xf32, #tpu.memory_space<vmem>>, vector<1x16xf32>,
        %get3A_805 = vector.shape_cast %get3A_804 : vector<1x16xf32> to vector<16xf32>
        %add3A_806 = arith.addf %add3A_799, %get3A_805 : vector<16xf32>
        %add3A_807 = arith.constant 5 : i32
        %add3A_808 = arith.addi %mul3A_355, %add3A_807 : i32
        %get3A_809 = arith.index_cast %add3A_808 : i32 to index
        %get3A_810 = arith.constant 48 : index
        %get3A_811 = tpu.vector_load %arg12[%get3A_809, %get3A_810] {strides = array<i32>} : memref<320x64xf32, #tpu.memory_space<vmem>>, vector<1x16xf32>,
        %get3A_812 = vector.shape_cast %get3A_811 : vector<1x16xf32> to vector<16xf32>
        %add3A_813 = arith.addf %add3A_806, %get3A_812 : vector<16xf32>
        %add3A_814 = arith.constant 6 : i32
        %add3A_815 = arith.addi %mul3A_355, %add3A_814 : i32
        %get3A_816 = arith.index_cast %add3A_815 : i32 to index
        %get3A_817 = arith.constant 48 : index
        %get3A_818 = tpu.vector_load %arg12[%get3A_816, %get3A_817] {strides = array<i32>} : memref<320x64xf32, #tpu.memory_space<vmem>>, vector<1x16xf32>,
        %get3A_819 = vector.shape_cast %get3A_818 : vector<1x16xf32> to vector<16xf32>
        %add3A_820 = arith.addf %add3A_813, %get3A_819 : vector<16xf32>
        %add3A_821 = arith.constant 7 : i32
        %add3A_822 = arith.addi %mul3A_355, %add3A_821 : i32
        %get3A_823 = arith.index_cast %add3A_822 : i32 to index
        %get3A_824 = arith.constant 48 : index
        %get3A_825 = tpu.vector_load %arg12[%get3A_823, %get3A_824] {strides = array<i32>} : memref<320x64xf32, #tpu.memory_space<vmem>>, vector<1x16xf32>,
        %get3A_826 = vector.shape_cast %get3A_825 : vector<1x16xf32> to vector<16xf32>
        %add3A_827 = arith.addf %add3A_820, %get3A_826 : vector<16xf32>
        %add3A_828 = arith.constant 8 : i32
        %add3A_829 = arith.addi %mul3A_355, %add3A_828 : i32
        %get3A_830 = arith.index_cast %add3A_829 : i32 to index
        %get3A_831 = arith.constant 48 : index
        %get3A_832 = tpu.vector_load %arg12[%get3A_830, %get3A_831] {strides = array<i32>} : memref<320x64xf32, #tpu.memory_space<vmem>>, vector<1x16xf32>,
        %get3A_833 = vector.shape_cast %get3A_832 : vector<1x16xf32> to vector<16xf32>
        %add3A_834 = arith.addf %add3A_827, %get3A_833 : vector<16xf32>
        %add3A_835 = arith.constant 9 : i32
        %add3A_836 = arith.addi %mul3A_355, %add3A_835 : i32
        %get3A_837 = arith.index_cast %add3A_836 : i32 to index
        %get3A_838 = arith.constant 48 : index
        %get3A_839 = tpu.vector_load %arg12[%get3A_837, %get3A_838] {strides = array<i32>} : memref<320x64xf32, #tpu.memory_space<vmem>>, vector<1x16xf32>,
        %get3A_840 = vector.shape_cast %get3A_839 : vector<1x16xf32> to vector<16xf32>
        %add3A_841 = arith.addf %add3A_834, %get3A_840 : vector<16xf32>
        %add3A_842 = arith.constant 10 : i32
        %add3A_843 = arith.addi %mul3A_355, %add3A_842 : i32
        %get3A_844 = arith.index_cast %add3A_843 : i32 to index
        %get3A_845 = arith.constant 48 : index
        %get3A_846 = tpu.vector_load %arg12[%get3A_844, %get3A_845] {strides = array<i32>} : memref<320x64xf32, #tpu.memory_space<vmem>>, vector<1x16xf32>,
        %get3A_847 = vector.shape_cast %get3A_846 : vector<1x16xf32> to vector<16xf32>
        %add3A_848 = arith.addf %add3A_841, %get3A_847 : vector<16xf32>
        %add3A_849 = arith.constant 11 : i32
        %add3A_850 = arith.addi %mul3A_355, %add3A_849 : i32
        %get3A_851 = arith.index_cast %add3A_850 : i32 to index
        %get3A_852 = arith.constant 48 : index
        %get3A_853 = tpu.vector_load %arg12[%get3A_851, %get3A_852] {strides = array<i32>} : memref<320x64xf32, #tpu.memory_space<vmem>>, vector<1x16xf32>,
        %get3A_854 = vector.shape_cast %get3A_853 : vector<1x16xf32> to vector<16xf32>
        %add3A_855 = arith.addf %add3A_848, %get3A_854 : vector<16xf32>
        %add3A_856 = arith.constant 12 : i32
        %add3A_857 = arith.addi %mul3A_355, %add3A_856 : i32
        %get3A_858 = arith.index_cast %add3A_857 : i32 to index
        %get3A_859 = arith.constant 48 : index
        %get3A_860 = tpu.vector_load %arg12[%get3A_858, %get3A_859] {strides = array<i32>} : memref<320x64xf32, #tpu.memory_space<vmem>>, vector<1x16xf32>,
        %get3A_861 = vector.shape_cast %get3A_860 : vector<1x16xf32> to vector<16xf32>
        %add3A_862 = arith.addf %add3A_855, %get3A_861 : vector<16xf32>
        %add3A_863 = arith.constant 13 : i32
        %add3A_864 = arith.addi %mul3A_355, %add3A_863 : i32
        %get3A_865 = arith.index_cast %add3A_864 : i32 to index
        %get3A_866 = arith.constant 48 : index
        %get3A_867 = tpu.vector_load %arg12[%get3A_865, %get3A_866] {strides = array<i32>} : memref<320x64xf32, #tpu.memory_space<vmem>>, vector<1x16xf32>,
        %get3A_868 = vector.shape_cast %get3A_867 : vector<1x16xf32> to vector<16xf32>
        %add3A_869 = arith.addf %add3A_862, %get3A_868 : vector<16xf32>
        %add3A_870 = arith.constant 14 : i32
        %add3A_871 = arith.addi %mul3A_355, %add3A_870 : i32
        %get3A_872 = arith.index_cast %add3A_871 : i32 to index
        %get3A_873 = arith.constant 48 : index
        %get3A_874 = tpu.vector_load %arg12[%get3A_872, %get3A_873] {strides = array<i32>} : memref<320x64xf32, #tpu.memory_space<vmem>>, vector<1x16xf32>,
        %get3A_875 = vector.shape_cast %get3A_874 : vector<1x16xf32> to vector<16xf32>
        %add3A_876 = arith.addf %add3A_869, %get3A_875 : vector<16xf32>
        %add3A_877 = arith.constant 15 : i32
        %add3A_878 = arith.addi %mul3A_355, %add3A_877 : i32
        %get3A_879 = arith.index_cast %add3A_878 : i32 to index
        %get3A_880 = arith.constant 48 : index
        %get3A_881 = tpu.vector_load %arg12[%get3A_879, %get3A_880] {strides = array<i32>} : memref<320x64xf32, #tpu.memory_space<vmem>>, vector<1x16xf32>,
        %get3A_882 = vector.shape_cast %get3A_881 : vector<1x16xf32> to vector<16xf32>
        %add3A_883 = arith.addf %add3A_876, %get3A_882 : vector<16xf32>
        %add3A_884 = arith.constant 16 : i32
        %add3A_885 = arith.addi %mul3A_355, %add3A_884 : i32
        %get3A_886 = arith.index_cast %add3A_885 : i32 to index
        %get3A_887 = arith.constant 48 : index
        %get3A_888 = tpu.vector_load %arg12[%get3A_886, %get3A_887] {strides = array<i32>} : memref<320x64xf32, #tpu.memory_space<vmem>>, vector<1x16xf32>,
        %get3A_889 = vector.shape_cast %get3A_888 : vector<1x16xf32> to vector<16xf32>
        %add3A_890 = arith.addf %add3A_883, %get3A_889 : vector<16xf32>
        %add3A_891 = arith.constant 17 : i32
        %add3A_892 = arith.addi %mul3A_355, %add3A_891 : i32
        %get3A_893 = arith.index_cast %add3A_892 : i32 to index
        %get3A_894 = arith.constant 48 : index
        %get3A_895 = tpu.vector_load %arg12[%get3A_893, %get3A_894] {strides = array<i32>} : memref<320x64xf32, #tpu.memory_space<vmem>>, vector<1x16xf32>,
        %get3A_896 = vector.shape_cast %get3A_895 : vector<1x16xf32> to vector<16xf32>
        %add3A_897 = arith.addf %add3A_890, %get3A_896 : vector<16xf32>
        %add3A_898 = arith.constant 18 : i32
        %add3A_899 = arith.addi %mul3A_355, %add3A_898 : i32
        %get3A_900 = arith.index_cast %add3A_899 : i32 to index
        %get3A_901 = arith.constant 48 : index
        %get3A_902 = tpu.vector_load %arg12[%get3A_900, %get3A_901] {strides = array<i32>} : memref<320x64xf32, #tpu.memory_space<vmem>>, vector<1x16xf32>,
        %get3A_903 = vector.shape_cast %get3A_902 : vector<1x16xf32> to vector<16xf32>
        %add3A_904 = arith.addf %add3A_897, %get3A_903 : vector<16xf32>
        %add3A_905 = arith.constant 19 : i32
        %add3A_906 = arith.addi %mul3A_355, %add3A_905 : i32
        %get3A_907 = arith.index_cast %add3A_906 : i32 to index
        %get3A_908 = arith.constant 48 : index
        %get3A_909 = tpu.vector_load %arg12[%get3A_907, %get3A_908] {strides = array<i32>} : memref<320x64xf32, #tpu.memory_space<vmem>>, vector<1x16xf32>,
        %get3A_910 = vector.shape_cast %get3A_909 : vector<1x16xf32> to vector<16xf32>
        %add3A_911 = arith.addf %add3A_904, %get3A_910 : vector<16xf32>
        %mul3A_912 = arith.constant 5.000000e-02 : f32
        %mul3A_913 = vector.broadcast %mul3A_912 : f32 to vector<16xf32>
        %mul3A_914 = arith.mulf %add3A_911, %mul3A_913 : vector<16xf32>
        %get3A_915 = arith.index_cast %scan3A_353 : i32 to index
        %get3A_916 = arith.constant 0 : index
        %get3A_917 = tpu.vector_load %arg14[%get3A_915, %get3A_916] {strides = array<i32>} : memref<16x64xf32, #tpu.memory_space<vmem>>, vector<1x16xf32>,
        %get3A_918 = vector.shape_cast %get3A_917 : vector<1x16xf32> to vector<16xf32>
        %mul3A_919 = arith.mulf %mul3A_494, %get3A_918 : vector<16xf32>
        %get3A_920 = arith.index_cast %scan3A_353 : i32 to index
        %get3A_921 = arith.constant 16 : index
        %get3A_922 = tpu.vector_load %arg14[%get3A_920, %get3A_921] {strides = array<i32>} : memref<16x64xf32, #tpu.memory_space<vmem>>, vector<1x16xf32>,
        %get3A_923 = vector.shape_cast %get3A_922 : vector<1x16xf32> to vector<16xf32>
        %mul3A_924 = arith.mulf %mul3A_634, %get3A_923 : vector<16xf32>
        %add3A_925 = arith.addf %mul3A_919, %mul3A_924 : vector<16xf32>
        %get3A_926 = arith.index_cast %scan3A_353 : i32 to index
        %get3A_927 = arith.constant 32 : index
        %get3A_928 = tpu.vector_load %arg14[%get3A_926, %get3A_927] {strides = array<i32>} : memref<16x64xf32, #tpu.memory_space<vmem>>, vector<1x16xf32>,
        %get3A_929 = vector.shape_cast %get3A_928 : vector<1x16xf32> to vector<16xf32>
        %mul3A_930 = arith.mulf %mul3A_774, %get3A_929 : vector<16xf32>
        %add3A_931 = arith.addf %add3A_925, %mul3A_930 : vector<16xf32>
        %get3A_932 = arith.index_cast %scan3A_353 : i32 to index
        %get3A_933 = arith.constant 48 : index
        %get3A_934 = tpu.vector_load %arg14[%get3A_932, %get3A_933] {strides = array<i32>} : memref<16x64xf32, #tpu.memory_space<vmem>>, vector<1x16xf32>,
        %get3A_935 = vector.shape_cast %get3A_934 : vector<1x16xf32> to vector<16xf32>
        %mul3A_936 = arith.mulf %mul3A_914, %get3A_935 : vector<16xf32>
        %add3A_937 = arith.addf %add3A_931, %mul3A_936 : vector<16xf32>
        %add3A_938 = arith.constant 0 : i32
        %add3A_939 = arith.addi %mul3A_355, %add3A_938 : i32
        %get3A_940 = arith.index_cast %add3A_939 : i32 to index
        %get3A_941 = arith.constant 0 : index
        %get3A_942 = tpu.vector_load %arg16[%get3A_940, %get3A_941] {strides = array<i32>} : memref<320x64xf32, #tpu.memory_space<vmem>>, vector<1x16xf32>,
        %get3A_943 = vector.shape_cast %get3A_942 : vector<1x16xf32> to vector<16xf32>
        %mul3A_944 = arith.mulf %mul3A_494, %get3A_943 : vector<16xf32>
        %get3A_945 = arith.index_cast %add3A_939 : i32 to index
        %get3A_946 = arith.constant 16 : index
        %get3A_947 = tpu.vector_load %arg16[%get3A_945, %get3A_946] {strides = array<i32>} : memref<320x64xf32, #tpu.memory_space<vmem>>, vector<1x16xf32>,
        %get3A_948 = vector.shape_cast %get3A_947 : vector<1x16xf32> to vector<16xf32>
        %mul3A_949 = arith.mulf %mul3A_634, %get3A_948 : vector<16xf32>
        %add3A_950 = arith.addf %mul3A_944, %mul3A_949 : vector<16xf32>
        %get3A_951 = arith.index_cast %add3A_939 : i32 to index
        %get3A_952 = arith.constant 32 : index
        %get3A_953 = tpu.vector_load %arg16[%get3A_951, %get3A_952] {strides = array<i32>} : memref<320x64xf32, #tpu.memory_space<vmem>>, vector<1x16xf32>,
        %get3A_954 = vector.shape_cast %get3A_953 : vector<1x16xf32> to vector<16xf32>
        %mul3A_955 = arith.mulf %mul3A_774, %get3A_954 : vector<16xf32>
        %add3A_956 = arith.addf %add3A_950, %mul3A_955 : vector<16xf32>
        %get3A_957 = arith.index_cast %add3A_939 : i32 to index
        %get3A_958 = arith.constant 48 : index
        %get3A_959 = tpu.vector_load %arg16[%get3A_957, %get3A_958] {strides = array<i32>} : memref<320x64xf32, #tpu.memory_space<vmem>>, vector<1x16xf32>,
        %get3A_960 = vector.shape_cast %get3A_959 : vector<1x16xf32> to vector<16xf32>
        %mul3A_961 = arith.mulf %mul3A_914, %get3A_960 : vector<16xf32>
        %add3A_962 = arith.addf %add3A_956, %mul3A_961 : vector<16xf32>
        %neg3A = arith.constant 0.000000e+00 : f32
        %neg3A_963 = vector.broadcast %neg3A : f32 to vector<16xf32>
        %neg3A_964 = arith.subf %neg3A_963, %add3A_962 : vector<16xf32>
        %add3A_965 = arith.constant 1 : i32
        %add3A_966 = arith.addi %mul3A_355, %add3A_965 : i32
        %get3A_967 = arith.index_cast %add3A_966 : i32 to index
        %get3A_968 = arith.constant 0 : index
        %get3A_969 = tpu.vector_load %arg16[%get3A_967, %get3A_968] {strides = array<i32>} : memref<320x64xf32, #tpu.memory_space<vmem>>, vector<1x16xf32>,
        %get3A_970 = vector.shape_cast %get3A_969 : vector<1x16xf32> to vector<16xf32>
        %mul3A_971 = arith.mulf %mul3A_494, %get3A_970 : vector<16xf32>
        %get3A_972 = arith.index_cast %add3A_966 : i32 to index
        %get3A_973 = arith.constant 16 : index
        %get3A_974 = tpu.vector_load %arg16[%get3A_972, %get3A_973] {strides = array<i32>} : memref<320x64xf32, #tpu.memory_space<vmem>>, vector<1x16xf32>,
        %get3A_975 = vector.shape_cast %get3A_974 : vector<1x16xf32> to vector<16xf32>
        %mul3A_976 = arith.mulf %mul3A_634, %get3A_975 : vector<16xf32>
        %add3A_977 = arith.addf %mul3A_971, %mul3A_976 : vector<16xf32>
        %get3A_978 = arith.index_cast %add3A_966 : i32 to index
        %get3A_979 = arith.constant 32 : index
        %get3A_980 = tpu.vector_load %arg16[%get3A_978, %get3A_979] {strides = array<i32>} : memref<320x64xf32, #tpu.memory_space<vmem>>, vector<1x16xf32>,
        %get3A_981 = vector.shape_cast %get3A_980 : vector<1x16xf32> to vector<16xf32>
        %mul3A_982 = arith.mulf %mul3A_774, %get3A_981 : vector<16xf32>
        %add3A_983 = arith.addf %add3A_977, %mul3A_982 : vector<16xf32>
        %get3A_984 = arith.index_cast %add3A_966 : i32 to index
        %get3A_985 = arith.constant 48 : index
        %get3A_986 = tpu.vector_load %arg16[%get3A_984, %get3A_985] {strides = array<i32>} : memref<320x64xf32, #tpu.memory_space<vmem>>, vector<1x16xf32>,
        %get3A_987 = vector.shape_cast %get3A_986 : vector<1x16xf32> to vector<16xf32>
        %mul3A_988 = arith.mulf %mul3A_914, %get3A_987 : vector<16xf32>
        %add3A_989 = arith.addf %add3A_983, %mul3A_988 : vector<16xf32>
        %neg3A_990 = arith.constant 0.000000e+00 : f32
        %neg3A_991 = vector.broadcast %neg3A_990 : f32 to vector<16xf32>
        %neg3A_992 = arith.subf %neg3A_991, %add3A_989 : vector<16xf32>
        %add3A_993 = arith.constant 2 : i32
        %add3A_994 = arith.addi %mul3A_355, %add3A_993 : i32
        %get3A_995 = arith.index_cast %add3A_994 : i32 to index
        %get3A_996 = arith.constant 0 : index
        %get3A_997 = tpu.vector_load %arg16[%get3A_995, %get3A_996] {strides = array<i32>} : memref<320x64xf32, #tpu.memory_space<vmem>>, vector<1x16xf32>,
        %get3A_998 = vector.shape_cast %get3A_997 : vector<1x16xf32> to vector<16xf32>
        %mul3A_999 = arith.mulf %mul3A_494, %get3A_998 : vector<16xf32>
        %get3A_1000 = arith.index_cast %add3A_994 : i32 to index
        %get3A_1001 = arith.constant 16 : index
        %get3A_1002 = tpu.vector_load %arg16[%get3A_1000, %get3A_1001] {strides = array<i32>} : memref<320x64xf32, #tpu.memory_space<vmem>>, vector<1x16xf32>,
        %get3A_1003 = vector.shape_cast %get3A_1002 : vector<1x16xf32> to vector<16xf32>
        %mul3A_1004 = arith.mulf %mul3A_634, %get3A_1003 : vector<16xf32>
        %add3A_1005 = arith.addf %mul3A_999, %mul3A_1004 : vector<16xf32>
        %get3A_1006 = arith.index_cast %add3A_994 : i32 to index
        %get3A_1007 = arith.constant 32 : index
        %get3A_1008 = tpu.vector_load %arg16[%get3A_1006, %get3A_1007] {strides = array<i32>} : memref<320x64xf32, #tpu.memory_space<vmem>>, vector<1x16xf32>,
        %get3A_1009 = vector.shape_cast %get3A_1008 : vector<1x16xf32> to vector<16xf32>
        %mul3A_1010 = arith.mulf %mul3A_774, %get3A_1009 : vector<16xf32>
        %add3A_1011 = arith.addf %add3A_1005, %mul3A_1010 : vector<16xf32>
        %get3A_1012 = arith.index_cast %add3A_994 : i32 to index
        %get3A_1013 = arith.constant 48 : index
        %get3A_1014 = tpu.vector_load %arg16[%get3A_1012, %get3A_1013] {strides = array<i32>} : memref<320x64xf32, #tpu.memory_space<vmem>>, vector<1x16xf32>,
        %get3A_1015 = vector.shape_cast %get3A_1014 : vector<1x16xf32> to vector<16xf32>
        %mul3A_1016 = arith.mulf %mul3A_914, %get3A_1015 : vector<16xf32>
        %add3A_1017 = arith.addf %add3A_1011, %mul3A_1016 : vector<16xf32>
        %neg3A_1018 = arith.constant 0.000000e+00 : f32
        %neg3A_1019 = vector.broadcast %neg3A_1018 : f32 to vector<16xf32>
        %neg3A_1020 = arith.subf %neg3A_1019, %add3A_1017 : vector<16xf32>
        %add3A_1021 = arith.constant 3 : i32
        %add3A_1022 = arith.addi %mul3A_355, %add3A_1021 : i32
        %get3A_1023 = arith.index_cast %add3A_1022 : i32 to index
        %get3A_1024 = arith.constant 0 : index
        %get3A_1025 = tpu.vector_load %arg16[%get3A_1023, %get3A_1024] {strides = array<i32>} : memref<320x64xf32, #tpu.memory_space<vmem>>, vector<1x16xf32>,
        %get3A_1026 = vector.shape_cast %get3A_1025 : vector<1x16xf32> to vector<16xf32>
        %mul3A_1027 = arith.mulf %mul3A_494, %get3A_1026 : vector<16xf32>
        %get3A_1028 = arith.index_cast %add3A_1022 : i32 to index
        %get3A_1029 = arith.constant 16 : index
        %get3A_1030 = tpu.vector_load %arg16[%get3A_1028, %get3A_1029] {strides = array<i32>} : memref<320x64xf32, #tpu.memory_space<vmem>>, vector<1x16xf32>,
        %get3A_1031 = vector.shape_cast %get3A_1030 : vector<1x16xf32> to vector<16xf32>
        %mul3A_1032 = arith.mulf %mul3A_634, %get3A_1031 : vector<16xf32>
        %add3A_1033 = arith.addf %mul3A_1027, %mul3A_1032 : vector<16xf32>
        %get3A_1034 = arith.index_cast %add3A_1022 : i32 to index
        %get3A_1035 = arith.constant 32 : index
        %get3A_1036 = tpu.vector_load %arg16[%get3A_1034, %get3A_1035] {strides = array<i32>} : memref<320x64xf32, #tpu.memory_space<vmem>>, vector<1x16xf32>,
        %get3A_1037 = vector.shape_cast %get3A_1036 : vector<1x16xf32> to vector<16xf32>
        %mul3A_1038 = arith.mulf %mul3A_774, %get3A_1037 : vector<16xf32>
        %add3A_1039 = arith.addf %add3A_1033, %mul3A_1038 : vector<16xf32>
        %get3A_1040 = arith.index_cast %add3A_1022 : i32 to index
        %get3A_1041 = arith.constant 48 : index
        %get3A_1042 = tpu.vector_load %arg16[%get3A_1040, %get3A_1041] {strides = array<i32>} : memref<320x64xf32, #tpu.memory_space<vmem>>, vector<1x16xf32>,
        %get3A_1043 = vector.shape_cast %get3A_1042 : vector<1x16xf32> to vector<16xf32>
        %mul3A_1044 = arith.mulf %mul3A_914, %get3A_1043 : vector<16xf32>
        %add3A_1045 = arith.addf %add3A_1039, %mul3A_1044 : vector<16xf32>
        %neg3A_1046 = arith.constant 0.000000e+00 : f32
        %neg3A_1047 = vector.broadcast %neg3A_1046 : f32 to vector<16xf32>
        %neg3A_1048 = arith.subf %neg3A_1047, %add3A_1045 : vector<16xf32>
        %add3A_1049 = arith.constant 4 : i32
        %add3A_1050 = arith.addi %mul3A_355, %add3A_1049 : i32
        %get3A_1051 = arith.index_cast %add3A_1050 : i32 to index
        %get3A_1052 = arith.constant 0 : index
        %get3A_1053 = tpu.vector_load %arg16[%get3A_1051, %get3A_1052] {strides = array<i32>} : memref<320x64xf32, #tpu.memory_space<vmem>>, vector<1x16xf32>,
        %get3A_1054 = vector.shape_cast %get3A_1053 : vector<1x16xf32> to vector<16xf32>
        %mul3A_1055 = arith.mulf %mul3A_494, %get3A_1054 : vector<16xf32>
        %get3A_1056 = arith.index_cast %add3A_1050 : i32 to index
        %get3A_1057 = arith.constant 16 : index
        %get3A_1058 = tpu.vector_load %arg16[%get3A_1056, %get3A_1057] {strides = array<i32>} : memref<320x64xf32, #tpu.memory_space<vmem>>, vector<1x16xf32>,
        %get3A_1059 = vector.shape_cast %get3A_1058 : vector<1x16xf32> to vector<16xf32>
        %mul3A_1060 = arith.mulf %mul3A_634, %get3A_1059 : vector<16xf32>
        %add3A_1061 = arith.addf %mul3A_1055, %mul3A_1060 : vector<16xf32>
        %get3A_1062 = arith.index_cast %add3A_1050 : i32 to index
        %get3A_1063 = arith.constant 32 : index
        %get3A_1064 = tpu.vector_load %arg16[%get3A_1062, %get3A_1063] {strides = array<i32>} : memref<320x64xf32, #tpu.memory_space<vmem>>, vector<1x16xf32>,
        %get3A_1065 = vector.shape_cast %get3A_1064 : vector<1x16xf32> to vector<16xf32>
        %mul3A_1066 = arith.mulf %mul3A_774, %get3A_1065 : vector<16xf32>
        %add3A_1067 = arith.addf %add3A_1061, %mul3A_1066 : vector<16xf32>
        %get3A_1068 = arith.index_cast %add3A_1050 : i32 to index
        %get3A_1069 = arith.constant 48 : index
        %get3A_1070 = tpu.vector_load %arg16[%get3A_1068, %get3A_1069] {strides = array<i32>} : memref<320x64xf32, #tpu.memory_space<vmem>>, vector<1x16xf32>,
        %get3A_1071 = vector.shape_cast %get3A_1070 : vector<1x16xf32> to vector<16xf32>
        %mul3A_1072 = arith.mulf %mul3A_914, %get3A_1071 : vector<16xf32>
        %add3A_1073 = arith.addf %add3A_1067, %mul3A_1072 : vector<16xf32>
        %neg3A_1074 = arith.constant 0.000000e+00 : f32
        %neg3A_1075 = vector.broadcast %neg3A_1074 : f32 to vector<16xf32>
        %neg3A_1076 = arith.subf %neg3A_1075, %add3A_1073 : vector<16xf32>
        %add3A_1077 = arith.constant 5 : i32
        %add3A_1078 = arith.addi %mul3A_355, %add3A_1077 : i32
        %get3A_1079 = arith.index_cast %add3A_1078 : i32 to index
        %get3A_1080 = arith.constant 0 : index
        %get3A_1081 = tpu.vector_load %arg16[%get3A_1079, %get3A_1080] {strides = array<i32>} : memref<320x64xf32, #tpu.memory_space<vmem>>, vector<1x16xf32>,
        %get3A_1082 = vector.shape_cast %get3A_1081 : vector<1x16xf32> to vector<16xf32>
        %mul3A_1083 = arith.mulf %mul3A_494, %get3A_1082 : vector<16xf32>
        %get3A_1084 = arith.index_cast %add3A_1078 : i32 to index
        %get3A_1085 = arith.constant 16 : index
        %get3A_1086 = tpu.vector_load %arg16[%get3A_1084, %get3A_1085] {strides = array<i32>} : memref<320x64xf32, #tpu.memory_space<vmem>>, vector<1x16xf32>,
        %get3A_1087 = vector.shape_cast %get3A_1086 : vector<1x16xf32> to vector<16xf32>
        %mul3A_1088 = arith.mulf %mul3A_634, %get3A_1087 : vector<16xf32>
        %add3A_1089 = arith.addf %mul3A_1083, %mul3A_1088 : vector<16xf32>
        %get3A_1090 = arith.index_cast %add3A_1078 : i32 to index
        %get3A_1091 = arith.constant 32 : index
        %get3A_1092 = tpu.vector_load %arg16[%get3A_1090, %get3A_1091] {strides = array<i32>} : memref<320x64xf32, #tpu.memory_space<vmem>>, vector<1x16xf32>,
        %get3A_1093 = vector.shape_cast %get3A_1092 : vector<1x16xf32> to vector<16xf32>
        %mul3A_1094 = arith.mulf %mul3A_774, %get3A_1093 : vector<16xf32>
        %add3A_1095 = arith.addf %add3A_1089, %mul3A_1094 : vector<16xf32>
        %get3A_1096 = arith.index_cast %add3A_1078 : i32 to index
        %get3A_1097 = arith.constant 48 : index
        %get3A_1098 = tpu.vector_load %arg16[%get3A_1096, %get3A_1097] {strides = array<i32>} : memref<320x64xf32, #tpu.memory_space<vmem>>, vector<1x16xf32>,
        %get3A_1099 = vector.shape_cast %get3A_1098 : vector<1x16xf32> to vector<16xf32>
        %mul3A_1100 = arith.mulf %mul3A_914, %get3A_1099 : vector<16xf32>
        %add3A_1101 = arith.addf %add3A_1095, %mul3A_1100 : vector<16xf32>
        %neg3A_1102 = arith.constant 0.000000e+00 : f32
        %neg3A_1103 = vector.broadcast %neg3A_1102 : f32 to vector<16xf32>
        %neg3A_1104 = arith.subf %neg3A_1103, %add3A_1101 : vector<16xf32>
        %add3A_1105 = arith.constant 6 : i32
        %add3A_1106 = arith.addi %mul3A_355, %add3A_1105 : i32
        %get3A_1107 = arith.index_cast %add3A_1106 : i32 to index
        %get3A_1108 = arith.constant 0 : index
        %get3A_1109 = tpu.vector_load %arg16[%get3A_1107, %get3A_1108] {strides = array<i32>} : memref<320x64xf32, #tpu.memory_space<vmem>>, vector<1x16xf32>,
        %get3A_1110 = vector.shape_cast %get3A_1109 : vector<1x16xf32> to vector<16xf32>
        %mul3A_1111 = arith.mulf %mul3A_494, %get3A_1110 : vector<16xf32>
        %get3A_1112 = arith.index_cast %add3A_1106 : i32 to index
        %get3A_1113 = arith.constant 16 : index
        %get3A_1114 = tpu.vector_load %arg16[%get3A_1112, %get3A_1113] {strides = array<i32>} : memref<320x64xf32, #tpu.memory_space<vmem>>, vector<1x16xf32>,
        %get3A_1115 = vector.shape_cast %get3A_1114 : vector<1x16xf32> to vector<16xf32>
        %mul3A_1116 = arith.mulf %mul3A_634, %get3A_1115 : vector<16xf32>
        %add3A_1117 = arith.addf %mul3A_1111, %mul3A_1116 : vector<16xf32>
        %get3A_1118 = arith.index_cast %add3A_1106 : i32 to index
        %get3A_1119 = arith.constant 32 : index
        %get3A_1120 = tpu.vector_load %arg16[%get3A_1118, %get3A_1119] {strides = array<i32>} : memref<320x64xf32, #tpu.memory_space<vmem>>, vector<1x16xf32>,
        %get3A_1121 = vector.shape_cast %get3A_1120 : vector<1x16xf32> to vector<16xf32>
        %mul3A_1122 = arith.mulf %mul3A_774, %get3A_1121 : vector<16xf32>
        %add3A_1123 = arith.addf %add3A_1117, %mul3A_1122 : vector<16xf32>
        %get3A_1124 = arith.index_cast %add3A_1106 : i32 to index
        %get3A_1125 = arith.constant 48 : index
        %get3A_1126 = tpu.vector_load %arg16[%get3A_1124, %get3A_1125] {strides = array<i32>} : memref<320x64xf32, #tpu.memory_space<vmem>>, vector<1x16xf32>,
        %get3A_1127 = vector.shape_cast %get3A_1126 : vector<1x16xf32> to vector<16xf32>
        %mul3A_1128 = arith.mulf %mul3A_914, %get3A_1127 : vector<16xf32>
        %add3A_1129 = arith.addf %add3A_1123, %mul3A_1128 : vector<16xf32>
        %neg3A_1130 = arith.constant 0.000000e+00 : f32
        %neg3A_1131 = vector.broadcast %neg3A_1130 : f32 to vector<16xf32>
        %neg3A_1132 = arith.subf %neg3A_1131, %add3A_1129 : vector<16xf32>
        %add3A_1133 = arith.constant 7 : i32
        %add3A_1134 = arith.addi %mul3A_355, %add3A_1133 : i32
        %get3A_1135 = arith.index_cast %add3A_1134 : i32 to index
        %get3A_1136 = arith.constant 0 : index
        %get3A_1137 = tpu.vector_load %arg16[%get3A_1135, %get3A_1136] {strides = array<i32>} : memref<320x64xf32, #tpu.memory_space<vmem>>, vector<1x16xf32>,
        %get3A_1138 = vector.shape_cast %get3A_1137 : vector<1x16xf32> to vector<16xf32>
        %mul3A_1139 = arith.mulf %mul3A_494, %get3A_1138 : vector<16xf32>
        %get3A_1140 = arith.index_cast %add3A_1134 : i32 to index
        %get3A_1141 = arith.constant 16 : index
        %get3A_1142 = tpu.vector_load %arg16[%get3A_1140, %get3A_1141] {strides = array<i32>} : memref<320x64xf32, #tpu.memory_space<vmem>>, vector<1x16xf32>,
        %get3A_1143 = vector.shape_cast %get3A_1142 : vector<1x16xf32> to vector<16xf32>
        %mul3A_1144 = arith.mulf %mul3A_634, %get3A_1143 : vector<16xf32>
        %add3A_1145 = arith.addf %mul3A_1139, %mul3A_1144 : vector<16xf32>
        %get3A_1146 = arith.index_cast %add3A_1134 : i32 to index
        %get3A_1147 = arith.constant 32 : index
        %get3A_1148 = tpu.vector_load %arg16[%get3A_1146, %get3A_1147] {strides = array<i32>} : memref<320x64xf32, #tpu.memory_space<vmem>>, vector<1x16xf32>,
        %get3A_1149 = vector.shape_cast %get3A_1148 : vector<1x16xf32> to vector<16xf32>
        %mul3A_1150 = arith.mulf %mul3A_774, %get3A_1149 : vector<16xf32>
        %add3A_1151 = arith.addf %add3A_1145, %mul3A_1150 : vector<16xf32>
        %get3A_1152 = arith.index_cast %add3A_1134 : i32 to index
        %get3A_1153 = arith.constant 48 : index
        %get3A_1154 = tpu.vector_load %arg16[%get3A_1152, %get3A_1153] {strides = array<i32>} : memref<320x64xf32, #tpu.memory_space<vmem>>, vector<1x16xf32>,
        %get3A_1155 = vector.shape_cast %get3A_1154 : vector<1x16xf32> to vector<16xf32>
        %mul3A_1156 = arith.mulf %mul3A_914, %get3A_1155 : vector<16xf32>
        %add3A_1157 = arith.addf %add3A_1151, %mul3A_1156 : vector<16xf32>
        %neg3A_1158 = arith.constant 0.000000e+00 : f32
        %neg3A_1159 = vector.broadcast %neg3A_1158 : f32 to vector<16xf32>
        %neg3A_1160 = arith.subf %neg3A_1159, %add3A_1157 : vector<16xf32>
        %add3A_1161 = arith.constant 8 : i32
        %add3A_1162 = arith.addi %mul3A_355, %add3A_1161 : i32
        %get3A_1163 = arith.index_cast %add3A_1162 : i32 to index
        %get3A_1164 = arith.constant 0 : index
        %get3A_1165 = tpu.vector_load %arg16[%get3A_1163, %get3A_1164] {strides = array<i32>} : memref<320x64xf32, #tpu.memory_space<vmem>>, vector<1x16xf32>,
        %get3A_1166 = vector.shape_cast %get3A_1165 : vector<1x16xf32> to vector<16xf32>
        %mul3A_1167 = arith.mulf %mul3A_494, %get3A_1166 : vector<16xf32>
        %get3A_1168 = arith.index_cast %add3A_1162 : i32 to index
        %get3A_1169 = arith.constant 16 : index
        %get3A_1170 = tpu.vector_load %arg16[%get3A_1168, %get3A_1169] {strides = array<i32>} : memref<320x64xf32, #tpu.memory_space<vmem>>, vector<1x16xf32>,
        %get3A_1171 = vector.shape_cast %get3A_1170 : vector<1x16xf32> to vector<16xf32>
        %mul3A_1172 = arith.mulf %mul3A_634, %get3A_1171 : vector<16xf32>
        %add3A_1173 = arith.addf %mul3A_1167, %mul3A_1172 : vector<16xf32>
        %get3A_1174 = arith.index_cast %add3A_1162 : i32 to index
        %get3A_1175 = arith.constant 32 : index
        %get3A_1176 = tpu.vector_load %arg16[%get3A_1174, %get3A_1175] {strides = array<i32>} : memref<320x64xf32, #tpu.memory_space<vmem>>, vector<1x16xf32>,
        %get3A_1177 = vector.shape_cast %get3A_1176 : vector<1x16xf32> to vector<16xf32>
        %mul3A_1178 = arith.mulf %mul3A_774, %get3A_1177 : vector<16xf32>
        %add3A_1179 = arith.addf %add3A_1173, %mul3A_1178 : vector<16xf32>
        %get3A_1180 = arith.index_cast %add3A_1162 : i32 to index
        %get3A_1181 = arith.constant 48 : index
        %get3A_1182 = tpu.vector_load %arg16[%get3A_1180, %get3A_1181] {strides = array<i32>} : memref<320x64xf32, #tpu.memory_space<vmem>>, vector<1x16xf32>,
        %get3A_1183 = vector.shape_cast %get3A_1182 : vector<1x16xf32> to vector<16xf32>
        %mul3A_1184 = arith.mulf %mul3A_914, %get3A_1183 : vector<16xf32>
        %add3A_1185 = arith.addf %add3A_1179, %mul3A_1184 : vector<16xf32>
        %neg3A_1186 = arith.constant 0.000000e+00 : f32
        %neg3A_1187 = vector.broadcast %neg3A_1186 : f32 to vector<16xf32>
        %neg3A_1188 = arith.subf %neg3A_1187, %add3A_1185 : vector<16xf32>
        %add3A_1189 = arith.constant 9 : i32
        %add3A_1190 = arith.addi %mul3A_355, %add3A_1189 : i32
        %get3A_1191 = arith.index_cast %add3A_1190 : i32 to index
        %get3A_1192 = arith.constant 0 : index
        %get3A_1193 = tpu.vector_load %arg16[%get3A_1191, %get3A_1192] {strides = array<i32>} : memref<320x64xf32, #tpu.memory_space<vmem>>, vector<1x16xf32>,
        %get3A_1194 = vector.shape_cast %get3A_1193 : vector<1x16xf32> to vector<16xf32>
        %mul3A_1195 = arith.mulf %mul3A_494, %get3A_1194 : vector<16xf32>
        %get3A_1196 = arith.index_cast %add3A_1190 : i32 to index
        %get3A_1197 = arith.constant 16 : index
        %get3A_1198 = tpu.vector_load %arg16[%get3A_1196, %get3A_1197] {strides = array<i32>} : memref<320x64xf32, #tpu.memory_space<vmem>>, vector<1x16xf32>,
        %get3A_1199 = vector.shape_cast %get3A_1198 : vector<1x16xf32> to vector<16xf32>
        %mul3A_1200 = arith.mulf %mul3A_634, %get3A_1199 : vector<16xf32>
        %add3A_1201 = arith.addf %mul3A_1195, %mul3A_1200 : vector<16xf32>
        %get3A_1202 = arith.index_cast %add3A_1190 : i32 to index
        %get3A_1203 = arith.constant 32 : index
        %get3A_1204 = tpu.vector_load %arg16[%get3A_1202, %get3A_1203] {strides = array<i32>} : memref<320x64xf32, #tpu.memory_space<vmem>>, vector<1x16xf32>,
        %get3A_1205 = vector.shape_cast %get3A_1204 : vector<1x16xf32> to vector<16xf32>
        %mul3A_1206 = arith.mulf %mul3A_774, %get3A_1205 : vector<16xf32>
        %add3A_1207 = arith.addf %add3A_1201, %mul3A_1206 : vector<16xf32>
        %get3A_1208 = arith.index_cast %add3A_1190 : i32 to index
        %get3A_1209 = arith.constant 48 : index
        %get3A_1210 = tpu.vector_load %arg16[%get3A_1208, %get3A_1209] {strides = array<i32>} : memref<320x64xf32, #tpu.memory_space<vmem>>, vector<1x16xf32>,
        %get3A_1211 = vector.shape_cast %get3A_1210 : vector<1x16xf32> to vector<16xf32>
        %mul3A_1212 = arith.mulf %mul3A_914, %get3A_1211 : vector<16xf32>
        %add3A_1213 = arith.addf %add3A_1207, %mul3A_1212 : vector<16xf32>
        %neg3A_1214 = arith.constant 0.000000e+00 : f32
        %neg3A_1215 = vector.broadcast %neg3A_1214 : f32 to vector<16xf32>
        %neg3A_1216 = arith.subf %neg3A_1215, %add3A_1213 : vector<16xf32>
        %add3A_1217 = arith.constant 10 : i32
        %add3A_1218 = arith.addi %mul3A_355, %add3A_1217 : i32
        %get3A_1219 = arith.index_cast %add3A_1218 : i32 to index
        %get3A_1220 = arith.constant 0 : index
        %get3A_1221 = tpu.vector_load %arg16[%get3A_1219, %get3A_1220] {strides = array<i32>} : memref<320x64xf32, #tpu.memory_space<vmem>>, vector<1x16xf32>,
        %get3A_1222 = vector.shape_cast %get3A_1221 : vector<1x16xf32> to vector<16xf32>
        %mul3A_1223 = arith.mulf %mul3A_494, %get3A_1222 : vector<16xf32>
        %get3A_1224 = arith.index_cast %add3A_1218 : i32 to index
        %get3A_1225 = arith.constant 16 : index
        %get3A_1226 = tpu.vector_load %arg16[%get3A_1224, %get3A_1225] {strides = array<i32>} : memref<320x64xf32, #tpu.memory_space<vmem>>, vector<1x16xf32>,
        %get3A_1227 = vector.shape_cast %get3A_1226 : vector<1x16xf32> to vector<16xf32>
        %mul3A_1228 = arith.mulf %mul3A_634, %get3A_1227 : vector<16xf32>
        %add3A_1229 = arith.addf %mul3A_1223, %mul3A_1228 : vector<16xf32>
        %get3A_1230 = arith.index_cast %add3A_1218 : i32 to index
        %get3A_1231 = arith.constant 32 : index
        %get3A_1232 = tpu.vector_load %arg16[%get3A_1230, %get3A_1231] {strides = array<i32>} : memref<320x64xf32, #tpu.memory_space<vmem>>, vector<1x16xf32>,
        %get3A_1233 = vector.shape_cast %get3A_1232 : vector<1x16xf32> to vector<16xf32>
        %mul3A_1234 = arith.mulf %mul3A_774, %get3A_1233 : vector<16xf32>
        %add3A_1235 = arith.addf %add3A_1229, %mul3A_1234 : vector<16xf32>
        %get3A_1236 = arith.index_cast %add3A_1218 : i32 to index
        %get3A_1237 = arith.constant 48 : index
        %get3A_1238 = tpu.vector_load %arg16[%get3A_1236, %get3A_1237] {strides = array<i32>} : memref<320x64xf32, #tpu.memory_space<vmem>>, vector<1x16xf32>,
        %get3A_1239 = vector.shape_cast %get3A_1238 : vector<1x16xf32> to vector<16xf32>
        %mul3A_1240 = arith.mulf %mul3A_914, %get3A_1239 : vector<16xf32>
        %add3A_1241 = arith.addf %add3A_1235, %mul3A_1240 : vector<16xf32>
        %neg3A_1242 = arith.constant 0.000000e+00 : f32
        %neg3A_1243 = vector.broadcast %neg3A_1242 : f32 to vector<16xf32>
        %neg3A_1244 = arith.subf %neg3A_1243, %add3A_1241 : vector<16xf32>
        %add3A_1245 = arith.constant 11 : i32
        %add3A_1246 = arith.addi %mul3A_355, %add3A_1245 : i32
        %get3A_1247 = arith.index_cast %add3A_1246 : i32 to index
        %get3A_1248 = arith.constant 0 : index
        %get3A_1249 = tpu.vector_load %arg16[%get3A_1247, %get3A_1248] {strides = array<i32>} : memref<320x64xf32, #tpu.memory_space<vmem>>, vector<1x16xf32>,
        %get3A_1250 = vector.shape_cast %get3A_1249 : vector<1x16xf32> to vector<16xf32>
        %mul3A_1251 = arith.mulf %mul3A_494, %get3A_1250 : vector<16xf32>
        %get3A_1252 = arith.index_cast %add3A_1246 : i32 to index
        %get3A_1253 = arith.constant 16 : index
        %get3A_1254 = tpu.vector_load %arg16[%get3A_1252, %get3A_1253] {strides = array<i32>} : memref<320x64xf32, #tpu.memory_space<vmem>>, vector<1x16xf32>,
        %get3A_1255 = vector.shape_cast %get3A_1254 : vector<1x16xf32> to vector<16xf32>
        %mul3A_1256 = arith.mulf %mul3A_634, %get3A_1255 : vector<16xf32>
        %add3A_1257 = arith.addf %mul3A_1251, %mul3A_1256 : vector<16xf32>
        %get3A_1258 = arith.index_cast %add3A_1246 : i32 to index
        %get3A_1259 = arith.constant 32 : index
        %get3A_1260 = tpu.vector_load %arg16[%get3A_1258, %get3A_1259] {strides = array<i32>} : memref<320x64xf32, #tpu.memory_space<vmem>>, vector<1x16xf32>,
        %get3A_1261 = vector.shape_cast %get3A_1260 : vector<1x16xf32> to vector<16xf32>
        %mul3A_1262 = arith.mulf %mul3A_774, %get3A_1261 : vector<16xf32>
        %add3A_1263 = arith.addf %add3A_1257, %mul3A_1262 : vector<16xf32>
        %get3A_1264 = arith.index_cast %add3A_1246 : i32 to index
        %get3A_1265 = arith.constant 48 : index
        %get3A_1266 = tpu.vector_load %arg16[%get3A_1264, %get3A_1265] {strides = array<i32>} : memref<320x64xf32, #tpu.memory_space<vmem>>, vector<1x16xf32>,
        %get3A_1267 = vector.shape_cast %get3A_1266 : vector<1x16xf32> to vector<16xf32>
        %mul3A_1268 = arith.mulf %mul3A_914, %get3A_1267 : vector<16xf32>
        %add3A_1269 = arith.addf %add3A_1263, %mul3A_1268 : vector<16xf32>
        %neg3A_1270 = arith.constant 0.000000e+00 : f32
        %neg3A_1271 = vector.broadcast %neg3A_1270 : f32 to vector<16xf32>
        %neg3A_1272 = arith.subf %neg3A_1271, %add3A_1269 : vector<16xf32>
        %add3A_1273 = arith.constant 12 : i32
        %add3A_1274 = arith.addi %mul3A_355, %add3A_1273 : i32
        %get3A_1275 = arith.index_cast %add3A_1274 : i32 to index
        %get3A_1276 = arith.constant 0 : index
        %get3A_1277 = tpu.vector_load %arg16[%get3A_1275, %get3A_1276] {strides = array<i32>} : memref<320x64xf32, #tpu.memory_space<vmem>>, vector<1x16xf32>,
        %get3A_1278 = vector.shape_cast %get3A_1277 : vector<1x16xf32> to vector<16xf32>
        %mul3A_1279 = arith.mulf %mul3A_494, %get3A_1278 : vector<16xf32>
        %get3A_1280 = arith.index_cast %add3A_1274 : i32 to index
        %get3A_1281 = arith.constant 16 : index
        %get3A_1282 = tpu.vector_load %arg16[%get3A_1280, %get3A_1281] {strides = array<i32>} : memref<320x64xf32, #tpu.memory_space<vmem>>, vector<1x16xf32>,
        %get3A_1283 = vector.shape_cast %get3A_1282 : vector<1x16xf32> to vector<16xf32>
        %mul3A_1284 = arith.mulf %mul3A_634, %get3A_1283 : vector<16xf32>
        %add3A_1285 = arith.addf %mul3A_1279, %mul3A_1284 : vector<16xf32>
        %get3A_1286 = arith.index_cast %add3A_1274 : i32 to index
        %get3A_1287 = arith.constant 32 : index
        %get3A_1288 = tpu.vector_load %arg16[%get3A_1286, %get3A_1287] {strides = array<i32>} : memref<320x64xf32, #tpu.memory_space<vmem>>, vector<1x16xf32>,
        %get3A_1289 = vector.shape_cast %get3A_1288 : vector<1x16xf32> to vector<16xf32>
        %mul3A_1290 = arith.mulf %mul3A_774, %get3A_1289 : vector<16xf32>
        %add3A_1291 = arith.addf %add3A_1285, %mul3A_1290 : vector<16xf32>
        %get3A_1292 = arith.index_cast %add3A_1274 : i32 to index
        %get3A_1293 = arith.constant 48 : index
        %get3A_1294 = tpu.vector_load %arg16[%get3A_1292, %get3A_1293] {strides = array<i32>} : memref<320x64xf32, #tpu.memory_space<vmem>>, vector<1x16xf32>,
        %get3A_1295 = vector.shape_cast %get3A_1294 : vector<1x16xf32> to vector<16xf32>
        %mul3A_1296 = arith.mulf %mul3A_914, %get3A_1295 : vector<16xf32>
        %add3A_1297 = arith.addf %add3A_1291, %mul3A_1296 : vector<16xf32>
        %neg3A_1298 = arith.constant 0.000000e+00 : f32
        %neg3A_1299 = vector.broadcast %neg3A_1298 : f32 to vector<16xf32>
        %neg3A_1300 = arith.subf %neg3A_1299, %add3A_1297 : vector<16xf32>
        %add3A_1301 = arith.constant 13 : i32
        %add3A_1302 = arith.addi %mul3A_355, %add3A_1301 : i32
        %get3A_1303 = arith.index_cast %add3A_1302 : i32 to index
        %get3A_1304 = arith.constant 0 : index
        %get3A_1305 = tpu.vector_load %arg16[%get3A_1303, %get3A_1304] {strides = array<i32>} : memref<320x64xf32, #tpu.memory_space<vmem>>, vector<1x16xf32>,
        %get3A_1306 = vector.shape_cast %get3A_1305 : vector<1x16xf32> to vector<16xf32>
        %mul3A_1307 = arith.mulf %mul3A_494, %get3A_1306 : vector<16xf32>
        %get3A_1308 = arith.index_cast %add3A_1302 : i32 to index
        %get3A_1309 = arith.constant 16 : index
        %get3A_1310 = tpu.vector_load %arg16[%get3A_1308, %get3A_1309] {strides = array<i32>} : memref<320x64xf32, #tpu.memory_space<vmem>>, vector<1x16xf32>,
        %get3A_1311 = vector.shape_cast %get3A_1310 : vector<1x16xf32> to vector<16xf32>
        %mul3A_1312 = arith.mulf %mul3A_634, %get3A_1311 : vector<16xf32>
        %add3A_1313 = arith.addf %mul3A_1307, %mul3A_1312 : vector<16xf32>
        %get3A_1314 = arith.index_cast %add3A_1302 : i32 to index
        %get3A_1315 = arith.constant 32 : index
        %get3A_1316 = tpu.vector_load %arg16[%get3A_1314, %get3A_1315] {strides = array<i32>} : memref<320x64xf32, #tpu.memory_space<vmem>>, vector<1x16xf32>,
        %get3A_1317 = vector.shape_cast %get3A_1316 : vector<1x16xf32> to vector<16xf32>
        %mul3A_1318 = arith.mulf %mul3A_774, %get3A_1317 : vector<16xf32>
        %add3A_1319 = arith.addf %add3A_1313, %mul3A_1318 : vector<16xf32>
        %get3A_1320 = arith.index_cast %add3A_1302 : i32 to index
        %get3A_1321 = arith.constant 48 : index
        %get3A_1322 = tpu.vector_load %arg16[%get3A_1320, %get3A_1321] {strides = array<i32>} : memref<320x64xf32, #tpu.memory_space<vmem>>, vector<1x16xf32>,
        %get3A_1323 = vector.shape_cast %get3A_1322 : vector<1x16xf32> to vector<16xf32>
        %mul3A_1324 = arith.mulf %mul3A_914, %get3A_1323 : vector<16xf32>
        %add3A_1325 = arith.addf %add3A_1319, %mul3A_1324 : vector<16xf32>
        %neg3A_1326 = arith.constant 0.000000e+00 : f32
        %neg3A_1327 = vector.broadcast %neg3A_1326 : f32 to vector<16xf32>
        %neg3A_1328 = arith.subf %neg3A_1327, %add3A_1325 : vector<16xf32>
        %add3A_1329 = arith.constant 14 : i32
        %add3A_1330 = arith.addi %mul3A_355, %add3A_1329 : i32
        %get3A_1331 = arith.index_cast %add3A_1330 : i32 to index
        %get3A_1332 = arith.constant 0 : index
        %get3A_1333 = tpu.vector_load %arg16[%get3A_1331, %get3A_1332] {strides = array<i32>} : memref<320x64xf32, #tpu.memory_space<vmem>>, vector<1x16xf32>,
        %get3A_1334 = vector.shape_cast %get3A_1333 : vector<1x16xf32> to vector<16xf32>
        %mul3A_1335 = arith.mulf %mul3A_494, %get3A_1334 : vector<16xf32>
        %get3A_1336 = arith.index_cast %add3A_1330 : i32 to index
        %get3A_1337 = arith.constant 16 : index
        %get3A_1338 = tpu.vector_load %arg16[%get3A_1336, %get3A_1337] {strides = array<i32>} : memref<320x64xf32, #tpu.memory_space<vmem>>, vector<1x16xf32>,
        %get3A_1339 = vector.shape_cast %get3A_1338 : vector<1x16xf32> to vector<16xf32>
        %mul3A_1340 = arith.mulf %mul3A_634, %get3A_1339 : vector<16xf32>
        %add3A_1341 = arith.addf %mul3A_1335, %mul3A_1340 : vector<16xf32>
        %get3A_1342 = arith.index_cast %add3A_1330 : i32 to index
        %get3A_1343 = arith.constant 32 : index
        %get3A_1344 = tpu.vector_load %arg16[%get3A_1342, %get3A_1343] {strides = array<i32>} : memref<320x64xf32, #tpu.memory_space<vmem>>, vector<1x16xf32>,
        %get3A_1345 = vector.shape_cast %get3A_1344 : vector<1x16xf32> to vector<16xf32>
        %mul3A_1346 = arith.mulf %mul3A_774, %get3A_1345 : vector<16xf32>
        %add3A_1347 = arith.addf %add3A_1341, %mul3A_1346 : vector<16xf32>
        %get3A_1348 = arith.index_cast %add3A_1330 : i32 to index
        %get3A_1349 = arith.constant 48 : index
        %get3A_1350 = tpu.vector_load %arg16[%get3A_1348, %get3A_1349] {strides = array<i32>} : memref<320x64xf32, #tpu.memory_space<vmem>>, vector<1x16xf32>,
        %get3A_1351 = vector.shape_cast %get3A_1350 : vector<1x16xf32> to vector<16xf32>
        %mul3A_1352 = arith.mulf %mul3A_914, %get3A_1351 : vector<16xf32>
        %add3A_1353 = arith.addf %add3A_1347, %mul3A_1352 : vector<16xf32>
        %neg3A_1354 = arith.constant 0.000000e+00 : f32
        %neg3A_1355 = vector.broadcast %neg3A_1354 : f32 to vector<16xf32>
        %neg3A_1356 = arith.subf %neg3A_1355, %add3A_1353 : vector<16xf32>
        %add3A_1357 = arith.constant 15 : i32
        %add3A_1358 = arith.addi %mul3A_355, %add3A_1357 : i32
        %get3A_1359 = arith.index_cast %add3A_1358 : i32 to index
        %get3A_1360 = arith.constant 0 : index
        %get3A_1361 = tpu.vector_load %arg16[%get3A_1359, %get3A_1360] {strides = array<i32>} : memref<320x64xf32, #tpu.memory_space<vmem>>, vector<1x16xf32>,
        %get3A_1362 = vector.shape_cast %get3A_1361 : vector<1x16xf32> to vector<16xf32>
        %mul3A_1363 = arith.mulf %mul3A_494, %get3A_1362 : vector<16xf32>
        %get3A_1364 = arith.index_cast %add3A_1358 : i32 to index
        %get3A_1365 = arith.constant 16 : index
        %get3A_1366 = tpu.vector_load %arg16[%get3A_1364, %get3A_1365] {strides = array<i32>} : memref<320x64xf32, #tpu.memory_space<vmem>>, vector<1x16xf32>,
        %get3A_1367 = vector.shape_cast %get3A_1366 : vector<1x16xf32> to vector<16xf32>
        %mul3A_1368 = arith.mulf %mul3A_634, %get3A_1367 : vector<16xf32>
        %add3A_1369 = arith.addf %mul3A_1363, %mul3A_1368 : vector<16xf32>
        %get3A_1370 = arith.index_cast %add3A_1358 : i32 to index
        %get3A_1371 = arith.constant 32 : index
        %get3A_1372 = tpu.vector_load %arg16[%get3A_1370, %get3A_1371] {strides = array<i32>} : memref<320x64xf32, #tpu.memory_space<vmem>>, vector<1x16xf32>,
        %get3A_1373 = vector.shape_cast %get3A_1372 : vector<1x16xf32> to vector<16xf32>
        %mul3A_1374 = arith.mulf %mul3A_774, %get3A_1373 : vector<16xf32>
        %add3A_1375 = arith.addf %add3A_1369, %mul3A_1374 : vector<16xf32>
        %get3A_1376 = arith.index_cast %add3A_1358 : i32 to index
        %get3A_1377 = arith.constant 48 : index
        %get3A_1378 = tpu.vector_load %arg16[%get3A_1376, %get3A_1377] {strides = array<i32>} : memref<320x64xf32, #tpu.memory_space<vmem>>, vector<1x16xf32>,
        %get3A_1379 = vector.shape_cast %get3A_1378 : vector<1x16xf32> to vector<16xf32>
        %mul3A_1380 = arith.mulf %mul3A_914, %get3A_1379 : vector<16xf32>
        %add3A_1381 = arith.addf %add3A_1375, %mul3A_1380 : vector<16xf32>
        %neg3A_1382 = arith.constant 0.000000e+00 : f32
        %neg3A_1383 = vector.broadcast %neg3A_1382 : f32 to vector<16xf32>
        %neg3A_1384 = arith.subf %neg3A_1383, %add3A_1381 : vector<16xf32>
        %add3A_1385 = arith.constant 16 : i32
        %add3A_1386 = arith.addi %mul3A_355, %add3A_1385 : i32
        %get3A_1387 = arith.index_cast %add3A_1386 : i32 to index
        %get3A_1388 = arith.constant 0 : index
        %get3A_1389 = tpu.vector_load %arg16[%get3A_1387, %get3A_1388] {strides = array<i32>} : memref<320x64xf32, #tpu.memory_space<vmem>>, vector<1x16xf32>,
        %get3A_1390 = vector.shape_cast %get3A_1389 : vector<1x16xf32> to vector<16xf32>
        %mul3A_1391 = arith.mulf %mul3A_494, %get3A_1390 : vector<16xf32>
        %get3A_1392 = arith.index_cast %add3A_1386 : i32 to index
        %get3A_1393 = arith.constant 16 : index
        %get3A_1394 = tpu.vector_load %arg16[%get3A_1392, %get3A_1393] {strides = array<i32>} : memref<320x64xf32, #tpu.memory_space<vmem>>, vector<1x16xf32>,
        %get3A_1395 = vector.shape_cast %get3A_1394 : vector<1x16xf32> to vector<16xf32>
        %mul3A_1396 = arith.mulf %mul3A_634, %get3A_1395 : vector<16xf32>
        %add3A_1397 = arith.addf %mul3A_1391, %mul3A_1396 : vector<16xf32>
        %get3A_1398 = arith.index_cast %add3A_1386 : i32 to index
        %get3A_1399 = arith.constant 32 : index
        %get3A_1400 = tpu.vector_load %arg16[%get3A_1398, %get3A_1399] {strides = array<i32>} : memref<320x64xf32, #tpu.memory_space<vmem>>, vector<1x16xf32>,
        %get3A_1401 = vector.shape_cast %get3A_1400 : vector<1x16xf32> to vector<16xf32>
        %mul3A_1402 = arith.mulf %mul3A_774, %get3A_1401 : vector<16xf32>
        %add3A_1403 = arith.addf %add3A_1397, %mul3A_1402 : vector<16xf32>
        %get3A_1404 = arith.index_cast %add3A_1386 : i32 to index
        %get3A_1405 = arith.constant 48 : index
        %get3A_1406 = tpu.vector_load %arg16[%get3A_1404, %get3A_1405] {strides = array<i32>} : memref<320x64xf32, #tpu.memory_space<vmem>>, vector<1x16xf32>,
        %get3A_1407 = vector.shape_cast %get3A_1406 : vector<1x16xf32> to vector<16xf32>
        %mul3A_1408 = arith.mulf %mul3A_914, %get3A_1407 : vector<16xf32>
        %add3A_1409 = arith.addf %add3A_1403, %mul3A_1408 : vector<16xf32>
        %neg3A_1410 = arith.constant 0.000000e+00 : f32
        %neg3A_1411 = vector.broadcast %neg3A_1410 : f32 to vector<16xf32>
        %neg3A_1412 = arith.subf %neg3A_1411, %add3A_1409 : vector<16xf32>
        %add3A_1413 = arith.constant 17 : i32
        %add3A_1414 = arith.addi %mul3A_355, %add3A_1413 : i32
        %get3A_1415 = arith.index_cast %add3A_1414 : i32 to index
        %get3A_1416 = arith.constant 0 : index
        %get3A_1417 = tpu.vector_load %arg16[%get3A_1415, %get3A_1416] {strides = array<i32>} : memref<320x64xf32, #tpu.memory_space<vmem>>, vector<1x16xf32>,
        %get3A_1418 = vector.shape_cast %get3A_1417 : vector<1x16xf32> to vector<16xf32>
        %mul3A_1419 = arith.mulf %mul3A_494, %get3A_1418 : vector<16xf32>
        %get3A_1420 = arith.index_cast %add3A_1414 : i32 to index
        %get3A_1421 = arith.constant 16 : index
        %get3A_1422 = tpu.vector_load %arg16[%get3A_1420, %get3A_1421] {strides = array<i32>} : memref<320x64xf32, #tpu.memory_space<vmem>>, vector<1x16xf32>,
        %get3A_1423 = vector.shape_cast %get3A_1422 : vector<1x16xf32> to vector<16xf32>
        %mul3A_1424 = arith.mulf %mul3A_634, %get3A_1423 : vector<16xf32>
        %add3A_1425 = arith.addf %mul3A_1419, %mul3A_1424 : vector<16xf32>
        %get3A_1426 = arith.index_cast %add3A_1414 : i32 to index
        %get3A_1427 = arith.constant 32 : index
        %get3A_1428 = tpu.vector_load %arg16[%get3A_1426, %get3A_1427] {strides = array<i32>} : memref<320x64xf32, #tpu.memory_space<vmem>>, vector<1x16xf32>,
        %get3A_1429 = vector.shape_cast %get3A_1428 : vector<1x16xf32> to vector<16xf32>
        %mul3A_1430 = arith.mulf %mul3A_774, %get3A_1429 : vector<16xf32>
        %add3A_1431 = arith.addf %add3A_1425, %mul3A_1430 : vector<16xf32>
        %get3A_1432 = arith.index_cast %add3A_1414 : i32 to index
        %get3A_1433 = arith.constant 48 : index
        %get3A_1434 = tpu.vector_load %arg16[%get3A_1432, %get3A_1433] {strides = array<i32>} : memref<320x64xf32, #tpu.memory_space<vmem>>, vector<1x16xf32>,
        %get3A_1435 = vector.shape_cast %get3A_1434 : vector<1x16xf32> to vector<16xf32>
        %mul3A_1436 = arith.mulf %mul3A_914, %get3A_1435 : vector<16xf32>
        %add3A_1437 = arith.addf %add3A_1431, %mul3A_1436 : vector<16xf32>
        %neg3A_1438 = arith.constant 0.000000e+00 : f32
        %neg3A_1439 = vector.broadcast %neg3A_1438 : f32 to vector<16xf32>
        %neg3A_1440 = arith.subf %neg3A_1439, %add3A_1437 : vector<16xf32>
        %add3A_1441 = arith.constant 18 : i32
        %add3A_1442 = arith.addi %mul3A_355, %add3A_1441 : i32
        %get3A_1443 = arith.index_cast %add3A_1442 : i32 to index
        %get3A_1444 = arith.constant 0 : index
        %get3A_1445 = tpu.vector_load %arg16[%get3A_1443, %get3A_1444] {strides = array<i32>} : memref<320x64xf32, #tpu.memory_space<vmem>>, vector<1x16xf32>,
        %get3A_1446 = vector.shape_cast %get3A_1445 : vector<1x16xf32> to vector<16xf32>
        %mul3A_1447 = arith.mulf %mul3A_494, %get3A_1446 : vector<16xf32>
        %get3A_1448 = arith.index_cast %add3A_1442 : i32 to index
        %get3A_1449 = arith.constant 16 : index
        %get3A_1450 = tpu.vector_load %arg16[%get3A_1448, %get3A_1449] {strides = array<i32>} : memref<320x64xf32, #tpu.memory_space<vmem>>, vector<1x16xf32>,
        %get3A_1451 = vector.shape_cast %get3A_1450 : vector<1x16xf32> to vector<16xf32>
        %mul3A_1452 = arith.mulf %mul3A_634, %get3A_1451 : vector<16xf32>
        %add3A_1453 = arith.addf %mul3A_1447, %mul3A_1452 : vector<16xf32>
        %get3A_1454 = arith.index_cast %add3A_1442 : i32 to index
        %get3A_1455 = arith.constant 32 : index
        %get3A_1456 = tpu.vector_load %arg16[%get3A_1454, %get3A_1455] {strides = array<i32>} : memref<320x64xf32, #tpu.memory_space<vmem>>, vector<1x16xf32>,
        %get3A_1457 = vector.shape_cast %get3A_1456 : vector<1x16xf32> to vector<16xf32>
        %mul3A_1458 = arith.mulf %mul3A_774, %get3A_1457 : vector<16xf32>
        %add3A_1459 = arith.addf %add3A_1453, %mul3A_1458 : vector<16xf32>
        %get3A_1460 = arith.index_cast %add3A_1442 : i32 to index
        %get3A_1461 = arith.constant 48 : index
        %get3A_1462 = tpu.vector_load %arg16[%get3A_1460, %get3A_1461] {strides = array<i32>} : memref<320x64xf32, #tpu.memory_space<vmem>>, vector<1x16xf32>,
        %get3A_1463 = vector.shape_cast %get3A_1462 : vector<1x16xf32> to vector<16xf32>
        %mul3A_1464 = arith.mulf %mul3A_914, %get3A_1463 : vector<16xf32>
        %add3A_1465 = arith.addf %add3A_1459, %mul3A_1464 : vector<16xf32>
        %neg3A_1466 = arith.constant 0.000000e+00 : f32
        %neg3A_1467 = vector.broadcast %neg3A_1466 : f32 to vector<16xf32>
        %neg3A_1468 = arith.subf %neg3A_1467, %add3A_1465 : vector<16xf32>
        %add3A_1469 = arith.constant 19 : i32
        %add3A_1470 = arith.addi %mul3A_355, %add3A_1469 : i32
        %get3A_1471 = arith.index_cast %add3A_1470 : i32 to index
        %get3A_1472 = arith.constant 0 : index
        %get3A_1473 = tpu.vector_load %arg16[%get3A_1471, %get3A_1472] {strides = array<i32>} : memref<320x64xf32, #tpu.memory_space<vmem>>, vector<1x16xf32>,
        %get3A_1474 = vector.shape_cast %get3A_1473 : vector<1x16xf32> to vector<16xf32>
        %mul3A_1475 = arith.mulf %mul3A_494, %get3A_1474 : vector<16xf32>
        %get3A_1476 = arith.index_cast %add3A_1470 : i32 to index
        %get3A_1477 = arith.constant 16 : index
        %get3A_1478 = tpu.vector_load %arg16[%get3A_1476, %get3A_1477] {strides = array<i32>} : memref<320x64xf32, #tpu.memory_space<vmem>>, vector<1x16xf32>,
        %get3A_1479 = vector.shape_cast %get3A_1478 : vector<1x16xf32> to vector<16xf32>
        %mul3A_1480 = arith.mulf %mul3A_634, %get3A_1479 : vector<16xf32>
        %add3A_1481 = arith.addf %mul3A_1475, %mul3A_1480 : vector<16xf32>
        %get3A_1482 = arith.index_cast %add3A_1470 : i32 to index
        %get3A_1483 = arith.constant 32 : index
        %get3A_1484 = tpu.vector_load %arg16[%get3A_1482, %get3A_1483] {strides = array<i32>} : memref<320x64xf32, #tpu.memory_space<vmem>>, vector<1x16xf32>,
        %get3A_1485 = vector.shape_cast %get3A_1484 : vector<1x16xf32> to vector<16xf32>
        %mul3A_1486 = arith.mulf %mul3A_774, %get3A_1485 : vector<16xf32>
        %add3A_1487 = arith.addf %add3A_1481, %mul3A_1486 : vector<16xf32>
        %get3A_1488 = arith.index_cast %add3A_1470 : i32 to index
        %get3A_1489 = arith.constant 48 : index
        %get3A_1490 = tpu.vector_load %arg16[%get3A_1488, %get3A_1489] {strides = array<i32>} : memref<320x64xf32, #tpu.memory_space<vmem>>, vector<1x16xf32>,
        %get3A_1491 = vector.shape_cast %get3A_1490 : vector<1x16xf32> to vector<16xf32>
        %mul3A_1492 = arith.mulf %mul3A_914, %get3A_1491 : vector<16xf32>
        %add3A_1493 = arith.addf %add3A_1487, %mul3A_1492 : vector<16xf32>
        %neg3A_1494 = arith.constant 0.000000e+00 : f32
        %neg3A_1495 = vector.broadcast %neg3A_1494 : f32 to vector<16xf32>
        %neg3A_1496 = arith.subf %neg3A_1495, %add3A_1493 : vector<16xf32>
        %broadcast_in_dim3A = arith.constant 0.000000e+00 : f32
        %broadcast_in_dim3A_1497 = vector.broadcast %broadcast_in_dim3A : f32 to vector<16xf32>
        %select_n3A = arith.select %ne3A_38, %neg3A_964, %add3A_937 : vector<16xi1>, vector<16xf32>
        %select_n3A_1498 = arith.select %ne3A_38, %add3A_937, %neg3A_964 : vector<16xi1>, vector<16xf32>
        %broadcast_in_dim3A_1499 = vector.shape_cast %xor3A_25 : vector<16xi32> to vector<16x1xi32>
        %gather3A = vector.shape_cast %broadcast_in_dim3A_1499 : vector<16x1xi32> to vector<16xi32>
        %gather3A_1500 = tpu.dynamic_gather %select_n3A_1498[%gather3A] in [0] : vector<16xf32>, vector<16xi32> -> vector<16xf32>
        %add3A_1501 = arith.addf %select_n3A, %gather3A_1500 : vector<16xf32>
        %select_n3A_1502 = arith.select %ne3A_38, %neg3A_1020, %neg3A_992 : vector<16xi1>, vector<16xf32>
        %select_n3A_1503 = arith.select %ne3A_38, %neg3A_992, %neg3A_1020 : vector<16xi1>, vector<16xf32>
        %broadcast_in_dim3A_1504 = vector.shape_cast %xor3A_25 : vector<16xi32> to vector<16x1xi32>
        %gather3A_1505 = vector.shape_cast %broadcast_in_dim3A_1504 : vector<16x1xi32> to vector<16xi32>
        %gather3A_1506 = tpu.dynamic_gather %select_n3A_1503[%gather3A_1505] in [0] : vector<16xf32>, vector<16xi32> -> vector<16xf32>
        %add3A_1507 = arith.addf %select_n3A_1502, %gather3A_1506 : vector<16xf32>
        %select_n3A_1508 = arith.select %ne3A_38, %neg3A_1076, %neg3A_1048 : vector<16xi1>, vector<16xf32>
        %select_n3A_1509 = arith.select %ne3A_38, %neg3A_1048, %neg3A_1076 : vector<16xi1>, vector<16xf32>
        %broadcast_in_dim3A_1510 = vector.shape_cast %xor3A_25 : vector<16xi32> to vector<16x1xi32>
        %gather3A_1511 = vector.shape_cast %broadcast_in_dim3A_1510 : vector<16x1xi32> to vector<16xi32>
        %gather3A_1512 = tpu.dynamic_gather %select_n3A_1509[%gather3A_1511] in [0] : vector<16xf32>, vector<16xi32> -> vector<16xf32>
        %add3A_1513 = arith.addf %select_n3A_1508, %gather3A_1512 : vector<16xf32>
        %select_n3A_1514 = arith.select %ne3A_38, %neg3A_1132, %neg3A_1104 : vector<16xi1>, vector<16xf32>
        %select_n3A_1515 = arith.select %ne3A_38, %neg3A_1104, %neg3A_1132 : vector<16xi1>, vector<16xf32>
        %broadcast_in_dim3A_1516 = vector.shape_cast %xor3A_25 : vector<16xi32> to vector<16x1xi32>
        %gather3A_1517 = vector.shape_cast %broadcast_in_dim3A_1516 : vector<16x1xi32> to vector<16xi32>
        %gather3A_1518 = tpu.dynamic_gather %select_n3A_1515[%gather3A_1517] in [0] : vector<16xf32>, vector<16xi32> -> vector<16xf32>
        %add3A_1519 = arith.addf %select_n3A_1514, %gather3A_1518 : vector<16xf32>
        %select_n3A_1520 = arith.select %ne3A_38, %neg3A_1188, %neg3A_1160 : vector<16xi1>, vector<16xf32>
        %select_n3A_1521 = arith.select %ne3A_38, %neg3A_1160, %neg3A_1188 : vector<16xi1>, vector<16xf32>
        %broadcast_in_dim3A_1522 = vector.shape_cast %xor3A_25 : vector<16xi32> to vector<16x1xi32>
        %gather3A_1523 = vector.shape_cast %broadcast_in_dim3A_1522 : vector<16x1xi32> to vector<16xi32>
        %gather3A_1524 = tpu.dynamic_gather %select_n3A_1521[%gather3A_1523] in [0] : vector<16xf32>, vector<16xi32> -> vector<16xf32>
        %add3A_1525 = arith.addf %select_n3A_1520, %gather3A_1524 : vector<16xf32>
        %select_n3A_1526 = arith.select %ne3A_38, %neg3A_1244, %neg3A_1216 : vector<16xi1>, vector<16xf32>
        %select_n3A_1527 = arith.select %ne3A_38, %neg3A_1216, %neg3A_1244 : vector<16xi1>, vector<16xf32>
        %broadcast_in_dim3A_1528 = vector.shape_cast %xor3A_25 : vector<16xi32> to vector<16x1xi32>
        %gather3A_1529 = vector.shape_cast %broadcast_in_dim3A_1528 : vector<16x1xi32> to vector<16xi32>
        %gather3A_1530 = tpu.dynamic_gather %select_n3A_1527[%gather3A_1529] in [0] : vector<16xf32>, vector<16xi32> -> vector<16xf32>
        %add3A_1531 = arith.addf %select_n3A_1526, %gather3A_1530 : vector<16xf32>
        %select_n3A_1532 = arith.select %ne3A_38, %neg3A_1300, %neg3A_1272 : vector<16xi1>, vector<16xf32>
        %select_n3A_1533 = arith.select %ne3A_38, %neg3A_1272, %neg3A_1300 : vector<16xi1>, vector<16xf32>
        %broadcast_in_dim3A_1534 = vector.shape_cast %xor3A_25 : vector<16xi32> to vector<16x1xi32>
        %gather3A_1535 = vector.shape_cast %broadcast_in_dim3A_1534 : vector<16x1xi32> to vector<16xi32>
        %gather3A_1536 = tpu.dynamic_gather %select_n3A_1533[%gather3A_1535] in [0] : vector<16xf32>, vector<16xi32> -> vector<16xf32>
        %add3A_1537 = arith.addf %select_n3A_1532, %gather3A_1536 : vector<16xf32>
        %select_n3A_1538 = arith.select %ne3A_38, %neg3A_1356, %neg3A_1328 : vector<16xi1>, vector<16xf32>
        %select_n3A_1539 = arith.select %ne3A_38, %neg3A_1328, %neg3A_1356 : vector<16xi1>, vector<16xf32>
        %broadcast_in_dim3A_1540 = vector.shape_cast %xor3A_25 : vector<16xi32> to vector<16x1xi32>
        %gather3A_1541 = vector.shape_cast %broadcast_in_dim3A_1540 : vector<16x1xi32> to vector<16xi32>
        %gather3A_1542 = tpu.dynamic_gather %select_n3A_1539[%gather3A_1541] in [0] : vector<16xf32>, vector<16xi32> -> vector<16xf32>
        %add3A_1543 = arith.addf %select_n3A_1538, %gather3A_1542 : vector<16xf32>
        %select_n3A_1544 = arith.select %ne3A_44, %add3A_1507, %add3A_1501 : vector<16xi1>, vector<16xf32>
        %select_n3A_1545 = arith.select %ne3A_44, %add3A_1501, %add3A_1507 : vector<16xi1>, vector<16xf32>
        %broadcast_in_dim3A_1546 = vector.shape_cast %xor3A_28 : vector<16xi32> to vector<16x1xi32>
        %gather3A_1547 = vector.shape_cast %broadcast_in_dim3A_1546 : vector<16x1xi32> to vector<16xi32>
        %gather3A_1548 = tpu.dynamic_gather %select_n3A_1545[%gather3A_1547] in [0] : vector<16xf32>, vector<16xi32> -> vector<16xf32>
        %add3A_1549 = arith.addf %select_n3A_1544, %gather3A_1548 : vector<16xf32>
        %select_n3A_1550 = arith.select %ne3A_44, %add3A_1519, %add3A_1513 : vector<16xi1>, vector<16xf32>
        %select_n3A_1551 = arith.select %ne3A_44, %add3A_1513, %add3A_1519 : vector<16xi1>, vector<16xf32>
        %broadcast_in_dim3A_1552 = vector.shape_cast %xor3A_28 : vector<16xi32> to vector<16x1xi32>
        %gather3A_1553 = vector.shape_cast %broadcast_in_dim3A_1552 : vector<16x1xi32> to vector<16xi32>
        %gather3A_1554 = tpu.dynamic_gather %select_n3A_1551[%gather3A_1553] in [0] : vector<16xf32>, vector<16xi32> -> vector<16xf32>
        %add3A_1555 = arith.addf %select_n3A_1550, %gather3A_1554 : vector<16xf32>
        %select_n3A_1556 = arith.select %ne3A_44, %add3A_1531, %add3A_1525 : vector<16xi1>, vector<16xf32>
        %select_n3A_1557 = arith.select %ne3A_44, %add3A_1525, %add3A_1531 : vector<16xi1>, vector<16xf32>
        %broadcast_in_dim3A_1558 = vector.shape_cast %xor3A_28 : vector<16xi32> to vector<16x1xi32>
        %gather3A_1559 = vector.shape_cast %broadcast_in_dim3A_1558 : vector<16x1xi32> to vector<16xi32>
        %gather3A_1560 = tpu.dynamic_gather %select_n3A_1557[%gather3A_1559] in [0] : vector<16xf32>, vector<16xi32> -> vector<16xf32>
        %add3A_1561 = arith.addf %select_n3A_1556, %gather3A_1560 : vector<16xf32>
        %select_n3A_1562 = arith.select %ne3A_44, %add3A_1543, %add3A_1537 : vector<16xi1>, vector<16xf32>
        %select_n3A_1563 = arith.select %ne3A_44, %add3A_1537, %add3A_1543 : vector<16xi1>, vector<16xf32>
        %broadcast_in_dim3A_1564 = vector.shape_cast %xor3A_28 : vector<16xi32> to vector<16x1xi32>
        %gather3A_1565 = vector.shape_cast %broadcast_in_dim3A_1564 : vector<16x1xi32> to vector<16xi32>
        %gather3A_1566 = tpu.dynamic_gather %select_n3A_1563[%gather3A_1565] in [0] : vector<16xf32>, vector<16xi32> -> vector<16xf32>
        %add3A_1567 = arith.addf %select_n3A_1562, %gather3A_1566 : vector<16xf32>
        %select_n3A_1568 = arith.select %ne3A_50, %add3A_1555, %add3A_1549 : vector<16xi1>, vector<16xf32>
        %select_n3A_1569 = arith.select %ne3A_50, %add3A_1549, %add3A_1555 : vector<16xi1>, vector<16xf32>
        %broadcast_in_dim3A_1570 = vector.shape_cast %xor3A_31 : vector<16xi32> to vector<16x1xi32>
        %gather3A_1571 = vector.shape_cast %broadcast_in_dim3A_1570 : vector<16x1xi32> to vector<16xi32>
        %gather3A_1572 = tpu.dynamic_gather %select_n3A_1569[%gather3A_1571] in [0] : vector<16xf32>, vector<16xi32> -> vector<16xf32>
        %add3A_1573 = arith.addf %select_n3A_1568, %gather3A_1572 : vector<16xf32>
        %select_n3A_1574 = arith.select %ne3A_50, %add3A_1567, %add3A_1561 : vector<16xi1>, vector<16xf32>
        %select_n3A_1575 = arith.select %ne3A_50, %add3A_1561, %add3A_1567 : vector<16xi1>, vector<16xf32>
        %broadcast_in_dim3A_1576 = vector.shape_cast %xor3A_31 : vector<16xi32> to vector<16x1xi32>
        %gather3A_1577 = vector.shape_cast %broadcast_in_dim3A_1576 : vector<16x1xi32> to vector<16xi32>
        %gather3A_1578 = tpu.dynamic_gather %select_n3A_1575[%gather3A_1577] in [0] : vector<16xf32>, vector<16xi32> -> vector<16xf32>
        %add3A_1579 = arith.addf %select_n3A_1574, %gather3A_1578 : vector<16xf32>
        %select_n3A_1580 = arith.select %ne3A_56, %add3A_1579, %add3A_1573 : vector<16xi1>, vector<16xf32>
        %select_n3A_1581 = arith.select %ne3A_56, %add3A_1573, %add3A_1579 : vector<16xi1>, vector<16xf32>
        %broadcast_in_dim3A_1582 = vector.shape_cast %xor3A_34 : vector<16xi32> to vector<16x1xi32>
        %gather3A_1583 = vector.shape_cast %broadcast_in_dim3A_1582 : vector<16x1xi32> to vector<16xi32>
        %gather3A_1584 = tpu.dynamic_gather %select_n3A_1581[%gather3A_1583] in [0] : vector<16xf32>, vector<16xi32> -> vector<16xf32>
        %add3A_1585 = arith.addf %select_n3A_1580, %gather3A_1584 : vector<16xf32>
        %select_n3A_1586 = arith.select %ne3A_38, %neg3A_1412, %neg3A_1384 : vector<16xi1>, vector<16xf32>
        %select_n3A_1587 = arith.select %ne3A_38, %neg3A_1384, %neg3A_1412 : vector<16xi1>, vector<16xf32>
        %broadcast_in_dim3A_1588 = vector.shape_cast %xor3A_25 : vector<16xi32> to vector<16x1xi32>
        %gather3A_1589 = vector.shape_cast %broadcast_in_dim3A_1588 : vector<16x1xi32> to vector<16xi32>
        %gather3A_1590 = tpu.dynamic_gather %select_n3A_1587[%gather3A_1589] in [0] : vector<16xf32>, vector<16xi32> -> vector<16xf32>
        %add3A_1591 = arith.addf %select_n3A_1586, %gather3A_1590 : vector<16xf32>
        %select_n3A_1592 = arith.select %ne3A_38, %neg3A_1468, %neg3A_1440 : vector<16xi1>, vector<16xf32>
        %select_n3A_1593 = arith.select %ne3A_38, %neg3A_1440, %neg3A_1468 : vector<16xi1>, vector<16xf32>
        %broadcast_in_dim3A_1594 = vector.shape_cast %xor3A_25 : vector<16xi32> to vector<16x1xi32>
        %gather3A_1595 = vector.shape_cast %broadcast_in_dim3A_1594 : vector<16x1xi32> to vector<16xi32>
        %gather3A_1596 = tpu.dynamic_gather %select_n3A_1593[%gather3A_1595] in [0] : vector<16xf32>, vector<16xi32> -> vector<16xf32>
        %add3A_1597 = arith.addf %select_n3A_1592, %gather3A_1596 : vector<16xf32>
        %select_n3A_1598 = arith.select %ne3A_38, %broadcast_in_dim3A_1497, %neg3A_1496 : vector<16xi1>, vector<16xf32>
        %select_n3A_1599 = arith.select %ne3A_38, %neg3A_1496, %broadcast_in_dim3A_1497 : vector<16xi1>, vector<16xf32>
        %broadcast_in_dim3A_1600 = vector.shape_cast %xor3A_25 : vector<16xi32> to vector<16x1xi32>
        %gather3A_1601 = vector.shape_cast %broadcast_in_dim3A_1600 : vector<16x1xi32> to vector<16xi32>
        %gather3A_1602 = tpu.dynamic_gather %select_n3A_1599[%gather3A_1601] in [0] : vector<16xf32>, vector<16xi32> -> vector<16xf32>
        %add3A_1603 = arith.addf %select_n3A_1598, %gather3A_1602 : vector<16xf32>
        %select_n3A_1604 = arith.select %ne3A_38, %broadcast_in_dim3A_1497, %broadcast_in_dim3A_1497 : vector<16xi1>, vector<16xf32>
        %select_n3A_1605 = arith.select %ne3A_38, %broadcast_in_dim3A_1497, %broadcast_in_dim3A_1497 : vector<16xi1>, vector<16xf32>
        %broadcast_in_dim3A_1606 = vector.shape_cast %xor3A_25 : vector<16xi32> to vector<16x1xi32>
        %gather3A_1607 = vector.shape_cast %broadcast_in_dim3A_1606 : vector<16x1xi32> to vector<16xi32>
        %gather3A_1608 = tpu.dynamic_gather %select_n3A_1605[%gather3A_1607] in [0] : vector<16xf32>, vector<16xi32> -> vector<16xf32>
        %add3A_1609 = arith.addf %select_n3A_1604, %gather3A_1608 : vector<16xf32>
        %select_n3A_1610 = arith.select %ne3A_38, %broadcast_in_dim3A_1497, %broadcast_in_dim3A_1497 : vector<16xi1>, vector<16xf32>
        %select_n3A_1611 = arith.select %ne3A_38, %broadcast_in_dim3A_1497, %broadcast_in_dim3A_1497 : vector<16xi1>, vector<16xf32>
        %broadcast_in_dim3A_1612 = vector.shape_cast %xor3A_25 : vector<16xi32> to vector<16x1xi32>
        %gather3A_1613 = vector.shape_cast %broadcast_in_dim3A_1612 : vector<16x1xi32> to vector<16xi32>
        %gather3A_1614 = tpu.dynamic_gather %select_n3A_1611[%gather3A_1613] in [0] : vector<16xf32>, vector<16xi32> -> vector<16xf32>
        %add3A_1615 = arith.addf %select_n3A_1610, %gather3A_1614 : vector<16xf32>
        %select_n3A_1616 = arith.select %ne3A_38, %broadcast_in_dim3A_1497, %broadcast_in_dim3A_1497 : vector<16xi1>, vector<16xf32>
        %select_n3A_1617 = arith.select %ne3A_38, %broadcast_in_dim3A_1497, %broadcast_in_dim3A_1497 : vector<16xi1>, vector<16xf32>
        %broadcast_in_dim3A_1618 = vector.shape_cast %xor3A_25 : vector<16xi32> to vector<16x1xi32>
        %gather3A_1619 = vector.shape_cast %broadcast_in_dim3A_1618 : vector<16x1xi32> to vector<16xi32>
        %gather3A_1620 = tpu.dynamic_gather %select_n3A_1617[%gather3A_1619] in [0] : vector<16xf32>, vector<16xi32> -> vector<16xf32>
        %add3A_1621 = arith.addf %select_n3A_1616, %gather3A_1620 : vector<16xf32>
        %select_n3A_1622 = arith.select %ne3A_38, %broadcast_in_dim3A_1497, %broadcast_in_dim3A_1497 : vector<16xi1>, vector<16xf32>
        %select_n3A_1623 = arith.select %ne3A_38, %broadcast_in_dim3A_1497, %broadcast_in_dim3A_1497 : vector<16xi1>, vector<16xf32>
        %broadcast_in_dim3A_1624 = vector.shape_cast %xor3A_25 : vector<16xi32> to vector<16x1xi32>
        %gather3A_1625 = vector.shape_cast %broadcast_in_dim3A_1624 : vector<16x1xi32> to vector<16xi32>
        %gather3A_1626 = tpu.dynamic_gather %select_n3A_1623[%gather3A_1625] in [0] : vector<16xf32>, vector<16xi32> -> vector<16xf32>
        %add3A_1627 = arith.addf %select_n3A_1622, %gather3A_1626 : vector<16xf32>
        %select_n3A_1628 = arith.select %ne3A_38, %broadcast_in_dim3A_1497, %broadcast_in_dim3A_1497 : vector<16xi1>, vector<16xf32>
        %select_n3A_1629 = arith.select %ne3A_38, %broadcast_in_dim3A_1497, %broadcast_in_dim3A_1497 : vector<16xi1>, vector<16xf32>
        %broadcast_in_dim3A_1630 = vector.shape_cast %xor3A_25 : vector<16xi32> to vector<16x1xi32>
        %gather3A_1631 = vector.shape_cast %broadcast_in_dim3A_1630 : vector<16x1xi32> to vector<16xi32>
        %gather3A_1632 = tpu.dynamic_gather %select_n3A_1629[%gather3A_1631] in [0] : vector<16xf32>, vector<16xi32> -> vector<16xf32>
        %add3A_1633 = arith.addf %select_n3A_1628, %gather3A_1632 : vector<16xf32>
        %select_n3A_1634 = arith.select %ne3A_44, %add3A_1597, %add3A_1591 : vector<16xi1>, vector<16xf32>
        %select_n3A_1635 = arith.select %ne3A_44, %add3A_1591, %add3A_1597 : vector<16xi1>, vector<16xf32>
        %broadcast_in_dim3A_1636 = vector.shape_cast %xor3A_28 : vector<16xi32> to vector<16x1xi32>
        %gather3A_1637 = vector.shape_cast %broadcast_in_dim3A_1636 : vector<16x1xi32> to vector<16xi32>
        %gather3A_1638 = tpu.dynamic_gather %select_n3A_1635[%gather3A_1637] in [0] : vector<16xf32>, vector<16xi32> -> vector<16xf32>
        %add3A_1639 = arith.addf %select_n3A_1634, %gather3A_1638 : vector<16xf32>
        %select_n3A_1640 = arith.select %ne3A_44, %add3A_1609, %add3A_1603 : vector<16xi1>, vector<16xf32>
        %select_n3A_1641 = arith.select %ne3A_44, %add3A_1603, %add3A_1609 : vector<16xi1>, vector<16xf32>
        %broadcast_in_dim3A_1642 = vector.shape_cast %xor3A_28 : vector<16xi32> to vector<16x1xi32>
        %gather3A_1643 = vector.shape_cast %broadcast_in_dim3A_1642 : vector<16x1xi32> to vector<16xi32>
        %gather3A_1644 = tpu.dynamic_gather %select_n3A_1641[%gather3A_1643] in [0] : vector<16xf32>, vector<16xi32> -> vector<16xf32>
        %add3A_1645 = arith.addf %select_n3A_1640, %gather3A_1644 : vector<16xf32>
        %select_n3A_1646 = arith.select %ne3A_44, %add3A_1621, %add3A_1615 : vector<16xi1>, vector<16xf32>
        %select_n3A_1647 = arith.select %ne3A_44, %add3A_1615, %add3A_1621 : vector<16xi1>, vector<16xf32>
        %broadcast_in_dim3A_1648 = vector.shape_cast %xor3A_28 : vector<16xi32> to vector<16x1xi32>
        %gather3A_1649 = vector.shape_cast %broadcast_in_dim3A_1648 : vector<16x1xi32> to vector<16xi32>
        %gather3A_1650 = tpu.dynamic_gather %select_n3A_1647[%gather3A_1649] in [0] : vector<16xf32>, vector<16xi32> -> vector<16xf32>
        %add3A_1651 = arith.addf %select_n3A_1646, %gather3A_1650 : vector<16xf32>
        %select_n3A_1652 = arith.select %ne3A_44, %add3A_1633, %add3A_1627 : vector<16xi1>, vector<16xf32>
        %select_n3A_1653 = arith.select %ne3A_44, %add3A_1627, %add3A_1633 : vector<16xi1>, vector<16xf32>
        %broadcast_in_dim3A_1654 = vector.shape_cast %xor3A_28 : vector<16xi32> to vector<16x1xi32>
        %gather3A_1655 = vector.shape_cast %broadcast_in_dim3A_1654 : vector<16x1xi32> to vector<16xi32>
        %gather3A_1656 = tpu.dynamic_gather %select_n3A_1653[%gather3A_1655] in [0] : vector<16xf32>, vector<16xi32> -> vector<16xf32>
        %add3A_1657 = arith.addf %select_n3A_1652, %gather3A_1656 : vector<16xf32>
        %select_n3A_1658 = arith.select %ne3A_50, %add3A_1645, %add3A_1639 : vector<16xi1>, vector<16xf32>
        %select_n3A_1659 = arith.select %ne3A_50, %add3A_1639, %add3A_1645 : vector<16xi1>, vector<16xf32>
        %broadcast_in_dim3A_1660 = vector.shape_cast %xor3A_31 : vector<16xi32> to vector<16x1xi32>
        %gather3A_1661 = vector.shape_cast %broadcast_in_dim3A_1660 : vector<16x1xi32> to vector<16xi32>
        %gather3A_1662 = tpu.dynamic_gather %select_n3A_1659[%gather3A_1661] in [0] : vector<16xf32>, vector<16xi32> -> vector<16xf32>
        %add3A_1663 = arith.addf %select_n3A_1658, %gather3A_1662 : vector<16xf32>
        %select_n3A_1664 = arith.select %ne3A_50, %add3A_1657, %add3A_1651 : vector<16xi1>, vector<16xf32>
        %select_n3A_1665 = arith.select %ne3A_50, %add3A_1651, %add3A_1657 : vector<16xi1>, vector<16xf32>
        %broadcast_in_dim3A_1666 = vector.shape_cast %xor3A_31 : vector<16xi32> to vector<16x1xi32>
        %gather3A_1667 = vector.shape_cast %broadcast_in_dim3A_1666 : vector<16x1xi32> to vector<16xi32>
        %gather3A_1668 = tpu.dynamic_gather %select_n3A_1665[%gather3A_1667] in [0] : vector<16xf32>, vector<16xi32> -> vector<16xf32>
        %add3A_1669 = arith.addf %select_n3A_1664, %gather3A_1668 : vector<16xf32>
        %select_n3A_1670 = arith.select %ne3A_56, %add3A_1669, %add3A_1663 : vector<16xi1>, vector<16xf32>
        %select_n3A_1671 = arith.select %ne3A_56, %add3A_1663, %add3A_1669 : vector<16xi1>, vector<16xf32>
        %broadcast_in_dim3A_1672 = vector.shape_cast %xor3A_34 : vector<16xi32> to vector<16x1xi32>
        %gather3A_1673 = vector.shape_cast %broadcast_in_dim3A_1672 : vector<16x1xi32> to vector<16xi32>
        %gather3A_1674 = tpu.dynamic_gather %select_n3A_1671[%gather3A_1673] in [0] : vector<16xf32>, vector<16xi32> -> vector<16xf32>
        %add3A_1675 = arith.addf %select_n3A_1670, %gather3A_1674 : vector<16xf32>
        %mul3A_1676 = arith.constant 16 : i32
        %mul3A_1677 = arith.muli %add3A_261, %mul3A_1676 : i32
        %add3A_1678 = arith.addi %mul3A_1677, %scan3A_353 : i32
        %mul3A_1679 = arith.constant 32 : i32
        %mul3A_1680 = arith.muli %add3A_1678, %mul3A_1679 : i32
        %swap3A = arith.index_cast %mul3A_1680 : i32 to index
        %swap3A_1681 = tpu.vector_load %arg17[%swap3A] {strides = array<i32>} : memref<16384xf32, #tpu.memory_space<vmem>>, vector<16xf32>,
        %swap3A_1682 = vector.shape_cast %swap3A_1681 : vector<16xf32> to vector<16xf32>
        %swap3A_1683 = vector.shape_cast %add3A_1585 : vector<16xf32> to vector<16xf32>
        tpu.vector_store %arg17[%swap3A], %swap3A_1683 {strides = array<i32>} : memref<16384xf32, #tpu.memory_space<vmem>>, vector<16xf32>,
        %add3A_1684 = arith.constant 16 : i32
        %add3A_1685 = arith.addi %mul3A_1680, %add3A_1684 : i32
        %swap3A_1686 = arith.index_cast %add3A_1685 : i32 to index
        %swap3A_1687 = tpu.vector_load %arg17[%swap3A_1686] {strides = array<i32>} : memref<16384xf32, #tpu.memory_space<vmem>>, vector<16xf32>,
        %swap3A_1688 = vector.shape_cast %swap3A_1687 : vector<16xf32> to vector<16xf32>
        %swap3A_1689 = vector.shape_cast %add3A_1675 : vector<16xf32> to vector<16xf32>
        tpu.vector_store %arg17[%swap3A_1686], %swap3A_1689 {strides = array<i32>} : memref<16384xf32, #tpu.memory_space<vmem>>, vector<16xf32>,
      }
      %scan3A_345 = arith.constant 16 : i32
      %add3A_346 = arith.constant 2 : i32
      %add3A_347 = arith.addi %add3A_261, %add3A_346 : i32
      %lt3A_348 = arith.constant 32 : i32
      %lt3A_349 = arith.cmpi slt, %add3A_347, %lt3A_348 : i32
      %convert_element_type3A_350 = arith.extui %lt3A_349 : i1 to i32
      %cond3A_351 = arith.constant 0 : i32
      %cond3A_352 = arith.cmpi ne, %convert_element_type3A_350, %cond3A_351 : i32
      scf.if %cond3A_352 {
        %add3A_353 = arith.constant 2 : i32
        %add3A_354 = arith.addi %add3A_261, %add3A_353 : i32
        %mul3A_355 = arith.constant 320 : i32
        %mul3A_356 = arith.muli %add3A_354, %mul3A_355 : i32
        %dma_start3A_357 = arith.constant 0 : i32
        %dma_start3A_358 = arith.constant 0 : i32
        %dma_start3A_359 = tpu.memref_slice %arg12[%dma_start3A_357, %dma_start3A_358] : memref<320x64xf32, #tpu.memory_space<vmem>> -> memref<128x64xf32, #tpu.memory_space<vmem>>
        %dma_start3A_360 = tpu.memref_slice %arg8[%mul3A_356] : memref<10240xi32, #tpu.memory_space<vmem>> -> memref<128xi32, #tpu.memory_space<vmem>>
        %dma_start3A_361 = arith.constant 0 : i32
        %dma_start3A_362 = arith.constant 0 : i32
        %dma_start3A_363 = tpu.memref_slice %arg5[%dma_start3A_361, %dma_start3A_362] : memref<1007616x64xf32, #tpu.memory_space<hbm>> -> memref<1007616x64xf32, #tpu.memory_space<hbm>>
        tpu.enqueue_indirect_dma source(%dma_start3A_363 : memref<1007616x64xf32, #tpu.memory_space<hbm>>) target(%dma_start3A_359 : memref<128x64xf32, #tpu.memory_space<vmem>>) offsets(%dma_start3A_360 : memref<128xi32, #tpu.memory_space<vmem>>) semaphore(%arg19 : memref<!tpu.dma_semaphore, #tpu.memory_space<semaphore_mem>>)
        %add3A_364 = arith.constant 128 : i32
        %add3A_365 = arith.addi %mul3A_356, %add3A_364 : i32
        %dma_start3A_366 = arith.constant 128 : i32
        %dma_start3A_367 = arith.constant 0 : i32
        %dma_start3A_368 = tpu.memref_slice %arg12[%dma_start3A_366, %dma_start3A_367] : memref<320x64xf32, #tpu.memory_space<vmem>> -> memref<128x64xf32, #tpu.memory_space<vmem>>
        %dma_start3A_369 = tpu.memref_slice %arg8[%add3A_365] : memref<10240xi32, #tpu.memory_space<vmem>> -> memref<128xi32, #tpu.memory_space<vmem>>
        %dma_start3A_370 = arith.constant 0 : i32
        %dma_start3A_371 = arith.constant 0 : i32
        %dma_start3A_372 = tpu.memref_slice %arg5[%dma_start3A_370, %dma_start3A_371] : memref<1007616x64xf32, #tpu.memory_space<hbm>> -> memref<1007616x64xf32, #tpu.memory_space<hbm>>
        tpu.enqueue_indirect_dma source(%dma_start3A_372 : memref<1007616x64xf32, #tpu.memory_space<hbm>>) target(%dma_start3A_368 : memref<128x64xf32, #tpu.memory_space<vmem>>) offsets(%dma_start3A_369 : memref<128xi32, #tpu.memory_space<vmem>>) semaphore(%arg19 : memref<!tpu.dma_semaphore, #tpu.memory_space<semaphore_mem>>)
        %add3A_373 = arith.constant 256 : i32
        %add3A_374 = arith.addi %mul3A_356, %add3A_373 : i32
        %dma_start3A_375 = arith.constant 256 : i32
        %dma_start3A_376 = arith.constant 0 : i32
        %dma_start3A_377 = tpu.memref_slice %arg12[%dma_start3A_375, %dma_start3A_376] : memref<320x64xf32, #tpu.memory_space<vmem>> -> memref<64x64xf32, #tpu.memory_space<vmem>>
        %dma_start3A_378 = tpu.memref_slice %arg8[%add3A_374] : memref<10240xi32, #tpu.memory_space<vmem>> -> memref<64xi32, #tpu.memory_space<vmem>>
        %dma_start3A_379 = arith.constant 0 : i32
        %dma_start3A_380 = arith.constant 0 : i32
        %dma_start3A_381 = tpu.memref_slice %arg5[%dma_start3A_379, %dma_start3A_380] : memref<1007616x64xf32, #tpu.memory_space<hbm>> -> memref<1007616x64xf32, #tpu.memory_space<hbm>>
        tpu.enqueue_indirect_dma source(%dma_start3A_381 : memref<1007616x64xf32, #tpu.memory_space<hbm>>) target(%dma_start3A_377 : memref<64x64xf32, #tpu.memory_space<vmem>>) offsets(%dma_start3A_378 : memref<64xi32, #tpu.memory_space<vmem>>) semaphore(%arg19 : memref<!tpu.dma_semaphore, #tpu.memory_space<semaphore_mem>>)
        %mul3A_382 = arith.constant 16 : i32
        %mul3A_383 = arith.muli %add3A_354, %mul3A_382 : i32
        %dma_start3A_384 = tpu.memref_slice %arg10[%mul3A_383] : memref<512xi32, #tpu.memory_space<vmem>> -> memref<16xi32, #tpu.memory_space<vmem>>
        %dma_start3A_385 = arith.constant 0 : i32
        %dma_start3A_386 = arith.constant 0 : i32
        %dma_start3A_387 = tpu.memref_slice %arg6[%dma_start3A_385, %dma_start3A_386] : memref<1007616x64xf32, #tpu.memory_space<hbm>> -> memref<1007616x64xf32, #tpu.memory_space<hbm>>
        tpu.enqueue_indirect_dma source(%dma_start3A_387 : memref<1007616x64xf32, #tpu.memory_space<hbm>>) target(%arg14 : memref<16x64xf32, #tpu.memory_space<vmem>>) offsets(%dma_start3A_384 : memref<16xi32, #tpu.memory_space<vmem>>) semaphore(%arg19 : memref<!tpu.dma_semaphore, #tpu.memory_space<semaphore_mem>>)
        %mul3A_388 = arith.constant 320 : i32
        %mul3A_389 = arith.muli %add3A_354, %mul3A_388 : i32
        %dma_start3A_390 = arith.constant 0 : i32
        %dma_start3A_391 = arith.constant 0 : i32
        %dma_start3A_392 = tpu.memref_slice %arg16[%dma_start3A_390, %dma_start3A_391] : memref<320x64xf32, #tpu.memory_space<vmem>> -> memref<128x64xf32, #tpu.memory_space<vmem>>
        %dma_start3A_393 = tpu.memref_slice %arg9[%mul3A_389] : memref<10240xi32, #tpu.memory_space<vmem>> -> memref<128xi32, #tpu.memory_space<vmem>>
        %dma_start3A_394 = arith.constant 0 : i32
        %dma_start3A_395 = arith.constant 0 : i32
        %dma_start3A_396 = tpu.memref_slice %arg6[%dma_start3A_394, %dma_start3A_395] : memref<1007616x64xf32, #tpu.memory_space<hbm>> -> memref<1007616x64xf32, #tpu.memory_space<hbm>>
        tpu.enqueue_indirect_dma source(%dma_start3A_396 : memref<1007616x64xf32, #tpu.memory_space<hbm>>) target(%dma_start3A_392 : memref<128x64xf32, #tpu.memory_space<vmem>>) offsets(%dma_start3A_393 : memref<128xi32, #tpu.memory_space<vmem>>) semaphore(%arg19 : memref<!tpu.dma_semaphore, #tpu.memory_space<semaphore_mem>>)
        %add3A_397 = arith.constant 128 : i32
        %add3A_398 = arith.addi %mul3A_389, %add3A_397 : i32
        %dma_start3A_399 = arith.constant 128 : i32
        %dma_start3A_400 = arith.constant 0 : i32
        %dma_start3A_401 = tpu.memref_slice %arg16[%dma_start3A_399, %dma_start3A_400] : memref<320x64xf32, #tpu.memory_space<vmem>> -> memref<128x64xf32, #tpu.memory_space<vmem>>
        %dma_start3A_402 = tpu.memref_slice %arg9[%add3A_398] : memref<10240xi32, #tpu.memory_space<vmem>> -> memref<128xi32, #tpu.memory_space<vmem>>
        %dma_start3A_403 = arith.constant 0 : i32
        %dma_start3A_404 = arith.constant 0 : i32
        %dma_start3A_405 = tpu.memref_slice %arg6[%dma_start3A_403, %dma_start3A_404] : memref<1007616x64xf32, #tpu.memory_space<hbm>> -> memref<1007616x64xf32, #tpu.memory_space<hbm>>
        tpu.enqueue_indirect_dma source(%dma_start3A_405 : memref<1007616x64xf32, #tpu.memory_space<hbm>>) target(%dma_start3A_401 : memref<128x64xf32, #tpu.memory_space<vmem>>) offsets(%dma_start3A_402 : memref<128xi32, #tpu.memory_space<vmem>>) semaphore(%arg19 : memref<!tpu.dma_semaphore, #tpu.memory_space<semaphore_mem>>)
        %add3A_406 = arith.constant 256 : i32
        %add3A_407 = arith.addi %mul3A_389, %add3A_406 : i32
        %dma_start3A_408 = arith.constant 256 : i32
        %dma_start3A_409 = arith.constant 0 : i32
        %dma_start3A_410 = tpu.memref_slice %arg16[%dma_start3A_408, %dma_start3A_409] : memref<320x64xf32, #tpu.memory_space<vmem>> -> memref<64x64xf32, #tpu.memory_space<vmem>>
        %dma_start3A_411 = tpu.memref_slice %arg9[%add3A_407] : memref<10240xi32, #tpu.memory_space<vmem>> -> memref<64xi32, #tpu.memory_space<vmem>>
        %dma_start3A_412 = arith.constant 0 : i32
        %dma_start3A_413 = arith.constant 0 : i32
        %dma_start3A_414 = tpu.memref_slice %arg6[%dma_start3A_412, %dma_start3A_413] : memref<1007616x64xf32, #tpu.memory_space<hbm>> -> memref<1007616x64xf32, #tpu.memory_space<hbm>>
        tpu.enqueue_indirect_dma source(%dma_start3A_414 : memref<1007616x64xf32, #tpu.memory_space<hbm>>) target(%dma_start3A_410 : memref<64x64xf32, #tpu.memory_space<vmem>>) offsets(%dma_start3A_411 : memref<64xi32, #tpu.memory_space<vmem>>) semaphore(%arg19 : memref<!tpu.dma_semaphore, #tpu.memory_space<semaphore_mem>>)
      } else {
      }
    }
    %scan3A_167 = arith.constant 16 : i32
    %mul3A_168 = arith.constant 16384 : i32
    %mul3A_169 = arith.muli %add3A, %mul3A_168 : i32
    "tpu.region"() ({
      %run_scoped3A = tpu.sem_alloc : memref<!tpu.dma_semaphore, #tpu.memory_space<semaphore_mem>>
      %dma_start3A_170 = tpu.memref_slice %arg7[%mul3A_169] : memref<524288xf32, #tpu.memory_space<hbm>> -> memref<16384xf32, #tpu.memory_space<hbm>>
      %dma_start3A_171 = tpu.memref_slice %arg7[%mul3A_169] : memref<524288xf32, #tpu.memory_space<hbm>> -> memref<16384xf32, #tpu.memory_space<hbm>>
      tpu.enqueue_dma source(%arg17 : memref<16384xf32, #tpu.memory_space<vmem>>) target(%dma_start3A_171 : memref<16384xf32, #tpu.memory_space<hbm>>) target_semaphore(%run_scoped3A : memref<!tpu.dma_semaphore, #tpu.memory_space<semaphore_mem>>)
      %dma_wait3A = tpu.memref_slice %arg7[%mul3A_169] : memref<524288xf32, #tpu.memory_space<hbm>> -> memref<16384xf32, #tpu.memory_space<hbm>>
      %dma_wait3A_172 = tpu.memref_slice %arg7[%mul3A_169] : memref<524288xf32, #tpu.memory_space<hbm>> -> memref<16384xf32, #tpu.memory_space<hbm>>
      tpu.wait_dma2 semaphore(%run_scoped3A : memref<!tpu.dma_semaphore, #tpu.memory_space<semaphore_mem>>) src(%arg17 : memref<16384xf32, #tpu.memory_space<vmem>>) dst(%dma_wait3A_172 : memref<16384xf32, #tpu.memory_space<hbm>>)
      tpu.yield
    }) : () -> ()
    return
  }
}

module attributes {stable_mosaic.version = 14 : i64} {
  func.func @_pack_body(%arg0: i32, %arg1: memref<64x8192xf32, #tpu.memory_space<vmem>>, %arg2: memref<4096x128xf32, #tpu.memory_space<vmem>>) attributes {dimension_semantics = [#tpu.dimension_semantics<arbitrary>], iteration_bounds = array<i64: 123>, scalar_prefetch = 0 : i64, scratch_operands = 0 : i64, tpu.core_type = #tpu.core_type<tc>, window_params = [{transform_indices = @transform_0, window_bounds = array<i64: 64, 8192>}, {transform_indices = @transform_1, window_bounds = array<i64: 4096, 128>}]} {
    %get3A = arith.constant 0 : index
    %get3A_0 = arith.constant 0 : index
    %get3A_1 = vector.load %arg1[%get3A, %get3A_0] : memref<64x8192xf32, #tpu.memory_space<vmem>>, vector<64x8192xf32>
    %mul3A = arith.constant 8192 : i32
    %mul3A_2 = arith.muli %arg0, %mul3A : i32
    %iota3A = tpu.iota {dimensions = array<i32: 1>} : vector<64x8192xi32>
    %add3A = vector.broadcast %mul3A_2 : i32 to vector<64x8192xi32>
    %add3A_3 = arith.addi %add3A, %iota3A : vector<64x8192xi32>
    %lt3A = arith.constant 1000000 : i32
    %lt3A_4 = vector.broadcast %lt3A : i32 to vector<64x8192xi32>
    %lt3A_5 = arith.cmpi slt, %add3A_3, %lt3A_4 : vector<64x8192xi32>
    %jit3A = arith.constant 0.000000e+00 : f32
    %broadcast_in_dim3A = vector.broadcast %jit3A : f32 to vector<64x8192xf32>
    %select_n3A = arith.select %lt3A_5, %get3A_1, %broadcast_in_dim3A : vector<64x8192xi1>, vector<64x8192xf32>
    %convert_element_type3A = arith.truncf %select_n3A : vector<64x8192xf32> to vector<64x8192xbf16>
    %convert_element_type3A_6 = arith.extf %convert_element_type3A : vector<64x8192xbf16> to vector<64x8192xf32>
    %sub3A = arith.subf %select_n3A, %convert_element_type3A_6 : vector<64x8192xf32>
    %convert_element_type3A_7 = arith.truncf %sub3A : vector<64x8192xf32> to vector<64x8192xbf16>
    %iota3A_8 = tpu.iota {dimensions = array<i32: 0>} : vector<64x128xi32>
    %iota3A_9 = tpu.iota {dimensions = array<i32: 1>} : vector<64x128xi32>
    %eq3A = arith.cmpi eq, %iota3A_8, %iota3A_9 : vector<64x128xi32>
    %convert_element_type3A_10 = arith.extui %eq3A : vector<64x128xi1> to vector<64x128xi32>
    %convert_element_type3A_11 = arith.sitofp %convert_element_type3A_10 : vector<64x128xi32> to vector<64x128xf32>
    %convert_element_type3A_12 = arith.truncf %convert_element_type3A_11 : vector<64x128xf32> to vector<64x128xbf16>
    %sub3A_13 = arith.constant 64 : i32
    %sub3A_14 = vector.broadcast %sub3A_13 : i32 to vector<64x128xi32>
    %sub3A_15 = arith.subi %iota3A_9, %sub3A_14 : vector<64x128xi32>
    %eq3A_16 = arith.cmpi eq, %iota3A_8, %sub3A_15 : vector<64x128xi32>
    %convert_element_type3A_17 = arith.extui %eq3A_16 : vector<64x128xi1> to vector<64x128xi32>
    %convert_element_type3A_18 = arith.sitofp %convert_element_type3A_17 : vector<64x128xi32> to vector<64x128xf32>
    %convert_element_type3A_19 = arith.truncf %convert_element_type3A_18 : vector<64x128xf32> to vector<64x128xbf16>
    %slice3A = vector.extract_strided_slice %convert_element_type3A {offsets = [0, 0], sizes = [64, 4096], strides = [1, 1]} : vector<64x8192xbf16> to vector<64x4096xbf16>
    %dot_general3A = arith.constant dense<0.000000e+00> : vector<4096x128xf32>
    %dot_general3A_20 = tpu.matmul %slice3A, %convert_element_type3A_12, %dot_general3A {dimension_numbers = #tpu.dot_dimension_numbers<[0], [0], [1], [1], [0, 1, 1, 1], [], []>, transpose_lhs_hint = false} : vector<64x4096xbf16>, vector<64x128xbf16>, vector<4096x128xf32> -> vector<4096x128xf32>
    %slice3A_21 = vector.extract_strided_slice %convert_element_type3A_7 {offsets = [0, 0], sizes = [64, 4096], strides = [1, 1]} : vector<64x8192xbf16> to vector<64x4096xbf16>
    %dot_general3A_22 = arith.constant dense<0.000000e+00> : vector<4096x128xf32>
    %dot_general3A_23 = tpu.matmul %slice3A_21, %convert_element_type3A_12, %dot_general3A_22 {dimension_numbers = #tpu.dot_dimension_numbers<[0], [0], [1], [1], [0, 1, 1, 1], [], []>, transpose_lhs_hint = false} : vector<64x4096xbf16>, vector<64x128xbf16>, vector<4096x128xf32> -> vector<4096x128xf32>
    %add3A_24 = arith.addf %dot_general3A_20, %dot_general3A_23 : vector<4096x128xf32>
    %slice3A_25 = vector.extract_strided_slice %convert_element_type3A {offsets = [0, 4096], sizes = [64, 4096], strides = [1, 1]} : vector<64x8192xbf16> to vector<64x4096xbf16>
    %dot_general3A_26 = arith.constant dense<0.000000e+00> : vector<4096x128xf32>
    %dot_general3A_27 = tpu.matmul %slice3A_25, %convert_element_type3A_19, %dot_general3A_26 {dimension_numbers = #tpu.dot_dimension_numbers<[0], [0], [1], [1], [0, 1, 1, 1], [], []>, transpose_lhs_hint = false} : vector<64x4096xbf16>, vector<64x128xbf16>, vector<4096x128xf32> -> vector<4096x128xf32>
    %add3A_28 = arith.addf %add3A_24, %dot_general3A_27 : vector<4096x128xf32>
    %slice3A_29 = vector.extract_strided_slice %convert_element_type3A_7 {offsets = [0, 4096], sizes = [64, 4096], strides = [1, 1]} : vector<64x8192xbf16> to vector<64x4096xbf16>
    %dot_general3A_30 = arith.constant dense<0.000000e+00> : vector<4096x128xf32>
    %dot_general3A_31 = tpu.matmul %slice3A_29, %convert_element_type3A_19, %dot_general3A_30 {dimension_numbers = #tpu.dot_dimension_numbers<[0], [0], [1], [1], [0, 1, 1, 1], [], []>, transpose_lhs_hint = false} : vector<64x4096xbf16>, vector<64x128xbf16>, vector<4096x128xf32> -> vector<4096x128xf32>
    %add3A_32 = arith.addf %add3A_28, %dot_general3A_31 : vector<4096x128xf32>
    %swap3A = arith.constant 0 : index
    %swap3A_33 = arith.constant 0 : index
    %swap3A_34 = vector.load %arg2[%swap3A, %swap3A_33] : memref<4096x128xf32, #tpu.memory_space<vmem>>, vector<4096x128xf32>
    tpu.vector_store %arg2[%swap3A, %swap3A_33], %add3A_32 {strides = array<i32>} : memref<4096x128xf32, #tpu.memory_space<vmem>>, vector<4096x128xf32>,
    return
  }
  func.func @transform_0(%arg0: i32) -> (i32, i32) {
    %c0_i32 = arith.constant 0 : i32
    %c0_i32_0 = arith.constant 0 : i32
    return %c0_i32, %arg0 : i32, i32
  }
  func.func @transform_1(%arg0: i32) -> (i32, i32) {
    %c0_i32 = arith.constant 0 : i32
    %c0_i32_0 = arith.constant 0 : i32
    return %arg0, %c0_i32 : i32, i32
  }
}

module attributes {stable_mosaic.version = 14 : i64} {
  func.func @_finish_body(%arg0: memref<4096x128xf32, #tpu.memory_space<vmem>>, %arg1: memref<1x1xf32, #tpu.memory_space<smem>>) attributes {dimension_semantics = [], scalar_prefetch = 0 : i64, scratch_operands = 0 : i64, tpu.core_type = #tpu.core_type<tc>} {
    %get3A = arith.constant 0 : index
    %get3A_0 = arith.constant 0 : index
    %get3A_1 = vector.load %arg0[%get3A, %get3A_0] : memref<4096x128xf32, #tpu.memory_space<vmem>>, vector<4096x128xf32>
    %iota3A = tpu.iota {dimensions = array<i32: 1>} : vector<4096x128xi32>
    %jit3A = arith.constant 32 : i32
    %eq3A = arith.constant 0 : i32
    %eq3A_2 = arith.cmpi eq, %jit3A, %eq3A : i32
    %jit3A_3 = arith.constant 1 : i32
    %select_n3A = arith.select %eq3A_2, %jit3A_3, %jit3A : i32
    %rem3A = vector.broadcast %select_n3A : i32 to vector<4096x128xi32>
    %rem3A_4 = arith.remsi %iota3A, %rem3A : vector<4096x128xi32>
    %ne3A = arith.constant 0 : i32
    %ne3A_5 = vector.broadcast %ne3A : i32 to vector<4096x128xi32>
    %ne3A_6 = arith.cmpi ne, %rem3A_4, %ne3A_5 : vector<4096x128xi32>
    %lt3A = arith.constant 0 : i32
    %lt3A_7 = vector.broadcast %lt3A : i32 to vector<4096x128xi32>
    %lt3A_8 = arith.cmpi slt, %rem3A_4, %lt3A_7 : vector<4096x128xi32>
    %lt3A_9 = arith.constant 0 : i32
    %lt3A_10 = arith.cmpi slt, %select_n3A, %lt3A_9 : i32
    %ne3A_11 = vector.broadcast %lt3A_10 : i1 to vector<4096x128xi1>
    %ne3A_12 = vector.broadcast %ne3A_11 : vector<4096x128xi1> to vector<4096x128xi1>
    %ne3A_13 = arith.xori %lt3A_8, %ne3A_12 : vector<4096x128xi1>
    %and3A = arith.andi %ne3A_13, %ne3A_6 : vector<4096x128xi1>
    %add3A = vector.broadcast %select_n3A : i32 to vector<4096x128xi32>
    %add3A_14 = arith.addi %rem3A_4, %add3A : vector<4096x128xi32>
    %select_n3A_15 = arith.select %and3A, %add3A_14, %rem3A_4 : vector<4096x128xi1>, vector<4096x128xi32>
    %lt3A_16 = arith.constant 21 : i32
    %lt3A_17 = vector.broadcast %lt3A_16 : i32 to vector<4096x128xi32>
    %lt3A_18 = arith.cmpi slt, %select_n3A_15, %lt3A_17 : vector<4096x128xi32>
    %min3A = arith.constant 0.000000e+00 : f32
    %min3A_19 = vector.broadcast %min3A : f32 to vector<4096x128xf32>
    %min3A_20 = arith.minimumf %get3A_1, %min3A_19 : vector<4096x128xf32>
    %abs3A = math.absf %get3A_1 : vector<4096x128xf32>
    %neg3A = arith.constant 0.000000e+00 : f32
    %neg3A_21 = vector.broadcast %neg3A : f32 to vector<4096x128xf32>
    %neg3A_22 = arith.subf %neg3A_21, %abs3A : vector<4096x128xf32>
    %exp3A = math.exp %neg3A_22 : vector<4096x128xf32>
    %log1p3A = math.log1p %exp3A : vector<4096x128xf32>
    %sub3A = arith.subf %min3A_20, %log1p3A : vector<4096x128xf32>
    %jit3A_23 = arith.constant 0.000000e+00 : f32
    %broadcast_in_dim3A = vector.broadcast %jit3A_23 : f32 to vector<4096x128xf32>
    %select_n3A_24 = arith.select %lt3A_18, %sub3A, %broadcast_in_dim3A : vector<4096x128xi1>, vector<4096x128xf32>
    %reduce_sum3A = vector.shape_cast %select_n3A_24 : vector<4096x128xf32> to vector<1x4096x128xf32>
    %reduce_sum3A_25 = arith.constant dense<0.000000e+00> : vector<1xf32>
    %reduce_sum3A_26 = vector.multi_reduction <add>, %reduce_sum3A, %reduce_sum3A_25 [1, 2] : vector<1x4096x128xf32> to vector<1xf32>
    %reduce_sum3A_27 = vector.shape_cast %reduce_sum3A_26 : vector<1xf32> to vector<1x1x1xf32>
    %reduce_sum3A_28 = vector.extract %reduce_sum3A_27[0, 0, 0] : f32 from vector<1x1x1xf32>
    %neg3A_29 = arith.constant 0.000000e+00 : f32
    %neg3A_30 = arith.subf %neg3A_29, %reduce_sum3A_28 : f32
    %mul3A = arith.constant 6.10351563E-5 : f32
    %mul3A_31 = arith.mulf %neg3A_30, %mul3A : f32
    %swap3A = arith.constant 0 : index
    %swap3A_32 = arith.constant 0 : index
    %swap3A_33 = memref.load %arg1[%swap3A, %swap3A_32] : memref<1x1xf32, #tpu.memory_space<smem>>
    memref.store %mul3A_31, %arg1[%swap3A, %swap3A_32] : memref<1x1xf32, #tpu.memory_space<smem>>
    return
  }
}

</mosaic_0001>

<sc_bundles>
// kernel: kernel.6.cloned.1.call-start
scs
__scs_entry_jumppad:
0x0: {  	(pc) =	sbr.rel $0x88, $3  }
0x1: {  	(tag) =	ssettag $0x0;
	lr =	simm.s32 $0x1  }
0x2: {  	[smem:$0x3F9C] =	sst lr;
	_ =	strace $0xD0000000  }
0x3: {  	_ = 	snop  }
0x4: {  	_ = 	snop  }
0x5: {  	_ = 	snop  }
0x6: {  	_ = 	snop  }
0x7: {  	_ = 	snop  }
__scs_overlays_trampoline_lowered:
0x8: {  	[smem:$0x3FAB] =	sst s0  }
0x9: {  	[smem:$0x3FAC] =	sst s1  }
0xa: {  	[smem:$0x3FAD] =	sst s2  }
0xb: {  	[smem:$0x3FAE] =	sst s3  }
0xc: {  	[smem:$0x3FAF] =	sst s4  }
0xd: {  	[smem:$0x3FB0] =	sst s5  }
0xe: {  	[smem:$0x3FB1] =	sst s6  }
0xf: {  	[smem:$0x3FB2] =	sst s7  }
0x10: {  	[smem:$0x3FB3] =	sst s8  }
0x11: {  	[smem:$0x3FB4] =	sst s9;
	s0 =	simm.s32 @!p0 $0x0  }
0x12: {  	s1 =	sld [smem:$0x3F9A];
	s0 =	simm.s32 @p0 $0x1  }
0x13: {  	[smem:$0x3FB5] =	sst s0;
	s0 =	simm.s32 @!p1 $0x0  }
0x14: {  	s2 =	sld [smem:$0x3F99];
	s0 =	simm.s32 @p1 $0x1  }
0x15: {  	[smem:$0x3FB6] =	sst s0;
	s0 =	simm.s32 @!p2 $0x0  }
0x16: {  	s3 =	sld [smem:$0x3FDB];
	s0 =	simm.s32 @p2 $0x1  }
0x17: {  	s4 =	simm.s32 $0x1BF5;
	[smem:$0x3FB8] =	sst s0  }
0x18: {  	s0 =	sld [smem:$0x3F9B];
	_ =	swait.ge [sflag:s4], $0x0  }
0x19: {  	s7 =	sld [smem:$0x3F9C]  }
0x1a: {  	s8 =	sadd.s32 $0xFFFFE003, lr  }
0x1b: {  	s9 =	sadd.s32 $0xFFFFFEF7, lr;
	s5 =	simm.s32 $0xFFFFFFFF;
	p2 =	slt.u32 s8, $0xFFFFF086  }
0x1c: {  	p1 =	slt.u32 s9, $0xF7A;
	s5 =	simm.s32 @!p2 $0x0  }
0x1d: {  	s5 =	simm.s32 @p1 $0x1;
	p0 =	seq.s32 s7, s2  }
0x1e: {  	s7 =	smul.u32 @!p0 $0xF7A, s2;
	p2 =	seq.s32 @!p0 s5, $0x0  }
0x1f: {  	s9 =	smul.u32 $0xF7A, s1;
	s8 =	simm.s32 @!p0 $0x1BF5;
	p2 =	por !p2, p0  }
0x20: {  	[sflag:s8] =	ssyncset.s32 @!p0 $0xFFFFF086;
	s6 =	sadd.s32 @!p0 s3, s7;
	s7 =	simm.s32 @!p0 $0x108  }
0x21: {  	s3 =	sadd.s32 s3, s9;
	s6 =	sadd.s32 @!p0 $0x88, s6;
	s7 =	simm.s32 @p2 $0x1082  }
0x22: {  	[simem:s7], [sflag:s8] =	dma.local @!p0 [hbm:s6], $0xF7A  }
0x23: {  	s9 =	sor.u32 $0xD0000000, s2;
	s6 =	simm.s32 $0x108;
	_ =	swait.ge @!p0 [sflag:s8], $0x0  }
0x24: {  	s3 =	sadd.s32 $0x88, s3;
	s6 =	simm.s32 @!p1 $0x1082;
	[sflag:s4] =	ssyncset.s32 $0xFFFFF086  }
0x25: {  	[simem:s6], [sflag:s4] =	dma.local [hbm:s3], $0xF7A  }
0x26: {  	[smem:$0x3F9C] =	sst s1;
	(tag) =	ssettag s2;
	_ =	strace s9  }
0x27: {  	s1 =	sld [smem:$0x3FAC]  }
0x28: {  	s2 =	sld [smem:$0x3FAD]  }
0x29: {  	s4 =	sld [smem:$0x3FAF]  }
0x2a: {  	p0 =	seq.s32 s5, $0x0;
	s5 =	sld [smem:$0x3FB0]  }
0x2b: {  	s6 =	sld [smem:$0x3FB1]  }
0x2c: {  	s7 =	sld [smem:$0x3FB2]  }
0x2d: {  	s3 =	simm.s32 $0x108;
	s8 =	sld [smem:$0x3FB3]  }
0x2e: {  	s3 =	simm.s32 @!p0 $0x1082;
	s9 =	sld [smem:$0x3FB4]  }
0x2f: {  	lr =	sadd.s32 s0, s3;
	s0 =	sld [smem:$0x3FAB]  }
0x30: {  	s3 =	sld [smem:$0x3FAE]  }
0x31: {  	[smem:$0x3FB7] =	sst s10  }
0x32: {  	s10 =	sld [smem:$0x3FB5];
	_ =	sdelay $0x3  }
0x33: {  	p0 =	seq.s32 s10, $0x1;
	s10 =	sld [smem:$0x3FB7];
	_ =	sdelay $0x3  }
0x34: {  	[smem:$0x3FB7] =	sst s10  }
0x35: {  	s10 =	sld [smem:$0x3FB6];
	_ =	sdelay $0x3  }
0x36: {  	p1 =	seq.s32 s10, $0x1;
	s10 =	sld [smem:$0x3FB7];
	_ =	sdelay $0x3  }
0x37: {  	[smem:$0x3FB7] =	sst s10  }
0x38: {  	s10 =	sld [smem:$0x3FB8]  }
0x39: {  	_ = 	snop;
	(pc) =	sbr.ind lr, $3  }
0x3a: {  	_ = 	snop  }
0x3b: {  	_ = 	snop  }
0x3c: {  	p2 =	seq.s32 s10, $0x1;
	s10 =	sld [smem:$0x3FB7]  }
0x3d: {  	_ =	shalt  }
0x3e: {  	_ =	shalt  }
0x3f: {  	_ =	shalt  }
0x40: {  	_ =	shalt  }
0x41: {  	_ =	shalt  }
0x42: {  	_ =	shalt  }
0x43: {  	_ =	shalt  }
0x44: {  	_ =	shalt  }
0x45: {  	_ =	shalt  }
0x46: {  	_ =	shalt  }
0x47: {  	_ =	shalt  }
0x48: {  	_ =	shalt  }
0x49: {  	_ =	shalt  }
0x4a: {  	_ =	shalt  }
0x4b: {  	_ =	shalt  }
0x4c: {  	_ =	shalt  }
0x4d: {  	_ =	shalt  }
0x4e: {  	_ =	shalt  }
0x4f: {  	_ =	shalt  }
0x50: {  	_ =	shalt  }
0x51: {  	_ =	shalt  }
0x52: {  	_ =	shalt  }
0x53: {  	_ =	shalt  }
0x54: {  	_ =	shalt  }
0x55: {  	_ =	shalt  }
0x56: {  	_ =	shalt  }
0x57: {  	_ =	shalt  }
0x58: {  	_ =	shalt  }
0x59: {  	_ =	shalt  }
0x5a: {  	_ =	shalt  }
0x5b: {  	_ =	shalt  }
0x5c: {  	_ =	shalt  }
0x5d: {  	_ =	shalt  }
0x5e: {  	_ =	shalt  }
0x5f: {  	_ =	shalt  }
0x60: {  	_ =	shalt  }
0x61: {  	_ =	shalt  }
0x62: {  	_ =	shalt  }
0x63: {  	_ =	shalt  }
0x64: {  	_ =	shalt  }
0x65: {  	_ =	shalt  }
0x66: {  	_ =	shalt  }
0x67: {  	_ =	shalt  }
0x68: {  	_ =	shalt  }
0x69: {  	_ =	shalt  }
0x6a: {  	_ =	shalt  }
0x6b: {  	_ =	shalt  }
0x6c: {  	_ =	shalt  }
0x6d: {  	_ =	shalt  }
0x6e: {  	_ =	shalt  }
0x6f: {  	_ =	shalt  }
0x70: {  	_ =	shalt  }
0x71: {  	_ =	shalt  }
0x72: {  	_ =	shalt  }
0x73: {  	_ =	shalt  }
0x74: {  	_ =	shalt  }
0x75: {  	_ =	shalt  }
0x76: {  	_ =	shalt  }
0x77: {  	_ =	shalt  }
0x78: {  	_ =	shalt  }
0x79: {  	_ =	shalt  }
0x7a: {  	_ =	shalt  }
0x7b: {  	_ =	shalt  }
0x7c: {  	_ =	shalt  }
0x7d: {  	_ =	shalt  }
0x7e: {  	_ =	shalt  }
0x7f: {  	_ =	shalt  }
0x80: {  	_ =	shalt  }
0x81: {  	_ =	shalt  }
0x82: {  	_ =	shalt  }
0x83: {  	_ =	shalt  }
0x84: {  	_ =	shalt  }
0x85: {  	_ =	shalt  }
0x86: {  	_ =	shalt  }
0x87: {  	_ =	shalt  }
.Lfunc_end0:
.L_simem_size_0:
called_computation_lowered:
.L_overlay_start_0:
0x88: {  	s2 =	sld [smem:$0x3FD9]  }
0x89: {  	s3 =	sld [smem:$0x3FFE];
	_ =	sdelay $0x1  }
0x8a: {  	s1 =	srdreg.scid  }
0x8b: {  	s0 =	sand.u32 $0x1, s1  }
0x8c: {  	s17 =	sshll.u32 s0, $0xA;
	s2 =	sadd.s32 s3, s2  }
0x8d: {  	s2 =	sadd.s32 s2, s17  }
0x8e: {  	[smem:$0x3FC3] =	sst s2  }
0x8f: {  	_ = 	snop  }
0x90: {  	s2 =	sld [smem:$0x3FC7];
	(tm) =	ssettm $0x1  }
0x91: {  	s18 =	sld [smem:$0x3FFB];
	_ =	sdelay $0x3  }
0x92: {  	_ =	strace s18  }
0x93: {  	s3 =	sld [smem:$0x3FFC];
	_ =	sdelay $0x3  }
0x94: {  	_ =	strace s3  }
0x95: {  	s3 =	sld [smem:$0x3FFD];
	_ =	sdelay $0x3  }
0x96: {  	_ =	strace s3  }
0x97: {  	_ =	strace $0x8FFFFFFF  }
0x98: {  	s19 =	sld [smem:$0x3FDB];
	_ =	sdelay $0x1  }
0x99: {  	s4 =	simm.s32 $_scs_section_size  }
0x9a: {  	s5 =	simm.s32 $_size__tile_overlayer_lowered;
	s6 =	simm.s32 $_tile_overlayer_lowered  }
0x9b: {  	s22 =	simm.s32 $0x1BFF;
	s21 =	sshll.u32 s6, $0x1;
	s3 =	sadd.s32 s4, s19  }
0x9c: {  	s7 =	simm.s32 $0x0;
	s20 =	sshll.u32 s5, $0x1;
	s5 =	sadd.s32 s21, s3  }
0x9d: {  	[timem:s7], [sflag:s22] =	dma.local [hbm:s5], s20  }
0x9e: {  	_ =	swait.ge [sflag:s22], s20  }
0x9f: {  	s4 =	ssub.s32 $0x0, s20;
	[sflag:s22] =	ssyncset.done $0x0  }
0xa0: {  	[sflag:s22] =	ssyncadd.s32 s4;
	_ =	sdelay $0x1  }
0xa1: {  	s23 =	simm.s32 $0x1B8B  }
0xa2: {  	_ =	swait.ge [sflag:s23], $0x1  }
0xa3: {  	[sflag:s23] =	ssyncset.done $0x0  }
0xa4: {  	s25 =	simm.s32 $0x1B8E;
	s24 =	sld [smem:$0x3FFE];
	[sflag:s23] =	ssyncadd.s32 $0xFFFFFFFF  }
0xa5: {  	s26 =	simm.s32 $execute0_lowered;
	[smem:$0x3FD2] =	sst s25  }
0xa6: {  	s5 =	sshll.u32 s26, $0x1;
	_ =	strace $0x80000046;
	[dreg:$0x1] =	wrdreg $0xFFFFFFFF  }
0xa7: {  	s28 =	simm.s32 $_size_execute0_lowered;
	s3 =	sadd.s32 s3, s5;
	[dreg:$0x0] =	wrdreg $0x0  }
0xa8: {  	s5 =	sshll.u32 s28, $0x1;
	[dreg:$0x2] =	wrdreg s3  }
0xa9: {  	[dreg:$0x3] =	wrdreg s5  }
0xaa: {  	[dreg:$0x4] =	wrdreg $0xC0  }
0xab: {  	_ =	task [dreg:s7], $0x5FFFF  }
0xac: {  	[dreg:$0x1] =	wrdreg $0xFFFFFFFF  }
0xad: {  	[dreg:$0x0] =	wrdreg $0x60  }
0xae: {  	[dreg:$0x2] =	wrdreg s24  }
0xaf: {  	[dreg:$0x3] =	wrdreg s2  }
0xb0: {  	[dreg:$0x4] =	wrdreg $0x9  }
0xb1: {  	_ =	task.clear_ibuf [dreg:s7], $0x5FFFF;
	_ =	strace $0x90000046  }
0xb2: {  	s29 =	simm.s32 $0x9;
	_ =	strace $0x80000048  }
0xb3: {  	_ =	swait.ge [sflag:s29], $0x1  }
0xb4: {  	[sflag:s29] =	ssyncadd.s32 $0xFFFFFFFF  }
0xb5: {  	_ =	strace $0x90000048  }
0xb6: {  	_ =	sfence  }
0xb7: {  	s30 =	sld [smem:$0x0];
	_ =	sdelay $0x2  }
0xb8: {  	s31 =	sshll.u32 s1, $0xD;
	s1 =	sshrl.u32 s1, $0x2  }
0xb9: {  	s3 =	sand.u32 $0x4000, s31;
	s1 =	sadd.s32 s1, s30  }
0xba: {  	s0 =	sor.u32 s3, s0;
	s1 =	sshll.u32 s1, $0x11  }
0xbb: {  	s0 =	sor.u32 s1, s0  }
0xbc: {  	s0 =	sadd.s32 $0x8F2B, s0  }
0xbd: {  	[sflag:s0] =	ssyncadd.remote.s32 $0x1  }
0xbe: {  	_ =	sfence.sel $0xFFFF  }
0xbf: {  	[dreg:$0x0] =	wrdreg $0xFFFFFFFF;
	(pc) =	sbr.abs _section_cstart, $3  }
0xc0: {  	[dreg:$0x1] =	wrdreg $0xFFFFFFFF  }
0xc1: {  	_ =	task.clear_ibuf [dreg:s7], $0x2FFFF;
	_ =	strace $0x9FFFFFFF  }
0xc2: {  	(tm) =	ssettm $0x7FFFFFFF  }
0xc3: {  	_ =	shalt  }
tec
execute0_lowered:
.L_overlay_start_1:
0x0: {  	(tag) =	ssettag $0x1  }
0x1: {  	vm0 =	vcmask $0xB08  }
0x2: {  	vm1 =	vcmask $0x300;
	v0 =	vimm.s32 $0xEFCDAB89;
	v1 =	vimm.s32 $0xDCFE98BA  }
0x3: {  	v2 =	vimm.s32 $0x67452301;
	v3 =	vimm.s32 $0x54761032;
	v4 =	vimm.s32 $0xBA98FEDC  }
0x4: {  	v5 =	vimm.s32 $0x32107654;
	v57 =	vimm.s32 $0xFEDCBA98;
	v59 =	vimm.s32 $0x76543210  }
0x5: {  	v61 =	vimm.f32 $0.0e+00;
	vm2 =	vcmask $0x700;
	vm0 =	vmor vm1, vm0  }
0x6: {  	vm1 =	vcmask $0x1310;
	v1 =	vunpack.c.l.s4.s8 v1;
	v0 =	vunpack.c.l.s4.s8 v0  }
0x7: {  	v2 =	vunpack.c.l.s4.s8 v2;
	v3 =	vunpack.c.l.s4.s8 v3;
	v4 =	vunpack.c.l.s4.s8 v4  }
0x8: {  	s0 =	rddreg [dreg:$0x0];
	s1 =	srdreg.scid;
	v5 =	vunpack.c.l.s4.s8 v5;
	v60 =	vunpack.c.l.s4.s8 v57;
	vm0 =	vmor vm0, vm1  }
0x9: {  	s2 =	stileid.u32;
	s7 =	rddreg [dreg:$0x1];
	vm1 =	vcmask $0x1B18;
	v1 =	vunpack.c.0.s8.s32 v1;
	v3 =	vunpack.c.0.s8.s32 v3  }
0xa: {  	s10 =	simm.s32 $0x3;
	s12 =	simm.s32 $0x5000;
	s13 =	simm.s32 $0x80;
	vm0 =	vmor vm0, vm1;
	vm1 =	vcmask $0x2320;
	v0 =	vunpack.c.0.s8.s32 v0  }
0xb: {  	s16 =	simm.s32 $0x40;
	s19 =	simm.s32 $0x10;
	s28 =	simm.s32 $0xA200;
	v2 =	vunpack.c.0.s8.s32 v2;
	v54 =	vunpack.c.0.s8.s32 v4;
	v1 =	vcombine.low v3, v1  }
0xc: {  	s30 =	simm.s32 $0xC200;
	s14 =	simm.s32 $0xF600;
	s17 =	simm.s32 $0x14A00;
	v55 =	vunpack.c.0.s8.s32 v5;
	v4 =	vunpack.c.l.s4.s8 v59;
	v5 =	vunpack.c.0.s8.s32 v60  }
0xd: {  	s20 =	simm.s32 $0x16A00;
	s22 =	simm.s32 $0x18A00;
	s23 =	simm.s32 $0x1;
	vm0 =	vmor vm0, vm1;
	vm1 =	vcmask $0x2B28;
	v58 =	vand.u32 $0xF, v1  }
0xe: {  	s24 =	simm.s32 $0x2;
	s26 =	simm.s32 $0x0;
	s1 =	sand.u32 $0x1, s1;
	vm0 =	vmor vm0, vm1;
	vm1 =	vcmask $0x3330;
	v6 =	vperm.xlane v61, v58  }
0xf: {  	s3 =	sshll.u32 s2, $0x1;
	s2 =	simm.s32 $0x0;
	s4 =	sadd.s32 $0x7C4800, s0;
	v2 =	vcombine.low v2, v0;
	v3 =	vcombine.low v55, v54;
	v4 =	vunpack.c.0.s8.s32 v4  }
0x10: {  	s5 =	sor.u32 s1, s3;
	[smem:$0x7FF] =	sst s2;
	s1 =	ssub.s32 $0x2, s1;
	vm0 =	vmor vm0, vm1;
	vm1 =	vcmask $0x3B38;
	v6 =	vadd.f32 $0.0e+00, v6  }
0x11: {  	s3 =	smul.u32 $0x500, s5;
	_ =	strace $0x80000047;
	s8 =	sshll.u32 s5, $0xB;
	v62 =	vand.u32 $0xF, v5;
	vm0 =	vmor vm0, vm1;
	v9 =	vand.u32 $0xF, v3  }
.Ltmp0:
0x12: {  	s9 =	sshrl.u32 s1, $0x1;
	s29 =	sshll.u32 s5, $0x6;
	vm1 =	vcmask $0x1710;
	v25 =	vand.u32 $0xF, v2;
	v63 =	vperm.xlane v6, v9;
	(pc) =	sbr.rel .LBB2_1-.Ltmp0, $4  }
0x13: {  	s5 =	simm.s32 $0x2800;
	s1 =	ssub.s32 s1, s9;
	s7 =	sadd.s32 s7, s29;
	v8 =	vcombine.low v62, v4;
	vm1 =	vmor vm2, vm1;
	vm2 =	vcmask $0x2720;
	[tilespmem:$0x1FFC0] =	vst v25  }
0x14: {  	s6 =	sadd.s32 s3, s0;
	s3 =	sadd.s32 $0x14800, s0;
	s0 =	sadd.s32 s8, s0;
	[tilespmem:$0x1FFD0] =	vst v9;
	vm1 =	vmor vm1, vm2;
	vm2 =	vcmask $0x3730;
	v10 =	vadd.f32 v63, v6  }
0x15: {  	vm3 =	vcmask $0xF00;
	s9 =	smax.u32 s1, $0x1;
	s1 =	simm.s32 $0xE200;
	s31 =	sadd.s32 $0x800, s6;
	[tilespmem:$0x1FFE0] =	vst v8;
	vm1 =	vmor vm1, vm2;
	vm2 =	vcmask $0x2F20  }
0x16: {  	s6 =	sadd.s32 $0xA800, s6;
	s8 =	sadd.s32 $0xF74800, s0;
	[dreg:$0x3] =	wrdreg s31;
	vm2 =	vmor vm3, vm2;
	vm3 =	vmmov $0xff;
	[tilespmem:$0x1FFF0] =	vst v10  }
.LBB2_14:
0x17: {  	s26 =	sadd.s32 $0x1, s26  }
0x18: {  	p0 =	sne.s32 s26, s9  }
.Ltmp1:
0x19: {  	s0 =	simm.s32 $0x19A00;
	(pc) =	sbr.rel @!p0 .LBB2_15-.Ltmp1, $4  }
0x1a: {  	[hbm4b:s8+s2] =	stream.linear.scatter [tilespmem:s0], [sflag:$0x3], $0x4000, $0x38;
	[tilespmem:$0x1DA00] =	vst v63  }
0x1b: {  	_ =	swait.ge [sflag:s10], $0x4000  }
0x1c: {  	[sflag:s10] =	ssyncset.done $0x0  }
0x1d: {  	s5 =	simm.s32 $0x2800;
	s12 =	simm.s32 $0x5000;
	[sflag:s10] =	ssyncadd.s32 $0xFFFFC000  }
.LBB2_1:
0x1e: {  	s0 =	rddreg [dreg:$0x3]  }
0x1f: {  	[tilespmem:s2], [sflag:$0x3] =	stream.linear.gather [hbm4b:s0+s2], $0x2800, $0x38;
	[tilespmem:$0x1DA00] =	vst v63  }
0x20: {  	_ =	swait.ge [sflag:s10], $0x2800  }
0x21: {  	[sflag:s10] =	ssyncset.done $0x0  }
0x22: {  	[sflag:s10] =	ssyncadd.s32 $0xFFFFD800  }
0x23: {  	[tilespmem:s5], [sflag:$0x3] =	stream.linear.gather [hbm4b:s6+s2], $0x2800, $0x38;
	[tilespmem:$0x1DA00] =	vst v63  }
0x24: {  	_ =	swait.ge [sflag:s10], $0x2800  }
0x25: {  	[sflag:s10] =	ssyncset.done $0x0  }
0x26: {  	[sflag:s10] =	ssyncadd.s32 $0xFFFFD800  }
0x27: {  	[tilespmem:s12], [sflag:$0x3] =	stream.linear.gather [hbm4b:s7+s2], $0x200, $0x38;
	[tilespmem:$0x1DA00] =	vst v63  }
0x28: {  	_ =	swait.ge [sflag:s10], $0x200  }
0x29: {  	[sflag:s10] =	ssyncset.done $0x0  }
0x2a: {  	s11 =	simm.s32 $0x40;
	s0 =	simm.s32 $0x0;
	[sflag:s10] =	ssyncadd.s32 $0xFFFFFE00  }
.LBB2_2:
0x2b: {  	p0 =	sne.s32 s11, $0x9FC0;
	v5 =	vld [tilespmem:s0+$0x0];
	_ =	sdelay $0x4  }
.Ltmp2:
0x2c: {  	v6 =	vshll.u32 v5, $0x1;
	(pc) =	sbr.rel @p0 .LBB2_2-.Ltmp2, $4  }
0x2d: {  	v7 =	vand.u32 $0xFFFFE000, v5;
	v5 =	vshrl.u32 v5, $0xC;
	v6 =	vand.u32 $0x1FFE, v6  }
0x2e: {  	v5 =	vand.u32 $0x1, v5;
	v6 =	vor.u32 v7, v6  }
0x2f: {  	v5 =	vor.u32 v5, v6  }
0x30: {  	[tilespmem:s0+$0x0] =	vst v5;
	s0 =	sshra.s32 s11, $0x2;
	s11 =	sadd.s32 $0x40, s11  }
0x31: {  	v5 =	vld [tilespmem:s0+$0x0];
	_ =	sdelay $0x4  }
0x32: {  	v6 =	vshll.u32 v5, $0x1  }
0x33: {  	v7 =	vand.u32 $0xFFFFE000, v5;
	v5 =	vshrl.u32 v5, $0xC;
	v6 =	vand.u32 $0x1FFE, v6  }
0x34: {  	v5 =	vand.u32 $0x1, v5;
	v6 =	vor.u32 v7, v6  }
0x35: {  	v5 =	vor.u32 v5, v6  }
0x36: {  	s11 =	simm.s32 $0x40;
	[tilespmem:s0+$0x0] =	vst v5;
	s0 =	simm.s32 $0x0  }
.LBB2_4:
0x37: {  	p0 =	sne.s32 s11, $0x9FC0;
	v5 =	vld [tilespmem:s0+$0x2800];
	_ =	sdelay $0x4  }
.Ltmp3:
0x38: {  	v6 =	vshll.u32 v5, $0x1;
	(pc) =	sbr.rel @p0 .LBB2_4-.Ltmp3, $4  }
0x39: {  	v7 =	vand.u32 $0xFFFFE000, v5;
	v5 =	vshrl.u32 v5, $0xC;
	v6 =	vand.u32 $0x1FFE, v6  }
0x3a: {  	v5 =	vand.u32 $0x1, v5;
	v6 =	vor.u32 v7, v6  }
0x3b: {  	v5 =	vor.u32 v5, v6  }
0x3c: {  	[tilespmem:s0+$0x2800] =	vst v5;
	s0 =	sshra.s32 s11, $0x2;
	s11 =	sadd.s32 $0x40, s11  }
0x3d: {  	v5 =	vld [tilespmem:s0+$0x2800];
	_ =	sdelay $0x4  }
0x3e: {  	v6 =	vshll.u32 v5, $0x1  }
0x3f: {  	v7 =	vand.u32 $0xFFFFE000, v5;
	v5 =	vshrl.u32 v5, $0xC;
	v6 =	vand.u32 $0x1FFE, v6  }
0x40: {  	v5 =	vand.u32 $0x1, v5;
	v6 =	vor.u32 v7, v6  }
0x41: {  	v5 =	vor.u32 v5, v6  }
0x42: {  	s11 =	simm.s32 $0x40;
	[tilespmem:s0+$0x2800] =	vst v5;
	s0 =	simm.s32 $0x0  }
.LBB2_6:
0x43: {  	p0 =	sne.s32 s11, $0x7C0;
	v5 =	vld [tilespmem:s0+$0x5000];
	_ =	sdelay $0x4  }
.Ltmp4:
0x44: {  	v6 =	vshll.u32 v5, $0x1;
	(pc) =	sbr.rel @p0 .LBB2_6-.Ltmp4, $4  }
0x45: {  	v7 =	vand.u32 $0xFFFFE000, v5;
	v5 =	vshrl.u32 v5, $0xC;
	v6 =	vand.u32 $0x1FFE, v6  }
0x46: {  	v5 =	vand.u32 $0x1, v5;
	v6 =	vor.u32 v7, v6  }
0x47: {  	v5 =	vor.u32 v5, v6  }
0x48: {  	[tilespmem:s0+$0x5000] =	vst v5;
	s0 =	sshra.s32 s11, $0x2;
	s11 =	sadd.s32 $0x40, s11  }
0x49: {  	v5 =	vld [tilespmem:s0+$0x5000];
	_ =	sdelay $0x4  }
0x4a: {  	v6 =	vshll.u32 v5, $0x1  }
0x4b: {  	v7 =	vand.u32 $0xFFFFE000, v5;
	v5 =	vshrl.u32 v5, $0xC;
	v6 =	vand.u32 $0x1FFE, v6  }
0x4c: {  	v5 =	vand.u32 $0x1, v5;
	v6 =	vor.u32 v7, v6  }
0x4d: {  	v5 =	vor.u32 v5, v6  }
0x4e: {  	s29 =	simm.s32 $0x0;
	s18 =	simm.s32 $0x5200;
	[tilespmem:s0+$0x5000] =	vst v5  }
0x4f: {  	[tilespmem:s18], [sflag:$0x1] =	stream.indirect.gather [hbm4b:s3+s13], $0x40, s29, s13, $0xb8;
	[tilespmem:$0x1DA00] =	vst v63  }
0x50: {  	s21 =	simm.s32 $0x7200  }
0x51: {  	[tilespmem:s21], [sflag:$0x1] =	stream.indirect.gather [hbm4b:s3+s13], $0x40, s13, s13, $0xb8;
	[tilespmem:$0x1DA00] =	vst v63  }
0x52: {  	s25 =	simm.s32 $0x100;
	s11 =	simm.s32 $0x9200  }
0x53: {  	[tilespmem:s11], [sflag:$0x1] =	stream.indirect.gather [hbm4b:s3+s16], $0x40, s25, s16, $0xb8;
	[tilespmem:$0x1DA00] =	vst v63  }
0x54: {  	s11 =	simm.s32 $0xF200  }
0x55: {  	[tilespmem:s11], [sflag:$0x1] =	stream.indirect.gather [hbm4b:s4+s19], $0x40, s12, s19, $0xb8;
	[tilespmem:$0x1DA00] =	vst v63  }
0x56: {  	s12 =	simm.s32 $0xFA00  }
0x57: {  	[tilespmem:s12], [sflag:$0x1] =	stream.indirect.gather [hbm4b:s4+s13], $0x40, s5, s13, $0xb8;
	[tilespmem:$0x1DA00] =	vst v63  }
0x58: {  	s15 =	simm.s32 $0x2880;
	s18 =	simm.s32 $0x11A00  }
0x59: {  	[tilespmem:s18], [sflag:$0x1] =	stream.indirect.gather [hbm4b:s4+s13], $0x40, s15, s13, $0xb8;
	[tilespmem:$0x1DA00] =	vst v63  }
0x5a: {  	s21 =	simm.s32 $0x2900;
	s25 =	simm.s32 $0x13A00  }
0x5b: {  	[tilespmem:s25], [sflag:$0x1] =	stream.indirect.gather [hbm4b:s4+s16], $0x40, s21, s16, $0xb8;
	[tilespmem:$0x1DA00] =	vst v63  }
0x5c: {  	s5 =	simm.s32 $0x140  }
0x5d: {  	[tilespmem:s28], [sflag:$0x2] =	stream.indirect.gather [hbm4b:s3+s13], $0x40, s5, s13, $0xb8;
	[tilespmem:$0x1DA00] =	vst v63  }
0x5e: {  	s11 =	simm.s32 $0x1C0  }
0x5f: {  	[tilespmem:s30], [sflag:$0x2] =	stream.indirect.gather [hbm4b:s3+s13], $0x40, s11, s13, $0xb8;
	[tilespmem:$0x1DA00] =	vst v63  }
0x60: {  	s12 =	simm.s32 $0x240  }
0x61: {  	[tilespmem:s1], [sflag:$0x2] =	stream.indirect.gather [hbm4b:s3+s16], $0x40, s12, s16, $0xb8;
	[tilespmem:$0x1DA00] =	vst v63  }
0x62: {  	s15 =	simm.s32 $0x5010  }
0x63: {  	[tilespmem:s14], [sflag:$0x2] =	stream.indirect.gather [hbm4b:s4+s19], $0x40, s15, s19, $0xb8;
	[tilespmem:$0x1DA00] =	vst v63  }
0x64: {  	s18 =	simm.s32 $0x2940  }
0x65: {  	[tilespmem:s17], [sflag:$0x2] =	stream.indirect.gather [hbm4b:s4+s13], $0x40, s18, s13, $0xb8;
	[tilespmem:$0x1DA00] =	vst v63  }
0x66: {  	s21 =	simm.s32 $0x29C0  }
0x67: {  	[tilespmem:s20], [sflag:$0x2] =	stream.indirect.gather [hbm4b:s4+s13], $0x40, s21, s13, $0xb8;
	[tilespmem:$0x1DA00] =	vst v63  }
0x68: {  	s25 =	simm.s32 $0x2A40  }
0x69: {  	[tilespmem:s22], [sflag:$0x2] =	stream.indirect.gather [hbm4b:s4+s16], $0x40, s25, s16, $0xb8;
	[tilespmem:$0x1DA00] =	vst v63  }
0x6a: {  	s31 =	simm.s32 $0x19A10;
	s25 =	simm.s32 $0x19C10  }
.LBB2_8:
0x6b: {  	_ =	swait.ge [sflag:s23], $0x2000  }
0x6c: {  	[sflag:s23] =	ssyncset.done $0x0  }
0x6d: {  	[sflag:s23] =	ssyncadd.s32 $0xFFFFE000  }
0x6e: {  	_ =	swait.ge [sflag:s23], $0x2000  }
0x6f: {  	[sflag:s23] =	ssyncset.done $0x0  }
0x70: {  	[sflag:s23] =	ssyncadd.s32 $0xFFFFE000  }
0x71: {  	_ =	swait.ge [sflag:s23], $0x1000  }
0x72: {  	[sflag:s23] =	ssyncset.done $0x0  }
0x73: {  	[sflag:s23] =	ssyncadd.s32 $0xFFFFF000  }
0x74: {  	_ =	swait.ge [sflag:s23], $0x400  }
0x75: {  	[sflag:s23] =	ssyncset.done $0x0  }
0x76: {  	[sflag:s23] =	ssyncadd.s32 $0xFFFFFC00  }
0x77: {  	_ =	swait.ge [sflag:s23], $0x2000  }
0x78: {  	[sflag:s23] =	ssyncset.done $0x0  }
0x79: {  	[sflag:s23] =	ssyncadd.s32 $0xFFFFE000  }
0x7a: {  	_ =	swait.ge [sflag:s23], $0x2000  }
0x7b: {  	[sflag:s23] =	ssyncset.done $0x0  }
0x7c: {  	[sflag:s23] =	ssyncadd.s32 $0xFFFFE000  }
0x7d: {  	_ =	swait.ge [sflag:s23], $0x1000  }
0x7e: {  	s15 =	simm.s32 $0x13C0;
	[sflag:s23] =	ssyncset.done $0x0  }
0x7f: {  	s18 =	simm.s32 $0xF220;
	s21 =	smov.u32 s31;
	[sflag:s23] =	ssyncadd.s32 $0xFFFFF000  }
.LBB2_9:
0x80: {  	s0 =	sshra.s32 s15, $0x2  }
0x81: {  	v16 =	vld [tilespmem:s0+$0x4D10]  }
0x82: {  	v17 =	vld [tilespmem:s0+$0x4D50]  }
0x83: {  	v18 =	vld [tilespmem:s0+$0x4D90]  }
0x84: {  	v19 =	vld [tilespmem:s0+$0x4DD0]  }
0x85: {  	v20 =	vld [tilespmem:s0+$0x4E10]  }
0x86: {  	v21 =	vld [tilespmem:s0+$0x4E50]  }
0x87: {  	v22 =	vld [tilespmem:s0+$0x4E90]  }
0x88: {  	v23 =	vld [tilespmem:s0+$0x4ED0]  }
0x89: {  	v24 =	vld [tilespmem:s0+$0x4F10]  }
0x8a: {  	v25 =	vld [tilespmem:s0+$0x4F50]  }
0x8b: {  	v26 =	vld [tilespmem:s0+$0x4F90]  }
0x8c: {  	v27 =	vld [tilespmem:s0+$0x4FD0]  }
0x8d: {  	v28 =	vld [tilespmem:s0+$0x5010]  }
0x8e: {  	v0 =	vld [tilespmem:s0+$0x5050]  }
0x8f: {  	v4 =	vld [tilespmem:s0+$0x5090]  }
0x90: {  	v5 =	vld [tilespmem:s0+$0x50D0]  }
0x91: {  	v6 =	vld [tilespmem:s0+$0x5110]  }
0x92: {  	v7 =	vld [tilespmem:s0+$0x5150]  }
0x93: {  	v8 =	vld [tilespmem:s0+$0x5190]  }
0x94: {  	v9 =	vld [tilespmem:s0+$0x51D0]  }
0x95: {  	v29 =	vld [tilespmem:s0+$0x4D20]  }
0x96: {  	v30 =	vld [tilespmem:s0+$0x4D60]  }
0x97: {  	v31 =	vld [tilespmem:s0+$0x4DA0]  }
0x98: {  	v32 =	vld [tilespmem:s0+$0x4DE0]  }
0x99: {  	v33 =	vld [tilespmem:s0+$0x4E20]  }
0x9a: {  	v34 =	vld [tilespmem:s0+$0x4E60]  }
0x9b: {  	v35 =	vld [tilespmem:s0+$0x4EA0]  }
0x9c: {  	v36 =	vld [tilespmem:s0+$0x4EE0]  }
0x9d: {  	v37 =	vld [tilespmem:s0+$0x4F20]  }
0x9e: {  	v38 =	vld [tilespmem:s0+$0x4F60]  }
0x9f: {  	v39 =	vld [tilespmem:s0+$0x4FA0]  }
0xa0: {  	v40 =	vld [tilespmem:s0+$0x4FE0]  }
0xa1: {  	v41 =	vld [tilespmem:s0+$0x5020]  }
0xa2: {  	v42 =	vld [tilespmem:s0+$0x5060]  }
0xa3: {  	v43 =	vld [tilespmem:s0+$0x50A0]  }
0xa4: {  	v44 =	vld [tilespmem:s0+$0x50E0]  }
0xa5: {  	v10 =	vld [tilespmem:s0+$0x5120]  }
0xa6: {  	v11 =	vld [tilespmem:s0+$0x5160]  }
0xa7: {  	v12 =	vld [tilespmem:s0+$0x51A0]  }
0xa8: {  	v13 =	vld [tilespmem:s0+$0x51E0]  }
0xa9: {  	v45 =	vld [tilespmem:s0+$0x4D30]  }
0xaa: {  	v46 =	vld [tilespmem:s0+$0x4D70]  }
0xab: {  	v47 =	vld [tilespmem:s0+$0x4DB0]  }
0xac: {  	v48 =	vld [tilespmem:s0+$0x4DF0]  }
0xad: {  	v49 =	vld [tilespmem:s0+$0x4E30]  }
0xae: {  	v50 =	vld [tilespmem:s0+$0x4E70]  }
0xaf: {  	v51 =	vld [tilespmem:s0+$0x4EB0]  }
0xb0: {  	v52 =	vld [tilespmem:s0+$0x4EF0]  }
0xb1: {  	v53 =	vld [tilespmem:s0+$0x4F30]  }
0xb2: {  	v54 =	vld [tilespmem:s0+$0x4F70]  }
0xb3: {  	v55 =	vld [tilespmem:s0+$0x4FB0]  }
0xb4: {  	v56 =	vld [tilespmem:s0+$0x4FF0]  }
0xb5: {  	v57 =	vld [tilespmem:s0+$0x5030]  }
0xb6: {  	v59 =	vld [tilespmem:s0+$0x5070]  }
0xb7: {  	v60 =	vld [tilespmem:s0+$0x50B0]  }
0xb8: {  	v15 =	vld [tilespmem:s0+$0x50F0]  }
0xb9: {  	v61 =	vld [tilespmem:s0+$0x5130]  }
0xba: {  	v62 =	vld [tilespmem:s0+$0x5170]  }
0xbb: {  	v63 =	vld [tilespmem:s0+$0x51B0]  }
0xbc: {  	v14 =	vld [tilespmem:s0+$0x51F0]  }
0xbd: {  	v2 =	vld [tilespmem:s0+$0x4D80]  }
0xbe: {  	v1 =	vld [tilespmem:s0+$0x4E00]  }
0xbf: {  	v3 =	vld [tilespmem:s0+$0x4E40]  }
0xc0: {  	[tilespmem:$0x1FF10] =	vst v4;
	v4 =	vld [tilespmem:s0+$0x4D40]  }
0xc1: {  	[tilespmem:$0x1FF00] =	vst v0;
	v0 =	vld [tilespmem:s0+$0x4DC0]  }
0xc2: {  	[tilespmem:$0x1FF20] =	vst v5;
	v5 =	vld [tilespmem:s0+$0x4E80]  }
0xc3: {  	[tilespmem:$0x1FF30] =	vst v6;
	v6 =	vld [tilespmem:s0+$0x4EC0]  }
0xc4: {  	[tilespmem:$0x1FF50] =	vst v7;
	v7 =	vld [tilespmem:s0+$0x4F00]  }
0xc5: {  	[tilespmem:$0x1FF70] =	vst v8;
	v8 =	vld [tilespmem:s0+$0x4F40]  }
0xc6: {  	[tilespmem:$0x1FF90] =	vst v9;
	v9 =	vld [tilespmem:s0+$0x4F80]  }
0xc7: {  	[tilespmem:$0x1FF40] =	vst v10;
	v10 =	vld [tilespmem:s0+$0x4FC0]  }
0xc8: {  	[tilespmem:$0x1FF60] =	vst v11;
	v11 =	vld [tilespmem:s0+$0x5000]  }
0xc9: {  	[tilespmem:$0x1FF80] =	vst v12;
	v12 =	vld [tilespmem:s0+$0x5040]  }
0xca: {  	[tilespmem:$0x1FFA0] =	vst v13;
	v13 =	vld [tilespmem:s0+$0x5080]  }
0xcb: {  	[tilespmem:$0x1FFB0] =	vst v14;
	v14 =	vld [tilespmem:s0+$0x50C0]  }
0xcc: {  	v16 =	vadd.f32 v17, v16;
	v17 =	vld [tilespmem:s0+$0x5100]  }
0xcd: {  	v29 =	vadd.f32 v30, v29;
	v30 =	vld [tilespmem:s0+$0x5140]  }
0xce: {  	v16 =	vadd.f32 v18, v16;
	v18 =	vadd.f32 v46, v45;
	v45 =	vld [tilespmem:s0+$0x5180]  }
0xcf: {  	v29 =	vadd.f32 v31, v29;
	v31 =	vld [tilespmem:s0+$0x51C0]  }
0xd0: {  	v46 =	vld [tilespmem:s18+$0xFFFFFFE0]  }
0xd1: {  	v16 =	vadd.f32 v19, v16;
	v19 =	vld [tilespmem:s0+$0x5200]  }
0xd2: {  	v18 =	vadd.f32 v47, v18;
	v47 =	vld [tilespmem:s18+$0xFFFFFFF0]  }
0xd3: {  	v29 =	vadd.f32 v32, v29;
	v32 =	vld [tilespmem:s0+$0xF550];
	v2 =	vadd.f32 v2, v4  }
0xd4: {  	v16 =	vadd.f32 v20, v16;
	v20 =	vld [tilespmem:s0+$0xF720]  }
0xd5: {  	v29 =	vadd.f32 v33, v29;
	v0 =	vadd.f32 v0, v2;
	v2 =	vld [tilespmem:s18+$0x0]  }
0xd6: {  	v16 =	vadd.f32 v21, v16;
	v21 =	vld [tilespmem:s18+$0x10]  }
0xd7: {  	v18 =	vadd.f32 v48, v18;
	v29 =	vadd.f32 v34, v29;
	v34 =	vld [tilespmem:$0x1FF00]  }
0xd8: {  	v0 =	vadd.f32 v1, v0;
	v1 =	vld [tilespmem:s0+$0xF510]  }
0xd9: {  	v18 =	vadd.f32 v49, v18;
	v16 =	vadd.f32 v22, v16;
	v22 =	vld [tilespmem:s0+$0xF520]  }
0xda: {  	v29 =	vadd.f32 v35, v29;
	v35 =	vld [tilespmem:$0x1FF10]  }
0xdb: {  	v18 =	vadd.f32 v50, v18;
	v0 =	vadd.f32 v3, v0;
	v3 =	vld [tilespmem:s0+$0xF530]  }
0xdc: {  	v16 =	vadd.f32 v23, v16;
	v23 =	vld [tilespmem:s0+$0xF540]  }
0xdd: {  	v18 =	vadd.f32 v51, v18;
	v29 =	vadd.f32 v36, v29;
	v51 =	vld [tilespmem:s0+$0xF570]  }
0xde: {  	v36 =	vld [tilespmem:$0x1FF20];
	v48 =	vadd.f32 v24, v16  }
0xdf: {  	v49 =	vadd.f32 v52, v18;
	v18 =	vld [tilespmem:s0+$0xF560];
	v50 =	vadd.f32 v37, v29  }
0xe0: {  	v0 =	vadd.f32 v5, v0;
	v52 =	vld [tilespmem:s0+$0xF590]  }
0xe1: {  	v37 =	vld [tilespmem:$0x1FF30];
	v5 =	vadd.f32 v25, v48;
	v24 =	vadd.f32 v38, v50  }
0xe2: {  	v29 =	vld [tilespmem:s0+$0xF780];
	v0 =	vadd.f32 v6, v0;
	v16 =	vadd.f32 v53, v49  }
0xe3: {  	v25 =	vld [tilespmem:s0+$0xF580];
	v5 =	vadd.f32 v26, v5;
	v24 =	vadd.f32 v39, v24  }
0xe4: {  	v38 =	vld [tilespmem:$0x1FF40];
	v0 =	vadd.f32 v7, v0;
	v53 =	vadd.f32 v54, v16  }
0xe5: {  	v54 =	vld [tilespmem:s0+$0xF5A0];
	v5 =	vadd.f32 v27, v5;
	v33 =	vadd.f32 v40, v24  }
0xe6: {  	v26 =	vld [tilespmem:s0+$0xF5B0];
	v0 =	vadd.f32 v8, v0  }
0xe7: {  	v39 =	vld [tilespmem:$0x1FF50];
	v5 =	vadd.f32 v28, v5;
	v8 =	vadd.f32 v41, v33  }
0xe8: {  	v27 =	vld [tilespmem:s0+$0xF5C0]  }
0xe9: {  	v24 =	vld [tilespmem:s0+$0xF5D0];
	v5 =	vadd.f32 v34, v5;
	v8 =	vadd.f32 v42, v8  }
0xea: {  	v40 =	vld [tilespmem:$0x1FF60];
	v0 =	vadd.f32 v9, v0  }
0xeb: {  	v28 =	vld [tilespmem:s0+$0xF5E0];
	v5 =	vadd.f32 v35, v5;
	v8 =	vadd.f32 v43, v8  }
0xec: {  	v7 =	vadd.f32 v55, v53;
	v33 =	vld [tilespmem:s0+$0xF600];
	v0 =	vadd.f32 v10, v0  }
0xed: {  	v41 =	vld [tilespmem:$0x1FF70];
	v5 =	vadd.f32 v36, v5;
	v8 =	vadd.f32 v44, v8  }
0xee: {  	v7 =	vadd.f32 v56, v7;
	v42 =	vld [tilespmem:$0x1FF80];
	v0 =	vadd.f32 v11, v0  }
0xef: {  	v43 =	vld [tilespmem:$0x1FF90];
	v5 =	vadd.f32 v37, v5;
	v8 =	vadd.f32 v38, v8  }
0xf0: {  	v7 =	vadd.f32 v57, v7;
	v0 =	vadd.f32 v12, v0;
	v44 =	vld [tilespmem:$0x1FFA0]  }
0xf1: {  	v10 =	vld [tilespmem:s0+$0xF5F0];
	v5 =	vadd.f32 v39, v5;
	v8 =	vadd.f32 v40, v8  }
0xf2: {  	v34 =	vld [tilespmem:s0+$0xF610];
	v7 =	vadd.f32 v59, v7;
	v0 =	vadd.f32 v13, v0  }
0xf3: {  	v35 =	vld [tilespmem:s0+$0xF620];
	v5 =	vadd.f32 v41, v5;
	v8 =	vadd.f32 v42, v8  }
0xf4: {  	v12 =	vld [tilespmem:s0+$0xF630];
	v7 =	vadd.f32 v60, v7;
	v0 =	vadd.f32 v14, v0  }
0xf5: {  	v36 =	vld [tilespmem:s0+$0xF640];
	v5 =	vadd.f32 v43, v5;
	v9 =	vadd.f32 v44, v8  }
0xf6: {  	v13 =	vld [tilespmem:s0+$0xF650];
	v0 =	vadd.f32 v17, v0  }
0xf7: {  	v7 =	vadd.f32 v15, v7;
	v37 =	vld [tilespmem:s0+$0xF660];
	v8 =	vmul.f32 $5.000000070e-02, v5;
	v9 =	vmul.f32 $5.000000070e-02, v9  }
0xf8: {  	v38 =	vld [tilespmem:s0+$0xF680];
	v0 =	vadd.f32 v30, v0  }
0xf9: {  	v14 =	vld [tilespmem:s0+$0xF670];
	v7 =	vadd.f32 v61, v7;
	v4 =	vmul.f32 v46, v8;
	v46 =	vmul.f32 v47, v9  }
0xfa: {  	v17 =	vld [tilespmem:s0+$0xF690];
	v0 =	vadd.f32 v45, v0;
	v1 =	vmul.f32 v1, v8;
	v48 =	vmul.f32 v22, v9  }
0xfb: {  	v7 =	vadd.f32 v62, v7;
	v45 =	vld [tilespmem:$0x1FFB0];
	v49 =	vmul.f32 v32, v8;
	v18 =	vmul.f32 v18, v9  }
0xfc: {  	v41 =	vld [tilespmem:s0+$0xF6D0];
	v0 =	vadd.f32 v31, v0;
	v52 =	vmul.f32 v52, v8;
	v16 =	vmul.f32 v54, v9  }
0xfd: {  	v39 =	vld [tilespmem:s0+$0xF6A0];
	v7 =	vadd.f32 v63, v7;
	v56 =	vmul.f32 v24, v8;
	v57 =	vmul.f32 v28, v9  }
0xfe: {  	v40 =	vld [tilespmem:s0+$0xF6C0];
	v59 =	vmul.f32 v34, v8;
	v60 =	vmul.f32 v35, v9;
	v0 =	vadd.f32 v19, v0  }
0xff: {  	v42 =	vld [tilespmem:s0+$0xF6E0];
	v62 =	vmul.f32 v13, v8;
	v63 =	vmul.f32 v37, v9  }
0x100: {  	v30 =	vld [tilespmem:s0+$0xF6B0];
	v7 =	vadd.f32 v45, v7;
	v47 =	vadd.f32 v46, v4;
	v5 =	vmul.f32 $5.000000070e-02, v0  }
0x101: {  	v22 =	vld [tilespmem:s0+$0xF740];
	v1 =	vadd.f32 v48, v1;
	v46 =	vmul.f32 v17, v8;
	v48 =	vmul.f32 v41, v8  }
0x102: {  	v43 =	vld [tilespmem:s0+$0xF700];
	v7 =	vmul.f32 $5.000000070e-02, v7;
	v21 =	vmul.f32 v21, v5  }
0x103: {  	v44 =	vld [tilespmem:s0+$0xF760];
	v50 =	vmul.f32 v23, v5;
	v53 =	vmul.f32 v25, v5  }
0x104: {  	v31 =	vld [tilespmem:s0+$0xF6F0];
	v27 =	vmul.f32 v27, v5;
	v61 =	vmul.f32 v33, v5  }
0x105: {  	v24 =	vld [tilespmem:s0+$0xF7B0];
	v54 =	vadd.f32 v16, v52;
	v37 =	vmul.f32 v36, v5;
	v52 =	vmul.f32 v40, v5  }
0x106: {  	v4 =	vld [tilespmem:s0+$0xF730];
	v22 =	vmul.f32 v22, v5;
	v29 =	vmul.f32 v29, v5  }
0x107: {  	v16 =	vld [tilespmem:s0+$0xF7A0];
	v2 =	vmul.f32 v2, v7;
	v3 =	vmul.f32 v3, v7  }
0x108: {  	v32 =	vld [tilespmem:s0+$0xF750];
	v51 =	vmul.f32 v51, v7;
	v55 =	vmul.f32 v26, v7  }
0x109: {  	v28 =	vld [tilespmem:s0+$0xF820];
	v10 =	vmul.f32 v10, v7;
	v12 =	vmul.f32 v12, v7  }
0x10a: {  	v19 =	vld [tilespmem:s0+$0xF710];
	v45 =	vmul.f32 v14, v7;
	v31 =	vmul.f32 v31, v7  }
0x10b: {  	v23 =	vld [tilespmem:s0+$0xF770];
	v41 =	vmul.f32 v24, v7;
	v4 =	vmul.f32 v4, v7  }
0x10c: {  	v25 =	vld [tilespmem:s0+$0xF7E0];
	v16 =	vmul.f32 v16, v9;
	v0 =	vadd.f32 v2, v47;
	v2 =	vadd.f32 v18, v49  }
0x10d: {  	v33 =	vld [tilespmem:s0+$0xF7F0];
	v1 =	vadd.f32 v3, v1;
	v3 =	vadd.f32 v60, v59;
	v47 =	vmul.f32 v39, v9  }
0x10e: {  	v35 =	vld [tilespmem:s0+$0xF830];
	v49 =	vmul.f32 v42, v9;
	v6 =	vadd.f32 v21, v0;
	v2 =	vadd.f32 v51, v2  }
0x10f: {  	v14 =	vld [tilespmem:s0+$0xF810];
	v0 =	vadd.f32 v50, v1;
	v1 =	vadd.f32 v55, v54;
	v50 =	vmul.f32 v38, v5  }
0x110: {  	v18 =	vld [tilespmem:s0+$0xF7D0];
	v3 =	vadd.f32 v12, v3;
	v51 =	vmul.f32 v30, v7;
	v54 =	vmul.f32 v19, v8  }
0x111: {  	v59 =	vld [tilespmem:s0+$0xF870];
	v12 =	vadd.f32 v47, v46;
	v55 =	vmul.f32 v20, v9;
	v23 =	vmul.f32 v23, v7  }
0x112: {  	v60 =	vld [tilespmem:s0+$0xF880];
	v13 =	vadd.f32 v49, v48;
	v25 =	vmul.f32 v25, v9;
	v46 =	vmul.f32 v33, v7  }
0x113: {  	v40 =	vld [tilespmem:s0+$0xF8B0];
	v48 =	vmul.f32 v28, v9;
	v11 =	vadd.f32 v53, v2;
	v2 =	vadd.f32 v57, v56  }
0x114: {  	v42 =	vld [tilespmem:s0+$0xF8C0];
	v14 =	vmul.f32 v14, v8;
	v1 =	vadd.f32 v27, v1;
	v3 =	vadd.f32 v37, v3  }
0x115: {  	v26 =	vld [tilespmem:s0+$0xF7C0];
	v12 =	vadd.f32 v51, v12;
	v13 =	vadd.f32 v31, v13;
	v57 =	vmul.f32 v43, v5  }
0x116: {  	v39 =	vld [tilespmem:s0+$0xF8A0];
	v17 =	vadd.f32 v55, v54;
	v0 =	vsub.f32 $0.0e+00, v0;
	v18 =	vmul.f32 v18, v8  }
0x117: {  	v21 =	vld [tilespmem:s0+$0xF790];
	v14 =	vadd.f32 v48, v14;
	v54 =	vmul.f32 v59, v7;
	v19 =	vmul.f32 v60, v5  }
0x118: {  	v30 =	vld [tilespmem:s0+$0xF840];
	v60 =	vmul.f32 v40, v7;
	v2 =	vadd.f32 v10, v2;
	v10 =	vadd.f32 v63, v62  }
0x119: {  	v47 =	vld [tilespmem:s0+$0xF8F0];
	v36 =	vmul.f32 v42, v5;
	v12 =	vadd.f32 v52, v12;
	v13 =	vadd.f32 v57, v13  }
0x11a: {  	v27 =	vld [tilespmem:s0+$0xF800];
	v62 =	vmul.f32 v44, v9;
	v4 =	vadd.f32 v4, v17;
	v44 =	vmul.f32 v26, v5  }
0x11b: {  	v53 =	vld [tilespmem:s0+$0xF850];
	v52 =	vmul.f32 v35, v7;
	v11 =	vsub.f32 $0.0e+00, v11;
	v1 =	vsub.f32 $0.0e+00, v1  }
0x11c: {  	v56 =	vld [tilespmem:s0+$0xF860];
	v3 =	vsub.f32 $0.0e+00, v3;
	v28 =	vsel vm0, v0, v6;
	v0 =	vsel vm0, v6, v0  }
0x11d: {  	v51 =	vld [tilespmem:s0+$0xF910];
	v38 =	vmul.f32 v21, v8;
	v18 =	vadd.f32 v25, v18;
	v30 =	vmul.f32 v30, v5  }
0x11e: {  	v43 =	vld [tilespmem:s0+$0xF8D0];
	v21 =	vmul.f32 v39, v9;
	v2 =	vadd.f32 v61, v2;
	v10 =	vadd.f32 v45, v10  }
0x11f: {  	v59 =	vld [tilespmem:s0+$0xF960];
	v37 =	vmul.f32 v47, v7;
	v4 =	vadd.f32 v22, v4;
	v14 =	vadd.f32 v52, v14  }
0x120: {  	v63 =	vld [tilespmem:s0+$0xF890];
	v61 =	vmul.f32 v32, v8;
	v12 =	vsub.f32 $0.0e+00, v12;
	v13 =	vsub.f32 $0.0e+00, v13  }
0x121: {  	v57 =	vld [tilespmem:s0+$0xF950];
	v16 =	vadd.f32 v16, v38;
	v18 =	vadd.f32 v46, v18;
	v20 =	vmul.f32 v56, v9  }
0x122: {  	v47 =	vld [tilespmem:s0+$0xF9B0];
	v27 =	vmul.f32 v27, v5;
	v39 =	vmul.f32 v51, v8;
	v10 =	vadd.f32 v50, v10  }
0x123: {  	v31 =	vadd.f32 v62, v61;
	v50 =	vmul.f32 v53, v8;
	v14 =	vadd.f32 v30, v14  }
0x124: {  	v49 =	vld [tilespmem:s0+$0xF900];
	v62 =	vmul.f32 v43, v8;
	v25 =	vmul.f32 v59, v9;
	v2 =	vsub.f32 $0.0e+00, v2  }
0x125: {  	v45 =	vld [tilespmem:s0+$0xF8E0];
	v4 =	vsub.f32 $0.0e+00, v4;
	v16 =	vadd.f32 v41, v16;
	v56 =	vmul.f32 v63, v8  }
0x126: {  	v55 =	vld [tilespmem:s0+$0xF930];
	v18 =	vadd.f32 v27, v18;
	v42 =	vmul.f32 v57, v8;
	v23 =	vadd.f32 v23, v31  }
0x127: {  	v38 =	vld [tilespmem:s0+$0xF9A0];
	v20 =	vadd.f32 v20, v50;
	v51 =	vmul.f32 v47, v7;
	v10 =	vsub.f32 $0.0e+00, v10  }
0x128: {  	v53 =	vld [tilespmem:s0+$0xF920];
	v14 =	vsub.f32 $0.0e+00, v14;
	v30 =	vsel vm0, v3, v2;
	v2 =	vsel vm0, v2, v3  }
0x129: {  	v61 =	vld [tilespmem:s0+$0xF970];
	v34 =	vsel vm0, v4, v13;
	v4 =	vsel vm0, v13, v4;
	v16 =	vadd.f32 v44, v16  }
0x12a: {  	v43 =	vld [tilespmem:s0+$0xF9E0];
	v17 =	vadd.f32 v21, v56;
	v22 =	vmul.f32 v45, v9;
	v44 =	vmul.f32 v49, v5  }
0x12b: {  	v45 =	vmul.f32 v55, v7;
	v21 =	vadd.f32 v25, v42;
	v18 =	vsub.f32 $0.0e+00, v18  }
0x12c: {  	v63 =	vld [tilespmem:s0+$0xF990];
	v23 =	vadd.f32 v29, v23;
	v20 =	vadd.f32 v54, v20;
	v26 =	vmul.f32 v38, v9  }
0x12d: {  	v41 =	vld [tilespmem:s0+$0xF9D0];
	v29 =	vsel vm0, v1, v11;
	v1 =	vsel vm0, v11, v1;
	v33 =	vsel vm0, v12, v10  }
0x12e: {  	v50 =	vld [tilespmem:s0+$0xF940];
	v10 =	vsel vm0, v10, v12;
	v17 =	vadd.f32 v60, v17;
	v40 =	vmul.f32 v53, v9  }
0x12f: {  	v49 =	vld [tilespmem:s0+$0xF9F0];
	v46 =	vmul.f32 v61, v7;
	v9 =	vmul.f32 v43, v9;
	v16 =	vsub.f32 $0.0e+00, v16  }
0x130: {  	v52 =	vld [tilespmem:s0+$0xF980];
	v38 =	vsel vm0, v14, v18;
	v19 =	vadd.f32 v19, v20;
	v20 =	vadd.f32 v22, v62  }
0x131: {  	v54 =	vld [tilespmem:s0+$0xFA00];
	v48 =	vmul.f32 v63, v8;
	v23 =	vsub.f32 $0.0e+00, v23;
	v17 =	vadd.f32 v36, v17  }
0x132: {  	v53 =	vld [tilespmem:s0+$0xF9C0];
	v8 =	vmul.f32 v41, v8;
	v22 =	vadd.f32 v40, v39;
	v21 =	vadd.f32 v46, v21  }
0x133: {  	v60 =	vld [tilespmem:$0x1FFC0];
	v41 =	vsel vm0, v18, v14;
	v20 =	vadd.f32 v37, v20;
	v24 =	vadd.f32 v26, v48  }
0x134: {  	v8 =	vadd.f32 v9, v8;
	v7 =	vmul.f32 v49, v7;
	v9 =	vmul.f32 v50, v5  }
0x135: {  	v19 =	vsub.f32 $0.0e+00, v19;
	v26 =	vmul.f32 v52, v5;
	v35 =	vsel vm0, v16, v23  }
0x136: {  	v36 =	vsel vm0, v23, v16;
	v22 =	vadd.f32 v45, v22;
	v55 =	vsub.f32 $0.0e+00, v17  }
0x137: {  	v20 =	vadd.f32 v44, v20;
	v24 =	vadd.f32 v51, v24;
	v25 =	vmul.f32 v53, v5  }
0x138: {  	v5 =	vmul.f32 v54, v5;
	v57 =	vadd.f32 v26, v21;
	v21 =	vperm.xlane v28, v60  }
0x139: {  	v7 =	vadd.f32 v7, v8;
	v31 =	vperm.xlane v29, v60;
	v32 =	vperm.xlane v30, v60  }
0x13a: {  	v3 =	vperm.xlane v33, v60;
	v9 =	vadd.f32 v9, v22;
	v56 =	vsub.f32 $0.0e+00, v20  }
0x13b: {  	v6 =	vperm.xlane v34, v60;
	v59 =	vadd.f32 v25, v24;
	v5 =	vadd.f32 v5, v7  }
0x13c: {  	v11 =	vperm.xlane v35, v60;
	v62 =	vsub.f32 $0.0e+00, v57;
	v0 =	vadd.f32 v21, v0  }
0x13d: {  	v39 =	vsel vm0, v55, v19;
	v1 =	vadd.f32 v31, v1;
	v2 =	vadd.f32 v32, v2  }
0x13e: {  	v8 =	vsel vm0, v19, v55;
	v3 =	vadd.f32 v3, v10;
	v4 =	vadd.f32 v6, v4  }
0x13f: {  	v37 =	vadd.f32 v11, v36;
	v10 =	vperm.xlane v38, v60;
	v61 =	vsub.f32 $0.0e+00, v9  }
0x140: {  	v11 =	vperm.xlane v39, v60;
	v63 =	vsub.f32 $0.0e+00, v59;
	v5 =	vsub.f32 $0.0e+00, v5  }
0x141: {  	v40 =	vsel vm1, v1, v0;
	v10 =	vadd.f32 v10, v41;
	v0 =	vsel vm1, v0, v1  }
0x142: {  	v42 =	vadd.f32 v11, v8;
	v43 =	vsel vm1, v2, v3;
	v2 =	vsel vm1, v3, v2  }
0x143: {  	v44 =	vsel vm1, v37, v4;
	v4 =	vsel vm1, v4, v37;
	v12 =	vperm.xlane v40, v58  }
0x144: {  	v3 =	vperm.xlane v44, v58;
	v45 =	vsel vm0, v61, v56;
	v7 =	vsel vm0, v56, v61  }
0x145: {  	v11 =	vperm.xlane v45, v60;
	v46 =	vsel vm0, v63, v62;
	v47 =	vsel vm0, $0x0, v5  }
0x146: {  	v0 =	vadd.f32 v12, v0;
	v12 =	vperm.xlane v46, v60;
	v13 =	vperm.xlane v47, v60  }
0x147: {  	v9 =	vsel vm0, v62, v63;
	v5 =	vnsel vm0, $0x0, v5;
	v7 =	vadd.f32 v11, v7  }
0x148: {  	v2 =	vperm.xlane v2, v58;
	v48 =	vadd.f32 v12, v9;
	v5 =	vadd.f32 v13, v5  }
0x149: {  	v49 =	vsel vm1, v42, v10;
	v1 =	vsel vm1, v10, v42;
	v3 =	vadd.f32 v3, v4  }
0x14a: {  	v54 =	vld [tilespmem:$0x1FFD0];
	v4 =	vperm.xlane v49, v58;
	v50 =	vsel vm1, v48, v7;
	v51 =	vsel vm1, $0x0, v5  }
0x14b: {  	v2 =	vadd.f32 v2, v43;
	v8 =	vperm.xlane v50, v58;
	v9 =	vperm.xlane v51, v58  }
0x14c: {  	v1 =	vadd.f32 v4, v1;
	v53 =	vsel vm1, v7, v48;
	v5 =	vnsel vm1, $0x0, v5  }
0x14d: {  	v4 =	vadd.f32 v8, v53;
	v5 =	vadd.f32 v9, v5  }
0x14e: {  	v52 =	vld [tilespmem:$0x1FFF0];
	v55 =	vsel vm2, v2, v0;
	v56 =	vsel vm2, v1, v3  }
0x14f: {  	v59 =	vld [tilespmem:$0x1FFE0];
	v6 =	vperm.xlane v55, v54;
	v7 =	vperm.xlane v56, v54;
	v8 =	vsel vm2, v5, v4  }
0x150: {  	v0 =	vsel vm2, v0, v2;
	v1 =	vsel vm2, v3, v1;
	v57 =	vperm.xlane v8, v54  }
0x151: {  	v0 =	vadd.f32 v6, v0;
	v1 =	vadd.f32 v7, v1;
	v60 =	vsel vm2, v4, v5  }
0x152: {  	v2 =	vadd.f32 v57, v60  }
0x153: {  	v61 =	vsel vm3, v1, v0  }
0x154: {  	p0 =	sne.s32 s15, $0x13FC0;
	v3 =	vperm.xlane v61, v59;
	v62 =	vsel vm3, v52, v2  }
.Ltmp5:
0x155: {  	v0 =	vsel vm3, v0, v1;
	v63 =	vperm.xlane v62, v59;
	(pc) =	sbr.rel @p0 .LBB2_9-.Ltmp5, $4  }
0x156: {  	v0 =	vadd.f32 v0, v3;
	v2 =	vsel vm3, v2, v52  }
0x157: {  	v1 =	vadd.f32 v2, v63  }
0x158: {  	[tilespmem:s21+$0xFFFFFFF0] =	vst v0  }
0x159: {  	s15 =	sadd.s32 $0x1400, s15;
	s18 =	sadd.s32 $0x40, s18;
	[tilespmem:s21+$0x0] =	vst v1;
	s21 =	sadd.s32 $0x20, s21  }
0x15a: {  	s15 =	sshll.u32 s29, $0x1;
	p0 =	seq.s32 s29, $0xF  }
0x15b: {  	s0 =	sadd.s32 @!p0 $0x2, s15  }
0x15c: {  	s11 =	smul.u32 @!p0 $0x140, s0  }
0x15d: {  	s18 =	simm.s32 @!p0 $0x80;
	s21 =	simm.s32 @!p0 $0x5200;
	s12 =	simm.s32 @!p0 $0x7200  }
0x15e: {  	[tilespmem:s21], [sflag:$0x1] =	stream.indirect.gather @!p0 [hbm4b:s3+s18], $0x40, s11, s18, $0xb8;
	[tilespmem:$0x1DA00] =	vst v63  }
0x15f: {  	s5 =	simm.s32 @!p0 $0x9200;
	s0 =	sshll.u32 @!p0 s0, $0x4;
	s21 =	sadd.s32 @!p0 $0x80, s11  }
0x160: {  	[tilespmem:s12], [sflag:$0x1] =	stream.indirect.gather @!p0 [hbm4b:s3+s18], $0x40, s21, s18, $0xb8;
	[tilespmem:$0x1DA00] =	vst v63  }
0x161: {  	s0 =	sand.u32 @!p0 $0x3FFFFFF0, s0;
	s12 =	sadd.s32 @!p0 $0x100, s11;
	s21 =	simm.s32 @!p0 $0x40  }
0x162: {  	[tilespmem:s5], [sflag:$0x1] =	stream.indirect.gather @!p0 [hbm4b:s3+s21], $0x40, s12, s21, $0xb8;
	[tilespmem:$0x1DA00] =	vst v63  }
0x163: {  	s0 =	sadd.s32 @!p0 $0x5000, s0;
	s5 =	simm.s32 @!p0 $0x10;
	s12 =	simm.s32 @!p0 $0xF200  }
0x164: {  	[tilespmem:s12], [sflag:$0x1] =	stream.indirect.gather @!p0 [hbm4b:s4+s5], $0x40, s0, s5, $0xb8;
	[tilespmem:$0x1DA00] =	vst v63  }
0x165: {  	s0 =	sadd.s32 @!p0 $0x2800, s11;
	s5 =	simm.s32 @!p0 $0xFA00  }
0x166: {  	[tilespmem:s5], [sflag:$0x1] =	stream.indirect.gather @!p0 [hbm4b:s4+s18], $0x40, s0, s18, $0xb8;
	[tilespmem:$0x1DA00] =	vst v63  }
0x167: {  	s0 =	sadd.s32 @!p0 $0x2880, s11;
	s5 =	simm.s32 @!p0 $0x11A00  }
0x168: {  	[tilespmem:s5], [sflag:$0x1] =	stream.indirect.gather @!p0 [hbm4b:s4+s18], $0x40, s0, s18, $0xb8;
	[tilespmem:$0x1DA00] =	vst v63  }
0x169: {  	s0 =	sadd.s32 @!p0 $0x2900, s11;
	s5 =	simm.s32 @!p0 $0x13A00  }
0x16a: {  	[tilespmem:s5], [sflag:$0x1] =	stream.indirect.gather @!p0 [hbm4b:s4+s21], $0x40, s0, s21, $0xb8;
	[tilespmem:$0x1DA00] =	vst v63  }
0x16b: {  	_ =	swait.ge [sflag:s24], $0x2000  }
0x16c: {  	[sflag:s24] =	ssyncset.done $0x0  }
0x16d: {  	[sflag:s24] =	ssyncadd.s32 $0xFFFFE000  }
0x16e: {  	_ =	swait.ge [sflag:s24], $0x2000  }
0x16f: {  	[sflag:s24] =	ssyncset.done $0x0  }
0x170: {  	[sflag:s24] =	ssyncadd.s32 $0xFFFFE000  }
0x171: {  	_ =	swait.ge [sflag:s24], $0x1000  }
0x172: {  	[sflag:s24] =	ssyncset.done $0x0  }
0x173: {  	[sflag:s24] =	ssyncadd.s32 $0xFFFFF000  }
0x174: {  	_ =	swait.ge [sflag:s24], $0x400  }
0x175: {  	[sflag:s24] =	ssyncset.done $0x0  }
0x176: {  	[sflag:s24] =	ssyncadd.s32 $0xFFFFFC00  }
0x177: {  	_ =	swait.ge [sflag:s24], $0x2000  }
0x178: {  	[sflag:s24] =	ssyncset.done $0x0  }
0x179: {  	[sflag:s24] =	ssyncadd.s32 $0xFFFFE000  }
0x17a: {  	_ =	swait.ge [sflag:s24], $0x2000  }
0x17b: {  	[sflag:s24] =	ssyncset.done $0x0  }
0x17c: {  	[sflag:s24] =	ssyncadd.s32 $0xFFFFE000  }
0x17d: {  	_ =	swait.ge [sflag:s24], $0x1000  }
0x17e: {  	s18 =	simm.s32 $0x13C0;
	[sflag:s24] =	ssyncset.done $0x0  }
0x17f: {  	s21 =	simm.s32 $0xF620;
	s0 =	smov.u32 s25;
	[sflag:s24] =	ssyncadd.s32 $0xFFFFF000  }
.LBB2_11:
0x180: {  	s11 =	sshra.s32 s18, $0x2  }
0x181: {  	v4 =	vld [tilespmem:s11+$0x9D10]  }
0x182: {  	v10 =	vld [tilespmem:s11+$0x9D50]  }
0x183: {  	v12 =	vld [tilespmem:s11+$0x9D90]  }
0x184: {  	v14 =	vld [tilespmem:s11+$0x9DD0]  }
0x185: {  	v16 =	vld [tilespmem:s11+$0x9E10]  }
0x186: {  	v17 =	vld [tilespmem:s11+$0x9E50]  }
0x187: {  	v18 =	vld [tilespmem:s11+$0x9E90]  }
0x188: {  	v19 =	vld [tilespmem:s11+$0x9ED0]  }
0x189: {  	v20 =	vld [tilespmem:s11+$0x9F10]  }
0x18a: {  	v21 =	vld [tilespmem:s11+$0x9F50]  }
0x18b: {  	v22 =	vld [tilespmem:s11+$0x9F90]  }
0x18c: {  	v23 =	vld [tilespmem:s11+$0x9FD0]  }
0x18d: {  	v24 =	vld [tilespmem:s11+$0xA010]  }
0x18e: {  	v0 =	vld [tilespmem:s11+$0xA050]  }
0x18f: {  	v50 =	vld [tilespmem:s11+$0xA090]  }
0x190: {  	v51 =	vld [tilespmem:s11+$0xA0D0]  }
0x191: {  	v52 =	vld [tilespmem:s11+$0xA110]  }
0x192: {  	v53 =	vld [tilespmem:s11+$0xA150]  }
0x193: {  	v54 =	vld [tilespmem:s11+$0xA190]  }
0x194: {  	v55 =	vld [tilespmem:s11+$0xA1D0]  }
0x195: {  	v25 =	vld [tilespmem:s11+$0x9D20]  }
0x196: {  	v26 =	vld [tilespmem:s11+$0x9D60]  }
0x197: {  	v27 =	vld [tilespmem:s11+$0x9DA0]  }
0x198: {  	v28 =	vld [tilespmem:s11+$0x9DE0]  }
0x199: {  	v29 =	vld [tilespmem:s11+$0x9E20]  }
0x19a: {  	v30 =	vld [tilespmem:s11+$0x9E60]  }
0x19b: {  	v31 =	vld [tilespmem:s11+$0x9EA0]  }
0x19c: {  	v32 =	vld [tilespmem:s11+$0x9EE0]  }
0x19d: {  	v33 =	vld [tilespmem:s11+$0x9F20]  }
0x19e: {  	v34 =	vld [tilespmem:s11+$0x9F60]  }
0x19f: {  	v35 =	vld [tilespmem:s11+$0x9FA0]  }
0x1a0: {  	v36 =	vld [tilespmem:s11+$0x9FE0]  }
0x1a1: {  	v37 =	vld [tilespmem:s11+$0xA020]  }
0x1a2: {  	v38 =	vld [tilespmem:s11+$0xA060]  }
0x1a3: {  	v39 =	vld [tilespmem:s11+$0xA0A0]  }
0x1a4: {  	v40 =	vld [tilespmem:s11+$0xA0E0]  }
0x1a5: {  	v56 =	vld [tilespmem:s11+$0xA120]  }
0x1a6: {  	v57 =	vld [tilespmem:s11+$0xA160]  }
0x1a7: {  	v59 =	vld [tilespmem:s11+$0xA1A0]  }
0x1a8: {  	v60 =	vld [tilespmem:s11+$0xA1E0]  }
0x1a9: {  	v41 =	vld [tilespmem:s11+$0x9D30]  }
0x1aa: {  	v42 =	vld [tilespmem:s11+$0x9D70]  }
0x1ab: {  	v43 =	vld [tilespmem:s11+$0x9DB0]  }
0x1ac: {  	v44 =	vld [tilespmem:s11+$0x9DF0]  }
0x1ad: {  	v45 =	vld [tilespmem:s11+$0x9E30]  }
0x1ae: {  	v46 =	vld [tilespmem:s11+$0x9E70]  }
0x1af: {  	v47 =	vld [tilespmem:s11+$0x9EB0]  }
0x1b0: {  	v48 =	vld [tilespmem:s11+$0x9EF0]  }
0x1b1: {  	v49 =	vld [tilespmem:s11+$0x9F30]  }
0x1b2: {  	v11 =	vld [tilespmem:s11+$0xA170]  }
0x1b3: {  	v13 =	vld [tilespmem:s11+$0xA1B0]  }
0x1b4: {  	v61 =	vld [tilespmem:s11+$0xA1F0]  }
0x1b5: {  	v62 =	vld [tilespmem:s11+$0x9D80]  }
0x1b6: {  	v63 =	vld [tilespmem:s11+$0x9DC0]  }
0x1b7: {  	v1 =	vld [tilespmem:s11+$0x9E40]  }
0x1b8: {  	v2 =	vld [tilespmem:s11+$0x9E80]  }
0x1b9: {  	v3 =	vld [tilespmem:s11+$0x9EC0]  }
0x1ba: {  	v15 =	vld [tilespmem:s11+$0x9F00]  }
0x1bb: {  	v5 =	vmov v58;
	v58 =	vld [tilespmem:s11+$0x9FC0]  }
0x1bc: {  	v6 =	vld [tilespmem:s11+$0xA000]  }
0x1bd: {  	v7 =	vld [tilespmem:s11+$0xA040]  }
0x1be: {  	v8 =	vld [tilespmem:s11+$0xA080]  }
0x1bf: {  	v9 =	vld [tilespmem:s11+$0xA0C0]  }
0x1c0: {  	[tilespmem:$0x1FE50] =	vst v50;
	v50 =	vld [tilespmem:s11+$0x9F70]  }
0x1c1: {  	[tilespmem:$0x1FE60] =	vst v51;
	v51 =	vld [tilespmem:s11+$0x9FB0]  }
0x1c2: {  	[tilespmem:$0x1FE70] =	vst v52;
	v52 =	vld [tilespmem:s11+$0x9FF0]  }
0x1c3: {  	[tilespmem:$0x1FE90] =	vst v53;
	v53 =	vld [tilespmem:s11+$0xA030]  }
0x1c4: {  	[tilespmem:$0x1FEB0] =	vst v54;
	v54 =	vld [tilespmem:s11+$0xA070]  }
0x1c5: {  	[tilespmem:$0x1FED0] =	vst v55;
	v55 =	vld [tilespmem:s11+$0xA0B0]  }
0x1c6: {  	[tilespmem:$0x1FE80] =	vst v56;
	v56 =	vld [tilespmem:s11+$0xA0F0]  }
0x1c7: {  	[tilespmem:$0x1FEA0] =	vst v57;
	v57 =	vld [tilespmem:s11+$0xA130]  }
0x1c8: {  	[tilespmem:$0x1FEF0] =	vst v61;
	v61 =	vld [tilespmem:s11+$0x9D40]  }
0x1c9: {  	[tilespmem:$0x1FE40] =	vst v0;
	v0 =	vld [tilespmem:s11+$0x9E00]  }
0x1ca: {  	[tilespmem:$0x1FEE0] =	vst v60;
	v60 =	vld [tilespmem:s11+$0x9F40]  }
0x1cb: {  	[tilespmem:$0x1FEC0] =	vst v59;
	v59 =	vld [tilespmem:s11+$0x9F80]  }
0x1cc: {  	v4 =	vadd.f32 v10, v4;
	v10 =	vld [tilespmem:s11+$0xA100]  }
0x1cd: {  	v25 =	vadd.f32 v26, v25;
	v26 =	vld [tilespmem:s11+$0xA140]  }
0x1ce: {  	v4 =	vadd.f32 v12, v4;
	v12 =	vadd.f32 v42, v41;
	v41 =	vld [tilespmem:s11+$0xA180]  }
0x1cf: {  	v25 =	vadd.f32 v27, v25;
	v27 =	vld [tilespmem:s11+$0xA1C0]  }
0x1d0: {  	v42 =	vld [tilespmem:s21+$0xFFFFFFE0]  }
0x1d1: {  	v4 =	vadd.f32 v14, v4;
	v14 =	vld [tilespmem:s11+$0xA200]  }
0x1d2: {  	v12 =	vadd.f32 v43, v12;
	v43 =	vld [tilespmem:s11+$0x146C0]  }
0x1d3: {  	v25 =	vadd.f32 v28, v25;
	v62 =	vadd.f32 v62, v61;
	v61 =	vld [tilespmem:$0x1FEA0]  }
0x1d4: {  	v4 =	vadd.f32 v16, v4;
	v16 =	vld [tilespmem:s21+$0xFFFFFFF0]  }
0x1d5: {  	v25 =	vadd.f32 v29, v25;
	v29 =	vld [tilespmem:s21+$0x0]  }
0x1d6: {  	v12 =	vadd.f32 v44, v12;
	v28 =	vadd.f32 v63, v62;
	v62 =	vld [tilespmem:$0x1FEB0]  }
0x1d7: {  	v63 =	vld [tilespmem:$0x1FEC0]  }
0x1d8: {  	v4 =	vadd.f32 v17, v4;
	v12 =	vadd.f32 v45, v12;
	v17 =	vld [tilespmem:s21+$0x10]  }
0x1d9: {  	v25 =	vadd.f32 v30, v25;
	v30 =	vld [tilespmem:s11+$0x145B0]  }
0x1da: {  	v0 =	vadd.f32 v0, v28;
	v28 =	vld [tilespmem:s11+$0x14510];
	v12 =	vadd.f32 v46, v12  }
0x1db: {  	v4 =	vadd.f32 v18, v4;
	v18 =	vld [tilespmem:s11+$0x14520];
	v25 =	vadd.f32 v31, v25  }
0x1dc: {  	v31 =	vld [tilespmem:s11+$0x145D0];
	v0 =	vadd.f32 v1, v0;
	v12 =	vadd.f32 v47, v12  }
0x1dd: {  	v1 =	vld [tilespmem:s11+$0x14530];
	v4 =	vadd.f32 v19, v4  }
0x1de: {  	v19 =	vld [tilespmem:s11+$0x14540];
	v0 =	vadd.f32 v2, v0;
	v12 =	vadd.f32 v48, v12  }
0x1df: {  	v25 =	vadd.f32 v32, v25;
	v32 =	vld [tilespmem:s11+$0x145F0]  }
0x1e0: {  	v2 =	vld [tilespmem:s11+$0x14550];
	v0 =	vadd.f32 v3, v0;
	v12 =	vadd.f32 v49, v12  }
0x1e1: {  	v4 =	vadd.f32 v20, v4;
	v20 =	vld [tilespmem:s11+$0x14560];
	v25 =	vadd.f32 v33, v25  }
0x1e2: {  	v33 =	vld [tilespmem:s11+$0x14600];
	v0 =	vadd.f32 v15, v0;
	v12 =	vadd.f32 v50, v12  }
0x1e3: {  	v3 =	vld [tilespmem:s11+$0x14570];
	v4 =	vadd.f32 v21, v4;
	v25 =	vadd.f32 v34, v25  }
0x1e4: {  	v21 =	vld [tilespmem:s11+$0x14580];
	v0 =	vadd.f32 v60, v0;
	v12 =	vadd.f32 v51, v12  }
0x1e5: {  	v34 =	vld [tilespmem:s11+$0x14610];
	v4 =	vadd.f32 v22, v4;
	v25 =	vadd.f32 v35, v25  }
0x1e6: {  	v50 =	vld [tilespmem:$0x1FE40];
	v0 =	vadd.f32 v59, v0;
	v12 =	vadd.f32 v52, v12  }
0x1e7: {  	v15 =	vld [tilespmem:s11+$0x14590];
	v4 =	vadd.f32 v23, v4;
	v25 =	vadd.f32 v36, v25  }
0x1e8: {  	v51 =	vld [tilespmem:$0x1FE50];
	v0 =	vadd.f32 v58, v0;
	v12 =	vadd.f32 v53, v12  }
0x1e9: {  	v22 =	vld [tilespmem:s11+$0x145A0];
	v4 =	vadd.f32 v24, v4;
	v25 =	vadd.f32 v37, v25  }
0x1ea: {  	v53 =	vld [tilespmem:$0x1FE60];
	v0 =	vadd.f32 v6, v0;
	v52 =	vadd.f32 v54, v12  }
0x1eb: {  	v59 =	vld [tilespmem:$0x1FE80];
	v4 =	vadd.f32 v50, v4;
	v25 =	vadd.f32 v38, v25  }
0x1ec: {  	v58 =	vmov v5;
	v0 =	vadd.f32 v7, v0;
	v5 =	vadd.f32 v55, v52;
	v55 =	vld [tilespmem:$0x1FE70]  }
0x1ed: {  	v35 =	vld [tilespmem:s11+$0x14630];
	v4 =	vadd.f32 v51, v4;
	v25 =	vadd.f32 v39, v25  }
0x1ee: {  	v60 =	vld [tilespmem:$0x1FE90];
	v0 =	vadd.f32 v8, v0;
	v5 =	vadd.f32 v56, v5  }
0x1ef: {  	v23 =	vld [tilespmem:s11+$0x145C0];
	v54 =	vadd.f32 v40, v25;
	v4 =	vadd.f32 v53, v4  }
0x1f0: {  	v36 =	vld [tilespmem:s11+$0x14640];
	v0 =	vadd.f32 v9, v0;
	v5 =	vadd.f32 v57, v5  }
0x1f1: {  	v24 =	vld [tilespmem:s11+$0x145E0];
	v6 =	vadd.f32 v59, v54;
	v4 =	vadd.f32 v55, v4  }
0x1f2: {  	v9 =	vld [tilespmem:$0x1FED0];
	v0 =	vadd.f32 v10, v0;
	v5 =	vadd.f32 v11, v5  }
0x1f3: {  	v6 =	vadd.f32 v61, v6;
	v11 =	vld [tilespmem:$0x1FEE0];
	v4 =	vadd.f32 v60, v4  }
0x1f4: {  	v0 =	vadd.f32 v26, v0;
	v5 =	vadd.f32 v13, v5;
	v13 =	vld [tilespmem:$0x1FEF0]  }
0x1f5: {  	v37 =	vld [tilespmem:s11+$0x14660];
	v4 =	vadd.f32 v62, v4  }
0x1f6: {  	v38 =	vld [tilespmem:s11+$0x14670];
	v6 =	vadd.f32 v63, v6;
	v0 =	vadd.f32 v41, v0  }
0x1f7: {  	v12 =	vld [tilespmem:s11+$0x14620];
	v4 =	vadd.f32 v9, v4  }
0x1f8: {  	v39 =	vld [tilespmem:s11+$0x14680];
	v6 =	vadd.f32 v11, v6;
	v0 =	vadd.f32 v27, v0  }
0x1f9: {  	v25 =	vld [tilespmem:s11+$0x14650];
	v5 =	vadd.f32 v13, v5;
	v8 =	vmul.f32 $5.000000070e-02, v4  }
0x1fa: {  	v40 =	vld [tilespmem:s11+$0x146A0];
	v9 =	vmul.f32 $5.000000070e-02, v6;
	v0 =	vadd.f32 v14, v0  }
0x1fb: {  	v10 =	vld [tilespmem:s11+$0x14690];
	v7 =	vmul.f32 $5.000000070e-02, v5;
	v44 =	vmul.f32 v42, v8  }
0x1fc: {  	v26 =	vld [tilespmem:s11+$0x146B0];
	v45 =	vmul.f32 v16, v9;
	v5 =	vmul.f32 $5.000000070e-02, v0  }
0x1fd: {  	v41 =	vld [tilespmem:s11+$0x146D0];
	v48 =	vmul.f32 v28, v8;
	v18 =	vmul.f32 v18, v9  }
0x1fe: {  	v27 =	vld [tilespmem:s11+$0x14700];
	v2 =	vmul.f32 v2, v8;
	v49 =	vmul.f32 v20, v9  }
0x1ff: {  	v13 =	vld [tilespmem:s11+$0x146E0];
	v50 =	vmul.f32 v15, v8;
	v51 =	vmul.f32 v22, v9  }
0x200: {  	v4 =	vld [tilespmem:s11+$0x146F0];
	v55 =	vmul.f32 v31, v8;
	v56 =	vmul.f32 v24, v9  }
0x201: {  	v14 =	vld [tilespmem:s11+$0x14710];
	v57 =	vmul.f32 v34, v8;
	v12 =	vmul.f32 v12, v9  }
0x202: {  	v16 =	vld [tilespmem:s11+$0x14720];
	v62 =	vmul.f32 v25, v8;
	v63 =	vmul.f32 v37, v9  }
0x203: {  	v28 =	vld [tilespmem:s11+$0x14740];
	v10 =	vmul.f32 v10, v8;
	v47 =	vmul.f32 v29, v7  }
0x204: {  	v20 =	vld [tilespmem:s11+$0x14750];
	v17 =	vmul.f32 v17, v5;
	v1 =	vmul.f32 v1, v7  }
0x205: {  	v42 =	vld [tilespmem:s11+$0x14770];
	v19 =	vmul.f32 v19, v5;
	v3 =	vmul.f32 v3, v7  }
0x206: {  	v22 =	vld [tilespmem:s11+$0x14780];
	v46 =	vadd.f32 v45, v44;
	v52 =	vmul.f32 v21, v5;
	v54 =	vmul.f32 v30, v7  }
0x207: {  	v24 =	vld [tilespmem:s11+$0x147C0];
	v11 =	vadd.f32 v18, v48;
	v23 =	vmul.f32 v23, v5;
	v59 =	vmul.f32 v32, v7  }
0x208: {  	v31 =	vld [tilespmem:s11+$0x14810];
	v2 =	vadd.f32 v49, v2;
	v60 =	vmul.f32 v33, v5;
	v61 =	vmul.f32 v35, v7  }
0x209: {  	v34 =	vld [tilespmem:s11+$0x14820];
	v53 =	vadd.f32 v51, v50;
	v37 =	vmul.f32 v36, v5;
	v44 =	vmul.f32 v38, v7  }
0x20a: {  	v29 =	vld [tilespmem:s11+$0x14730];
	v12 =	vadd.f32 v12, v57;
	v45 =	vmul.f32 v40, v9;
	v48 =	vmul.f32 v26, v7  }
0x20b: {  	v18 =	vld [tilespmem:s11+$0x14760];
	v49 =	vmul.f32 v43, v5;
	v13 =	vmul.f32 v13, v9;
	v0 =	vadd.f32 v47, v46  }
0x20c: {  	v21 =	vld [tilespmem:s11+$0x147B0];
	v4 =	vmul.f32 v4, v7;
	v1 =	vadd.f32 v1, v11;
	v2 =	vadd.f32 v3, v2  }
0x20d: {  	v30 =	vld [tilespmem:s11+$0x147D0];
	v14 =	vmul.f32 v14, v8;
	v12 =	vadd.f32 v61, v12;
	v3 =	vadd.f32 v63, v62  }
0x20e: {  	v32 =	vld [tilespmem:s11+$0x147E0];
	v46 =	vmul.f32 v41, v8;
	v47 =	vmul.f32 v39, v5;
	v10 =	vadd.f32 v45, v10  }
0x20f: {  	v33 =	vld [tilespmem:s11+$0x147F0];
	v51 =	vmul.f32 v16, v9;
	v28 =	vmul.f32 v28, v5;
	v6 =	vadd.f32 v17, v0  }
0x210: {  	v35 =	vld [tilespmem:s11+$0x14830];
	v62 =	vmul.f32 v42, v7;
	v0 =	vadd.f32 v19, v1;
	v11 =	vadd.f32 v52, v2  }
0x211: {  	v26 =	vld [tilespmem:s11+$0x14840];
	v22 =	vmul.f32 v22, v5;
	v1 =	vadd.f32 v54, v53;
	v2 =	vadd.f32 v56, v55  }
0x212: {  	v50 =	vld [tilespmem:s11+$0x14850];
	v43 =	vmul.f32 v24, v5;
	v12 =	vadd.f32 v37, v12;
	v3 =	vadd.f32 v44, v3  }
0x213: {  	v57 =	vld [tilespmem:s11+$0x14890];
	v13 =	vadd.f32 v13, v46;
	v53 =	vmul.f32 v27, v5;
	v56 =	vmul.f32 v20, v8  }
0x214: {  	v61 =	vld [tilespmem:s11+$0x148A0];
	v10 =	vadd.f32 v48, v10;
	v48 =	vmul.f32 v34, v9;
	v55 =	vmul.f32 v29, v7  }
0x215: {  	v39 =	vld [tilespmem:s11+$0x148C0];
	v14 =	vadd.f32 v51, v14;
	v18 =	vmul.f32 v18, v9;
	v38 =	vmul.f32 v21, v7  }
0x216: {  	v42 =	vld [tilespmem:s11+$0x148D0];
	v40 =	vmul.f32 v30, v8;
	v2 =	vadd.f32 v59, v2;
	v1 =	vadd.f32 v23, v1  }
0x217: {  	v17 =	vld [tilespmem:s11+$0x14790];
	v41 =	vmul.f32 v32, v9;
	v3 =	vadd.f32 v47, v3;
	v4 =	vadd.f32 v4, v13  }
0x218: {  	v19 =	vld [tilespmem:s11+$0x147A0];
	v45 =	vmul.f32 v33, v7;
	v10 =	vadd.f32 v49, v10;
	v0 =	vsub.f32 $0.0e+00, v0  }
0x219: {  	v52 =	vld [tilespmem:s11+$0x14860];
	v50 =	vmul.f32 v50, v8;
	v11 =	vsub.f32 $0.0e+00, v11;
	v12 =	vsub.f32 $0.0e+00, v12  }
0x21a: {  	v54 =	vld [tilespmem:s11+$0x14870];
	v26 =	vmul.f32 v26, v5;
	v14 =	vadd.f32 v55, v14;
	v13 =	vadd.f32 v18, v56  }
0x21b: {  	v44 =	vld [tilespmem:s11+$0x148E0];
	v20 =	vmul.f32 v57, v8;
	v18 =	vadd.f32 v41, v40;
	v2 =	vadd.f32 v60, v2  }
0x21c: {  	v46 =	vld [tilespmem:s11+$0x148F0];
	v47 =	vmul.f32 v31, v8;
	v4 =	vadd.f32 v53, v4;
	v1 =	vsub.f32 $0.0e+00, v1  }
0x21d: {  	v29 =	vld [tilespmem:s11+$0x14880];
	v36 =	vmul.f32 v39, v5;
	v3 =	vsub.f32 $0.0e+00, v3;
	v10 =	vsub.f32 $0.0e+00, v10  }
0x21e: {  	v51 =	vld [tilespmem:s11+$0x14910];
	v27 =	vsel vm0, v0, v6;
	v0 =	vsel vm0, v6, v0;
	v59 =	vmul.f32 v17, v8  }
0x21f: {  	v60 =	vmul.f32 v19, v9;
	v13 =	vadd.f32 v62, v13;
	v16 =	vmul.f32 v52, v9  }
0x220: {  	v63 =	vld [tilespmem:s11+$0x148B0];
	v14 =	vadd.f32 v28, v14;
	v52 =	vmul.f32 v35, v7;
	v54 =	vmul.f32 v54, v7  }
0x221: {  	v23 =	vld [tilespmem:s11+$0x14800];
	v18 =	vadd.f32 v45, v18;
	v19 =	vmul.f32 v61, v9;
	v62 =	vmul.f32 v42, v8  }
0x222: {  	v49 =	vld [tilespmem:s11+$0x14900];
	v17 =	vadd.f32 v48, v47;
	v24 =	vmul.f32 v44, v9;
	v37 =	vmul.f32 v46, v7  }
0x223: {  	v55 =	vld [tilespmem:s11+$0x14930];
	v57 =	vmul.f32 v29, v5;
	v39 =	vmul.f32 v51, v8;
	v2 =	vsub.f32 $0.0e+00, v2  }
0x224: {  	v56 =	vld [tilespmem:s11+$0x14950];
	v4 =	vsub.f32 $0.0e+00, v4;
	v28 =	vsel vm0, v1, v11;
	v1 =	vsel vm0, v11, v1  }
0x225: {  	v32 =	vsel vm0, v10, v3;
	v3 =	vsel vm0, v3, v10;
	v15 =	vadd.f32 v60, v59  }
0x226: {  	v41 =	vld [tilespmem:s11+$0x149D0];
	v13 =	vadd.f32 v22, v13;
	v23 =	vmul.f32 v23, v5;
	v16 =	vadd.f32 v16, v50  }
0x227: {  	v53 =	vld [tilespmem:s11+$0x14920];
	v17 =	vadd.f32 v52, v17;
	v19 =	vadd.f32 v19, v20;
	v60 =	vmul.f32 v63, v7  }
0x228: {  	v61 =	vld [tilespmem:s11+$0x14970];
	v22 =	vadd.f32 v24, v62;
	v45 =	vmul.f32 v49, v5;
	v14 =	vsub.f32 $0.0e+00, v14  }
0x229: {  	v48 =	vld [tilespmem:s11+$0x149B0];
	v42 =	vmul.f32 v56, v8;
	v46 =	vmul.f32 v55, v7;
	v15 =	vadd.f32 v38, v15  }
0x22a: {  	v51 =	vld [tilespmem:s11+$0x149F0];
	v29 =	vsel vm0, v12, v2;
	v18 =	vadd.f32 v23, v18;
	v16 =	vadd.f32 v54, v16  }
0x22b: {  	v59 =	vld [tilespmem:s11+$0x14960];
	v2 =	vsel vm0, v2, v12;
	v17 =	vadd.f32 v26, v17;
	v19 =	vadd.f32 v60, v19  }
0x22c: {  	v63 =	vld [tilespmem:s11+$0x14990];
	v40 =	vmul.f32 v53, v9;
	v21 =	vadd.f32 v37, v22;
	v13 =	vsub.f32 $0.0e+00, v13  }
0x22d: {  	v55 =	vld [tilespmem:s11+$0x14980];
	v33 =	vsel vm0, v14, v4;
	v4 =	vsel vm0, v4, v14;
	v15 =	vadd.f32 v43, v15  }
0x22e: {  	v56 =	vld [tilespmem:s11+$0x149C0];
	v47 =	vmul.f32 v61, v7;
	v16 =	vadd.f32 v57, v16;
	v19 =	vadd.f32 v36, v19  }
0x22f: {  	v38 =	vld [tilespmem:s11+$0x149A0];
	v54 =	vmul.f32 v48, v7;
	v44 =	vadd.f32 v40, v39;
	v21 =	vadd.f32 v45, v21  }
0x230: {  	v61 =	vld [tilespmem:$0x1FFC0];
	v7 =	vmul.f32 v51, v7;
	v18 =	vsub.f32 $0.0e+00, v18;
	v17 =	vsub.f32 $0.0e+00, v17  }
0x231: {  	v23 =	vmul.f32 v59, v9;
	v49 =	vmul.f32 v63, v8;
	v22 =	vadd.f32 v46, v44  }
0x232: {  	v8 =	vmul.f32 v41, v8;
	v15 =	vsub.f32 $0.0e+00, v15;
	v16 =	vsub.f32 $0.0e+00, v16  }
0x233: {  	v25 =	vmul.f32 v55, v5;
	v24 =	vmul.f32 v56, v5;
	v59 =	vsub.f32 $0.0e+00, v19  }
0x234: {  	v60 =	vsub.f32 $0.0e+00, v21;
	v41 =	vsel vm0, v18, v17;
	v50 =	vmul.f32 v38, v9  }
0x235: {  	v43 =	vld [tilespmem:s11+$0x149E0];
	v20 =	vadd.f32 v23, v42;
	v21 =	vperm.xlane v27, v61;
	v30 =	vperm.xlane v28, v61  }
0x236: {  	v38 =	vsel vm0, v17, v18;
	v31 =	vperm.xlane v29, v61;
	v6 =	vperm.xlane v32, v61  }
0x237: {  	v53 =	vld [tilespmem:s11+$0x14940];
	v34 =	vsel vm0, v15, v13;
	v35 =	vperm.xlane v33, v61;
	v37 =	vsel vm0, v13, v15  }
0x238: {  	v57 =	vld [tilespmem:s11+$0x14A00];
	v10 =	vperm.xlane v38, v61;
	v20 =	vadd.f32 v47, v20;
	v52 =	vadd.f32 v50, v49  }
0x239: {  	v39 =	vsel vm0, v59, v16;
	v0 =	vadd.f32 v21, v0;
	v1 =	vadd.f32 v30, v1  }
0x23a: {  	v9 =	vmul.f32 v43, v9;
	v2 =	vadd.f32 v31, v2;
	v3 =	vadd.f32 v6, v3  }
0x23b: {  	v36 =	vperm.xlane v34, v61;
	v4 =	vadd.f32 v35, v4;
	v10 =	vadd.f32 v10, v41  }
0x23c: {  	v11 =	vperm.xlane v39, v61;
	v8 =	vadd.f32 v9, v8;
	v23 =	vadd.f32 v54, v52  }
0x23d: {  	v9 =	vmul.f32 v53, v5;
	v5 =	vmul.f32 v57, v5;
	v20 =	vadd.f32 v25, v20  }
0x23e: {  	v6 =	vadd.f32 v36, v37;
	v40 =	vsel vm1, v1, v0;
	v0 =	vsel vm1, v0, v1  }
0x23f: {  	v43 =	vsel vm1, v2, v3;
	v7 =	vadd.f32 v7, v8;
	v9 =	vadd.f32 v9, v22  }
0x240: {  	v2 =	vsel vm1, v3, v2;
	v62 =	vadd.f32 v24, v23;
	v24 =	vsub.f32 $0.0e+00, v20  }
0x241: {  	v12 =	vperm.xlane v40, v58;
	v8 =	vsel vm0, v16, v59;
	v5 =	vadd.f32 v5, v7  }
0x242: {  	v44 =	vsel vm1, v6, v4;
	v42 =	vadd.f32 v11, v8;
	v63 =	vsub.f32 $0.0e+00, v9  }
0x243: {  	v2 =	vperm.xlane v2, v58;
	v26 =	vsub.f32 $0.0e+00, v62;
	v5 =	vsub.f32 $0.0e+00, v5  }
0x244: {  	v3 =	vperm.xlane v44, v58;
	v0 =	vadd.f32 v12, v0;
	v45 =	vsel vm0, v63, v60  }
0x245: {  	v46 =	vsel vm0, v26, v24;
	v11 =	vperm.xlane v45, v61;
	v47 =	vsel vm0, $0x0, v5  }
0x246: {  	v7 =	vsel vm0, v60, v63;
	v12 =	vperm.xlane v46, v61;
	v13 =	vperm.xlane v47, v61  }
0x247: {  	v9 =	vsel vm0, v24, v26;
	v5 =	vnsel vm0, $0x0, v5;
	v7 =	vadd.f32 v11, v7  }
0x248: {  	v4 =	vsel vm1, v4, v6;
	v48 =	vadd.f32 v12, v9;
	v5 =	vadd.f32 v13, v5  }
0x249: {  	v2 =	vadd.f32 v2, v43;
	v3 =	vadd.f32 v3, v4;
	v49 =	vsel vm1, v42, v10  }
0x24a: {  	v54 =	vld [tilespmem:$0x1FFD0];
	v4 =	vperm.xlane v49, v58;
	v50 =	vsel vm1, v48, v7;
	v51 =	vsel vm1, $0x0, v5  }
0x24b: {  	v1 =	vsel vm1, v10, v42;
	v8 =	vperm.xlane v50, v58;
	v9 =	vperm.xlane v51, v58  }
0x24c: {  	v1 =	vadd.f32 v4, v1;
	v53 =	vsel vm1, v7, v48;
	v5 =	vnsel vm1, $0x0, v5  }
0x24d: {  	v4 =	vadd.f32 v8, v53;
	v5 =	vadd.f32 v9, v5  }
0x24e: {  	v52 =	vld [tilespmem:$0x1FFF0];
	v55 =	vsel vm2, v2, v0;
	v56 =	vsel vm2, v1, v3  }
0x24f: {  	v59 =	vld [tilespmem:$0x1FFE0];
	v6 =	vperm.xlane v55, v54;
	v7 =	vperm.xlane v56, v54;
	v8 =	vsel vm2, v5, v4  }
0x250: {  	v0 =	vsel vm2, v0, v2;
	v1 =	vsel vm2, v3, v1;
	v57 =	vperm.xlane v8, v54  }
0x251: {  	v0 =	vadd.f32 v6, v0;
	v1 =	vadd.f32 v7, v1;
	v60 =	vsel vm2, v4, v5  }
0x252: {  	v2 =	vadd.f32 v57, v60  }
0x253: {  	v61 =	vsel vm3, v1, v0  }
0x254: {  	p1 =	sne.s32 s18, $0x13FC0;
	v3 =	vperm.xlane v61, v59;
	v62 =	vsel vm3, v52, v2  }
.Ltmp6:
0x255: {  	v0 =	vsel vm3, v0, v1;
	v63 =	vperm.xlane v62, v59;
	(pc) =	sbr.rel @p1 .LBB2_11-.Ltmp6, $4  }
0x256: {  	v0 =	vadd.f32 v0, v3;
	v2 =	vsel vm3, v2, v52  }
0x257: {  	v1 =	vadd.f32 v2, v63  }
0x258: {  	[tilespmem:s0+$0xFFFFFFF0] =	vst v0  }
0x259: {  	s18 =	sadd.s32 $0x1400, s18;
	s21 =	sadd.s32 $0x40, s21;
	[tilespmem:s0+$0x0] =	vst v1;
	s0 =	sadd.s32 $0x20, s0  }
.Ltmp7:
0x25a: {  	(pc) =	sbr.rel @p0 .LBB2_14-.Ltmp7, $1  }
0x25b: {  	_ =	sdelay $0x3  }
0x25c: {  	s0 =	sadd.s32 $0x3, s15  }
0x25d: {  	s5 =	smul.u32 $0x140, s0;
	_ =	sdelay $0x1  }
0x25e: {  	[tilespmem:s28], [sflag:$0x2] =	stream.indirect.gather [hbm4b:s3+s13], $0x40, s5, s13, $0xb8;
	[tilespmem:$0x1DA00] =	vst v63  }
0x25f: {  	s0 =	sshll.u32 s0, $0x4;
	s11 =	sadd.s32 $0x80, s5  }
0x260: {  	[tilespmem:s30], [sflag:$0x2] =	stream.indirect.gather [hbm4b:s3+s13], $0x40, s11, s13, $0xb8;
	[tilespmem:$0x1DA00] =	vst v63  }
0x261: {  	s0 =	sand.u32 $0x3FFFFFF0, s0;
	s12 =	sadd.s32 $0x100, s5  }
0x262: {  	[tilespmem:s1], [sflag:$0x2] =	stream.indirect.gather [hbm4b:s3+s16], $0x40, s12, s16, $0xb8;
	[tilespmem:$0x1DA00] =	vst v63  }
0x263: {  	s0 =	sadd.s32 $0x5000, s0  }
0x264: {  	[tilespmem:s14], [sflag:$0x2] =	stream.indirect.gather [hbm4b:s4+s19], $0x40, s0, s19, $0xb8;
	[tilespmem:$0x1DA00] =	vst v63  }
0x265: {  	s15 =	sadd.s32 $0x2800, s5  }
0x266: {  	[tilespmem:s17], [sflag:$0x2] =	stream.indirect.gather [hbm4b:s4+s13], $0x40, s15, s13, $0xb8;
	[tilespmem:$0x1DA00] =	vst v63  }
.Ltmp8:
0x267: {  	_ = 	snop;
	(pc) =	sbr.rel .LBB2_8-.Ltmp8, $4  }
0x268: {  	s29 =	sadd.s32 $0x1, s29;
	s18 =	sadd.s32 $0x2880, s5  }
0x269: {  	[tilespmem:s20], [sflag:$0x2] =	stream.indirect.gather [hbm4b:s4+s13], $0x40, s18, s13, $0xb8;
	[tilespmem:$0x1DA00] =	vst v63  }
0x26a: {  	s31 =	sadd.s32 $0x400, s31;
	s25 =	sadd.s32 $0x400, s25;
	s21 =	sadd.s32 $0x2900, s5  }
0x26b: {  	[tilespmem:s22], [sflag:$0x2] =	stream.indirect.gather [hbm4b:s4+s16], $0x40, s21, s16, $0xb8;
	[tilespmem:$0x1DA00] =	vst v63  }
.LBB2_15:
0x26c: {  	_ =	sfence.sel $0x180000  }
0x26d: {  	[bflag:$0x0] =	sbarrier.arrive $0xFFFF  }
0x26e: {  	_ =	strace $0x90000047  }
0x26f: {  	s0 =	stileid.u32;
	[bflag:$0x2] =	sbarrier.arrive $0xFFFF  }
0x270: {  	p0 =	sne.s32 s0, $0x0;
	s0 =	rddreg [dreg:$0x2]  }
0x271: {  	s0 =	sadd.s32 @!p0 $0x100000, s0  }
0x272: {  	[sflag:s0] =	ssyncadd.tile.s32 @!p0 $0x1;
	_ =	shalt  }
.Lfunc_end2:
_tile_overlayer_lowered:
.L_overlay_start_2:
0x273: {  	(tag) =	ssettag $0x2  }
0x274: {  	s0 =	rddreg [dreg:$0x0];
	s2 =	stileid.u32  }
0x275: {  	s1 =	rddreg [dreg:$0x1];
	p0 =	sne.s32 s2, $0x0  }
0x276: {  	s3 =	rddreg [dreg:$0x2];
	[bflag:$0x3] =	sbarrier.arrive $0xFFFF;
	s2 =	simm.s32 @!p0 $0x1C03  }
0x277: {  	[timem:s3], [sflag:s2] =	dma.local @!p0 [hbm:s0], s1  }
0x278: {  	s0 =	simm.s32 @!p0 $0x3  }
0x279: {  	_ =	swait.ge @!p0 [sflag:s0], s1  }
0x27a: {  	s1 =	ssub.s32 @!p0 $0x0, s1;
	[sflag:s0] =	ssyncset.done @!p0 $0x0  }
0x27b: {  	[sflag:s0] =	ssyncadd.s32 @!p0 s1  }
0x27c: {  	[bflag:$0x3] =	sbarrier.arrive $0xFFFF  }
0x27d: {  	_ =	shalt  }

</sc_bundles>
